<compile_context>
chip_gen: v7x
topology: tpu7x:2x2x1
jax: 0.10.2.dev20260603
libtpu: 0.0.44.dev20260713+nightly
codegen_flags: <defaults>
</compile_context>

<pallas_src>
import functools

import jax
import jax.numpy as jnp
from jax import lax
from jax.experimental import pallas as pl
from jax.experimental.pallas import tpu as pltpu
from jax.experimental.pallas import tpu_sc as plsc

N = 10000
NPAD = 10240
E = 320000
NCORES = 2
NSUB = 16
NTILES = NCORES * NSUB
EPT = E // NTILES
CHUNK = 128
NFULL = EPT // CHUNK
TAIL = EPT - NFULL * CHUNK
RPT = NPAD // NSUB
ZROWS = 128
ZCH = RPT // ZROWS

BM = 2000


def _fill2d(ref, nrows, ncols, value):
    per_row = ncols // 16
    vec = jnp.full((16,), value, dtype=jnp.float32)

    def body(i, c):
        r = i // per_row
        k = (i % per_row) * 16
        ref[r, pl.ds(k, 16)] = vec
        return c

    lax.fori_loop(0, nrows * per_row, body, 0)


def _fill1d(ref, n, value):
    vec = jnp.full((16,), value, dtype=jnp.float32)

    def body(i, c):
        ref[pl.ds(i * 16, 16)] = vec
        return c

    lax.fori_loop(0, n // 16, body, 0)


def _make_sc_layer(D, with_deg):

    def body(*refs):
        if with_deg:
            (y_hbm, row_hbm, col_hbm, part_hbm, dega_hbm, degb_hbm,
             agg_sh, deg_sh, rows0_v, rows1_v, ridx_v, cx0_v, cx1_v, tidx_v,
             ones_v, zdeg_v, gsem0, gsem1, hsem0, hsem1, csem0, csem1) = refs
        else:
            (y_hbm, row_hbm, col_hbm, part_hbm,
             agg_sh, rows0_v, rows1_v, ridx_v, cx0_v, cx1_v, tidx_v,
             gsem0, gsem1, hsem0, hsem1, csem0, csem1) = refs
        rows_v = rows0_v

        cid = lax.axis_index("c")
        sid = lax.axis_index("s")
        wid = cid * NSUB + sid
        ebase = wid * EPT

        _fill2d(rows_v, ZROWS, D, 0.0)
        for k in range(ZCH):
            pltpu.async_copy(
                rows_v, agg_sh.at[pl.ds(sid * RPT + k * ZROWS, ZROWS)], gsem0)
        if with_deg:
            _fill1d(ones_v, CHUNK, 1.0)
            _fill1d(zdeg_v, RPT, 0.0)
            pltpu.async_copy(zdeg_v, deg_sh.at[pl.ds(sid * RPT, RPT)], gsem1)
        pltpu.sync_copy(row_hbm.at[pl.ds(ebase, EPT)], ridx_v)
        for k in range(ZCH):
            pltpu.make_async_copy(
                rows_v, agg_sh.at[pl.ds(sid * RPT + k * ZROWS, ZROWS)],
                gsem0).wait()
        if with_deg:
            pltpu.make_async_copy(
                zdeg_v, deg_sh.at[pl.ds(sid * RPT, RPT)], gsem1).wait()

        rows = (rows0_v, rows1_v)
        rowsA = (rows0_v.at[pl.ds(0, 64)], rows1_v.at[pl.ds(0, 64)])
        rowsB = (rows0_v.at[pl.ds(64, 64)], rows1_v.at[pl.ds(64, 64)])
        gsems = (gsem0, gsem1)
        hsems = (hsem0, hsem1)
        cxs = (cx0_v, cx1_v)
        csems = (csem0, csem1)

        def gidx(j, o):
            return ridx_v.at[pl.ds(pl.multiple_of(j * CHUNK + o, 64), 64)]

        def issue_gather(j, b):
            pltpu.async_copy(y_hbm.at[gidx(j, 0)], rowsA[b], gsems[b])
            pltpu.async_copy(y_hbm.at[gidx(j, 64)], rowsB[b], hsems[b])
            pltpu.async_copy(
                col_hbm.at[pl.ds(pl.multiple_of(ebase + j * CHUNK, 8), CHUNK)],
                cxs[b], csems[b])

        def finish_chunk(j, b, src_rows):
            pltpu.make_async_copy(y_hbm.at[gidx(j, 0)], rowsA[b],
                                  gsems[b]).wait()
            pltpu.make_async_copy(y_hbm.at[gidx(j, 64)], rowsB[b],
                                  hsems[b]).wait()
            pltpu.make_async_copy(
                col_hbm.at[pl.ds(pl.multiple_of(ebase + j * CHUNK, 8), CHUNK)],
                cxs[b], csems[b]).wait()
            pltpu.sync_copy(src_rows, agg_sh.at[cxs[b]], add=True)
            if with_deg:
                pltpu.sync_copy(ones_v, deg_sh.at[cxs[b]], add=True)

        issue_gather(0, 0)
        issue_gather(1, 1)
        plsc.subcore_barrier()

        def pair(i, c):
            j = 2 * i
            finish_chunk(j, 0, rows[0])
            issue_gather(j + 2, 0)
            finish_chunk(j + 1, 1, rows[1])
            issue_gather(j + 3, 1)
            return c

        lax.fori_loop(0, NFULL // 2 - 2, pair, 0)
        finish_chunk(NFULL - 4, 0, rows[0])
        issue_gather(NFULL - 2, 0)
        finish_chunk(NFULL - 3, 1, rows[1])
        issue_gather(NFULL - 1, 1)
        finish_chunk(NFULL - 2, 0, rows[0])
        finish_chunk(NFULL - 1, 1, rows[1])

        tbase = ebase + NFULL * CHUNK
        pltpu.sync_copy(col_hbm.at[pl.ds(pl.multiple_of(tbase, 8), TAIL)],
                        tidx_v)
        pltpu.async_copy(
            y_hbm.at[ridx_v.at[pl.ds(pl.multiple_of(NFULL * CHUNK, 8), TAIL)]],
            rows0_v.at[pl.ds(0, TAIL)], gsem0)
        pltpu.make_async_copy(
            y_hbm.at[ridx_v.at[pl.ds(pl.multiple_of(NFULL * CHUNK, 8), TAIL)]],
            rows0_v.at[pl.ds(0, TAIL)], gsem0).wait()
        pltpu.sync_copy(rows0_v.at[pl.ds(0, TAIL)], agg_sh.at[tidx_v], add=True)
        if with_deg:
            pltpu.sync_copy(ones_v.at[pl.ds(0, TAIL)], deg_sh.at[tidx_v],
                            add=True)
        plsc.subcore_barrier()

        pltpu.sync_copy(agg_sh.at[pl.ds(sid * RPT, RPT)],
                        part_hbm.at[cid, pl.ds(sid * RPT, RPT)])
        if with_deg:
            @pl.when(cid == 0)
            def _():
                pltpu.sync_copy(deg_sh.at[pl.ds(sid * RPT, RPT)],
                                dega_hbm.at[pl.ds(sid * RPT, RPT)])

            @pl.when(cid == 1)
            def _():
                pltpu.sync_copy(deg_sh.at[pl.ds(sid * RPT, RPT)],
                                degb_hbm.at[pl.ds(sid * RPT, RPT)])

    out_type = [jax.ShapeDtypeStruct((NCORES, NPAD, D), jnp.float32)]
    scratch = [
        pltpu.VMEM_SHARED((NPAD, D), jnp.float32),
    ]
    if with_deg:
        out_type.append(jax.ShapeDtypeStruct((NPAD,), jnp.float32))
        out_type.append(jax.ShapeDtypeStruct((NPAD,), jnp.float32))
        scratch.append(pltpu.VMEM_SHARED((NPAD,), jnp.float32))
    scratch += [
        pltpu.VMEM((ZROWS, D), jnp.float32),
        pltpu.VMEM((ZROWS, D), jnp.float32),
        pltpu.VMEM((EPT,), jnp.int32),
        pltpu.VMEM((CHUNK,), jnp.int32),
        pltpu.VMEM((CHUNK,), jnp.int32),
        pltpu.VMEM((TAIL,), jnp.int32),
    ]
    if with_deg:
        scratch += [
            pltpu.VMEM((CHUNK,), jnp.float32),
            pltpu.VMEM((RPT,), jnp.float32),
        ]
    for _ in range(6):
        scratch.append(pltpu.SemaphoreType.DMA)

    mesh = plsc.VectorSubcoreMesh(core_axis_name="c", subcore_axis_name="s",
                                  num_cores=NCORES, num_subcores=NSUB)
    return pl.kernel(body, out_type=out_type, mesh=mesh, scratch_types=scratch)


@functools.lru_cache(maxsize=None)
def _sc_layer(D, with_deg):
    return _make_sc_layer(D, with_deg)


def _tc_first(x, w_out, w_root, b):

    def body(x_ref, wo_ref, wr_ref, b_ref, y_ref, r_ref):
        xb = x_ref[...]
        y_ref[...] = jnp.dot(xb, wo_ref[...], preferred_element_type=jnp.float32)
        r_ref[...] = (jnp.dot(xb, wr_ref[...], preferred_element_type=jnp.float32)
                      + b_ref[...])

    D = w_out.shape[1]
    return pl.pallas_call(
        body,
        grid=(N // BM,),
        in_specs=[
            pl.BlockSpec((BM, 128), lambda i: (i, 0)),
            pl.BlockSpec((128, D), lambda i: (0, 0)),
            pl.BlockSpec((128, D), lambda i: (0, 0)),
            pl.BlockSpec((1, D), lambda i: (0, 0)),
        ],
        out_specs=[pl.BlockSpec((BM, D), lambda i: (i, 0)),
                   pl.BlockSpec((BM, D), lambda i: (i, 0))],
        out_shape=[jax.ShapeDtypeStruct((N, D), jnp.float32)] * 2,
    )(x, w_out, w_root, b.reshape(1, D))


def _tc_mid1(p, dega, degb, r_prev, w_out, w_root, b):

    def body(p_ref, da_ref, db_ref, rp_ref, wo_ref, wr_ref, b_ref,
             y_ref, r_ref, dinv_ref):
        deg = da_ref[...] + db_ref[...]
        dinv = 1.0 / jnp.maximum(deg, 1.0)
        dinv_ref[...] = jnp.broadcast_to(dinv, dinv_ref.shape)
        h = jnp.maximum((p_ref[0] + p_ref[1]) * dinv + rp_ref[...], 0.0)
        y_ref[...] = jnp.dot(h, wo_ref[...], preferred_element_type=jnp.float32)
        r_ref[...] = (jnp.dot(h, wr_ref[...], preferred_element_type=jnp.float32)
                      + b_ref[...])

    D = w_out.shape[1]
    return pl.pallas_call(
        body,
        grid=(N // BM,),
        in_specs=[
            pl.BlockSpec((2, BM, 128), lambda i: (0, i, 0)),
            pl.BlockSpec((BM, 1), lambda i: (i, 0)),
            pl.BlockSpec((BM, 1), lambda i: (i, 0)),
            pl.BlockSpec((BM, 128), lambda i: (i, 0)),
            pl.BlockSpec((128, D), lambda i: (0, 0)),
            pl.BlockSpec((128, D), lambda i: (0, 0)),
            pl.BlockSpec((1, D), lambda i: (0, 0)),
        ],
        out_specs=[pl.BlockSpec((BM, D), lambda i: (i, 0)),
                   pl.BlockSpec((BM, D), lambda i: (i, 0)),
                   pl.BlockSpec((BM, 16), lambda i: (i, 0))],
        out_shape=[jax.ShapeDtypeStruct((N, D), jnp.float32),
                   jax.ShapeDtypeStruct((N, D), jnp.float32),
                   jax.ShapeDtypeStruct((N, 16), jnp.float32)],
    )(p, dega, degb, r_prev, w_out, w_root, b.reshape(1, D))


def _tc_mid2(p, dinv16, r_prev, w_out, w_root, b):

    def body(p_ref, dv_ref, rp_ref, wo_ref, wr_ref, b_ref, y_ref, r_ref):
        dinv = dv_ref[:, 0:1]
        h = jnp.maximum((p_ref[0] + p_ref[1]) * dinv + rp_ref[...], 0.0)
        y_ref[...] = jnp.dot(h, wo_ref[...], preferred_element_type=jnp.float32)
        r_ref[...] = (jnp.dot(h, wr_ref[...], preferred_element_type=jnp.float32)
                      + b_ref[...])

    D = w_out.shape[1]
    return pl.pallas_call(
        body,
        grid=(N // BM,),
        in_specs=[
            pl.BlockSpec((2, BM, 128), lambda i: (0, i, 0)),
            pl.BlockSpec((BM, 16), lambda i: (i, 0)),
            pl.BlockSpec((BM, 128), lambda i: (i, 0)),
            pl.BlockSpec((128, D), lambda i: (0, 0)),
            pl.BlockSpec((128, D), lambda i: (0, 0)),
            pl.BlockSpec((1, D), lambda i: (0, 0)),
        ],
        out_specs=[pl.BlockSpec((BM, D), lambda i: (i, 0)),
                   pl.BlockSpec((BM, D), lambda i: (i, 0))],
        out_shape=[jax.ShapeDtypeStruct((N, D), jnp.float32)] * 2,
    )(p, dinv16, r_prev, w_out, w_root, b.reshape(1, D))


def _tc_final(p, dinv16, r_prev, d_out):

    def body(p_ref, dv_ref, rp_ref, o_ref):
        h = (p_ref[0] + p_ref[1]) * dv_ref[:, 0:1] + rp_ref[...]
        col = lax.broadcasted_iota(jnp.int32, h.shape, 1)
        hm = jnp.where(col < d_out, h, jnp.float32(-1e30))
        m = jnp.max(hm, axis=-1, keepdims=True)
        lse = jnp.log(jnp.sum(jnp.exp(hm - m), axis=-1, keepdims=True))
        o_ref[...] = (h - m - lse)[:, :d_out]

    D = p.shape[2]
    return pl.pallas_call(
        body,
        grid=(N // BM,),
        in_specs=[
            pl.BlockSpec((2, BM, D), lambda i: (0, i, 0)),
            pl.BlockSpec((BM, 16), lambda i: (i, 0)),
            pl.BlockSpec((BM, D), lambda i: (i, 0)),
        ],
        out_specs=pl.BlockSpec((BM, d_out), lambda i: (i, 0)),
        out_shape=jax.ShapeDtypeStruct((N, d_out), jnp.float32),
    )(p, dinv16, r_prev)


def kernel(x, edge_index, W_out_0, b_out_0, W_root_0, W_out_1, b_out_1,
           W_root_1, W_out_2, b_out_2, W_root_2):
    row1 = edge_index[0]
    col1 = edge_index[1]

    y0, r0 = _tc_first(x, W_out_0, W_root_0, b_out_0)
    p0, dega, degb = _sc_layer(128, True)(y0, row1, col1)
    y1, r1, dinv16 = _tc_mid1(p0, dega.reshape(NPAD, 1), degb.reshape(NPAD, 1),
                              r0, W_out_1, W_root_1, b_out_1)
    (p1,) = _sc_layer(128, False)(y1, row1, col1)
    w2o = jnp.pad(W_out_2, ((0, 0), (0, 64)))
    w2r = jnp.pad(W_root_2, ((0, 0), (0, 64)))
    b2 = jnp.pad(b_out_2, (0, 64))
    y2, r2 = _tc_mid2(p1, dinv16, r1, w2o, w2r, b2)
    (p2,) = _sc_layer(128, False)(y2, row1, col1)
    return _tc_final(p2, dinv16, r2, 64)

# --- scband reference (transcript-rebuilt; emitter-appended) ---
"""Pipeline reference for scband-cluster-gcnconv-net-20968030339123 (READ-ONLY COPY).

The authoritative reference and input builder live on the scoring server;
editing this copy changes nothing except your own understanding.
"""

import jax, jax.numpy as jnp
import numpy as np

N = 10000
E = 320000
D_IN = 128
D_HID = 128
D_OUT = 64


def _lin_init(key, fan_in, fan_out, bias=True):
    s = 1.0 / np.sqrt(fan_in)
    k1, k2 = jax.random.split(key)
    W = jax.random.uniform(k1, (fan_in, fan_out), minval=-s, maxval=s, dtype=jnp.float32)
    if bias:
        b = jax.random.uniform(k2, (fan_out,), minval=-s, maxval=s, dtype=jnp.float32)
        return W, b
    return W, None


def setup_inputs(seed: int = 0) -> dict:
    key = jax.random.key(seed)
    ks = jax.random.split(key, 8)
    inp = {}
    inp["x"] = jax.random.normal(ks[0], (N, D_IN), dtype=jnp.float32)
    inp["edge_index"] = jax.random.randint(ks[1], (2, E), 0, N)
    dims = [(D_IN, D_HID), (D_HID, D_HID), (D_HID, D_OUT)]
    for i, (di, do) in enumerate(dims):
        kw = jax.random.fold_in(ks[2], i)
        k_out, k_root = jax.random.split(kw)
        W_out, b_out = _lin_init(k_out, di, do, bias=True)
        W_root, _ = _lin_init(k_root, di, do, bias=False)
        inp[f"W_out_{i}"] = W_out
        inp[f"b_out_{i}"] = b_out
        inp[f"W_root_{i}"] = W_root
    return inp


def _cluster_gcn_layer(x, edge_index, W_out, b_out, W_root):
    # ClusterGCNConv with add_self_loops=False, diag_lambda=0:
    # out_i = lin_out( sum_{j->i} deg_inv[i] * x_j ) + lin_root(x_i)
    row = edge_index[0]
    col = edge_index[1]
    ones = jnp.ones((row.shape[0],), dtype=x.dtype)
    deg = jax.ops.segment_sum(ones, col, num_segments=N)
    deg_inv = 1.0 / jnp.clip(deg, 1.0, None)
    edge_weight = deg_inv[col]
    msg = edge_weight[:, None] * x[row]
    agg = jax.ops.segment_sum(msg, col, num_segments=N)
    return agg @ W_out + b_out + x @ W_root


def reference(x, edge_index, W_out_0, b_out_0, W_root_0, W_out_1, b_out_1, W_root_1, W_out_2, b_out_2, W_root_2):
    h = _cluster_gcn_layer(x, edge_index, W_out_0, b_out_0, W_root_0)
    h = jax.nn.relu(h)  # dropout is identity in eval mode
    h = _cluster_gcn_layer(h, edge_index, W_out_1, b_out_1, W_root_1)
    h = jax.nn.relu(h)
    h = _cluster_gcn_layer(h, edge_index, W_out_2, b_out_2, W_root_2)
    return jax.nn.log_softmax(h, axis=-1)

if __name__ == "__main__":
    import jax
    _d = setup_inputs()
    print(jax.jit(kernel)(*tuple(_d.values())))

</pallas_src>

<mosaic_0001>
#map = affine_map<(d0, d1) -> (0, 0)>
#map1 = affine_map<(d0, d1) -> (0)>
#map2 = affine_map<(d0, d1) -> (0, 0, 0)>
module attributes {stable_mosaic.version = 14 : i64} {
  func.func @body(%arg0: i32, %arg1: i32, %arg2: memref<10000x128xf32, #tpu.memory_space<hbm>>, %arg3: memref<320000xi32, #tpu.memory_space<hbm>>, %arg4: memref<320000xi32, #tpu.memory_space<hbm>>, %arg5: memref<2x10240x128xf32, #tpu.memory_space<hbm>>, %arg6: memref<10240x128xf32, #tpu.memory_space<vmem_shared>>, %arg7: memref<128x128xf32, #tpu.memory_space<vmem>>, %arg8: memref<128x128xf32, #tpu.memory_space<vmem>>, %arg9: memref<10000xi32, #tpu.memory_space<vmem>>, %arg10: memref<128xi32, #tpu.memory_space<vmem>>, %arg11: memref<128xi32, #tpu.memory_space<vmem>>, %arg12: memref<16xi32, #tpu.memory_space<vmem>>, %arg13: memref<!tpu.dma_semaphore, #tpu.memory_space<semaphore_mem>>, %arg14: memref<!tpu.dma_semaphore, #tpu.memory_space<semaphore_mem>>, %arg15: memref<!tpu.dma_semaphore, #tpu.memory_space<semaphore_mem>>, %arg16: memref<!tpu.dma_semaphore, #tpu.memory_space<semaphore_mem>>, %arg17: memref<!tpu.dma_semaphore, #tpu.memory_space<semaphore_mem>>, %arg18: memref<!tpu.dma_semaphore, #tpu.memory_space<semaphore_mem>>) attributes {dimension_semantics = [#tpu.dimension_semantics<core_parallel>, #tpu.dimension_semantics<subcore_parallel>], iteration_bounds = array<i64: 2, 16>, scalar_prefetch = 0 : i64, scratch_operands = 13 : i64, tpu.core_type = #tpu.core_type<sc_vector_subcore>, window_params = [{transform_indices = #map}, {transform_indices = #map1}, {transform_indices = #map1}, {transform_indices = #map2}]} {
    %mul3A = arith.constant 16 : i32
    %mul3A_0 = arith.muli %arg0, %mul3A : i32
    %add3A = arith.addi %mul3A_0, %arg1 : i32
    %mul3A_1 = arith.constant 10000 : i32
    %mul3A_2 = arith.muli %add3A, %mul3A_1 : i32
    %broadcast_in_dim3A = arith.constant 0.000000e+00 : f32
    %broadcast_in_dim3A_3 = vector.broadcast %broadcast_in_dim3A : f32 to vector<16xf32>
    %scan3A = arith.constant 0 : i32
    %scan3A_4 = arith.constant 0 : i32
    %scan3A_5 = arith.constant 1024 : i32
    %scan3A_6 = arith.addi %scan3A_4, %scan3A_5 : i32
    %scan3A_7 = arith.constant 1 : i32
    scf.for %scan3A_302 = %scan3A_4 to %scan3A_6 step %scan3A_7  : i32 {
      %jit3A = arith.constant 8 : i32
      %div3A = arith.divsi %scan3A_302, %jit3A : i32
      %sign3A = arith.constant 0 : i32
      %sign3A_303 = arith.cmpi sgt, %scan3A_302, %sign3A : i32
      %sign3A_304 = arith.extui %sign3A_303 : i1 to i32
      %sign3A_305 = arith.constant 0 : i32
      %sign3A_306 = arith.cmpi slt, %scan3A_302, %sign3A_305 : i32
      %sign3A_307 = arith.extui %sign3A_306 : i1 to i32
      %sign3A_308 = arith.subi %sign3A_304, %sign3A_307 : i32
      %sign3A_309 = arith.constant 0 : i32
      %sign3A_310 = arith.cmpi sgt, %jit3A, %sign3A_309 : i32
      %sign3A_311 = arith.extui %sign3A_310 : i1 to i32
      %sign3A_312 = arith.constant 0 : i32
      %sign3A_313 = arith.cmpi slt, %jit3A, %sign3A_312 : i32
      %sign3A_314 = arith.extui %sign3A_313 : i1 to i32
      %sign3A_315 = arith.subi %sign3A_311, %sign3A_314 : i32
      %ne3A = arith.cmpi ne, %sign3A_308, %sign3A_315 : i32
      %rem3A = arith.remsi %scan3A_302, %jit3A : i32
      %ne3A_316 = arith.constant 0 : i32
      %ne3A_317 = arith.cmpi ne, %rem3A, %ne3A_316 : i32
      %and3A = arith.andi %ne3A, %ne3A_317 : i1
      %sub3A = arith.constant 1 : i32
      %sub3A_318 = arith.subi %div3A, %sub3A : i32
      %select_n3A = arith.select %and3A, %sub3A_318, %div3A : i32
      %jit3A_319 = arith.constant 8 : i32
      %eq3A = arith.constant 0 : i32
      %eq3A_320 = arith.cmpi eq, %jit3A_319, %eq3A : i32
      %jit3A_321 = arith.constant 1 : i32
      %select_n3A_322 = arith.select %eq3A_320, %jit3A_321, %jit3A_319 : i32
      %rem3A_323 = arith.remsi %scan3A_302, %select_n3A_322 : i32
      %ne3A_324 = arith.constant 0 : i32
      %ne3A_325 = arith.cmpi ne, %rem3A_323, %ne3A_324 : i32
      %lt3A = arith.constant 0 : i32
      %lt3A_326 = arith.cmpi slt, %rem3A_323, %lt3A : i32
      %lt3A_327 = arith.constant 0 : i32
      %lt3A_328 = arith.cmpi slt, %select_n3A_322, %lt3A_327 : i32
      %ne3A_329 = arith.xori %lt3A_326, %lt3A_328 : i1
      %and3A_330 = arith.andi %ne3A_329, %ne3A_325 : i1
      %add3A_331 = arith.addi %rem3A_323, %select_n3A_322 : i32
      %select_n3A_332 = arith.select %and3A_330, %add3A_331, %rem3A_323 : i32
      %mul3A_333 = arith.constant 16 : i32
      %mul3A_334 = arith.muli %select_n3A_332, %mul3A_333 : i32
      %swap3A = arith.index_cast %select_n3A : i32 to index
      %swap3A_335 = arith.index_cast %mul3A_334 : i32 to index
      %swap3A_336 = tpu.vector_load %arg7[%swap3A, %swap3A_335] {strides = array<i32>} : memref<128x128xf32, #tpu.memory_space<vmem>>, vector<1x16xf32>,
      %swap3A_337 = vector.shape_cast %swap3A_336 : vector<1x16xf32> to vector<16xf32>
      %swap3A_338 = vector.shape_cast %broadcast_in_dim3A_3 : vector<16xf32> to vector<1x16xf32>
      tpu.vector_store %arg7[%swap3A, %swap3A_335], %swap3A_338 {strides = array<i32>} : memref<128x128xf32, #tpu.memory_space<vmem>>, vector<1x16xf32>,
    }
    %scan3A_8 = arith.constant 1024 : i32
    %mul3A_9 = arith.constant 640 : i32
    %mul3A_10 = arith.muli %arg1, %mul3A_9 : i32
    %add3A_11 = arith.constant 0 : i32
    %add3A_12 = arith.addi %mul3A_10, %add3A_11 : i32
    %dma_start3A = arith.constant 0 : i32
    %dma_start3A_13 = tpu.memref_slice %arg6[%add3A_12, %dma_start3A] : memref<10240x128xf32, #tpu.memory_space<vmem_shared>> -> memref<128x128xf32, #tpu.memory_space<vmem_shared>>
    %dma_start3A_14 = arith.constant 0 : i32
    %dma_start3A_15 = tpu.memref_slice %arg6[%add3A_12, %dma_start3A_14] : memref<10240x128xf32, #tpu.memory_space<vmem_shared>> -> memref<128x128xf32, #tpu.memory_space<vmem_shared>>
    tpu.enqueue_dma source(%arg7 : memref<128x128xf32, #tpu.memory_space<vmem>>) target(%dma_start3A_15 : memref<128x128xf32, #tpu.memory_space<vmem_shared>>) target_semaphore(%arg13 : memref<!tpu.dma_semaphore, #tpu.memory_space<semaphore_mem>>)
    %mul3A_16 = arith.constant 640 : i32
    %mul3A_17 = arith.muli %arg1, %mul3A_16 : i32
    %add3A_18 = arith.constant 128 : i32
    %add3A_19 = arith.addi %mul3A_17, %add3A_18 : i32
    %dma_start3A_20 = arith.constant 0 : i32
    %dma_start3A_21 = tpu.memref_slice %arg6[%add3A_19, %dma_start3A_20] : memref<10240x128xf32, #tpu.memory_space<vmem_shared>> -> memref<128x128xf32, #tpu.memory_space<vmem_shared>>
    %dma_start3A_22 = arith.constant 0 : i32
    %dma_start3A_23 = tpu.memref_slice %arg6[%add3A_19, %dma_start3A_22] : memref<10240x128xf32, #tpu.memory_space<vmem_shared>> -> memref<128x128xf32, #tpu.memory_space<vmem_shared>>
    tpu.enqueue_dma source(%arg7 : memref<128x128xf32, #tpu.memory_space<vmem>>) target(%dma_start3A_23 : memref<128x128xf32, #tpu.memory_space<vmem_shared>>) target_semaphore(%arg13 : memref<!tpu.dma_semaphore, #tpu.memory_space<semaphore_mem>>)
    %mul3A_24 = arith.constant 640 : i32
    %mul3A_25 = arith.muli %arg1, %mul3A_24 : i32
    %add3A_26 = arith.constant 256 : i32
    %add3A_27 = arith.addi %mul3A_25, %add3A_26 : i32
    %dma_start3A_28 = arith.constant 0 : i32
    %dma_start3A_29 = tpu.memref_slice %arg6[%add3A_27, %dma_start3A_28] : memref<10240x128xf32, #tpu.memory_space<vmem_shared>> -> memref<128x128xf32, #tpu.memory_space<vmem_shared>>
    %dma_start3A_30 = arith.constant 0 : i32
    %dma_start3A_31 = tpu.memref_slice %arg6[%add3A_27, %dma_start3A_30] : memref<10240x128xf32, #tpu.memory_space<vmem_shared>> -> memref<128x128xf32, #tpu.memory_space<vmem_shared>>
    tpu.enqueue_dma source(%arg7 : memref<128x128xf32, #tpu.memory_space<vmem>>) target(%dma_start3A_31 : memref<128x128xf32, #tpu.memory_space<vmem_shared>>) target_semaphore(%arg13 : memref<!tpu.dma_semaphore, #tpu.memory_space<semaphore_mem>>)
    %mul3A_32 = arith.constant 640 : i32
    %mul3A_33 = arith.muli %arg1, %mul3A_32 : i32
    %add3A_34 = arith.constant 384 : i32
    %add3A_35 = arith.addi %mul3A_33, %add3A_34 : i32
    %dma_start3A_36 = arith.constant 0 : i32
    %dma_start3A_37 = tpu.memref_slice %arg6[%add3A_35, %dma_start3A_36] : memref<10240x128xf32, #tpu.memory_space<vmem_shared>> -> memref<128x128xf32, #tpu.memory_space<vmem_shared>>
    %dma_start3A_38 = arith.constant 0 : i32
    %dma_start3A_39 = tpu.memref_slice %arg6[%add3A_35, %dma_start3A_38] : memref<10240x128xf32, #tpu.memory_space<vmem_shared>> -> memref<128x128xf32, #tpu.memory_space<vmem_shared>>
    tpu.enqueue_dma source(%arg7 : memref<128x128xf32, #tpu.memory_space<vmem>>) target(%dma_start3A_39 : memref<128x128xf32, #tpu.memory_space<vmem_shared>>) target_semaphore(%arg13 : memref<!tpu.dma_semaphore, #tpu.memory_space<semaphore_mem>>)
    %mul3A_40 = arith.constant 640 : i32
    %mul3A_41 = arith.muli %arg1, %mul3A_40 : i32
    %add3A_42 = arith.constant 512 : i32
    %add3A_43 = arith.addi %mul3A_41, %add3A_42 : i32
    %dma_start3A_44 = arith.constant 0 : i32
    %dma_start3A_45 = tpu.memref_slice %arg6[%add3A_43, %dma_start3A_44] : memref<10240x128xf32, #tpu.memory_space<vmem_shared>> -> memref<128x128xf32, #tpu.memory_space<vmem_shared>>
    %dma_start3A_46 = arith.constant 0 : i32
    %dma_start3A_47 = tpu.memref_slice %arg6[%add3A_43, %dma_start3A_46] : memref<10240x128xf32, #tpu.memory_space<vmem_shared>> -> memref<128x128xf32, #tpu.memory_space<vmem_shared>>
    tpu.enqueue_dma source(%arg7 : memref<128x128xf32, #tpu.memory_space<vmem>>) target(%dma_start3A_47 : memref<128x128xf32, #tpu.memory_space<vmem_shared>>) target_semaphore(%arg13 : memref<!tpu.dma_semaphore, #tpu.memory_space<semaphore_mem>>)
    "tpu.region"() ({
      %run_scoped3A = tpu.sem_alloc : memref<!tpu.dma_semaphore, #tpu.memory_space<semaphore_mem>>
      %dma_start3A_302 = tpu.memref_slice %arg3[%mul3A_2] : memref<320000xi32, #tpu.memory_space<hbm>> -> memref<10000xi32, #tpu.memory_space<hbm>>
      %dma_start3A_303 = tpu.memref_slice %arg3[%mul3A_2] : memref<320000xi32, #tpu.memory_space<hbm>> -> memref<10000xi32, #tpu.memory_space<hbm>>
      tpu.enqueue_dma source(%dma_start3A_303 : memref<10000xi32, #tpu.memory_space<hbm>>) target(%arg9 : memref<10000xi32, #tpu.memory_space<vmem>>) target_semaphore(%run_scoped3A : memref<!tpu.dma_semaphore, #tpu.memory_space<semaphore_mem>>)
      %dma_wait3A_304 = tpu.memref_slice %arg3[%mul3A_2] : memref<320000xi32, #tpu.memory_space<hbm>> -> memref<10000xi32, #tpu.memory_space<hbm>>
      %dma_wait3A_305 = tpu.memref_slice %arg3[%mul3A_2] : memref<320000xi32, #tpu.memory_space<hbm>> -> memref<10000xi32, #tpu.memory_space<hbm>>
      tpu.wait_dma2 semaphore(%run_scoped3A : memref<!tpu.dma_semaphore, #tpu.memory_space<semaphore_mem>>) src(%dma_wait3A_305 : memref<10000xi32, #tpu.memory_space<hbm>>) dst(%arg9 : memref<10000xi32, #tpu.memory_space<vmem>>)
      tpu.yield
    }) : () -> ()
    %mul3A_48 = arith.constant 640 : i32
    %mul3A_49 = arith.muli %arg1, %mul3A_48 : i32
    %add3A_50 = arith.constant 0 : i32
    %add3A_51 = arith.addi %mul3A_49, %add3A_50 : i32
    %dma_wait3A = arith.constant 0 : i32
    %dma_wait3A_52 = tpu.memref_slice %arg6[%add3A_51, %dma_wait3A] : memref<10240x128xf32, #tpu.memory_space<vmem_shared>> -> memref<128x128xf32, #tpu.memory_space<vmem_shared>>
    %dma_wait3A_53 = arith.constant 0 : i32
    %dma_wait3A_54 = tpu.memref_slice %arg6[%add3A_51, %dma_wait3A_53] : memref<10240x128xf32, #tpu.memory_space<vmem_shared>> -> memref<128x128xf32, #tpu.memory_space<vmem_shared>>
    tpu.wait_dma2 semaphore(%arg13 : memref<!tpu.dma_semaphore, #tpu.memory_space<semaphore_mem>>) src(%arg7 : memref<128x128xf32, #tpu.memory_space<vmem>>) dst(%dma_wait3A_54 : memref<128x128xf32, #tpu.memory_space<vmem_shared>>)
    %mul3A_55 = arith.constant 640 : i32
    %mul3A_56 = arith.muli %arg1, %mul3A_55 : i32
    %add3A_57 = arith.constant 128 : i32
    %add3A_58 = arith.addi %mul3A_56, %add3A_57 : i32
    %dma_wait3A_59 = arith.constant 0 : i32
    %dma_wait3A_60 = tpu.memref_slice %arg6[%add3A_58, %dma_wait3A_59] : memref<10240x128xf32, #tpu.memory_space<vmem_shared>> -> memref<128x128xf32, #tpu.memory_space<vmem_shared>>
    %dma_wait3A_61 = arith.constant 0 : i32
    %dma_wait3A_62 = tpu.memref_slice %arg6[%add3A_58, %dma_wait3A_61] : memref<10240x128xf32, #tpu.memory_space<vmem_shared>> -> memref<128x128xf32, #tpu.memory_space<vmem_shared>>
    tpu.wait_dma2 semaphore(%arg13 : memref<!tpu.dma_semaphore, #tpu.memory_space<semaphore_mem>>) src(%arg7 : memref<128x128xf32, #tpu.memory_space<vmem>>) dst(%dma_wait3A_62 : memref<128x128xf32, #tpu.memory_space<vmem_shared>>)
    %mul3A_63 = arith.constant 640 : i32
    %mul3A_64 = arith.muli %arg1, %mul3A_63 : i32
    %add3A_65 = arith.constant 256 : i32
    %add3A_66 = arith.addi %mul3A_64, %add3A_65 : i32
    %dma_wait3A_67 = arith.constant 0 : i32
    %dma_wait3A_68 = tpu.memref_slice %arg6[%add3A_66, %dma_wait3A_67] : memref<10240x128xf32, #tpu.memory_space<vmem_shared>> -> memref<128x128xf32, #tpu.memory_space<vmem_shared>>
    %dma_wait3A_69 = arith.constant 0 : i32
    %dma_wait3A_70 = tpu.memref_slice %arg6[%add3A_66, %dma_wait3A_69] : memref<10240x128xf32, #tpu.memory_space<vmem_shared>> -> memref<128x128xf32, #tpu.memory_space<vmem_shared>>
    tpu.wait_dma2 semaphore(%arg13 : memref<!tpu.dma_semaphore, #tpu.memory_space<semaphore_mem>>) src(%arg7 : memref<128x128xf32, #tpu.memory_space<vmem>>) dst(%dma_wait3A_70 : memref<128x128xf32, #tpu.memory_space<vmem_shared>>)
    %mul3A_71 = arith.constant 640 : i32
    %mul3A_72 = arith.muli %arg1, %mul3A_71 : i32
    %add3A_73 = arith.constant 384 : i32
    %add3A_74 = arith.addi %mul3A_72, %add3A_73 : i32
    %dma_wait3A_75 = arith.constant 0 : i32
    %dma_wait3A_76 = tpu.memref_slice %arg6[%add3A_74, %dma_wait3A_75] : memref<10240x128xf32, #tpu.memory_space<vmem_shared>> -> memref<128x128xf32, #tpu.memory_space<vmem_shared>>
    %dma_wait3A_77 = arith.constant 0 : i32
    %dma_wait3A_78 = tpu.memref_slice %arg6[%add3A_74, %dma_wait3A_77] : memref<10240x128xf32, #tpu.memory_space<vmem_shared>> -> memref<128x128xf32, #tpu.memory_space<vmem_shared>>
    tpu.wait_dma2 semaphore(%arg13 : memref<!tpu.dma_semaphore, #tpu.memory_space<semaphore_mem>>) src(%arg7 : memref<128x128xf32, #tpu.memory_space<vmem>>) dst(%dma_wait3A_78 : memref<128x128xf32, #tpu.memory_space<vmem_shared>>)
    %mul3A_79 = arith.constant 640 : i32
    %mul3A_80 = arith.muli %arg1, %mul3A_79 : i32
    %add3A_81 = arith.constant 512 : i32
    %add3A_82 = arith.addi %mul3A_80, %add3A_81 : i32
    %dma_wait3A_83 = arith.constant 0 : i32
    %dma_wait3A_84 = tpu.memref_slice %arg6[%add3A_82, %dma_wait3A_83] : memref<10240x128xf32, #tpu.memory_space<vmem_shared>> -> memref<128x128xf32, #tpu.memory_space<vmem_shared>>
    %dma_wait3A_85 = arith.constant 0 : i32
    %dma_wait3A_86 = tpu.memref_slice %arg6[%add3A_82, %dma_wait3A_85] : memref<10240x128xf32, #tpu.memory_space<vmem_shared>> -> memref<128x128xf32, #tpu.memory_space<vmem_shared>>
    tpu.wait_dma2 semaphore(%arg13 : memref<!tpu.dma_semaphore, #tpu.memory_space<semaphore_mem>>) src(%arg7 : memref<128x128xf32, #tpu.memory_space<vmem>>) dst(%dma_wait3A_86 : memref<128x128xf32, #tpu.memory_space<vmem_shared>>)
    %multiple_of3A = arith.constant 0 : i32
    %multiple_of3A_87 = tpu.assume_multiple %multiple_of3A, 64 : i32
    %dma_start3A_88 = arith.constant 0 : i32
    %dma_start3A_89 = arith.constant 0 : i32
    %dma_start3A_90 = tpu.memref_slice %arg7[%dma_start3A_88, %dma_start3A_89] : memref<128x128xf32, #tpu.memory_space<vmem>> -> memref<64x128xf32, #tpu.memory_space<vmem>>
    %dma_start3A_91 = tpu.memref_slice %arg9[%multiple_of3A_87] : memref<10000xi32, #tpu.memory_space<vmem>> -> memref<64xi32, #tpu.memory_space<vmem>>
    %dma_start3A_92 = arith.constant 0 : i32
    %dma_start3A_93 = arith.constant 0 : i32
    %dma_start3A_94 = tpu.memref_slice %arg2[%dma_start3A_92, %dma_start3A_93] : memref<10000x128xf32, #tpu.memory_space<hbm>> -> memref<10000x128xf32, #tpu.memory_space<hbm>>
    tpu.enqueue_indirect_dma source(%dma_start3A_94 : memref<10000x128xf32, #tpu.memory_space<hbm>>) target(%dma_start3A_90 : memref<64x128xf32, #tpu.memory_space<vmem>>) offsets(%dma_start3A_91 : memref<64xi32, #tpu.memory_space<vmem>>) semaphore(%arg13 : memref<!tpu.dma_semaphore, #tpu.memory_space<semaphore_mem>>)
    %multiple_of3A_95 = arith.constant 64 : i32
    %multiple_of3A_96 = tpu.assume_multiple %multiple_of3A_95, 64 : i32
    %dma_start3A_97 = arith.constant 64 : i32
    %dma_start3A_98 = arith.constant 0 : i32
    %dma_start3A_99 = tpu.memref_slice %arg7[%dma_start3A_97, %dma_start3A_98] : memref<128x128xf32, #tpu.memory_space<vmem>> -> memref<64x128xf32, #tpu.memory_space<vmem>>
    %dma_start3A_100 = tpu.memref_slice %arg9[%multiple_of3A_96] : memref<10000xi32, #tpu.memory_space<vmem>> -> memref<64xi32, #tpu.memory_space<vmem>>
    %dma_start3A_101 = arith.constant 0 : i32
    %dma_start3A_102 = arith.constant 0 : i32
    %dma_start3A_103 = tpu.memref_slice %arg2[%dma_start3A_101, %dma_start3A_102] : memref<10000x128xf32, #tpu.memory_space<hbm>> -> memref<10000x128xf32, #tpu.memory_space<hbm>>
    tpu.enqueue_indirect_dma source(%dma_start3A_103 : memref<10000x128xf32, #tpu.memory_space<hbm>>) target(%dma_start3A_99 : memref<64x128xf32, #tpu.memory_space<vmem>>) offsets(%dma_start3A_100 : memref<64xi32, #tpu.memory_space<vmem>>) semaphore(%arg15 : memref<!tpu.dma_semaphore, #tpu.memory_space<semaphore_mem>>)
    %add3A_104 = arith.constant 0 : i32
    %add3A_105 = arith.addi %mul3A_2, %add3A_104 : i32
    %multiple_of3A_106 = tpu.assume_multiple %add3A_105, 8 : i32
    %dma_start3A_107 = tpu.memref_slice %arg4[%multiple_of3A_106] : memref<320000xi32, #tpu.memory_space<hbm>> -> memref<128xi32, #tpu.memory_space<hbm>>
    %dma_start3A_108 = tpu.memref_slice %arg4[%multiple_of3A_106] : memref<320000xi32, #tpu.memory_space<hbm>> -> memref<128xi32, #tpu.memory_space<hbm>>
    tpu.enqueue_dma source(%dma_start3A_108 : memref<128xi32, #tpu.memory_space<hbm>>) target(%arg10 : memref<128xi32, #tpu.memory_space<vmem>>) target_semaphore(%arg17 : memref<!tpu.dma_semaphore, #tpu.memory_space<semaphore_mem>>)
    %multiple_of3A_109 = arith.constant 128 : i32
    %multiple_of3A_110 = tpu.assume_multiple %multiple_of3A_109, 64 : i32
    %dma_start3A_111 = arith.constant 0 : i32
    %dma_start3A_112 = arith.constant 0 : i32
    %dma_start3A_113 = tpu.memref_slice %arg8[%dma_start3A_111, %dma_start3A_112] : memref<128x128xf32, #tpu.memory_space<vmem>> -> memref<64x128xf32, #tpu.memory_space<vmem>>
    %dma_start3A_114 = tpu.memref_slice %arg9[%multiple_of3A_110] : memref<10000xi32, #tpu.memory_space<vmem>> -> memref<64xi32, #tpu.memory_space<vmem>>
    %dma_start3A_115 = arith.constant 0 : i32
    %dma_start3A_116 = arith.constant 0 : i32
    %dma_start3A_117 = tpu.memref_slice %arg2[%dma_start3A_115, %dma_start3A_116] : memref<10000x128xf32, #tpu.memory_space<hbm>> -> memref<10000x128xf32, #tpu.memory_space<hbm>>
    tpu.enqueue_indirect_dma source(%dma_start3A_117 : memref<10000x128xf32, #tpu.memory_space<hbm>>) target(%dma_start3A_113 : memref<64x128xf32, #tpu.memory_space<vmem>>) offsets(%dma_start3A_114 : memref<64xi32, #tpu.memory_space<vmem>>) semaphore(%arg14 : memref<!tpu.dma_semaphore, #tpu.memory_space<semaphore_mem>>)
    %multiple_of3A_118 = arith.constant 192 : i32
    %multiple_of3A_119 = tpu.assume_multiple %multiple_of3A_118, 64 : i32
    %dma_start3A_120 = arith.constant 64 : i32
    %dma_start3A_121 = arith.constant 0 : i32
    %dma_start3A_122 = tpu.memref_slice %arg8[%dma_start3A_120, %dma_start3A_121] : memref<128x128xf32, #tpu.memory_space<vmem>> -> memref<64x128xf32, #tpu.memory_space<vmem>>
    %dma_start3A_123 = tpu.memref_slice %arg9[%multiple_of3A_119] : memref<10000xi32, #tpu.memory_space<vmem>> -> memref<64xi32, #tpu.memory_space<vmem>>
    %dma_start3A_124 = arith.constant 0 : i32
    %dma_start3A_125 = arith.constant 0 : i32
    %dma_start3A_126 = tpu.memref_slice %arg2[%dma_start3A_124, %dma_start3A_125] : memref<10000x128xf32, #tpu.memory_space<hbm>> -> memref<10000x128xf32, #tpu.memory_space<hbm>>
    tpu.enqueue_indirect_dma source(%dma_start3A_126 : memref<10000x128xf32, #tpu.memory_space<hbm>>) target(%dma_start3A_122 : memref<64x128xf32, #tpu.memory_space<vmem>>) offsets(%dma_start3A_123 : memref<64xi32, #tpu.memory_space<vmem>>) semaphore(%arg16 : memref<!tpu.dma_semaphore, #tpu.memory_space<semaphore_mem>>)
    %add3A_127 = arith.constant 128 : i32
    %add3A_128 = arith.addi %mul3A_2, %add3A_127 : i32
    %multiple_of3A_129 = tpu.assume_multiple %add3A_128, 8 : i32
    %dma_start3A_130 = tpu.memref_slice %arg4[%multiple_of3A_129] : memref<320000xi32, #tpu.memory_space<hbm>> -> memref<128xi32, #tpu.memory_space<hbm>>
    %dma_start3A_131 = tpu.memref_slice %arg4[%multiple_of3A_129] : memref<320000xi32, #tpu.memory_space<hbm>> -> memref<128xi32, #tpu.memory_space<hbm>>
    tpu.enqueue_dma source(%dma_start3A_131 : memref<128xi32, #tpu.memory_space<hbm>>) target(%arg11 : memref<128xi32, #tpu.memory_space<vmem>>) target_semaphore(%arg18 : memref<!tpu.dma_semaphore, #tpu.memory_space<semaphore_mem>>)
    %barrier3A = arith.constant 0 : index
    tpu.barrier barrier_id(%barrier3A)
    %scan3A_132 = arith.constant 0 : i32
    %scan3A_133 = arith.constant 0 : i32
    %scan3A_134 = arith.constant 37 : i32
    %scan3A_135 = arith.addi %scan3A_133, %scan3A_134 : i32
    %scan3A_136 = arith.constant 1 : i32
    scf.for %scan3A_302 = %scan3A_133 to %scan3A_135 step %scan3A_136  : i32 {
      %mul3A_303 = arith.constant 2 : i32
      %mul3A_304 = arith.muli %mul3A_303, %scan3A_302 : i32
      %mul3A_305 = arith.constant 128 : i32
      %mul3A_306 = arith.muli %mul3A_304, %mul3A_305 : i32
      %add3A_307 = arith.constant 0 : i32
      %add3A_308 = arith.addi %mul3A_306, %add3A_307 : i32
      %multiple_of3A_309 = tpu.assume_multiple %add3A_308, 64 : i32
      %dma_wait3A_310 = arith.constant 0 : i32
      %dma_wait3A_311 = arith.constant 0 : i32
      %dma_wait3A_312 = tpu.memref_slice %arg7[%dma_wait3A_310, %dma_wait3A_311] : memref<128x128xf32, #tpu.memory_space<vmem>> -> memref<64x128xf32, #tpu.memory_space<vmem>>
      %dma_wait3A_313 = tpu.memref_slice %arg9[%multiple_of3A_309] : memref<10000xi32, #tpu.memory_space<vmem>> -> memref<64xi32, #tpu.memory_space<vmem>>
      %dma_wait3A_314 = arith.constant 0 : i32
      %dma_wait3A_315 = arith.constant 0 : i32
      %dma_wait3A_316 = tpu.memref_slice %arg2[%dma_wait3A_314, %dma_wait3A_315] : memref<10000x128xf32, #tpu.memory_space<hbm>> -> memref<10000x128xf32, #tpu.memory_space<hbm>>
      tpu.wait_indirect_dma semaphore(%arg13 : memref<!tpu.dma_semaphore, #tpu.memory_space<semaphore_mem>>) src(%dma_wait3A_316 : memref<10000x128xf32, #tpu.memory_space<hbm>>) dst(%dma_wait3A_312 : memref<64x128xf32, #tpu.memory_space<vmem>>)
      %mul3A_317 = arith.constant 128 : i32
      %mul3A_318 = arith.muli %mul3A_304, %mul3A_317 : i32
      %add3A_319 = arith.constant 64 : i32
      %add3A_320 = arith.addi %mul3A_318, %add3A_319 : i32
      %multiple_of3A_321 = tpu.assume_multiple %add3A_320, 64 : i32
      %dma_wait3A_322 = arith.constant 64 : i32
      %dma_wait3A_323 = arith.constant 0 : i32
      %dma_wait3A_324 = tpu.memref_slice %arg7[%dma_wait3A_322, %dma_wait3A_323] : memref<128x128xf32, #tpu.memory_space<vmem>> -> memref<64x128xf32, #tpu.memory_space<vmem>>
      %dma_wait3A_325 = tpu.memref_slice %arg9[%multiple_of3A_321] : memref<10000xi32, #tpu.memory_space<vmem>> -> memref<64xi32, #tpu.memory_space<vmem>>
      %dma_wait3A_326 = arith.constant 0 : i32
      %dma_wait3A_327 = arith.constant 0 : i32
      %dma_wait3A_328 = tpu.memref_slice %arg2[%dma_wait3A_326, %dma_wait3A_327] : memref<10000x128xf32, #tpu.memory_space<hbm>> -> memref<10000x128xf32, #tpu.memory_space<hbm>>
      tpu.wait_indirect_dma semaphore(%arg15 : memref<!tpu.dma_semaphore, #tpu.memory_space<semaphore_mem>>) src(%dma_wait3A_328 : memref<10000x128xf32, #tpu.memory_space<hbm>>) dst(%dma_wait3A_324 : memref<64x128xf32, #tpu.memory_space<vmem>>)
      %mul3A_329 = arith.constant 128 : i32
      %mul3A_330 = arith.muli %mul3A_304, %mul3A_329 : i32
      %add3A_331 = arith.addi %mul3A_2, %mul3A_330 : i32
      %multiple_of3A_332 = tpu.assume_multiple %add3A_331, 8 : i32
      %dma_wait3A_333 = tpu.memref_slice %arg4[%multiple_of3A_332] : memref<320000xi32, #tpu.memory_space<hbm>> -> memref<128xi32, #tpu.memory_space<hbm>>
      %dma_wait3A_334 = tpu.memref_slice %arg4[%multiple_of3A_332] : memref<320000xi32, #tpu.memory_space<hbm>> -> memref<128xi32, #tpu.memory_space<hbm>>
      tpu.wait_dma2 semaphore(%arg17 : memref<!tpu.dma_semaphore, #tpu.memory_space<semaphore_mem>>) src(%dma_wait3A_334 : memref<128xi32, #tpu.memory_space<hbm>>) dst(%arg10 : memref<128xi32, #tpu.memory_space<vmem>>)
      "tpu.region"() ({
        %run_scoped3A = tpu.sem_alloc : memref<!tpu.dma_semaphore, #tpu.memory_space<semaphore_mem>>
        %dma_start3A_431 = arith.constant 0 : i32
        %dma_start3A_432 = arith.constant 0 : i32
        %dma_start3A_433 = tpu.memref_slice %arg6[%dma_start3A_431, %dma_start3A_432] : memref<10240x128xf32, #tpu.memory_space<vmem_shared>> -> memref<10240x128xf32, #tpu.memory_space<vmem_shared>>
        tpu.enqueue_indirect_dma source(%arg7 : memref<128x128xf32, #tpu.memory_space<vmem>>) target(%dma_start3A_433 : memref<10240x128xf32, #tpu.memory_space<vmem_shared>>) offsets(%arg10 : memref<128xi32, #tpu.memory_space<vmem>>) semaphore(%run_scoped3A : memref<!tpu.dma_semaphore, #tpu.memory_space<semaphore_mem>>) {add = true}
        %dma_wait3A_434 = arith.constant 0 : i32
        %dma_wait3A_435 = arith.constant 0 : i32
        %dma_wait3A_436 = tpu.memref_slice %arg6[%dma_wait3A_434, %dma_wait3A_435] : memref<10240x128xf32, #tpu.memory_space<vmem_shared>> -> memref<10240x128xf32, #tpu.memory_space<vmem_shared>>
        tpu.wait_indirect_dma semaphore(%run_scoped3A : memref<!tpu.dma_semaphore, #tpu.memory_space<semaphore_mem>>) src(%arg7 : memref<128x128xf32, #tpu.memory_space<vmem>>) dst(%dma_wait3A_436 : memref<10240x128xf32, #tpu.memory_space<vmem_shared>>)
        tpu.yield
      }) : () -> ()
      %add3A_335 = arith.constant 2 : i32
      %add3A_336 = arith.addi %mul3A_304, %add3A_335 : i32
      %mul3A_337 = arith.constant 128 : i32
      %mul3A_338 = arith.muli %add3A_336, %mul3A_337 : i32
      %add3A_339 = arith.constant 0 : i32
      %add3A_340 = arith.addi %mul3A_338, %add3A_339 : i32
      %multiple_of3A_341 = tpu.assume_multiple %add3A_340, 64 : i32
      %dma_start3A_342 = arith.constant 0 : i32
      %dma_start3A_343 = arith.constant 0 : i32
      %dma_start3A_344 = tpu.memref_slice %arg7[%dma_start3A_342, %dma_start3A_343] : memref<128x128xf32, #tpu.memory_space<vmem>> -> memref<64x128xf32, #tpu.memory_space<vmem>>
      %dma_start3A_345 = tpu.memref_slice %arg9[%multiple_of3A_341] : memref<10000xi32, #tpu.memory_space<vmem>> -> memref<64xi32, #tpu.memory_space<vmem>>
      %dma_start3A_346 = arith.constant 0 : i32
      %dma_start3A_347 = arith.constant 0 : i32
      %dma_start3A_348 = tpu.memref_slice %arg2[%dma_start3A_346, %dma_start3A_347] : memref<10000x128xf32, #tpu.memory_space<hbm>> -> memref<10000x128xf32, #tpu.memory_space<hbm>>
      tpu.enqueue_indirect_dma source(%dma_start3A_348 : memref<10000x128xf32, #tpu.memory_space<hbm>>) target(%dma_start3A_344 : memref<64x128xf32, #tpu.memory_space<vmem>>) offsets(%dma_start3A_345 : memref<64xi32, #tpu.memory_space<vmem>>) semaphore(%arg13 : memref<!tpu.dma_semaphore, #tpu.memory_space<semaphore_mem>>)
      %mul3A_349 = arith.constant 128 : i32
      %mul3A_350 = arith.muli %add3A_336, %mul3A_349 : i32
      %add3A_351 = arith.constant 64 : i32
      %add3A_352 = arith.addi %mul3A_350, %add3A_351 : i32
      %multiple_of3A_353 = tpu.assume_multiple %add3A_352, 64 : i32
      %dma_start3A_354 = arith.constant 64 : i32
      %dma_start3A_355 = arith.constant 0 : i32
      %dma_start3A_356 = tpu.memref_slice %arg7[%dma_start3A_354, %dma_start3A_355] : memref<128x128xf32, #tpu.memory_space<vmem>> -> memref<64x128xf32, #tpu.memory_space<vmem>>
      %dma_start3A_357 = tpu.memref_slice %arg9[%multiple_of3A_353] : memref<10000xi32, #tpu.memory_space<vmem>> -> memref<64xi32, #tpu.memory_space<vmem>>
      %dma_start3A_358 = arith.constant 0 : i32
      %dma_start3A_359 = arith.constant 0 : i32
      %dma_start3A_360 = tpu.memref_slice %arg2[%dma_start3A_358, %dma_start3A_359] : memref<10000x128xf32, #tpu.memory_space<hbm>> -> memref<10000x128xf32, #tpu.memory_space<hbm>>
      tpu.enqueue_indirect_dma source(%dma_start3A_360 : memref<10000x128xf32, #tpu.memory_space<hbm>>) target(%dma_start3A_356 : memref<64x128xf32, #tpu.memory_space<vmem>>) offsets(%dma_start3A_357 : memref<64xi32, #tpu.memory_space<vmem>>) semaphore(%arg15 : memref<!tpu.dma_semaphore, #tpu.memory_space<semaphore_mem>>)
      %mul3A_361 = arith.constant 128 : i32
      %mul3A_362 = arith.muli %add3A_336, %mul3A_361 : i32
      %add3A_363 = arith.addi %mul3A_2, %mul3A_362 : i32
      %multiple_of3A_364 = tpu.assume_multiple %add3A_363, 8 : i32
      %dma_start3A_365 = tpu.memref_slice %arg4[%multiple_of3A_364] : memref<320000xi32, #tpu.memory_space<hbm>> -> memref<128xi32, #tpu.memory_space<hbm>>
      %dma_start3A_366 = tpu.memref_slice %arg4[%multiple_of3A_364] : memref<320000xi32, #tpu.memory_space<hbm>> -> memref<128xi32, #tpu.memory_space<hbm>>
      tpu.enqueue_dma source(%dma_start3A_366 : memref<128xi32, #tpu.memory_space<hbm>>) target(%arg10 : memref<128xi32, #tpu.memory_space<vmem>>) target_semaphore(%arg17 : memref<!tpu.dma_semaphore, #tpu.memory_space<semaphore_mem>>)
      %add3A_367 = arith.constant 1 : i32
      %add3A_368 = arith.addi %mul3A_304, %add3A_367 : i32
      %mul3A_369 = arith.constant 128 : i32
      %mul3A_370 = arith.muli %add3A_368, %mul3A_369 : i32
      %add3A_371 = arith.constant 0 : i32
      %add3A_372 = arith.addi %mul3A_370, %add3A_371 : i32
      %multiple_of3A_373 = tpu.assume_multiple %add3A_372, 64 : i32
      %dma_wait3A_374 = arith.constant 0 : i32
      %dma_wait3A_375 = arith.constant 0 : i32
      %dma_wait3A_376 = tpu.memref_slice %arg8[%dma_wait3A_374, %dma_wait3A_375] : memref<128x128xf32, #tpu.memory_space<vmem>> -> memref<64x128xf32, #tpu.memory_space<vmem>>
      %dma_wait3A_377 = tpu.memref_slice %arg9[%multiple_of3A_373] : memref<10000xi32, #tpu.memory_space<vmem>> -> memref<64xi32, #tpu.memory_space<vmem>>
      %dma_wait3A_378 = arith.constant 0 : i32
      %dma_wait3A_379 = arith.constant 0 : i32
      %dma_wait3A_380 = tpu.memref_slice %arg2[%dma_wait3A_378, %dma_wait3A_379] : memref<10000x128xf32, #tpu.memory_space<hbm>> -> memref<10000x128xf32, #tpu.memory_space<hbm>>
      tpu.wait_indirect_dma semaphore(%arg14 : memref<!tpu.dma_semaphore, #tpu.memory_space<semaphore_mem>>) src(%dma_wait3A_380 : memref<10000x128xf32, #tpu.memory_space<hbm>>) dst(%dma_wait3A_376 : memref<64x128xf32, #tpu.memory_space<vmem>>)
      %mul3A_381 = arith.constant 128 : i32
      %mul3A_382 = arith.muli %add3A_368, %mul3A_381 : i32
      %add3A_383 = arith.constant 64 : i32
      %add3A_384 = arith.addi %mul3A_382, %add3A_383 : i32
      %multiple_of3A_385 = tpu.assume_multiple %add3A_384, 64 : i32
      %dma_wait3A_386 = arith.constant 64 : i32
      %dma_wait3A_387 = arith.constant 0 : i32
      %dma_wait3A_388 = tpu.memref_slice %arg8[%dma_wait3A_386, %dma_wait3A_387] : memref<128x128xf32, #tpu.memory_space<vmem>> -> memref<64x128xf32, #tpu.memory_space<vmem>>
      %dma_wait3A_389 = tpu.memref_slice %arg9[%multiple_of3A_385] : memref<10000xi32, #tpu.memory_space<vmem>> -> memref<64xi32, #tpu.memory_space<vmem>>
      %dma_wait3A_390 = arith.constant 0 : i32
      %dma_wait3A_391 = arith.constant 0 : i32
      %dma_wait3A_392 = tpu.memref_slice %arg2[%dma_wait3A_390, %dma_wait3A_391] : memref<10000x128xf32, #tpu.memory_space<hbm>> -> memref<10000x128xf32, #tpu.memory_space<hbm>>
      tpu.wait_indirect_dma semaphore(%arg16 : memref<!tpu.dma_semaphore, #tpu.memory_space<semaphore_mem>>) src(%dma_wait3A_392 : memref<10000x128xf32, #tpu.memory_space<hbm>>) dst(%dma_wait3A_388 : memref<64x128xf32, #tpu.memory_space<vmem>>)
      %mul3A_393 = arith.constant 128 : i32
      %mul3A_394 = arith.muli %add3A_368, %mul3A_393 : i32
      %add3A_395 = arith.addi %mul3A_2, %mul3A_394 : i32
      %multiple_of3A_396 = tpu.assume_multiple %add3A_395, 8 : i32
      %dma_wait3A_397 = tpu.memref_slice %arg4[%multiple_of3A_396] : memref<320000xi32, #tpu.memory_space<hbm>> -> memref<128xi32, #tpu.memory_space<hbm>>
      %dma_wait3A_398 = tpu.memref_slice %arg4[%multiple_of3A_396] : memref<320000xi32, #tpu.memory_space<hbm>> -> memref<128xi32, #tpu.memory_space<hbm>>
      tpu.wait_dma2 semaphore(%arg18 : memref<!tpu.dma_semaphore, #tpu.memory_space<semaphore_mem>>) src(%dma_wait3A_398 : memref<128xi32, #tpu.memory_space<hbm>>) dst(%arg11 : memref<128xi32, #tpu.memory_space<vmem>>)
      "tpu.region"() ({
        %run_scoped3A = tpu.sem_alloc : memref<!tpu.dma_semaphore, #tpu.memory_space<semaphore_mem>>
        %dma_start3A_431 = arith.constant 0 : i32
        %dma_start3A_432 = arith.constant 0 : i32
        %dma_start3A_433 = tpu.memref_slice %arg6[%dma_start3A_431, %dma_start3A_432] : memref<10240x128xf32, #tpu.memory_space<vmem_shared>> -> memref<10240x128xf32, #tpu.memory_space<vmem_shared>>
        tpu.enqueue_indirect_dma source(%arg8 : memref<128x128xf32, #tpu.memory_space<vmem>>) target(%dma_start3A_433 : memref<10240x128xf32, #tpu.memory_space<vmem_shared>>) offsets(%arg11 : memref<128xi32, #tpu.memory_space<vmem>>) semaphore(%run_scoped3A : memref<!tpu.dma_semaphore, #tpu.memory_space<semaphore_mem>>) {add = true}
        %dma_wait3A_434 = arith.constant 0 : i32
        %dma_wait3A_435 = arith.constant 0 : i32
        %dma_wait3A_436 = tpu.memref_slice %arg6[%dma_wait3A_434, %dma_wait3A_435] : memref<10240x128xf32, #tpu.memory_space<vmem_shared>> -> memref<10240x128xf32, #tpu.memory_space<vmem_shared>>
        tpu.wait_indirect_dma semaphore(%run_scoped3A : memref<!tpu.dma_semaphore, #tpu.memory_space<semaphore_mem>>) src(%arg8 : memref<128x128xf32, #tpu.memory_space<vmem>>) dst(%dma_wait3A_436 : memref<10240x128xf32, #tpu.memory_space<vmem_shared>>)
        tpu.yield
      }) : () -> ()
      %add3A_399 = arith.constant 3 : i32
      %add3A_400 = arith.addi %mul3A_304, %add3A_399 : i32
      %mul3A_401 = arith.constant 128 : i32
      %mul3A_402 = arith.muli %add3A_400, %mul3A_401 : i32
      %add3A_403 = arith.constant 0 : i32
      %add3A_404 = arith.addi %mul3A_402, %add3A_403 : i32
      %multiple_of3A_405 = tpu.assume_multiple %add3A_404, 64 : i32
      %dma_start3A_406 = arith.constant 0 : i32
      %dma_start3A_407 = arith.constant 0 : i32
      %dma_start3A_408 = tpu.memref_slice %arg8[%dma_start3A_406, %dma_start3A_407] : memref<128x128xf32, #tpu.memory_space<vmem>> -> memref<64x128xf32, #tpu.memory_space<vmem>>
      %dma_start3A_409 = tpu.memref_slice %arg9[%multiple_of3A_405] : memref<10000xi32, #tpu.memory_space<vmem>> -> memref<64xi32, #tpu.memory_space<vmem>>
      %dma_start3A_410 = arith.constant 0 : i32
      %dma_start3A_411 = arith.constant 0 : i32
      %dma_start3A_412 = tpu.memref_slice %arg2[%dma_start3A_410, %dma_start3A_411] : memref<10000x128xf32, #tpu.memory_space<hbm>> -> memref<10000x128xf32, #tpu.memory_space<hbm>>
      tpu.enqueue_indirect_dma source(%dma_start3A_412 : memref<10000x128xf32, #tpu.memory_space<hbm>>) target(%dma_start3A_408 : memref<64x128xf32, #tpu.memory_space<vmem>>) offsets(%dma_start3A_409 : memref<64xi32, #tpu.memory_space<vmem>>) semaphore(%arg14 : memref<!tpu.dma_semaphore, #tpu.memory_space<semaphore_mem>>)
      %mul3A_413 = arith.constant 128 : i32
      %mul3A_414 = arith.muli %add3A_400, %mul3A_413 : i32
      %add3A_415 = arith.constant 64 : i32
      %add3A_416 = arith.addi %mul3A_414, %add3A_415 : i32
      %multiple_of3A_417 = tpu.assume_multiple %add3A_416, 64 : i32
      %dma_start3A_418 = arith.constant 64 : i32
      %dma_start3A_419 = arith.constant 0 : i32
      %dma_start3A_420 = tpu.memref_slice %arg8[%dma_start3A_418, %dma_start3A_419] : memref<128x128xf32, #tpu.memory_space<vmem>> -> memref<64x128xf32, #tpu.memory_space<vmem>>
      %dma_start3A_421 = tpu.memref_slice %arg9[%multiple_of3A_417] : memref<10000xi32, #tpu.memory_space<vmem>> -> memref<64xi32, #tpu.memory_space<vmem>>
      %dma_start3A_422 = arith.constant 0 : i32
      %dma_start3A_423 = arith.constant 0 : i32
      %dma_start3A_424 = tpu.memref_slice %arg2[%dma_start3A_422, %dma_start3A_423] : memref<10000x128xf32, #tpu.memory_space<hbm>> -> memref<10000x128xf32, #tpu.memory_space<hbm>>
      tpu.enqueue_indirect_dma source(%dma_start3A_424 : memref<10000x128xf32, #tpu.memory_space<hbm>>) target(%dma_start3A_420 : memref<64x128xf32, #tpu.memory_space<vmem>>) offsets(%dma_start3A_421 : memref<64xi32, #tpu.memory_space<vmem>>) semaphore(%arg16 : memref<!tpu.dma_semaphore, #tpu.memory_space<semaphore_mem>>)
      %mul3A_425 = arith.constant 128 : i32
      %mul3A_426 = arith.muli %add3A_400, %mul3A_425 : i32
      %add3A_427 = arith.addi %mul3A_2, %mul3A_426 : i32
      %multiple_of3A_428 = tpu.assume_multiple %add3A_427, 8 : i32
      %dma_start3A_429 = tpu.memref_slice %arg4[%multiple_of3A_428] : memref<320000xi32, #tpu.memory_space<hbm>> -> memref<128xi32, #tpu.memory_space<hbm>>
      %dma_start3A_430 = tpu.memref_slice %arg4[%multiple_of3A_428] : memref<320000xi32, #tpu.memory_space<hbm>> -> memref<128xi32, #tpu.memory_space<hbm>>
      tpu.enqueue_dma source(%dma_start3A_430 : memref<128xi32, #tpu.memory_space<hbm>>) target(%arg11 : memref<128xi32, #tpu.memory_space<vmem>>) target_semaphore(%arg18 : memref<!tpu.dma_semaphore, #tpu.memory_space<semaphore_mem>>)
    }
    %scan3A_137 = arith.constant 37 : i32
    %multiple_of3A_138 = arith.constant 9472 : i32
    %multiple_of3A_139 = tpu.assume_multiple %multiple_of3A_138, 64 : i32
    %dma_wait3A_140 = arith.constant 0 : i32
    %dma_wait3A_141 = arith.constant 0 : i32
    %dma_wait3A_142 = tpu.memref_slice %arg7[%dma_wait3A_140, %dma_wait3A_141] : memref<128x128xf32, #tpu.memory_space<vmem>> -> memref<64x128xf32, #tpu.memory_space<vmem>>
    %dma_wait3A_143 = tpu.memref_slice %arg9[%multiple_of3A_139] : memref<10000xi32, #tpu.memory_space<vmem>> -> memref<64xi32, #tpu.memory_space<vmem>>
    %dma_wait3A_144 = arith.constant 0 : i32
    %dma_wait3A_145 = arith.constant 0 : i32
    %dma_wait3A_146 = tpu.memref_slice %arg2[%dma_wait3A_144, %dma_wait3A_145] : memref<10000x128xf32, #tpu.memory_space<hbm>> -> memref<10000x128xf32, #tpu.memory_space<hbm>>
    tpu.wait_indirect_dma semaphore(%arg13 : memref<!tpu.dma_semaphore, #tpu.memory_space<semaphore_mem>>) src(%dma_wait3A_146 : memref<10000x128xf32, #tpu.memory_space<hbm>>) dst(%dma_wait3A_142 : memref<64x128xf32, #tpu.memory_space<vmem>>)
    %multiple_of3A_147 = arith.constant 9536 : i32
    %multiple_of3A_148 = tpu.assume_multiple %multiple_of3A_147, 64 : i32
    %dma_wait3A_149 = arith.constant 64 : i32
    %dma_wait3A_150 = arith.constant 0 : i32
    %dma_wait3A_151 = tpu.memref_slice %arg7[%dma_wait3A_149, %dma_wait3A_150] : memref<128x128xf32, #tpu.memory_space<vmem>> -> memref<64x128xf32, #tpu.memory_space<vmem>>
    %dma_wait3A_152 = tpu.memref_slice %arg9[%multiple_of3A_148] : memref<10000xi32, #tpu.memory_space<vmem>> -> memref<64xi32, #tpu.memory_space<vmem>>
    %dma_wait3A_153 = arith.constant 0 : i32
    %dma_wait3A_154 = arith.constant 0 : i32
    %dma_wait3A_155 = tpu.memref_slice %arg2[%dma_wait3A_153, %dma_wait3A_154] : memref<10000x128xf32, #tpu.memory_space<hbm>> -> memref<10000x128xf32, #tpu.memory_space<hbm>>
    tpu.wait_indirect_dma semaphore(%arg15 : memref<!tpu.dma_semaphore, #tpu.memory_space<semaphore_mem>>) src(%dma_wait3A_155 : memref<10000x128xf32, #tpu.memory_space<hbm>>) dst(%dma_wait3A_151 : memref<64x128xf32, #tpu.memory_space<vmem>>)
    %add3A_156 = arith.constant 9472 : i32
    %add3A_157 = arith.addi %mul3A_2, %add3A_156 : i32
    %multiple_of3A_158 = tpu.assume_multiple %add3A_157, 8 : i32
    %dma_wait3A_159 = tpu.memref_slice %arg4[%multiple_of3A_158] : memref<320000xi32, #tpu.memory_space<hbm>> -> memref<128xi32, #tpu.memory_space<hbm>>
    %dma_wait3A_160 = tpu.memref_slice %arg4[%multiple_of3A_158] : memref<320000xi32, #tpu.memory_space<hbm>> -> memref<128xi32, #tpu.memory_space<hbm>>
    tpu.wait_dma2 semaphore(%arg17 : memref<!tpu.dma_semaphore, #tpu.memory_space<semaphore_mem>>) src(%dma_wait3A_160 : memref<128xi32, #tpu.memory_space<hbm>>) dst(%arg10 : memref<128xi32, #tpu.memory_space<vmem>>)
    "tpu.region"() ({
      %run_scoped3A = tpu.sem_alloc : memref<!tpu.dma_semaphore, #tpu.memory_space<semaphore_mem>>
      %dma_start3A_302 = arith.constant 0 : i32
      %dma_start3A_303 = arith.constant 0 : i32
      %dma_start3A_304 = tpu.memref_slice %arg6[%dma_start3A_302, %dma_start3A_303] : memref<10240x128xf32, #tpu.memory_space<vmem_shared>> -> memref<10240x128xf32, #tpu.memory_space<vmem_shared>>
      tpu.enqueue_indirect_dma source(%arg7 : memref<128x128xf32, #tpu.memory_space<vmem>>) target(%dma_start3A_304 : memref<10240x128xf32, #tpu.memory_space<vmem_shared>>) offsets(%arg10 : memref<128xi32, #tpu.memory_space<vmem>>) semaphore(%run_scoped3A : memref<!tpu.dma_semaphore, #tpu.memory_space<semaphore_mem>>) {add = true}
      %dma_wait3A_305 = arith.constant 0 : i32
      %dma_wait3A_306 = arith.constant 0 : i32
      %dma_wait3A_307 = tpu.memref_slice %arg6[%dma_wait3A_305, %dma_wait3A_306] : memref<10240x128xf32, #tpu.memory_space<vmem_shared>> -> memref<10240x128xf32, #tpu.memory_space<vmem_shared>>
      tpu.wait_indirect_dma semaphore(%run_scoped3A : memref<!tpu.dma_semaphore, #tpu.memory_space<semaphore_mem>>) src(%arg7 : memref<128x128xf32, #tpu.memory_space<vmem>>) dst(%dma_wait3A_307 : memref<10240x128xf32, #tpu.memory_space<vmem_shared>>)
      tpu.yield
    }) : () -> ()
    %multiple_of3A_161 = arith.constant 9728 : i32
    %multiple_of3A_162 = tpu.assume_multiple %multiple_of3A_161, 64 : i32
    %dma_start3A_163 = arith.constant 0 : i32
    %dma_start3A_164 = arith.constant 0 : i32
    %dma_start3A_165 = tpu.memref_slice %arg7[%dma_start3A_163, %dma_start3A_164] : memref<128x128xf32, #tpu.memory_space<vmem>> -> memref<64x128xf32, #tpu.memory_space<vmem>>
    %dma_start3A_166 = tpu.memref_slice %arg9[%multiple_of3A_162] : memref<10000xi32, #tpu.memory_space<vmem>> -> memref<64xi32, #tpu.memory_space<vmem>>
    %dma_start3A_167 = arith.constant 0 : i32
    %dma_start3A_168 = arith.constant 0 : i32
    %dma_start3A_169 = tpu.memref_slice %arg2[%dma_start3A_167, %dma_start3A_168] : memref<10000x128xf32, #tpu.memory_space<hbm>> -> memref<10000x128xf32, #tpu.memory_space<hbm>>
    tpu.enqueue_indirect_dma source(%dma_start3A_169 : memref<10000x128xf32, #tpu.memory_space<hbm>>) target(%dma_start3A_165 : memref<64x128xf32, #tpu.memory_space<vmem>>) offsets(%dma_start3A_166 : memref<64xi32, #tpu.memory_space<vmem>>) semaphore(%arg13 : memref<!tpu.dma_semaphore, #tpu.memory_space<semaphore_mem>>)
    %multiple_of3A_170 = arith.constant 9792 : i32
    %multiple_of3A_171 = tpu.assume_multiple %multiple_of3A_170, 64 : i32
    %dma_start3A_172 = arith.constant 64 : i32
    %dma_start3A_173 = arith.constant 0 : i32
    %dma_start3A_174 = tpu.memref_slice %arg7[%dma_start3A_172, %dma_start3A_173] : memref<128x128xf32, #tpu.memory_space<vmem>> -> memref<64x128xf32, #tpu.memory_space<vmem>>
    %dma_start3A_175 = tpu.memref_slice %arg9[%multiple_of3A_171] : memref<10000xi32, #tpu.memory_space<vmem>> -> memref<64xi32, #tpu.memory_space<vmem>>
    %dma_start3A_176 = arith.constant 0 : i32
    %dma_start3A_177 = arith.constant 0 : i32
    %dma_start3A_178 = tpu.memref_slice %arg2[%dma_start3A_176, %dma_start3A_177] : memref<10000x128xf32, #tpu.memory_space<hbm>> -> memref<10000x128xf32, #tpu.memory_space<hbm>>
    tpu.enqueue_indirect_dma source(%dma_start3A_178 : memref<10000x128xf32, #tpu.memory_space<hbm>>) target(%dma_start3A_174 : memref<64x128xf32, #tpu.memory_space<vmem>>) offsets(%dma_start3A_175 : memref<64xi32, #tpu.memory_space<vmem>>) semaphore(%arg15 : memref<!tpu.dma_semaphore, #tpu.memory_space<semaphore_mem>>)
    %add3A_179 = arith.constant 9728 : i32
    %add3A_180 = arith.addi %mul3A_2, %add3A_179 : i32
    %multiple_of3A_181 = tpu.assume_multiple %add3A_180, 8 : i32
    %dma_start3A_182 = tpu.memref_slice %arg4[%multiple_of3A_181] : memref<320000xi32, #tpu.memory_space<hbm>> -> memref<128xi32, #tpu.memory_space<hbm>>
    %dma_start3A_183 = tpu.memref_slice %arg4[%multiple_of3A_181] : memref<320000xi32, #tpu.memory_space<hbm>> -> memref<128xi32, #tpu.memory_space<hbm>>
    tpu.enqueue_dma source(%dma_start3A_183 : memref<128xi32, #tpu.memory_space<hbm>>) target(%arg10 : memref<128xi32, #tpu.memory_space<vmem>>) target_semaphore(%arg17 : memref<!tpu.dma_semaphore, #tpu.memory_space<semaphore_mem>>)
    %multiple_of3A_184 = arith.constant 9600 : i32
    %multiple_of3A_185 = tpu.assume_multiple %multiple_of3A_184, 64 : i32
    %dma_wait3A_186 = arith.constant 0 : i32
    %dma_wait3A_187 = arith.constant 0 : i32
    %dma_wait3A_188 = tpu.memref_slice %arg8[%dma_wait3A_186, %dma_wait3A_187] : memref<128x128xf32, #tpu.memory_space<vmem>> -> memref<64x128xf32, #tpu.memory_space<vmem>>
    %dma_wait3A_189 = tpu.memref_slice %arg9[%multiple_of3A_185] : memref<10000xi32, #tpu.memory_space<vmem>> -> memref<64xi32, #tpu.memory_space<vmem>>
    %dma_wait3A_190 = arith.constant 0 : i32
    %dma_wait3A_191 = arith.constant 0 : i32
    %dma_wait3A_192 = tpu.memref_slice %arg2[%dma_wait3A_190, %dma_wait3A_191] : memref<10000x128xf32, #tpu.memory_space<hbm>> -> memref<10000x128xf32, #tpu.memory_space<hbm>>
    tpu.wait_indirect_dma semaphore(%arg14 : memref<!tpu.dma_semaphore, #tpu.memory_space<semaphore_mem>>) src(%dma_wait3A_192 : memref<10000x128xf32, #tpu.memory_space<hbm>>) dst(%dma_wait3A_188 : memref<64x128xf32, #tpu.memory_space<vmem>>)
    %multiple_of3A_193 = arith.constant 9664 : i32
    %multiple_of3A_194 = tpu.assume_multiple %multiple_of3A_193, 64 : i32
    %dma_wait3A_195 = arith.constant 64 : i32
    %dma_wait3A_196 = arith.constant 0 : i32
    %dma_wait3A_197 = tpu.memref_slice %arg8[%dma_wait3A_195, %dma_wait3A_196] : memref<128x128xf32, #tpu.memory_space<vmem>> -> memref<64x128xf32, #tpu.memory_space<vmem>>
    %dma_wait3A_198 = tpu.memref_slice %arg9[%multiple_of3A_194] : memref<10000xi32, #tpu.memory_space<vmem>> -> memref<64xi32, #tpu.memory_space<vmem>>
    %dma_wait3A_199 = arith.constant 0 : i32
    %dma_wait3A_200 = arith.constant 0 : i32
    %dma_wait3A_201 = tpu.memref_slice %arg2[%dma_wait3A_199, %dma_wait3A_200] : memref<10000x128xf32, #tpu.memory_space<hbm>> -> memref<10000x128xf32, #tpu.memory_space<hbm>>
    tpu.wait_indirect_dma semaphore(%arg16 : memref<!tpu.dma_semaphore, #tpu.memory_space<semaphore_mem>>) src(%dma_wait3A_201 : memref<10000x128xf32, #tpu.memory_space<hbm>>) dst(%dma_wait3A_197 : memref<64x128xf32, #tpu.memory_space<vmem>>)
    %add3A_202 = arith.constant 9600 : i32
    %add3A_203 = arith.addi %mul3A_2, %add3A_202 : i32
    %multiple_of3A_204 = tpu.assume_multiple %add3A_203, 8 : i32
    %dma_wait3A_205 = tpu.memref_slice %arg4[%multiple_of3A_204] : memref<320000xi32, #tpu.memory_space<hbm>> -> memref<128xi32, #tpu.memory_space<hbm>>
    %dma_wait3A_206 = tpu.memref_slice %arg4[%multiple_of3A_204] : memref<320000xi32, #tpu.memory_space<hbm>> -> memref<128xi32, #tpu.memory_space<hbm>>
    tpu.wait_dma2 semaphore(%arg18 : memref<!tpu.dma_semaphore, #tpu.memory_space<semaphore_mem>>) src(%dma_wait3A_206 : memref<128xi32, #tpu.memory_space<hbm>>) dst(%arg11 : memref<128xi32, #tpu.memory_space<vmem>>)
    "tpu.region"() ({
      %run_scoped3A = tpu.sem_alloc : memref<!tpu.dma_semaphore, #tpu.memory_space<semaphore_mem>>
      %dma_start3A_302 = arith.constant 0 : i32
      %dma_start3A_303 = arith.constant 0 : i32
      %dma_start3A_304 = tpu.memref_slice %arg6[%dma_start3A_302, %dma_start3A_303] : memref<10240x128xf32, #tpu.memory_space<vmem_shared>> -> memref<10240x128xf32, #tpu.memory_space<vmem_shared>>
      tpu.enqueue_indirect_dma source(%arg8 : memref<128x128xf32, #tpu.memory_space<vmem>>) target(%dma_start3A_304 : memref<10240x128xf32, #tpu.memory_space<vmem_shared>>) offsets(%arg11 : memref<128xi32, #tpu.memory_space<vmem>>) semaphore(%run_scoped3A : memref<!tpu.dma_semaphore, #tpu.memory_space<semaphore_mem>>) {add = true}
      %dma_wait3A_305 = arith.constant 0 : i32
      %dma_wait3A_306 = arith.constant 0 : i32
      %dma_wait3A_307 = tpu.memref_slice %arg6[%dma_wait3A_305, %dma_wait3A_306] : memref<10240x128xf32, #tpu.memory_space<vmem_shared>> -> memref<10240x128xf32, #tpu.memory_space<vmem_shared>>
      tpu.wait_indirect_dma semaphore(%run_scoped3A : memref<!tpu.dma_semaphore, #tpu.memory_space<semaphore_mem>>) src(%arg8 : memref<128x128xf32, #tpu.memory_space<vmem>>) dst(%dma_wait3A_307 : memref<10240x128xf32, #tpu.memory_space<vmem_shared>>)
      tpu.yield
    }) : () -> ()
    %multiple_of3A_207 = arith.constant 9856 : i32
    %multiple_of3A_208 = tpu.assume_multiple %multiple_of3A_207, 64 : i32
    %dma_start3A_209 = arith.constant 0 : i32
    %dma_start3A_210 = arith.constant 0 : i32
    %dma_start3A_211 = tpu.memref_slice %arg8[%dma_start3A_209, %dma_start3A_210] : memref<128x128xf32, #tpu.memory_space<vmem>> -> memref<64x128xf32, #tpu.memory_space<vmem>>
    %dma_start3A_212 = tpu.memref_slice %arg9[%multiple_of3A_208] : memref<10000xi32, #tpu.memory_space<vmem>> -> memref<64xi32, #tpu.memory_space<vmem>>
    %dma_start3A_213 = arith.constant 0 : i32
    %dma_start3A_214 = arith.constant 0 : i32
    %dma_start3A_215 = tpu.memref_slice %arg2[%dma_start3A_213, %dma_start3A_214] : memref<10000x128xf32, #tpu.memory_space<hbm>> -> memref<10000x128xf32, #tpu.memory_space<hbm>>
    tpu.enqueue_indirect_dma source(%dma_start3A_215 : memref<10000x128xf32, #tpu.memory_space<hbm>>) target(%dma_start3A_211 : memref<64x128xf32, #tpu.memory_space<vmem>>) offsets(%dma_start3A_212 : memref<64xi32, #tpu.memory_space<vmem>>) semaphore(%arg14 : memref<!tpu.dma_semaphore, #tpu.memory_space<semaphore_mem>>)
    %multiple_of3A_216 = arith.constant 9920 : i32
    %multiple_of3A_217 = tpu.assume_multiple %multiple_of3A_216, 64 : i32
    %dma_start3A_218 = arith.constant 64 : i32
    %dma_start3A_219 = arith.constant 0 : i32
    %dma_start3A_220 = tpu.memref_slice %arg8[%dma_start3A_218, %dma_start3A_219] : memref<128x128xf32, #tpu.memory_space<vmem>> -> memref<64x128xf32, #tpu.memory_space<vmem>>
    %dma_start3A_221 = tpu.memref_slice %arg9[%multiple_of3A_217] : memref<10000xi32, #tpu.memory_space<vmem>> -> memref<64xi32, #tpu.memory_space<vmem>>
    %dma_start3A_222 = arith.constant 0 : i32
    %dma_start3A_223 = arith.constant 0 : i32
    %dma_start3A_224 = tpu.memref_slice %arg2[%dma_start3A_222, %dma_start3A_223] : memref<10000x128xf32, #tpu.memory_space<hbm>> -> memref<10000x128xf32, #tpu.memory_space<hbm>>
    tpu.enqueue_indirect_dma source(%dma_start3A_224 : memref<10000x128xf32, #tpu.memory_space<hbm>>) target(%dma_start3A_220 : memref<64x128xf32, #tpu.memory_space<vmem>>) offsets(%dma_start3A_221 : memref<64xi32, #tpu.memory_space<vmem>>) semaphore(%arg16 : memref<!tpu.dma_semaphore, #tpu.memory_space<semaphore_mem>>)
    %add3A_225 = arith.constant 9856 : i32
    %add3A_226 = arith.addi %mul3A_2, %add3A_225 : i32
    %multiple_of3A_227 = tpu.assume_multiple %add3A_226, 8 : i32
    %dma_start3A_228 = tpu.memref_slice %arg4[%multiple_of3A_227] : memref<320000xi32, #tpu.memory_space<hbm>> -> memref<128xi32, #tpu.memory_space<hbm>>
    %dma_start3A_229 = tpu.memref_slice %arg4[%multiple_of3A_227] : memref<320000xi32, #tpu.memory_space<hbm>> -> memref<128xi32, #tpu.memory_space<hbm>>
    tpu.enqueue_dma source(%dma_start3A_229 : memref<128xi32, #tpu.memory_space<hbm>>) target(%arg11 : memref<128xi32, #tpu.memory_space<vmem>>) target_semaphore(%arg18 : memref<!tpu.dma_semaphore, #tpu.memory_space<semaphore_mem>>)
    %multiple_of3A_230 = arith.constant 9728 : i32
    %multiple_of3A_231 = tpu.assume_multiple %multiple_of3A_230, 64 : i32
    %dma_wait3A_232 = arith.constant 0 : i32
    %dma_wait3A_233 = arith.constant 0 : i32
    %dma_wait3A_234 = tpu.memref_slice %arg7[%dma_wait3A_232, %dma_wait3A_233] : memref<128x128xf32, #tpu.memory_space<vmem>> -> memref<64x128xf32, #tpu.memory_space<vmem>>
    %dma_wait3A_235 = tpu.memref_slice %arg9[%multiple_of3A_231] : memref<10000xi32, #tpu.memory_space<vmem>> -> memref<64xi32, #tpu.memory_space<vmem>>
    %dma_wait3A_236 = arith.constant 0 : i32
    %dma_wait3A_237 = arith.constant 0 : i32
    %dma_wait3A_238 = tpu.memref_slice %arg2[%dma_wait3A_236, %dma_wait3A_237] : memref<10000x128xf32, #tpu.memory_space<hbm>> -> memref<10000x128xf32, #tpu.memory_space<hbm>>
    tpu.wait_indirect_dma semaphore(%arg13 : memref<!tpu.dma_semaphore, #tpu.memory_space<semaphore_mem>>) src(%dma_wait3A_238 : memref<10000x128xf32, #tpu.memory_space<hbm>>) dst(%dma_wait3A_234 : memref<64x128xf32, #tpu.memory_space<vmem>>)
    %multiple_of3A_239 = arith.constant 9792 : i32
    %multiple_of3A_240 = tpu.assume_multiple %multiple_of3A_239, 64 : i32
    %dma_wait3A_241 = arith.constant 64 : i32
    %dma_wait3A_242 = arith.constant 0 : i32
    %dma_wait3A_243 = tpu.memref_slice %arg7[%dma_wait3A_241, %dma_wait3A_242] : memref<128x128xf32, #tpu.memory_space<vmem>> -> memref<64x128xf32, #tpu.memory_space<vmem>>
    %dma_wait3A_244 = tpu.memref_slice %arg9[%multiple_of3A_240] : memref<10000xi32, #tpu.memory_space<vmem>> -> memref<64xi32, #tpu.memory_space<vmem>>
    %dma_wait3A_245 = arith.constant 0 : i32
    %dma_wait3A_246 = arith.constant 0 : i32
    %dma_wait3A_247 = tpu.memref_slice %arg2[%dma_wait3A_245, %dma_wait3A_246] : memref<10000x128xf32, #tpu.memory_space<hbm>> -> memref<10000x128xf32, #tpu.memory_space<hbm>>
    tpu.wait_indirect_dma semaphore(%arg15 : memref<!tpu.dma_semaphore, #tpu.memory_space<semaphore_mem>>) src(%dma_wait3A_247 : memref<10000x128xf32, #tpu.memory_space<hbm>>) dst(%dma_wait3A_243 : memref<64x128xf32, #tpu.memory_space<vmem>>)
    %add3A_248 = arith.constant 9728 : i32
    %add3A_249 = arith.addi %mul3A_2, %add3A_248 : i32
    %multiple_of3A_250 = tpu.assume_multiple %add3A_249, 8 : i32
    %dma_wait3A_251 = tpu.memref_slice %arg4[%multiple_of3A_250] : memref<320000xi32, #tpu.memory_space<hbm>> -> memref<128xi32, #tpu.memory_space<hbm>>
    %dma_wait3A_252 = tpu.memref_slice %arg4[%multiple_of3A_250] : memref<320000xi32, #tpu.memory_space<hbm>> -> memref<128xi32, #tpu.memory_space<hbm>>
    tpu.wait_dma2 semaphore(%arg17 : memref<!tpu.dma_semaphore, #tpu.memory_space<semaphore_mem>>) src(%dma_wait3A_252 : memref<128xi32, #tpu.memory_space<hbm>>) dst(%arg10 : memref<128xi32, #tpu.memory_space<vmem>>)
    "tpu.region"() ({
      %run_scoped3A = tpu.sem_alloc : memref<!tpu.dma_semaphore, #tpu.memory_space<semaphore_mem>>
      %dma_start3A_302 = arith.constant 0 : i32
      %dma_start3A_303 = arith.constant 0 : i32
      %dma_start3A_304 = tpu.memref_slice %arg6[%dma_start3A_302, %dma_start3A_303] : memref<10240x128xf32, #tpu.memory_space<vmem_shared>> -> memref<10240x128xf32, #tpu.memory_space<vmem_shared>>
      tpu.enqueue_indirect_dma source(%arg7 : memref<128x128xf32, #tpu.memory_space<vmem>>) target(%dma_start3A_304 : memref<10240x128xf32, #tpu.memory_space<vmem_shared>>) offsets(%arg10 : memref<128xi32, #tpu.memory_space<vmem>>) semaphore(%run_scoped3A : memref<!tpu.dma_semaphore, #tpu.memory_space<semaphore_mem>>) {add = true}
      %dma_wait3A_305 = arith.constant 0 : i32
      %dma_wait3A_306 = arith.constant 0 : i32
      %dma_wait3A_307 = tpu.memref_slice %arg6[%dma_wait3A_305, %dma_wait3A_306] : memref<10240x128xf32, #tpu.memory_space<vmem_shared>> -> memref<10240x128xf32, #tpu.memory_space<vmem_shared>>
      tpu.wait_indirect_dma semaphore(%run_scoped3A : memref<!tpu.dma_semaphore, #tpu.memory_space<semaphore_mem>>) src(%arg7 : memref<128x128xf32, #tpu.memory_space<vmem>>) dst(%dma_wait3A_307 : memref<10240x128xf32, #tpu.memory_space<vmem_shared>>)
      tpu.yield
    }) : () -> ()
    %multiple_of3A_253 = arith.constant 9856 : i32
    %multiple_of3A_254 = tpu.assume_multiple %multiple_of3A_253, 64 : i32
    %dma_wait3A_255 = arith.constant 0 : i32
    %dma_wait3A_256 = arith.constant 0 : i32
    %dma_wait3A_257 = tpu.memref_slice %arg8[%dma_wait3A_255, %dma_wait3A_256] : memref<128x128xf32, #tpu.memory_space<vmem>> -> memref<64x128xf32, #tpu.memory_space<vmem>>
    %dma_wait3A_258 = tpu.memref_slice %arg9[%multiple_of3A_254] : memref<10000xi32, #tpu.memory_space<vmem>> -> memref<64xi32, #tpu.memory_space<vmem>>
    %dma_wait3A_259 = arith.constant 0 : i32
    %dma_wait3A_260 = arith.constant 0 : i32
    %dma_wait3A_261 = tpu.memref_slice %arg2[%dma_wait3A_259, %dma_wait3A_260] : memref<10000x128xf32, #tpu.memory_space<hbm>> -> memref<10000x128xf32, #tpu.memory_space<hbm>>
    tpu.wait_indirect_dma semaphore(%arg14 : memref<!tpu.dma_semaphore, #tpu.memory_space<semaphore_mem>>) src(%dma_wait3A_261 : memref<10000x128xf32, #tpu.memory_space<hbm>>) dst(%dma_wait3A_257 : memref<64x128xf32, #tpu.memory_space<vmem>>)
    %multiple_of3A_262 = arith.constant 9920 : i32
    %multiple_of3A_263 = tpu.assume_multiple %multiple_of3A_262, 64 : i32
    %dma_wait3A_264 = arith.constant 64 : i32
    %dma_wait3A_265 = arith.constant 0 : i32
    %dma_wait3A_266 = tpu.memref_slice %arg8[%dma_wait3A_264, %dma_wait3A_265] : memref<128x128xf32, #tpu.memory_space<vmem>> -> memref<64x128xf32, #tpu.memory_space<vmem>>
    %dma_wait3A_267 = tpu.memref_slice %arg9[%multiple_of3A_263] : memref<10000xi32, #tpu.memory_space<vmem>> -> memref<64xi32, #tpu.memory_space<vmem>>
    %dma_wait3A_268 = arith.constant 0 : i32
    %dma_wait3A_269 = arith.constant 0 : i32
    %dma_wait3A_270 = tpu.memref_slice %arg2[%dma_wait3A_268, %dma_wait3A_269] : memref<10000x128xf32, #tpu.memory_space<hbm>> -> memref<10000x128xf32, #tpu.memory_space<hbm>>
    tpu.wait_indirect_dma semaphore(%arg16 : memref<!tpu.dma_semaphore, #tpu.memory_space<semaphore_mem>>) src(%dma_wait3A_270 : memref<10000x128xf32, #tpu.memory_space<hbm>>) dst(%dma_wait3A_266 : memref<64x128xf32, #tpu.memory_space<vmem>>)
    %add3A_271 = arith.constant 9856 : i32
    %add3A_272 = arith.addi %mul3A_2, %add3A_271 : i32
    %multiple_of3A_273 = tpu.assume_multiple %add3A_272, 8 : i32
    %dma_wait3A_274 = tpu.memref_slice %arg4[%multiple_of3A_273] : memref<320000xi32, #tpu.memory_space<hbm>> -> memref<128xi32, #tpu.memory_space<hbm>>
    %dma_wait3A_275 = tpu.memref_slice %arg4[%multiple_of3A_273] : memref<320000xi32, #tpu.memory_space<hbm>> -> memref<128xi32, #tpu.memory_space<hbm>>
    tpu.wait_dma2 semaphore(%arg18 : memref<!tpu.dma_semaphore, #tpu.memory_space<semaphore_mem>>) src(%dma_wait3A_275 : memref<128xi32, #tpu.memory_space<hbm>>) dst(%arg11 : memref<128xi32, #tpu.memory_space<vmem>>)
    "tpu.region"() ({
      %run_scoped3A = tpu.sem_alloc : memref<!tpu.dma_semaphore, #tpu.memory_space<semaphore_mem>>
      %dma_start3A_302 = arith.constant 0 : i32
      %dma_start3A_303 = arith.constant 0 : i32
      %dma_start3A_304 = tpu.memref_slice %arg6[%dma_start3A_302, %dma_start3A_303] : memref<10240x128xf32, #tpu.memory_space<vmem_shared>> -> memref<10240x128xf32, #tpu.memory_space<vmem_shared>>
      tpu.enqueue_indirect_dma source(%arg8 : memref<128x128xf32, #tpu.memory_space<vmem>>) target(%dma_start3A_304 : memref<10240x128xf32, #tpu.memory_space<vmem_shared>>) offsets(%arg11 : memref<128xi32, #tpu.memory_space<vmem>>) semaphore(%run_scoped3A : memref<!tpu.dma_semaphore, #tpu.memory_space<semaphore_mem>>) {add = true}
      %dma_wait3A_305 = arith.constant 0 : i32
      %dma_wait3A_306 = arith.constant 0 : i32
      %dma_wait3A_307 = tpu.memref_slice %arg6[%dma_wait3A_305, %dma_wait3A_306] : memref<10240x128xf32, #tpu.memory_space<vmem_shared>> -> memref<10240x128xf32, #tpu.memory_space<vmem_shared>>
      tpu.wait_indirect_dma semaphore(%run_scoped3A : memref<!tpu.dma_semaphore, #tpu.memory_space<semaphore_mem>>) src(%arg8 : memref<128x128xf32, #tpu.memory_space<vmem>>) dst(%dma_wait3A_307 : memref<10240x128xf32, #tpu.memory_space<vmem_shared>>)
      tpu.yield
    }) : () -> ()
    %add3A_276 = arith.constant 9984 : i32
    %add3A_277 = arith.addi %mul3A_2, %add3A_276 : i32
    %multiple_of3A_278 = tpu.assume_multiple %add3A_277, 8 : i32
    "tpu.region"() ({
      %run_scoped3A = tpu.sem_alloc : memref<!tpu.dma_semaphore, #tpu.memory_space<semaphore_mem>>
      %dma_start3A_302 = tpu.memref_slice %arg4[%multiple_of3A_278] : memref<320000xi32, #tpu.memory_space<hbm>> -> memref<16xi32, #tpu.memory_space<hbm>>
      %dma_start3A_303 = tpu.memref_slice %arg4[%multiple_of3A_278] : memref<320000xi32, #tpu.memory_space<hbm>> -> memref<16xi32, #tpu.memory_space<hbm>>
      tpu.enqueue_dma source(%dma_start3A_303 : memref<16xi32, #tpu.memory_space<hbm>>) target(%arg12 : memref<16xi32, #tpu.memory_space<vmem>>) target_semaphore(%run_scoped3A : memref<!tpu.dma_semaphore, #tpu.memory_space<semaphore_mem>>)
      %dma_wait3A_304 = tpu.memref_slice %arg4[%multiple_of3A_278] : memref<320000xi32, #tpu.memory_space<hbm>> -> memref<16xi32, #tpu.memory_space<hbm>>
      %dma_wait3A_305 = tpu.memref_slice %arg4[%multiple_of3A_278] : memref<320000xi32, #tpu.memory_space<hbm>> -> memref<16xi32, #tpu.memory_space<hbm>>
      tpu.wait_dma2 semaphore(%run_scoped3A : memref<!tpu.dma_semaphore, #tpu.memory_space<semaphore_mem>>) src(%dma_wait3A_305 : memref<16xi32, #tpu.memory_space<hbm>>) dst(%arg12 : memref<16xi32, #tpu.memory_space<vmem>>)
      tpu.yield
    }) : () -> ()
    %multiple_of3A_279 = arith.constant 9984 : i32
    %multiple_of3A_280 = tpu.assume_multiple %multiple_of3A_279, 8 : i32
    %dma_start3A_281 = arith.constant 0 : i32
    %dma_start3A_282 = arith.constant 0 : i32
    %dma_start3A_283 = tpu.memref_slice %arg7[%dma_start3A_281, %dma_start3A_282] : memref<128x128xf32, #tpu.memory_space<vmem>> -> memref<16x128xf32, #tpu.memory_space<vmem>>
    %dma_start3A_284 = tpu.memref_slice %arg9[%multiple_of3A_280] : memref<10000xi32, #tpu.memory_space<vmem>> -> memref<16xi32, #tpu.memory_space<vmem>>
    %dma_start3A_285 = arith.constant 0 : i32
    %dma_start3A_286 = arith.constant 0 : i32
    %dma_start3A_287 = tpu.memref_slice %arg2[%dma_start3A_285, %dma_start3A_286] : memref<10000x128xf32, #tpu.memory_space<hbm>> -> memref<10000x128xf32, #tpu.memory_space<hbm>>
    tpu.enqueue_indirect_dma source(%dma_start3A_287 : memref<10000x128xf32, #tpu.memory_space<hbm>>) target(%dma_start3A_283 : memref<16x128xf32, #tpu.memory_space<vmem>>) offsets(%dma_start3A_284 : memref<16xi32, #tpu.memory_space<vmem>>) semaphore(%arg13 : memref<!tpu.dma_semaphore, #tpu.memory_space<semaphore_mem>>)
    %multiple_of3A_288 = arith.constant 9984 : i32
    %multiple_of3A_289 = tpu.assume_multiple %multiple_of3A_288, 8 : i32
    %dma_wait3A_290 = arith.constant 0 : i32
    %dma_wait3A_291 = arith.constant 0 : i32
    %dma_wait3A_292 = tpu.memref_slice %arg7[%dma_wait3A_290, %dma_wait3A_291] : memref<128x128xf32, #tpu.memory_space<vmem>> -> memref<16x128xf32, #tpu.memory_space<vmem>>
    %dma_wait3A_293 = tpu.memref_slice %arg9[%multiple_of3A_289] : memref<10000xi32, #tpu.memory_space<vmem>> -> memref<16xi32, #tpu.memory_space<vmem>>
    %dma_wait3A_294 = arith.constant 0 : i32
    %dma_wait3A_295 = arith.constant 0 : i32
    %dma_wait3A_296 = tpu.memref_slice %arg2[%dma_wait3A_294, %dma_wait3A_295] : memref<10000x128xf32, #tpu.memory_space<hbm>> -> memref<10000x128xf32, #tpu.memory_space<hbm>>
    tpu.wait_indirect_dma semaphore(%arg13 : memref<!tpu.dma_semaphore, #tpu.memory_space<semaphore_mem>>) src(%dma_wait3A_296 : memref<10000x128xf32, #tpu.memory_space<hbm>>) dst(%dma_wait3A_292 : memref<16x128xf32, #tpu.memory_space<vmem>>)
    "tpu.region"() ({
      %run_scoped3A = tpu.sem_alloc : memref<!tpu.dma_semaphore, #tpu.memory_space<semaphore_mem>>
      %dma_start3A_302 = arith.constant 0 : i32
      %dma_start3A_303 = arith.constant 0 : i32
      %dma_start3A_304 = tpu.memref_slice %arg7[%dma_start3A_302, %dma_start3A_303] : memref<128x128xf32, #tpu.memory_space<vmem>> -> memref<16x128xf32, #tpu.memory_space<vmem>>
      %dma_start3A_305 = arith.constant 0 : i32
      %dma_start3A_306 = arith.constant 0 : i32
      %dma_start3A_307 = tpu.memref_slice %arg6[%dma_start3A_305, %dma_start3A_306] : memref<10240x128xf32, #tpu.memory_space<vmem_shared>> -> memref<10240x128xf32, #tpu.memory_space<vmem_shared>>
      tpu.enqueue_indirect_dma source(%dma_start3A_304 : memref<16x128xf32, #tpu.memory_space<vmem>>) target(%dma_start3A_307 : memref<10240x128xf32, #tpu.memory_space<vmem_shared>>) offsets(%arg12 : memref<16xi32, #tpu.memory_space<vmem>>) semaphore(%run_scoped3A : memref<!tpu.dma_semaphore, #tpu.memory_space<semaphore_mem>>) {add = true}
      %dma_wait3A_308 = arith.constant 0 : i32
      %dma_wait3A_309 = arith.constant 0 : i32
      %dma_wait3A_310 = tpu.memref_slice %arg7[%dma_wait3A_308, %dma_wait3A_309] : memref<128x128xf32, #tpu.memory_space<vmem>> -> memref<16x128xf32, #tpu.memory_space<vmem>>
      %dma_wait3A_311 = arith.constant 0 : i32
      %dma_wait3A_312 = arith.constant 0 : i32
      %dma_wait3A_313 = tpu.memref_slice %arg6[%dma_wait3A_311, %dma_wait3A_312] : memref<10240x128xf32, #tpu.memory_space<vmem_shared>> -> memref<10240x128xf32, #tpu.memory_space<vmem_shared>>
      tpu.wait_indirect_dma semaphore(%run_scoped3A : memref<!tpu.dma_semaphore, #tpu.memory_space<semaphore_mem>>) src(%dma_wait3A_310 : memref<16x128xf32, #tpu.memory_space<vmem>>) dst(%dma_wait3A_313 : memref<10240x128xf32, #tpu.memory_space<vmem_shared>>)
      tpu.yield
    }) : () -> ()
    %barrier3A_297 = arith.constant 0 : index
    tpu.barrier barrier_id(%barrier3A_297)
    %mul3A_298 = arith.constant 640 : i32
    %mul3A_299 = arith.muli %arg1, %mul3A_298 : i32
    %mul3A_300 = arith.constant 640 : i32
    %mul3A_301 = arith.muli %arg1, %mul3A_300 : i32
    "tpu.region"() ({
      %run_scoped3A = tpu.sem_alloc : memref<!tpu.dma_semaphore, #tpu.memory_space<semaphore_mem>>
      %dma_start3A_302 = arith.constant 0 : i32
      %dma_start3A_303 = tpu.memref_slice %arg5[%arg0, %mul3A_301, %dma_start3A_302] : memref<2x10240x128xf32, #tpu.memory_space<hbm>> -> memref<1x640x128xf32, #tpu.memory_space<hbm>>
      %dma_start3A_304 = tpu.memref_squeeze %dma_start3A_303 : memref<1x640x128xf32, #tpu.memory_space<hbm>> -> memref<640x128xf32, #tpu.memory_space<hbm>>
      %dma_start3A_305 = arith.constant 0 : i32
      %dma_start3A_306 = tpu.memref_slice %arg6[%mul3A_299, %dma_start3A_305] : memref<10240x128xf32, #tpu.memory_space<vmem_shared>> -> memref<640x128xf32, #tpu.memory_space<vmem_shared>>
      tpu.enqueue_dma source(%dma_start3A_306 : memref<640x128xf32, #tpu.memory_space<vmem_shared>>) target(%dma_start3A_304 : memref<640x128xf32, #tpu.memory_space<hbm>>) target_semaphore(%run_scoped3A : memref<!tpu.dma_semaphore, #tpu.memory_space<semaphore_mem>>)
      %dma_wait3A_307 = arith.constant 0 : i32
      %dma_wait3A_308 = tpu.memref_slice %arg5[%arg0, %mul3A_301, %dma_wait3A_307] : memref<2x10240x128xf32, #tpu.memory_space<hbm>> -> memref<1x640x128xf32, #tpu.memory_space<hbm>>
      %dma_wait3A_309 = tpu.memref_squeeze %dma_wait3A_308 : memref<1x640x128xf32, #tpu.memory_space<hbm>> -> memref<640x128xf32, #tpu.memory_space<hbm>>
      %dma_wait3A_310 = arith.constant 0 : i32
      %dma_wait3A_311 = tpu.memref_slice %arg6[%mul3A_299, %dma_wait3A_310] : memref<10240x128xf32, #tpu.memory_space<vmem_shared>> -> memref<640x128xf32, #tpu.memory_space<vmem_shared>>
      tpu.wait_dma2 semaphore(%run_scoped3A : memref<!tpu.dma_semaphore, #tpu.memory_space<semaphore_mem>>) src(%dma_wait3A_311 : memref<640x128xf32, #tpu.memory_space<vmem_shared>>) dst(%dma_wait3A_309 : memref<640x128xf32, #tpu.memory_space<hbm>>)
      tpu.yield
    }) : () -> ()
    return
  }
}

#map = affine_map<(d0, d1) -> (0, 0)>
#map1 = affine_map<(d0, d1) -> (0)>
#map2 = affine_map<(d0, d1) -> (0, 0, 0)>
module attributes {stable_mosaic.version = 14 : i64} {
  func.func @body(%arg0: i32, %arg1: i32, %arg2: memref<10000x128xf32, #tpu.memory_space<hbm>>, %arg3: memref<320000xi32, #tpu.memory_space<hbm>>, %arg4: memref<320000xi32, #tpu.memory_space<hbm>>, %arg5: memref<2x10240x128xf32, #tpu.memory_space<hbm>>, %arg6: memref<10240xf32, #tpu.memory_space<hbm>>, %arg7: memref<10240xf32, #tpu.memory_space<hbm>>, %arg8: memref<10240x128xf32, #tpu.memory_space<vmem_shared>>, %arg9: memref<10240xf32, #tpu.memory_space<vmem_shared>>, %arg10: memref<128x128xf32, #tpu.memory_space<vmem>>, %arg11: memref<128x128xf32, #tpu.memory_space<vmem>>, %arg12: memref<10000xi32, #tpu.memory_space<vmem>>, %arg13: memref<128xi32, #tpu.memory_space<vmem>>, %arg14: memref<128xi32, #tpu.memory_space<vmem>>, %arg15: memref<16xi32, #tpu.memory_space<vmem>>, %arg16: memref<128xf32, #tpu.memory_space<vmem>>, %arg17: memref<640xf32, #tpu.memory_space<vmem>>, %arg18: memref<!tpu.dma_semaphore, #tpu.memory_space<semaphore_mem>>, %arg19: memref<!tpu.dma_semaphore, #tpu.memory_space<semaphore_mem>>, %arg20: memref<!tpu.dma_semaphore, #tpu.memory_space<semaphore_mem>>, %arg21: memref<!tpu.dma_semaphore, #tpu.memory_space<semaphore_mem>>, %arg22: memref<!tpu.dma_semaphore, #tpu.memory_space<semaphore_mem>>, %arg23: memref<!tpu.dma_semaphore, #tpu.memory_space<semaphore_mem>>) attributes {dimension_semantics = [#tpu.dimension_semantics<core_parallel>, #tpu.dimension_semantics<subcore_parallel>], iteration_bounds = array<i64: 2, 16>, scalar_prefetch = 0 : i64, scratch_operands = 16 : i64, tpu.core_type = #tpu.core_type<sc_vector_subcore>, window_params = [{transform_indices = #map}, {transform_indices = #map1}, {transform_indices = #map1}, {transform_indices = #map2}, {transform_indices = #map1}, {transform_indices = #map1}]} {
    %mul3A = arith.constant 16 : i32
    %mul3A_0 = arith.muli %arg0, %mul3A : i32
    %add3A = arith.addi %mul3A_0, %arg1 : i32
    %mul3A_1 = arith.constant 10000 : i32
    %mul3A_2 = arith.muli %add3A, %mul3A_1 : i32
    %broadcast_in_dim3A = arith.constant 0.000000e+00 : f32
    %broadcast_in_dim3A_3 = vector.broadcast %broadcast_in_dim3A : f32 to vector<16xf32>
    %scan3A = arith.constant 0 : i32
    %scan3A_4 = arith.constant 0 : i32
    %scan3A_5 = arith.constant 1024 : i32
    %scan3A_6 = arith.addi %scan3A_4, %scan3A_5 : i32
    %scan3A_7 = arith.constant 1 : i32
    scf.for %scan3A_333 = %scan3A_4 to %scan3A_6 step %scan3A_7  : i32 {
      %jit3A = arith.constant 8 : i32
      %div3A = arith.divsi %scan3A_333, %jit3A : i32
      %sign3A = arith.constant 0 : i32
      %sign3A_334 = arith.cmpi sgt, %scan3A_333, %sign3A : i32
      %sign3A_335 = arith.extui %sign3A_334 : i1 to i32
      %sign3A_336 = arith.constant 0 : i32
      %sign3A_337 = arith.cmpi slt, %scan3A_333, %sign3A_336 : i32
      %sign3A_338 = arith.extui %sign3A_337 : i1 to i32
      %sign3A_339 = arith.subi %sign3A_335, %sign3A_338 : i32
      %sign3A_340 = arith.constant 0 : i32
      %sign3A_341 = arith.cmpi sgt, %jit3A, %sign3A_340 : i32
      %sign3A_342 = arith.extui %sign3A_341 : i1 to i32
      %sign3A_343 = arith.constant 0 : i32
      %sign3A_344 = arith.cmpi slt, %jit3A, %sign3A_343 : i32
      %sign3A_345 = arith.extui %sign3A_344 : i1 to i32
      %sign3A_346 = arith.subi %sign3A_342, %sign3A_345 : i32
      %ne3A = arith.cmpi ne, %sign3A_339, %sign3A_346 : i32
      %rem3A = arith.remsi %scan3A_333, %jit3A : i32
      %ne3A_347 = arith.constant 0 : i32
      %ne3A_348 = arith.cmpi ne, %rem3A, %ne3A_347 : i32
      %and3A = arith.andi %ne3A, %ne3A_348 : i1
      %sub3A = arith.constant 1 : i32
      %sub3A_349 = arith.subi %div3A, %sub3A : i32
      %select_n3A = arith.select %and3A, %sub3A_349, %div3A : i32
      %jit3A_350 = arith.constant 8 : i32
      %eq3A_351 = arith.constant 0 : i32
      %eq3A_352 = arith.cmpi eq, %jit3A_350, %eq3A_351 : i32
      %jit3A_353 = arith.constant 1 : i32
      %select_n3A_354 = arith.select %eq3A_352, %jit3A_353, %jit3A_350 : i32
      %rem3A_355 = arith.remsi %scan3A_333, %select_n3A_354 : i32
      %ne3A_356 = arith.constant 0 : i32
      %ne3A_357 = arith.cmpi ne, %rem3A_355, %ne3A_356 : i32
      %lt3A = arith.constant 0 : i32
      %lt3A_358 = arith.cmpi slt, %rem3A_355, %lt3A : i32
      %lt3A_359 = arith.constant 0 : i32
      %lt3A_360 = arith.cmpi slt, %select_n3A_354, %lt3A_359 : i32
      %ne3A_361 = arith.xori %lt3A_358, %lt3A_360 : i1
      %and3A_362 = arith.andi %ne3A_361, %ne3A_357 : i1
      %add3A_363 = arith.addi %rem3A_355, %select_n3A_354 : i32
      %select_n3A_364 = arith.select %and3A_362, %add3A_363, %rem3A_355 : i32
      %mul3A_365 = arith.constant 16 : i32
      %mul3A_366 = arith.muli %select_n3A_364, %mul3A_365 : i32
      %swap3A = arith.index_cast %select_n3A : i32 to index
      %swap3A_367 = arith.index_cast %mul3A_366 : i32 to index
      %swap3A_368 = tpu.vector_load %arg10[%swap3A, %swap3A_367] {strides = array<i32>} : memref<128x128xf32, #tpu.memory_space<vmem>>, vector<1x16xf32>,
      %swap3A_369 = vector.shape_cast %swap3A_368 : vector<1x16xf32> to vector<16xf32>
      %swap3A_370 = vector.shape_cast %broadcast_in_dim3A_3 : vector<16xf32> to vector<1x16xf32>
      tpu.vector_store %arg10[%swap3A, %swap3A_367], %swap3A_370 {strides = array<i32>} : memref<128x128xf32, #tpu.memory_space<vmem>>, vector<1x16xf32>,
    }
    %scan3A_8 = arith.constant 1024 : i32
    %mul3A_9 = arith.constant 640 : i32
    %mul3A_10 = arith.muli %arg1, %mul3A_9 : i32
    %add3A_11 = arith.constant 0 : i32
    %add3A_12 = arith.addi %mul3A_10, %add3A_11 : i32
    %dma_start3A = arith.constant 0 : i32
    %dma_start3A_13 = tpu.memref_slice %arg8[%add3A_12, %dma_start3A] : memref<10240x128xf32, #tpu.memory_space<vmem_shared>> -> memref<128x128xf32, #tpu.memory_space<vmem_shared>>
    %dma_start3A_14 = arith.constant 0 : i32
    %dma_start3A_15 = tpu.memref_slice %arg8[%add3A_12, %dma_start3A_14] : memref<10240x128xf32, #tpu.memory_space<vmem_shared>> -> memref<128x128xf32, #tpu.memory_space<vmem_shared>>
    tpu.enqueue_dma source(%arg10 : memref<128x128xf32, #tpu.memory_space<vmem>>) target(%dma_start3A_15 : memref<128x128xf32, #tpu.memory_space<vmem_shared>>) target_semaphore(%arg18 : memref<!tpu.dma_semaphore, #tpu.memory_space<semaphore_mem>>)
    %mul3A_16 = arith.constant 640 : i32
    %mul3A_17 = arith.muli %arg1, %mul3A_16 : i32
    %add3A_18 = arith.constant 128 : i32
    %add3A_19 = arith.addi %mul3A_17, %add3A_18 : i32
    %dma_start3A_20 = arith.constant 0 : i32
    %dma_start3A_21 = tpu.memref_slice %arg8[%add3A_19, %dma_start3A_20] : memref<10240x128xf32, #tpu.memory_space<vmem_shared>> -> memref<128x128xf32, #tpu.memory_space<vmem_shared>>
    %dma_start3A_22 = arith.constant 0 : i32
    %dma_start3A_23 = tpu.memref_slice %arg8[%add3A_19, %dma_start3A_22] : memref<10240x128xf32, #tpu.memory_space<vmem_shared>> -> memref<128x128xf32, #tpu.memory_space<vmem_shared>>
    tpu.enqueue_dma source(%arg10 : memref<128x128xf32, #tpu.memory_space<vmem>>) target(%dma_start3A_23 : memref<128x128xf32, #tpu.memory_space<vmem_shared>>) target_semaphore(%arg18 : memref<!tpu.dma_semaphore, #tpu.memory_space<semaphore_mem>>)
    %mul3A_24 = arith.constant 640 : i32
    %mul3A_25 = arith.muli %arg1, %mul3A_24 : i32
    %add3A_26 = arith.constant 256 : i32
    %add3A_27 = arith.addi %mul3A_25, %add3A_26 : i32
    %dma_start3A_28 = arith.constant 0 : i32
    %dma_start3A_29 = tpu.memref_slice %arg8[%add3A_27, %dma_start3A_28] : memref<10240x128xf32, #tpu.memory_space<vmem_shared>> -> memref<128x128xf32, #tpu.memory_space<vmem_shared>>
    %dma_start3A_30 = arith.constant 0 : i32
    %dma_start3A_31 = tpu.memref_slice %arg8[%add3A_27, %dma_start3A_30] : memref<10240x128xf32, #tpu.memory_space<vmem_shared>> -> memref<128x128xf32, #tpu.memory_space<vmem_shared>>
    tpu.enqueue_dma source(%arg10 : memref<128x128xf32, #tpu.memory_space<vmem>>) target(%dma_start3A_31 : memref<128x128xf32, #tpu.memory_space<vmem_shared>>) target_semaphore(%arg18 : memref<!tpu.dma_semaphore, #tpu.memory_space<semaphore_mem>>)
    %mul3A_32 = arith.constant 640 : i32
    %mul3A_33 = arith.muli %arg1, %mul3A_32 : i32
    %add3A_34 = arith.constant 384 : i32
    %add3A_35 = arith.addi %mul3A_33, %add3A_34 : i32
    %dma_start3A_36 = arith.constant 0 : i32
    %dma_start3A_37 = tpu.memref_slice %arg8[%add3A_35, %dma_start3A_36] : memref<10240x128xf32, #tpu.memory_space<vmem_shared>> -> memref<128x128xf32, #tpu.memory_space<vmem_shared>>
    %dma_start3A_38 = arith.constant 0 : i32
    %dma_start3A_39 = tpu.memref_slice %arg8[%add3A_35, %dma_start3A_38] : memref<10240x128xf32, #tpu.memory_space<vmem_shared>> -> memref<128x128xf32, #tpu.memory_space<vmem_shared>>
    tpu.enqueue_dma source(%arg10 : memref<128x128xf32, #tpu.memory_space<vmem>>) target(%dma_start3A_39 : memref<128x128xf32, #tpu.memory_space<vmem_shared>>) target_semaphore(%arg18 : memref<!tpu.dma_semaphore, #tpu.memory_space<semaphore_mem>>)
    %mul3A_40 = arith.constant 640 : i32
    %mul3A_41 = arith.muli %arg1, %mul3A_40 : i32
    %add3A_42 = arith.constant 512 : i32
    %add3A_43 = arith.addi %mul3A_41, %add3A_42 : i32
    %dma_start3A_44 = arith.constant 0 : i32
    %dma_start3A_45 = tpu.memref_slice %arg8[%add3A_43, %dma_start3A_44] : memref<10240x128xf32, #tpu.memory_space<vmem_shared>> -> memref<128x128xf32, #tpu.memory_space<vmem_shared>>
    %dma_start3A_46 = arith.constant 0 : i32
    %dma_start3A_47 = tpu.memref_slice %arg8[%add3A_43, %dma_start3A_46] : memref<10240x128xf32, #tpu.memory_space<vmem_shared>> -> memref<128x128xf32, #tpu.memory_space<vmem_shared>>
    tpu.enqueue_dma source(%arg10 : memref<128x128xf32, #tpu.memory_space<vmem>>) target(%dma_start3A_47 : memref<128x128xf32, #tpu.memory_space<vmem_shared>>) target_semaphore(%arg18 : memref<!tpu.dma_semaphore, #tpu.memory_space<semaphore_mem>>)
    %broadcast_in_dim3A_48 = arith.constant 1.000000e+00 : f32
    %broadcast_in_dim3A_49 = vector.broadcast %broadcast_in_dim3A_48 : f32 to vector<16xf32>
    %scan3A_50 = arith.constant 0 : i32
    %scan3A_51 = arith.constant 0 : i32
    %scan3A_52 = arith.constant 8 : i32
    %scan3A_53 = arith.addi %scan3A_51, %scan3A_52 : i32
    %scan3A_54 = arith.constant 1 : i32
    scf.for %scan3A_333 = %scan3A_51 to %scan3A_53 step %scan3A_54  : i32 {
      %mul3A_334 = arith.constant 16 : i32
      %mul3A_335 = arith.muli %scan3A_333, %mul3A_334 : i32
      %swap3A = arith.index_cast %mul3A_335 : i32 to index
      %swap3A_336 = tpu.vector_load %arg16[%swap3A] {strides = array<i32>} : memref<128xf32, #tpu.memory_space<vmem>>, vector<16xf32>,
      %swap3A_337 = vector.shape_cast %swap3A_336 : vector<16xf32> to vector<16xf32>
      %swap3A_338 = vector.shape_cast %broadcast_in_dim3A_49 : vector<16xf32> to vector<16xf32>
      tpu.vector_store %arg16[%swap3A], %swap3A_338 {strides = array<i32>} : memref<128xf32, #tpu.memory_space<vmem>>, vector<16xf32>,
    }
    %scan3A_55 = arith.constant 8 : i32
    %broadcast_in_dim3A_56 = arith.constant 0.000000e+00 : f32
    %broadcast_in_dim3A_57 = vector.broadcast %broadcast_in_dim3A_56 : f32 to vector<16xf32>
    %scan3A_58 = arith.constant 0 : i32
    %scan3A_59 = arith.constant 0 : i32
    %scan3A_60 = arith.constant 40 : i32
    %scan3A_61 = arith.addi %scan3A_59, %scan3A_60 : i32
    %scan3A_62 = arith.constant 1 : i32
    scf.for %scan3A_333 = %scan3A_59 to %scan3A_61 step %scan3A_62  : i32 {
      %mul3A_334 = arith.constant 16 : i32
      %mul3A_335 = arith.muli %scan3A_333, %mul3A_334 : i32
      %swap3A = arith.index_cast %mul3A_335 : i32 to index
      %swap3A_336 = tpu.vector_load %arg17[%swap3A] {strides = array<i32>} : memref<640xf32, #tpu.memory_space<vmem>>, vector<16xf32>,
      %swap3A_337 = vector.shape_cast %swap3A_336 : vector<16xf32> to vector<16xf32>
      %swap3A_338 = vector.shape_cast %broadcast_in_dim3A_57 : vector<16xf32> to vector<16xf32>
      tpu.vector_store %arg17[%swap3A], %swap3A_338 {strides = array<i32>} : memref<640xf32, #tpu.memory_space<vmem>>, vector<16xf32>,
    }
    %scan3A_63 = arith.constant 40 : i32
    %mul3A_64 = arith.constant 640 : i32
    %mul3A_65 = arith.muli %arg1, %mul3A_64 : i32
    %dma_start3A_66 = tpu.memref_slice %arg9[%mul3A_65] : memref<10240xf32, #tpu.memory_space<vmem_shared>> -> memref<640xf32, #tpu.memory_space<vmem_shared>>
    %dma_start3A_67 = tpu.memref_slice %arg9[%mul3A_65] : memref<10240xf32, #tpu.memory_space<vmem_shared>> -> memref<640xf32, #tpu.memory_space<vmem_shared>>
    tpu.enqueue_dma source(%arg17 : memref<640xf32, #tpu.memory_space<vmem>>) target(%dma_start3A_67 : memref<640xf32, #tpu.memory_space<vmem_shared>>) target_semaphore(%arg19 : memref<!tpu.dma_semaphore, #tpu.memory_space<semaphore_mem>>)
    "tpu.region"() ({
      %run_scoped3A = tpu.sem_alloc : memref<!tpu.dma_semaphore, #tpu.memory_space<semaphore_mem>>
      %dma_start3A_333 = tpu.memref_slice %arg3[%mul3A_2] : memref<320000xi32, #tpu.memory_space<hbm>> -> memref<10000xi32, #tpu.memory_space<hbm>>
      %dma_start3A_334 = tpu.memref_slice %arg3[%mul3A_2] : memref<320000xi32, #tpu.memory_space<hbm>> -> memref<10000xi32, #tpu.memory_space<hbm>>
      tpu.enqueue_dma source(%dma_start3A_334 : memref<10000xi32, #tpu.memory_space<hbm>>) target(%arg12 : memref<10000xi32, #tpu.memory_space<vmem>>) target_semaphore(%run_scoped3A : memref<!tpu.dma_semaphore, #tpu.memory_space<semaphore_mem>>)
      %dma_wait3A_335 = tpu.memref_slice %arg3[%mul3A_2] : memref<320000xi32, #tpu.memory_space<hbm>> -> memref<10000xi32, #tpu.memory_space<hbm>>
      %dma_wait3A_336 = tpu.memref_slice %arg3[%mul3A_2] : memref<320000xi32, #tpu.memory_space<hbm>> -> memref<10000xi32, #tpu.memory_space<hbm>>
      tpu.wait_dma2 semaphore(%run_scoped3A : memref<!tpu.dma_semaphore, #tpu.memory_space<semaphore_mem>>) src(%dma_wait3A_336 : memref<10000xi32, #tpu.memory_space<hbm>>) dst(%arg12 : memref<10000xi32, #tpu.memory_space<vmem>>)
      tpu.yield
    }) : () -> ()
    %mul3A_68 = arith.constant 640 : i32
    %mul3A_69 = arith.muli %arg1, %mul3A_68 : i32
    %add3A_70 = arith.constant 0 : i32
    %add3A_71 = arith.addi %mul3A_69, %add3A_70 : i32
    %dma_wait3A = arith.constant 0 : i32
    %dma_wait3A_72 = tpu.memref_slice %arg8[%add3A_71, %dma_wait3A] : memref<10240x128xf32, #tpu.memory_space<vmem_shared>> -> memref<128x128xf32, #tpu.memory_space<vmem_shared>>
    %dma_wait3A_73 = arith.constant 0 : i32
    %dma_wait3A_74 = tpu.memref_slice %arg8[%add3A_71, %dma_wait3A_73] : memref<10240x128xf32, #tpu.memory_space<vmem_shared>> -> memref<128x128xf32, #tpu.memory_space<vmem_shared>>
    tpu.wait_dma2 semaphore(%arg18 : memref<!tpu.dma_semaphore, #tpu.memory_space<semaphore_mem>>) src(%arg10 : memref<128x128xf32, #tpu.memory_space<vmem>>) dst(%dma_wait3A_74 : memref<128x128xf32, #tpu.memory_space<vmem_shared>>)
    %mul3A_75 = arith.constant 640 : i32
    %mul3A_76 = arith.muli %arg1, %mul3A_75 : i32
    %add3A_77 = arith.constant 128 : i32
    %add3A_78 = arith.addi %mul3A_76, %add3A_77 : i32
    %dma_wait3A_79 = arith.constant 0 : i32
    %dma_wait3A_80 = tpu.memref_slice %arg8[%add3A_78, %dma_wait3A_79] : memref<10240x128xf32, #tpu.memory_space<vmem_shared>> -> memref<128x128xf32, #tpu.memory_space<vmem_shared>>
    %dma_wait3A_81 = arith.constant 0 : i32
    %dma_wait3A_82 = tpu.memref_slice %arg8[%add3A_78, %dma_wait3A_81] : memref<10240x128xf32, #tpu.memory_space<vmem_shared>> -> memref<128x128xf32, #tpu.memory_space<vmem_shared>>
    tpu.wait_dma2 semaphore(%arg18 : memref<!tpu.dma_semaphore, #tpu.memory_space<semaphore_mem>>) src(%arg10 : memref<128x128xf32, #tpu.memory_space<vmem>>) dst(%dma_wait3A_82 : memref<128x128xf32, #tpu.memory_space<vmem_shared>>)
    %mul3A_83 = arith.constant 640 : i32
    %mul3A_84 = arith.muli %arg1, %mul3A_83 : i32
    %add3A_85 = arith.constant 256 : i32
    %add3A_86 = arith.addi %mul3A_84, %add3A_85 : i32
    %dma_wait3A_87 = arith.constant 0 : i32
    %dma_wait3A_88 = tpu.memref_slice %arg8[%add3A_86, %dma_wait3A_87] : memref<10240x128xf32, #tpu.memory_space<vmem_shared>> -> memref<128x128xf32, #tpu.memory_space<vmem_shared>>
    %dma_wait3A_89 = arith.constant 0 : i32
    %dma_wait3A_90 = tpu.memref_slice %arg8[%add3A_86, %dma_wait3A_89] : memref<10240x128xf32, #tpu.memory_space<vmem_shared>> -> memref<128x128xf32, #tpu.memory_space<vmem_shared>>
    tpu.wait_dma2 semaphore(%arg18 : memref<!tpu.dma_semaphore, #tpu.memory_space<semaphore_mem>>) src(%arg10 : memref<128x128xf32, #tpu.memory_space<vmem>>) dst(%dma_wait3A_90 : memref<128x128xf32, #tpu.memory_space<vmem_shared>>)
    %mul3A_91 = arith.constant 640 : i32
    %mul3A_92 = arith.muli %arg1, %mul3A_91 : i32
    %add3A_93 = arith.constant 384 : i32
    %add3A_94 = arith.addi %mul3A_92, %add3A_93 : i32
    %dma_wait3A_95 = arith.constant 0 : i32
    %dma_wait3A_96 = tpu.memref_slice %arg8[%add3A_94, %dma_wait3A_95] : memref<10240x128xf32, #tpu.memory_space<vmem_shared>> -> memref<128x128xf32, #tpu.memory_space<vmem_shared>>
    %dma_wait3A_97 = arith.constant 0 : i32
    %dma_wait3A_98 = tpu.memref_slice %arg8[%add3A_94, %dma_wait3A_97] : memref<10240x128xf32, #tpu.memory_space<vmem_shared>> -> memref<128x128xf32, #tpu.memory_space<vmem_shared>>
    tpu.wait_dma2 semaphore(%arg18 : memref<!tpu.dma_semaphore, #tpu.memory_space<semaphore_mem>>) src(%arg10 : memref<128x128xf32, #tpu.memory_space<vmem>>) dst(%dma_wait3A_98 : memref<128x128xf32, #tpu.memory_space<vmem_shared>>)
    %mul3A_99 = arith.constant 640 : i32
    %mul3A_100 = arith.muli %arg1, %mul3A_99 : i32
    %add3A_101 = arith.constant 512 : i32
    %add3A_102 = arith.addi %mul3A_100, %add3A_101 : i32
    %dma_wait3A_103 = arith.constant 0 : i32
    %dma_wait3A_104 = tpu.memref_slice %arg8[%add3A_102, %dma_wait3A_103] : memref<10240x128xf32, #tpu.memory_space<vmem_shared>> -> memref<128x128xf32, #tpu.memory_space<vmem_shared>>
    %dma_wait3A_105 = arith.constant 0 : i32
    %dma_wait3A_106 = tpu.memref_slice %arg8[%add3A_102, %dma_wait3A_105] : memref<10240x128xf32, #tpu.memory_space<vmem_shared>> -> memref<128x128xf32, #tpu.memory_space<vmem_shared>>
    tpu.wait_dma2 semaphore(%arg18 : memref<!tpu.dma_semaphore, #tpu.memory_space<semaphore_mem>>) src(%arg10 : memref<128x128xf32, #tpu.memory_space<vmem>>) dst(%dma_wait3A_106 : memref<128x128xf32, #tpu.memory_space<vmem_shared>>)
    %mul3A_107 = arith.constant 640 : i32
    %mul3A_108 = arith.muli %arg1, %mul3A_107 : i32
    %dma_wait3A_109 = tpu.memref_slice %arg9[%mul3A_108] : memref<10240xf32, #tpu.memory_space<vmem_shared>> -> memref<640xf32, #tpu.memory_space<vmem_shared>>
    %dma_wait3A_110 = tpu.memref_slice %arg9[%mul3A_108] : memref<10240xf32, #tpu.memory_space<vmem_shared>> -> memref<640xf32, #tpu.memory_space<vmem_shared>>
    tpu.wait_dma2 semaphore(%arg19 : memref<!tpu.dma_semaphore, #tpu.memory_space<semaphore_mem>>) src(%arg17 : memref<640xf32, #tpu.memory_space<vmem>>) dst(%dma_wait3A_110 : memref<640xf32, #tpu.memory_space<vmem_shared>>)
    %multiple_of3A = arith.constant 0 : i32
    %multiple_of3A_111 = tpu.assume_multiple %multiple_of3A, 64 : i32
    %dma_start3A_112 = arith.constant 0 : i32
    %dma_start3A_113 = arith.constant 0 : i32
    %dma_start3A_114 = tpu.memref_slice %arg10[%dma_start3A_112, %dma_start3A_113] : memref<128x128xf32, #tpu.memory_space<vmem>> -> memref<64x128xf32, #tpu.memory_space<vmem>>
    %dma_start3A_115 = tpu.memref_slice %arg12[%multiple_of3A_111] : memref<10000xi32, #tpu.memory_space<vmem>> -> memref<64xi32, #tpu.memory_space<vmem>>
    %dma_start3A_116 = arith.constant 0 : i32
    %dma_start3A_117 = arith.constant 0 : i32
    %dma_start3A_118 = tpu.memref_slice %arg2[%dma_start3A_116, %dma_start3A_117] : memref<10000x128xf32, #tpu.memory_space<hbm>> -> memref<10000x128xf32, #tpu.memory_space<hbm>>
    tpu.enqueue_indirect_dma source(%dma_start3A_118 : memref<10000x128xf32, #tpu.memory_space<hbm>>) target(%dma_start3A_114 : memref<64x128xf32, #tpu.memory_space<vmem>>) offsets(%dma_start3A_115 : memref<64xi32, #tpu.memory_space<vmem>>) semaphore(%arg18 : memref<!tpu.dma_semaphore, #tpu.memory_space<semaphore_mem>>)
    %multiple_of3A_119 = arith.constant 64 : i32
    %multiple_of3A_120 = tpu.assume_multiple %multiple_of3A_119, 64 : i32
    %dma_start3A_121 = arith.constant 64 : i32
    %dma_start3A_122 = arith.constant 0 : i32
    %dma_start3A_123 = tpu.memref_slice %arg10[%dma_start3A_121, %dma_start3A_122] : memref<128x128xf32, #tpu.memory_space<vmem>> -> memref<64x128xf32, #tpu.memory_space<vmem>>
    %dma_start3A_124 = tpu.memref_slice %arg12[%multiple_of3A_120] : memref<10000xi32, #tpu.memory_space<vmem>> -> memref<64xi32, #tpu.memory_space<vmem>>
    %dma_start3A_125 = arith.constant 0 : i32
    %dma_start3A_126 = arith.constant 0 : i32
    %dma_start3A_127 = tpu.memref_slice %arg2[%dma_start3A_125, %dma_start3A_126] : memref<10000x128xf32, #tpu.memory_space<hbm>> -> memref<10000x128xf32, #tpu.memory_space<hbm>>
    tpu.enqueue_indirect_dma source(%dma_start3A_127 : memref<10000x128xf32, #tpu.memory_space<hbm>>) target(%dma_start3A_123 : memref<64x128xf32, #tpu.memory_space<vmem>>) offsets(%dma_start3A_124 : memref<64xi32, #tpu.memory_space<vmem>>) semaphore(%arg20 : memref<!tpu.dma_semaphore, #tpu.memory_space<semaphore_mem>>)
    %add3A_128 = arith.constant 0 : i32
    %add3A_129 = arith.addi %mul3A_2, %add3A_128 : i32
    %multiple_of3A_130 = tpu.assume_multiple %add3A_129, 8 : i32
    %dma_start3A_131 = tpu.memref_slice %arg4[%multiple_of3A_130] : memref<320000xi32, #tpu.memory_space<hbm>> -> memref<128xi32, #tpu.memory_space<hbm>>
    %dma_start3A_132 = tpu.memref_slice %arg4[%multiple_of3A_130] : memref<320000xi32, #tpu.memory_space<hbm>> -> memref<128xi32, #tpu.memory_space<hbm>>
    tpu.enqueue_dma source(%dma_start3A_132 : memref<128xi32, #tpu.memory_space<hbm>>) target(%arg13 : memref<128xi32, #tpu.memory_space<vmem>>) target_semaphore(%arg22 : memref<!tpu.dma_semaphore, #tpu.memory_space<semaphore_mem>>)
    %multiple_of3A_133 = arith.constant 128 : i32
    %multiple_of3A_134 = tpu.assume_multiple %multiple_of3A_133, 64 : i32
    %dma_start3A_135 = arith.constant 0 : i32
    %dma_start3A_136 = arith.constant 0 : i32
    %dma_start3A_137 = tpu.memref_slice %arg11[%dma_start3A_135, %dma_start3A_136] : memref<128x128xf32, #tpu.memory_space<vmem>> -> memref<64x128xf32, #tpu.memory_space<vmem>>
    %dma_start3A_138 = tpu.memref_slice %arg12[%multiple_of3A_134] : memref<10000xi32, #tpu.memory_space<vmem>> -> memref<64xi32, #tpu.memory_space<vmem>>
    %dma_start3A_139 = arith.constant 0 : i32
    %dma_start3A_140 = arith.constant 0 : i32
    %dma_start3A_141 = tpu.memref_slice %arg2[%dma_start3A_139, %dma_start3A_140] : memref<10000x128xf32, #tpu.memory_space<hbm>> -> memref<10000x128xf32, #tpu.memory_space<hbm>>
    tpu.enqueue_indirect_dma source(%dma_start3A_141 : memref<10000x128xf32, #tpu.memory_space<hbm>>) target(%dma_start3A_137 : memref<64x128xf32, #tpu.memory_space<vmem>>) offsets(%dma_start3A_138 : memref<64xi32, #tpu.memory_space<vmem>>) semaphore(%arg19 : memref<!tpu.dma_semaphore, #tpu.memory_space<semaphore_mem>>)
    %multiple_of3A_142 = arith.constant 192 : i32
    %multiple_of3A_143 = tpu.assume_multiple %multiple_of3A_142, 64 : i32
    %dma_start3A_144 = arith.constant 64 : i32
    %dma_start3A_145 = arith.constant 0 : i32
    %dma_start3A_146 = tpu.memref_slice %arg11[%dma_start3A_144, %dma_start3A_145] : memref<128x128xf32, #tpu.memory_space<vmem>> -> memref<64x128xf32, #tpu.memory_space<vmem>>
    %dma_start3A_147 = tpu.memref_slice %arg12[%multiple_of3A_143] : memref<10000xi32, #tpu.memory_space<vmem>> -> memref<64xi32, #tpu.memory_space<vmem>>
    %dma_start3A_148 = arith.constant 0 : i32
    %dma_start3A_149 = arith.constant 0 : i32
    %dma_start3A_150 = tpu.memref_slice %arg2[%dma_start3A_148, %dma_start3A_149] : memref<10000x128xf32, #tpu.memory_space<hbm>> -> memref<10000x128xf32, #tpu.memory_space<hbm>>
    tpu.enqueue_indirect_dma source(%dma_start3A_150 : memref<10000x128xf32, #tpu.memory_space<hbm>>) target(%dma_start3A_146 : memref<64x128xf32, #tpu.memory_space<vmem>>) offsets(%dma_start3A_147 : memref<64xi32, #tpu.memory_space<vmem>>) semaphore(%arg21 : memref<!tpu.dma_semaphore, #tpu.memory_space<semaphore_mem>>)
    %add3A_151 = arith.constant 128 : i32
    %add3A_152 = arith.addi %mul3A_2, %add3A_151 : i32
    %multiple_of3A_153 = tpu.assume_multiple %add3A_152, 8 : i32
    %dma_start3A_154 = tpu.memref_slice %arg4[%multiple_of3A_153] : memref<320000xi32, #tpu.memory_space<hbm>> -> memref<128xi32, #tpu.memory_space<hbm>>
    %dma_start3A_155 = tpu.memref_slice %arg4[%multiple_of3A_153] : memref<320000xi32, #tpu.memory_space<hbm>> -> memref<128xi32, #tpu.memory_space<hbm>>
    tpu.enqueue_dma source(%dma_start3A_155 : memref<128xi32, #tpu.memory_space<hbm>>) target(%arg14 : memref<128xi32, #tpu.memory_space<vmem>>) target_semaphore(%arg23 : memref<!tpu.dma_semaphore, #tpu.memory_space<semaphore_mem>>)
    %barrier3A = arith.constant 0 : index
    tpu.barrier barrier_id(%barrier3A)
    %scan3A_156 = arith.constant 0 : i32
    %scan3A_157 = arith.constant 0 : i32
    %scan3A_158 = arith.constant 37 : i32
    %scan3A_159 = arith.addi %scan3A_157, %scan3A_158 : i32
    %scan3A_160 = arith.constant 1 : i32
    scf.for %scan3A_333 = %scan3A_157 to %scan3A_159 step %scan3A_160  : i32 {
      %mul3A_334 = arith.constant 2 : i32
      %mul3A_335 = arith.muli %mul3A_334, %scan3A_333 : i32
      %mul3A_336 = arith.constant 128 : i32
      %mul3A_337 = arith.muli %mul3A_335, %mul3A_336 : i32
      %add3A_338 = arith.constant 0 : i32
      %add3A_339 = arith.addi %mul3A_337, %add3A_338 : i32
      %multiple_of3A_340 = tpu.assume_multiple %add3A_339, 64 : i32
      %dma_wait3A_341 = arith.constant 0 : i32
      %dma_wait3A_342 = arith.constant 0 : i32
      %dma_wait3A_343 = tpu.memref_slice %arg10[%dma_wait3A_341, %dma_wait3A_342] : memref<128x128xf32, #tpu.memory_space<vmem>> -> memref<64x128xf32, #tpu.memory_space<vmem>>
      %dma_wait3A_344 = tpu.memref_slice %arg12[%multiple_of3A_340] : memref<10000xi32, #tpu.memory_space<vmem>> -> memref<64xi32, #tpu.memory_space<vmem>>
      %dma_wait3A_345 = arith.constant 0 : i32
      %dma_wait3A_346 = arith.constant 0 : i32
      %dma_wait3A_347 = tpu.memref_slice %arg2[%dma_wait3A_345, %dma_wait3A_346] : memref<10000x128xf32, #tpu.memory_space<hbm>> -> memref<10000x128xf32, #tpu.memory_space<hbm>>
      tpu.wait_indirect_dma semaphore(%arg18 : memref<!tpu.dma_semaphore, #tpu.memory_space<semaphore_mem>>) src(%dma_wait3A_347 : memref<10000x128xf32, #tpu.memory_space<hbm>>) dst(%dma_wait3A_343 : memref<64x128xf32, #tpu.memory_space<vmem>>)
      %mul3A_348 = arith.constant 128 : i32
      %mul3A_349 = arith.muli %mul3A_335, %mul3A_348 : i32
      %add3A_350 = arith.constant 64 : i32
      %add3A_351 = arith.addi %mul3A_349, %add3A_350 : i32
      %multiple_of3A_352 = tpu.assume_multiple %add3A_351, 64 : i32
      %dma_wait3A_353 = arith.constant 64 : i32
      %dma_wait3A_354 = arith.constant 0 : i32
      %dma_wait3A_355 = tpu.memref_slice %arg10[%dma_wait3A_353, %dma_wait3A_354] : memref<128x128xf32, #tpu.memory_space<vmem>> -> memref<64x128xf32, #tpu.memory_space<vmem>>
      %dma_wait3A_356 = tpu.memref_slice %arg12[%multiple_of3A_352] : memref<10000xi32, #tpu.memory_space<vmem>> -> memref<64xi32, #tpu.memory_space<vmem>>
      %dma_wait3A_357 = arith.constant 0 : i32
      %dma_wait3A_358 = arith.constant 0 : i32
      %dma_wait3A_359 = tpu.memref_slice %arg2[%dma_wait3A_357, %dma_wait3A_358] : memref<10000x128xf32, #tpu.memory_space<hbm>> -> memref<10000x128xf32, #tpu.memory_space<hbm>>
      tpu.wait_indirect_dma semaphore(%arg20 : memref<!tpu.dma_semaphore, #tpu.memory_space<semaphore_mem>>) src(%dma_wait3A_359 : memref<10000x128xf32, #tpu.memory_space<hbm>>) dst(%dma_wait3A_355 : memref<64x128xf32, #tpu.memory_space<vmem>>)
      %mul3A_360 = arith.constant 128 : i32
      %mul3A_361 = arith.muli %mul3A_335, %mul3A_360 : i32
      %add3A_362 = arith.addi %mul3A_2, %mul3A_361 : i32
      %multiple_of3A_363 = tpu.assume_multiple %add3A_362, 8 : i32
      %dma_wait3A_364 = tpu.memref_slice %arg4[%multiple_of3A_363] : memref<320000xi32, #tpu.memory_space<hbm>> -> memref<128xi32, #tpu.memory_space<hbm>>
      %dma_wait3A_365 = tpu.memref_slice %arg4[%multiple_of3A_363] : memref<320000xi32, #tpu.memory_space<hbm>> -> memref<128xi32, #tpu.memory_space<hbm>>
      tpu.wait_dma2 semaphore(%arg22 : memref<!tpu.dma_semaphore, #tpu.memory_space<semaphore_mem>>) src(%dma_wait3A_365 : memref<128xi32, #tpu.memory_space<hbm>>) dst(%arg13 : memref<128xi32, #tpu.memory_space<vmem>>)
      "tpu.region"() ({
        %run_scoped3A = tpu.sem_alloc : memref<!tpu.dma_semaphore, #tpu.memory_space<semaphore_mem>>
        %dma_start3A_462 = arith.constant 0 : i32
        %dma_start3A_463 = arith.constant 0 : i32
        %dma_start3A_464 = tpu.memref_slice %arg8[%dma_start3A_462, %dma_start3A_463] : memref<10240x128xf32, #tpu.memory_space<vmem_shared>> -> memref<10240x128xf32, #tpu.memory_space<vmem_shared>>
        tpu.enqueue_indirect_dma source(%arg10 : memref<128x128xf32, #tpu.memory_space<vmem>>) target(%dma_start3A_464 : memref<10240x128xf32, #tpu.memory_space<vmem_shared>>) offsets(%arg13 : memref<128xi32, #tpu.memory_space<vmem>>) semaphore(%run_scoped3A : memref<!tpu.dma_semaphore, #tpu.memory_space<semaphore_mem>>) {add = true}
        %dma_wait3A_465 = arith.constant 0 : i32
        %dma_wait3A_466 = arith.constant 0 : i32
        %dma_wait3A_467 = tpu.memref_slice %arg8[%dma_wait3A_465, %dma_wait3A_466] : memref<10240x128xf32, #tpu.memory_space<vmem_shared>> -> memref<10240x128xf32, #tpu.memory_space<vmem_shared>>
        tpu.wait_indirect_dma semaphore(%run_scoped3A : memref<!tpu.dma_semaphore, #tpu.memory_space<semaphore_mem>>) src(%arg10 : memref<128x128xf32, #tpu.memory_space<vmem>>) dst(%dma_wait3A_467 : memref<10240x128xf32, #tpu.memory_space<vmem_shared>>)
        tpu.yield
      }) : () -> ()
      "tpu.region"() ({
        %run_scoped3A = tpu.sem_alloc : memref<!tpu.dma_semaphore, #tpu.memory_space<semaphore_mem>>
        %dma_start3A_462 = arith.constant 0 : i32
        %dma_start3A_463 = tpu.memref_slice %arg9[%dma_start3A_462] : memref<10240xf32, #tpu.memory_space<vmem_shared>> -> memref<10240xf32, #tpu.memory_space<vmem_shared>>
        tpu.enqueue_indirect_dma source(%arg16 : memref<128xf32, #tpu.memory_space<vmem>>) target(%dma_start3A_463 : memref<10240xf32, #tpu.memory_space<vmem_shared>>) offsets(%arg13 : memref<128xi32, #tpu.memory_space<vmem>>) semaphore(%run_scoped3A : memref<!tpu.dma_semaphore, #tpu.memory_space<semaphore_mem>>) {add = true}
        %dma_wait3A_464 = arith.constant 0 : i32
        %dma_wait3A_465 = tpu.memref_slice %arg9[%dma_wait3A_464] : memref<10240xf32, #tpu.memory_space<vmem_shared>> -> memref<10240xf32, #tpu.memory_space<vmem_shared>>
        tpu.wait_indirect_dma semaphore(%run_scoped3A : memref<!tpu.dma_semaphore, #tpu.memory_space<semaphore_mem>>) src(%arg16 : memref<128xf32, #tpu.memory_space<vmem>>) dst(%dma_wait3A_465 : memref<10240xf32, #tpu.memory_space<vmem_shared>>)
        tpu.yield
      }) : () -> ()
      %add3A_366 = arith.constant 2 : i32
      %add3A_367 = arith.addi %mul3A_335, %add3A_366 : i32
      %mul3A_368 = arith.constant 128 : i32
      %mul3A_369 = arith.muli %add3A_367, %mul3A_368 : i32
      %add3A_370 = arith.constant 0 : i32
      %add3A_371 = arith.addi %mul3A_369, %add3A_370 : i32
      %multiple_of3A_372 = tpu.assume_multiple %add3A_371, 64 : i32
      %dma_start3A_373 = arith.constant 0 : i32
      %dma_start3A_374 = arith.constant 0 : i32
      %dma_start3A_375 = tpu.memref_slice %arg10[%dma_start3A_373, %dma_start3A_374] : memref<128x128xf32, #tpu.memory_space<vmem>> -> memref<64x128xf32, #tpu.memory_space<vmem>>
      %dma_start3A_376 = tpu.memref_slice %arg12[%multiple_of3A_372] : memref<10000xi32, #tpu.memory_space<vmem>> -> memref<64xi32, #tpu.memory_space<vmem>>
      %dma_start3A_377 = arith.constant 0 : i32
      %dma_start3A_378 = arith.constant 0 : i32
      %dma_start3A_379 = tpu.memref_slice %arg2[%dma_start3A_377, %dma_start3A_378] : memref<10000x128xf32, #tpu.memory_space<hbm>> -> memref<10000x128xf32, #tpu.memory_space<hbm>>
      tpu.enqueue_indirect_dma source(%dma_start3A_379 : memref<10000x128xf32, #tpu.memory_space<hbm>>) target(%dma_start3A_375 : memref<64x128xf32, #tpu.memory_space<vmem>>) offsets(%dma_start3A_376 : memref<64xi32, #tpu.memory_space<vmem>>) semaphore(%arg18 : memref<!tpu.dma_semaphore, #tpu.memory_space<semaphore_mem>>)
      %mul3A_380 = arith.constant 128 : i32
      %mul3A_381 = arith.muli %add3A_367, %mul3A_380 : i32
      %add3A_382 = arith.constant 64 : i32
      %add3A_383 = arith.addi %mul3A_381, %add3A_382 : i32
      %multiple_of3A_384 = tpu.assume_multiple %add3A_383, 64 : i32
      %dma_start3A_385 = arith.constant 64 : i32
      %dma_start3A_386 = arith.constant 0 : i32
      %dma_start3A_387 = tpu.memref_slice %arg10[%dma_start3A_385, %dma_start3A_386] : memref<128x128xf32, #tpu.memory_space<vmem>> -> memref<64x128xf32, #tpu.memory_space<vmem>>
      %dma_start3A_388 = tpu.memref_slice %arg12[%multiple_of3A_384] : memref<10000xi32, #tpu.memory_space<vmem>> -> memref<64xi32, #tpu.memory_space<vmem>>
      %dma_start3A_389 = arith.constant 0 : i32
      %dma_start3A_390 = arith.constant 0 : i32
      %dma_start3A_391 = tpu.memref_slice %arg2[%dma_start3A_389, %dma_start3A_390] : memref<10000x128xf32, #tpu.memory_space<hbm>> -> memref<10000x128xf32, #tpu.memory_space<hbm>>
      tpu.enqueue_indirect_dma source(%dma_start3A_391 : memref<10000x128xf32, #tpu.memory_space<hbm>>) target(%dma_start3A_387 : memref<64x128xf32, #tpu.memory_space<vmem>>) offsets(%dma_start3A_388 : memref<64xi32, #tpu.memory_space<vmem>>) semaphore(%arg20 : memref<!tpu.dma_semaphore, #tpu.memory_space<semaphore_mem>>)
      %mul3A_392 = arith.constant 128 : i32
      %mul3A_393 = arith.muli %add3A_367, %mul3A_392 : i32
      %add3A_394 = arith.addi %mul3A_2, %mul3A_393 : i32
      %multiple_of3A_395 = tpu.assume_multiple %add3A_394, 8 : i32
      %dma_start3A_396 = tpu.memref_slice %arg4[%multiple_of3A_395] : memref<320000xi32, #tpu.memory_space<hbm>> -> memref<128xi32, #tpu.memory_space<hbm>>
      %dma_start3A_397 = tpu.memref_slice %arg4[%multiple_of3A_395] : memref<320000xi32, #tpu.memory_space<hbm>> -> memref<128xi32, #tpu.memory_space<hbm>>
      tpu.enqueue_dma source(%dma_start3A_397 : memref<128xi32, #tpu.memory_space<hbm>>) target(%arg13 : memref<128xi32, #tpu.memory_space<vmem>>) target_semaphore(%arg22 : memref<!tpu.dma_semaphore, #tpu.memory_space<semaphore_mem>>)
      %add3A_398 = arith.constant 1 : i32
      %add3A_399 = arith.addi %mul3A_335, %add3A_398 : i32
      %mul3A_400 = arith.constant 128 : i32
      %mul3A_401 = arith.muli %add3A_399, %mul3A_400 : i32
      %add3A_402 = arith.constant 0 : i32
      %add3A_403 = arith.addi %mul3A_401, %add3A_402 : i32
      %multiple_of3A_404 = tpu.assume_multiple %add3A_403, 64 : i32
      %dma_wait3A_405 = arith.constant 0 : i32
      %dma_wait3A_406 = arith.constant 0 : i32
      %dma_wait3A_407 = tpu.memref_slice %arg11[%dma_wait3A_405, %dma_wait3A_406] : memref<128x128xf32, #tpu.memory_space<vmem>> -> memref<64x128xf32, #tpu.memory_space<vmem>>
      %dma_wait3A_408 = tpu.memref_slice %arg12[%multiple_of3A_404] : memref<10000xi32, #tpu.memory_space<vmem>> -> memref<64xi32, #tpu.memory_space<vmem>>
      %dma_wait3A_409 = arith.constant 0 : i32
      %dma_wait3A_410 = arith.constant 0 : i32
      %dma_wait3A_411 = tpu.memref_slice %arg2[%dma_wait3A_409, %dma_wait3A_410] : memref<10000x128xf32, #tpu.memory_space<hbm>> -> memref<10000x128xf32, #tpu.memory_space<hbm>>
      tpu.wait_indirect_dma semaphore(%arg19 : memref<!tpu.dma_semaphore, #tpu.memory_space<semaphore_mem>>) src(%dma_wait3A_411 : memref<10000x128xf32, #tpu.memory_space<hbm>>) dst(%dma_wait3A_407 : memref<64x128xf32, #tpu.memory_space<vmem>>)
      %mul3A_412 = arith.constant 128 : i32
      %mul3A_413 = arith.muli %add3A_399, %mul3A_412 : i32
      %add3A_414 = arith.constant 64 : i32
      %add3A_415 = arith.addi %mul3A_413, %add3A_414 : i32
      %multiple_of3A_416 = tpu.assume_multiple %add3A_415, 64 : i32
      %dma_wait3A_417 = arith.constant 64 : i32
      %dma_wait3A_418 = arith.constant 0 : i32
      %dma_wait3A_419 = tpu.memref_slice %arg11[%dma_wait3A_417, %dma_wait3A_418] : memref<128x128xf32, #tpu.memory_space<vmem>> -> memref<64x128xf32, #tpu.memory_space<vmem>>
      %dma_wait3A_420 = tpu.memref_slice %arg12[%multiple_of3A_416] : memref<10000xi32, #tpu.memory_space<vmem>> -> memref<64xi32, #tpu.memory_space<vmem>>
      %dma_wait3A_421 = arith.constant 0 : i32
      %dma_wait3A_422 = arith.constant 0 : i32
      %dma_wait3A_423 = tpu.memref_slice %arg2[%dma_wait3A_421, %dma_wait3A_422] : memref<10000x128xf32, #tpu.memory_space<hbm>> -> memref<10000x128xf32, #tpu.memory_space<hbm>>
      tpu.wait_indirect_dma semaphore(%arg21 : memref<!tpu.dma_semaphore, #tpu.memory_space<semaphore_mem>>) src(%dma_wait3A_423 : memref<10000x128xf32, #tpu.memory_space<hbm>>) dst(%dma_wait3A_419 : memref<64x128xf32, #tpu.memory_space<vmem>>)
      %mul3A_424 = arith.constant 128 : i32
      %mul3A_425 = arith.muli %add3A_399, %mul3A_424 : i32
      %add3A_426 = arith.addi %mul3A_2, %mul3A_425 : i32
      %multiple_of3A_427 = tpu.assume_multiple %add3A_426, 8 : i32
      %dma_wait3A_428 = tpu.memref_slice %arg4[%multiple_of3A_427] : memref<320000xi32, #tpu.memory_space<hbm>> -> memref<128xi32, #tpu.memory_space<hbm>>
      %dma_wait3A_429 = tpu.memref_slice %arg4[%multiple_of3A_427] : memref<320000xi32, #tpu.memory_space<hbm>> -> memref<128xi32, #tpu.memory_space<hbm>>
      tpu.wait_dma2 semaphore(%arg23 : memref<!tpu.dma_semaphore, #tpu.memory_space<semaphore_mem>>) src(%dma_wait3A_429 : memref<128xi32, #tpu.memory_space<hbm>>) dst(%arg14 : memref<128xi32, #tpu.memory_space<vmem>>)
      "tpu.region"() ({
        %run_scoped3A = tpu.sem_alloc : memref<!tpu.dma_semaphore, #tpu.memory_space<semaphore_mem>>
        %dma_start3A_462 = arith.constant 0 : i32
        %dma_start3A_463 = arith.constant 0 : i32
        %dma_start3A_464 = tpu.memref_slice %arg8[%dma_start3A_462, %dma_start3A_463] : memref<10240x128xf32, #tpu.memory_space<vmem_shared>> -> memref<10240x128xf32, #tpu.memory_space<vmem_shared>>
        tpu.enqueue_indirect_dma source(%arg11 : memref<128x128xf32, #tpu.memory_space<vmem>>) target(%dma_start3A_464 : memref<10240x128xf32, #tpu.memory_space<vmem_shared>>) offsets(%arg14 : memref<128xi32, #tpu.memory_space<vmem>>) semaphore(%run_scoped3A : memref<!tpu.dma_semaphore, #tpu.memory_space<semaphore_mem>>) {add = true}
        %dma_wait3A_465 = arith.constant 0 : i32
        %dma_wait3A_466 = arith.constant 0 : i32
        %dma_wait3A_467 = tpu.memref_slice %arg8[%dma_wait3A_465, %dma_wait3A_466] : memref<10240x128xf32, #tpu.memory_space<vmem_shared>> -> memref<10240x128xf32, #tpu.memory_space<vmem_shared>>
        tpu.wait_indirect_dma semaphore(%run_scoped3A : memref<!tpu.dma_semaphore, #tpu.memory_space<semaphore_mem>>) src(%arg11 : memref<128x128xf32, #tpu.memory_space<vmem>>) dst(%dma_wait3A_467 : memref<10240x128xf32, #tpu.memory_space<vmem_shared>>)
        tpu.yield
      }) : () -> ()
      "tpu.region"() ({
        %run_scoped3A = tpu.sem_alloc : memref<!tpu.dma_semaphore, #tpu.memory_space<semaphore_mem>>
        %dma_start3A_462 = arith.constant 0 : i32
        %dma_start3A_463 = tpu.memref_slice %arg9[%dma_start3A_462] : memref<10240xf32, #tpu.memory_space<vmem_shared>> -> memref<10240xf32, #tpu.memory_space<vmem_shared>>
        tpu.enqueue_indirect_dma source(%arg16 : memref<128xf32, #tpu.memory_space<vmem>>) target(%dma_start3A_463 : memref<10240xf32, #tpu.memory_space<vmem_shared>>) offsets(%arg14 : memref<128xi32, #tpu.memory_space<vmem>>) semaphore(%run_scoped3A : memref<!tpu.dma_semaphore, #tpu.memory_space<semaphore_mem>>) {add = true}
        %dma_wait3A_464 = arith.constant 0 : i32
        %dma_wait3A_465 = tpu.memref_slice %arg9[%dma_wait3A_464] : memref<10240xf32, #tpu.memory_space<vmem_shared>> -> memref<10240xf32, #tpu.memory_space<vmem_shared>>
        tpu.wait_indirect_dma semaphore(%run_scoped3A : memref<!tpu.dma_semaphore, #tpu.memory_space<semaphore_mem>>) src(%arg16 : memref<128xf32, #tpu.memory_space<vmem>>) dst(%dma_wait3A_465 : memref<10240xf32, #tpu.memory_space<vmem_shared>>)
        tpu.yield
      }) : () -> ()
      %add3A_430 = arith.constant 3 : i32
      %add3A_431 = arith.addi %mul3A_335, %add3A_430 : i32
      %mul3A_432 = arith.constant 128 : i32
      %mul3A_433 = arith.muli %add3A_431, %mul3A_432 : i32
      %add3A_434 = arith.constant 0 : i32
      %add3A_435 = arith.addi %mul3A_433, %add3A_434 : i32
      %multiple_of3A_436 = tpu.assume_multiple %add3A_435, 64 : i32
      %dma_start3A_437 = arith.constant 0 : i32
      %dma_start3A_438 = arith.constant 0 : i32
      %dma_start3A_439 = tpu.memref_slice %arg11[%dma_start3A_437, %dma_start3A_438] : memref<128x128xf32, #tpu.memory_space<vmem>> -> memref<64x128xf32, #tpu.memory_space<vmem>>
      %dma_start3A_440 = tpu.memref_slice %arg12[%multiple_of3A_436] : memref<10000xi32, #tpu.memory_space<vmem>> -> memref<64xi32, #tpu.memory_space<vmem>>
      %dma_start3A_441 = arith.constant 0 : i32
      %dma_start3A_442 = arith.constant 0 : i32
      %dma_start3A_443 = tpu.memref_slice %arg2[%dma_start3A_441, %dma_start3A_442] : memref<10000x128xf32, #tpu.memory_space<hbm>> -> memref<10000x128xf32, #tpu.memory_space<hbm>>
      tpu.enqueue_indirect_dma source(%dma_start3A_443 : memref<10000x128xf32, #tpu.memory_space<hbm>>) target(%dma_start3A_439 : memref<64x128xf32, #tpu.memory_space<vmem>>) offsets(%dma_start3A_440 : memref<64xi32, #tpu.memory_space<vmem>>) semaphore(%arg19 : memref<!tpu.dma_semaphore, #tpu.memory_space<semaphore_mem>>)
      %mul3A_444 = arith.constant 128 : i32
      %mul3A_445 = arith.muli %add3A_431, %mul3A_444 : i32
      %add3A_446 = arith.constant 64 : i32
      %add3A_447 = arith.addi %mul3A_445, %add3A_446 : i32
      %multiple_of3A_448 = tpu.assume_multiple %add3A_447, 64 : i32
      %dma_start3A_449 = arith.constant 64 : i32
      %dma_start3A_450 = arith.constant 0 : i32
      %dma_start3A_451 = tpu.memref_slice %arg11[%dma_start3A_449, %dma_start3A_450] : memref<128x128xf32, #tpu.memory_space<vmem>> -> memref<64x128xf32, #tpu.memory_space<vmem>>
      %dma_start3A_452 = tpu.memref_slice %arg12[%multiple_of3A_448] : memref<10000xi32, #tpu.memory_space<vmem>> -> memref<64xi32, #tpu.memory_space<vmem>>
      %dma_start3A_453 = arith.constant 0 : i32
      %dma_start3A_454 = arith.constant 0 : i32
      %dma_start3A_455 = tpu.memref_slice %arg2[%dma_start3A_453, %dma_start3A_454] : memref<10000x128xf32, #tpu.memory_space<hbm>> -> memref<10000x128xf32, #tpu.memory_space<hbm>>
      tpu.enqueue_indirect_dma source(%dma_start3A_455 : memref<10000x128xf32, #tpu.memory_space<hbm>>) target(%dma_start3A_451 : memref<64x128xf32, #tpu.memory_space<vmem>>) offsets(%dma_start3A_452 : memref<64xi32, #tpu.memory_space<vmem>>) semaphore(%arg21 : memref<!tpu.dma_semaphore, #tpu.memory_space<semaphore_mem>>)
      %mul3A_456 = arith.constant 128 : i32
      %mul3A_457 = arith.muli %add3A_431, %mul3A_456 : i32
      %add3A_458 = arith.addi %mul3A_2, %mul3A_457 : i32
      %multiple_of3A_459 = tpu.assume_multiple %add3A_458, 8 : i32
      %dma_start3A_460 = tpu.memref_slice %arg4[%multiple_of3A_459] : memref<320000xi32, #tpu.memory_space<hbm>> -> memref<128xi32, #tpu.memory_space<hbm>>
      %dma_start3A_461 = tpu.memref_slice %arg4[%multiple_of3A_459] : memref<320000xi32, #tpu.memory_space<hbm>> -> memref<128xi32, #tpu.memory_space<hbm>>
      tpu.enqueue_dma source(%dma_start3A_461 : memref<128xi32, #tpu.memory_space<hbm>>) target(%arg14 : memref<128xi32, #tpu.memory_space<vmem>>) target_semaphore(%arg23 : memref<!tpu.dma_semaphore, #tpu.memory_space<semaphore_mem>>)
    }
    %scan3A_161 = arith.constant 37 : i32
    %multiple_of3A_162 = arith.constant 9472 : i32
    %multiple_of3A_163 = tpu.assume_multiple %multiple_of3A_162, 64 : i32
    %dma_wait3A_164 = arith.constant 0 : i32
    %dma_wait3A_165 = arith.constant 0 : i32
    %dma_wait3A_166 = tpu.memref_slice %arg10[%dma_wait3A_164, %dma_wait3A_165] : memref<128x128xf32, #tpu.memory_space<vmem>> -> memref<64x128xf32, #tpu.memory_space<vmem>>
    %dma_wait3A_167 = tpu.memref_slice %arg12[%multiple_of3A_163] : memref<10000xi32, #tpu.memory_space<vmem>> -> memref<64xi32, #tpu.memory_space<vmem>>
    %dma_wait3A_168 = arith.constant 0 : i32
    %dma_wait3A_169 = arith.constant 0 : i32
    %dma_wait3A_170 = tpu.memref_slice %arg2[%dma_wait3A_168, %dma_wait3A_169] : memref<10000x128xf32, #tpu.memory_space<hbm>> -> memref<10000x128xf32, #tpu.memory_space<hbm>>
    tpu.wait_indirect_dma semaphore(%arg18 : memref<!tpu.dma_semaphore, #tpu.memory_space<semaphore_mem>>) src(%dma_wait3A_170 : memref<10000x128xf32, #tpu.memory_space<hbm>>) dst(%dma_wait3A_166 : memref<64x128xf32, #tpu.memory_space<vmem>>)
    %multiple_of3A_171 = arith.constant 9536 : i32
    %multiple_of3A_172 = tpu.assume_multiple %multiple_of3A_171, 64 : i32
    %dma_wait3A_173 = arith.constant 64 : i32
    %dma_wait3A_174 = arith.constant 0 : i32
    %dma_wait3A_175 = tpu.memref_slice %arg10[%dma_wait3A_173, %dma_wait3A_174] : memref<128x128xf32, #tpu.memory_space<vmem>> -> memref<64x128xf32, #tpu.memory_space<vmem>>
    %dma_wait3A_176 = tpu.memref_slice %arg12[%multiple_of3A_172] : memref<10000xi32, #tpu.memory_space<vmem>> -> memref<64xi32, #tpu.memory_space<vmem>>
    %dma_wait3A_177 = arith.constant 0 : i32
    %dma_wait3A_178 = arith.constant 0 : i32
    %dma_wait3A_179 = tpu.memref_slice %arg2[%dma_wait3A_177, %dma_wait3A_178] : memref<10000x128xf32, #tpu.memory_space<hbm>> -> memref<10000x128xf32, #tpu.memory_space<hbm>>
    tpu.wait_indirect_dma semaphore(%arg20 : memref<!tpu.dma_semaphore, #tpu.memory_space<semaphore_mem>>) src(%dma_wait3A_179 : memref<10000x128xf32, #tpu.memory_space<hbm>>) dst(%dma_wait3A_175 : memref<64x128xf32, #tpu.memory_space<vmem>>)
    %add3A_180 = arith.constant 9472 : i32
    %add3A_181 = arith.addi %mul3A_2, %add3A_180 : i32
    %multiple_of3A_182 = tpu.assume_multiple %add3A_181, 8 : i32
    %dma_wait3A_183 = tpu.memref_slice %arg4[%multiple_of3A_182] : memref<320000xi32, #tpu.memory_space<hbm>> -> memref<128xi32, #tpu.memory_space<hbm>>
    %dma_wait3A_184 = tpu.memref_slice %arg4[%multiple_of3A_182] : memref<320000xi32, #tpu.memory_space<hbm>> -> memref<128xi32, #tpu.memory_space<hbm>>
    tpu.wait_dma2 semaphore(%arg22 : memref<!tpu.dma_semaphore, #tpu.memory_space<semaphore_mem>>) src(%dma_wait3A_184 : memref<128xi32, #tpu.memory_space<hbm>>) dst(%arg13 : memref<128xi32, #tpu.memory_space<vmem>>)
    "tpu.region"() ({
      %run_scoped3A = tpu.sem_alloc : memref<!tpu.dma_semaphore, #tpu.memory_space<semaphore_mem>>
      %dma_start3A_333 = arith.constant 0 : i32
      %dma_start3A_334 = arith.constant 0 : i32
      %dma_start3A_335 = tpu.memref_slice %arg8[%dma_start3A_333, %dma_start3A_334] : memref<10240x128xf32, #tpu.memory_space<vmem_shared>> -> memref<10240x128xf32, #tpu.memory_space<vmem_shared>>
      tpu.enqueue_indirect_dma source(%arg10 : memref<128x128xf32, #tpu.memory_space<vmem>>) target(%dma_start3A_335 : memref<10240x128xf32, #tpu.memory_space<vmem_shared>>) offsets(%arg13 : memref<128xi32, #tpu.memory_space<vmem>>) semaphore(%run_scoped3A : memref<!tpu.dma_semaphore, #tpu.memory_space<semaphore_mem>>) {add = true}
      %dma_wait3A_336 = arith.constant 0 : i32
      %dma_wait3A_337 = arith.constant 0 : i32
      %dma_wait3A_338 = tpu.memref_slice %arg8[%dma_wait3A_336, %dma_wait3A_337] : memref<10240x128xf32, #tpu.memory_space<vmem_shared>> -> memref<10240x128xf32, #tpu.memory_space<vmem_shared>>
      tpu.wait_indirect_dma semaphore(%run_scoped3A : memref<!tpu.dma_semaphore, #tpu.memory_space<semaphore_mem>>) src(%arg10 : memref<128x128xf32, #tpu.memory_space<vmem>>) dst(%dma_wait3A_338 : memref<10240x128xf32, #tpu.memory_space<vmem_shared>>)
      tpu.yield
    }) : () -> ()
    "tpu.region"() ({
      %run_scoped3A = tpu.sem_alloc : memref<!tpu.dma_semaphore, #tpu.memory_space<semaphore_mem>>
      %dma_start3A_333 = arith.constant 0 : i32
      %dma_start3A_334 = tpu.memref_slice %arg9[%dma_start3A_333] : memref<10240xf32, #tpu.memory_space<vmem_shared>> -> memref<10240xf32, #tpu.memory_space<vmem_shared>>
      tpu.enqueue_indirect_dma source(%arg16 : memref<128xf32, #tpu.memory_space<vmem>>) target(%dma_start3A_334 : memref<10240xf32, #tpu.memory_space<vmem_shared>>) offsets(%arg13 : memref<128xi32, #tpu.memory_space<vmem>>) semaphore(%run_scoped3A : memref<!tpu.dma_semaphore, #tpu.memory_space<semaphore_mem>>) {add = true}
      %dma_wait3A_335 = arith.constant 0 : i32
      %dma_wait3A_336 = tpu.memref_slice %arg9[%dma_wait3A_335] : memref<10240xf32, #tpu.memory_space<vmem_shared>> -> memref<10240xf32, #tpu.memory_space<vmem_shared>>
      tpu.wait_indirect_dma semaphore(%run_scoped3A : memref<!tpu.dma_semaphore, #tpu.memory_space<semaphore_mem>>) src(%arg16 : memref<128xf32, #tpu.memory_space<vmem>>) dst(%dma_wait3A_336 : memref<10240xf32, #tpu.memory_space<vmem_shared>>)
      tpu.yield
    }) : () -> ()
    %multiple_of3A_185 = arith.constant 9728 : i32
    %multiple_of3A_186 = tpu.assume_multiple %multiple_of3A_185, 64 : i32
    %dma_start3A_187 = arith.constant 0 : i32
    %dma_start3A_188 = arith.constant 0 : i32
    %dma_start3A_189 = tpu.memref_slice %arg10[%dma_start3A_187, %dma_start3A_188] : memref<128x128xf32, #tpu.memory_space<vmem>> -> memref<64x128xf32, #tpu.memory_space<vmem>>
    %dma_start3A_190 = tpu.memref_slice %arg12[%multiple_of3A_186] : memref<10000xi32, #tpu.memory_space<vmem>> -> memref<64xi32, #tpu.memory_space<vmem>>
    %dma_start3A_191 = arith.constant 0 : i32
    %dma_start3A_192 = arith.constant 0 : i32
    %dma_start3A_193 = tpu.memref_slice %arg2[%dma_start3A_191, %dma_start3A_192] : memref<10000x128xf32, #tpu.memory_space<hbm>> -> memref<10000x128xf32, #tpu.memory_space<hbm>>
    tpu.enqueue_indirect_dma source(%dma_start3A_193 : memref<10000x128xf32, #tpu.memory_space<hbm>>) target(%dma_start3A_189 : memref<64x128xf32, #tpu.memory_space<vmem>>) offsets(%dma_start3A_190 : memref<64xi32, #tpu.memory_space<vmem>>) semaphore(%arg18 : memref<!tpu.dma_semaphore, #tpu.memory_space<semaphore_mem>>)
    %multiple_of3A_194 = arith.constant 9792 : i32
    %multiple_of3A_195 = tpu.assume_multiple %multiple_of3A_194, 64 : i32
    %dma_start3A_196 = arith.constant 64 : i32
    %dma_start3A_197 = arith.constant 0 : i32
    %dma_start3A_198 = tpu.memref_slice %arg10[%dma_start3A_196, %dma_start3A_197] : memref<128x128xf32, #tpu.memory_space<vmem>> -> memref<64x128xf32, #tpu.memory_space<vmem>>
    %dma_start3A_199 = tpu.memref_slice %arg12[%multiple_of3A_195] : memref<10000xi32, #tpu.memory_space<vmem>> -> memref<64xi32, #tpu.memory_space<vmem>>
    %dma_start3A_200 = arith.constant 0 : i32
    %dma_start3A_201 = arith.constant 0 : i32
    %dma_start3A_202 = tpu.memref_slice %arg2[%dma_start3A_200, %dma_start3A_201] : memref<10000x128xf32, #tpu.memory_space<hbm>> -> memref<10000x128xf32, #tpu.memory_space<hbm>>
    tpu.enqueue_indirect_dma source(%dma_start3A_202 : memref<10000x128xf32, #tpu.memory_space<hbm>>) target(%dma_start3A_198 : memref<64x128xf32, #tpu.memory_space<vmem>>) offsets(%dma_start3A_199 : memref<64xi32, #tpu.memory_space<vmem>>) semaphore(%arg20 : memref<!tpu.dma_semaphore, #tpu.memory_space<semaphore_mem>>)
    %add3A_203 = arith.constant 9728 : i32
    %add3A_204 = arith.addi %mul3A_2, %add3A_203 : i32
    %multiple_of3A_205 = tpu.assume_multiple %add3A_204, 8 : i32
    %dma_start3A_206 = tpu.memref_slice %arg4[%multiple_of3A_205] : memref<320000xi32, #tpu.memory_space<hbm>> -> memref<128xi32, #tpu.memory_space<hbm>>
    %dma_start3A_207 = tpu.memref_slice %arg4[%multiple_of3A_205] : memref<320000xi32, #tpu.memory_space<hbm>> -> memref<128xi32, #tpu.memory_space<hbm>>
    tpu.enqueue_dma source(%dma_start3A_207 : memref<128xi32, #tpu.memory_space<hbm>>) target(%arg13 : memref<128xi32, #tpu.memory_space<vmem>>) target_semaphore(%arg22 : memref<!tpu.dma_semaphore, #tpu.memory_space<semaphore_mem>>)
    %multiple_of3A_208 = arith.constant 9600 : i32
    %multiple_of3A_209 = tpu.assume_multiple %multiple_of3A_208, 64 : i32
    %dma_wait3A_210 = arith.constant 0 : i32
    %dma_wait3A_211 = arith.constant 0 : i32
    %dma_wait3A_212 = tpu.memref_slice %arg11[%dma_wait3A_210, %dma_wait3A_211] : memref<128x128xf32, #tpu.memory_space<vmem>> -> memref<64x128xf32, #tpu.memory_space<vmem>>
    %dma_wait3A_213 = tpu.memref_slice %arg12[%multiple_of3A_209] : memref<10000xi32, #tpu.memory_space<vmem>> -> memref<64xi32, #tpu.memory_space<vmem>>
    %dma_wait3A_214 = arith.constant 0 : i32
    %dma_wait3A_215 = arith.constant 0 : i32
    %dma_wait3A_216 = tpu.memref_slice %arg2[%dma_wait3A_214, %dma_wait3A_215] : memref<10000x128xf32, #tpu.memory_space<hbm>> -> memref<10000x128xf32, #tpu.memory_space<hbm>>
    tpu.wait_indirect_dma semaphore(%arg19 : memref<!tpu.dma_semaphore, #tpu.memory_space<semaphore_mem>>) src(%dma_wait3A_216 : memref<10000x128xf32, #tpu.memory_space<hbm>>) dst(%dma_wait3A_212 : memref<64x128xf32, #tpu.memory_space<vmem>>)
    %multiple_of3A_217 = arith.constant 9664 : i32
    %multiple_of3A_218 = tpu.assume_multiple %multiple_of3A_217, 64 : i32
    %dma_wait3A_219 = arith.constant 64 : i32
    %dma_wait3A_220 = arith.constant 0 : i32
    %dma_wait3A_221 = tpu.memref_slice %arg11[%dma_wait3A_219, %dma_wait3A_220] : memref<128x128xf32, #tpu.memory_space<vmem>> -> memref<64x128xf32, #tpu.memory_space<vmem>>
    %dma_wait3A_222 = tpu.memref_slice %arg12[%multiple_of3A_218] : memref<10000xi32, #tpu.memory_space<vmem>> -> memref<64xi32, #tpu.memory_space<vmem>>
    %dma_wait3A_223 = arith.constant 0 : i32
    %dma_wait3A_224 = arith.constant 0 : i32
    %dma_wait3A_225 = tpu.memref_slice %arg2[%dma_wait3A_223, %dma_wait3A_224] : memref<10000x128xf32, #tpu.memory_space<hbm>> -> memref<10000x128xf32, #tpu.memory_space<hbm>>
    tpu.wait_indirect_dma semaphore(%arg21 : memref<!tpu.dma_semaphore, #tpu.memory_space<semaphore_mem>>) src(%dma_wait3A_225 : memref<10000x128xf32, #tpu.memory_space<hbm>>) dst(%dma_wait3A_221 : memref<64x128xf32, #tpu.memory_space<vmem>>)
    %add3A_226 = arith.constant 9600 : i32
    %add3A_227 = arith.addi %mul3A_2, %add3A_226 : i32
    %multiple_of3A_228 = tpu.assume_multiple %add3A_227, 8 : i32
    %dma_wait3A_229 = tpu.memref_slice %arg4[%multiple_of3A_228] : memref<320000xi32, #tpu.memory_space<hbm>> -> memref<128xi32, #tpu.memory_space<hbm>>
    %dma_wait3A_230 = tpu.memref_slice %arg4[%multiple_of3A_228] : memref<320000xi32, #tpu.memory_space<hbm>> -> memref<128xi32, #tpu.memory_space<hbm>>
    tpu.wait_dma2 semaphore(%arg23 : memref<!tpu.dma_semaphore, #tpu.memory_space<semaphore_mem>>) src(%dma_wait3A_230 : memref<128xi32, #tpu.memory_space<hbm>>) dst(%arg14 : memref<128xi32, #tpu.memory_space<vmem>>)
    "tpu.region"() ({
      %run_scoped3A = tpu.sem_alloc : memref<!tpu.dma_semaphore, #tpu.memory_space<semaphore_mem>>
      %dma_start3A_333 = arith.constant 0 : i32
      %dma_start3A_334 = arith.constant 0 : i32
      %dma_start3A_335 = tpu.memref_slice %arg8[%dma_start3A_333, %dma_start3A_334] : memref<10240x128xf32, #tpu.memory_space<vmem_shared>> -> memref<10240x128xf32, #tpu.memory_space<vmem_shared>>
      tpu.enqueue_indirect_dma source(%arg11 : memref<128x128xf32, #tpu.memory_space<vmem>>) target(%dma_start3A_335 : memref<10240x128xf32, #tpu.memory_space<vmem_shared>>) offsets(%arg14 : memref<128xi32, #tpu.memory_space<vmem>>) semaphore(%run_scoped3A : memref<!tpu.dma_semaphore, #tpu.memory_space<semaphore_mem>>) {add = true}
      %dma_wait3A_336 = arith.constant 0 : i32
      %dma_wait3A_337 = arith.constant 0 : i32
      %dma_wait3A_338 = tpu.memref_slice %arg8[%dma_wait3A_336, %dma_wait3A_337] : memref<10240x128xf32, #tpu.memory_space<vmem_shared>> -> memref<10240x128xf32, #tpu.memory_space<vmem_shared>>
      tpu.wait_indirect_dma semaphore(%run_scoped3A : memref<!tpu.dma_semaphore, #tpu.memory_space<semaphore_mem>>) src(%arg11 : memref<128x128xf32, #tpu.memory_space<vmem>>) dst(%dma_wait3A_338 : memref<10240x128xf32, #tpu.memory_space<vmem_shared>>)
      tpu.yield
    }) : () -> ()
    "tpu.region"() ({
      %run_scoped3A = tpu.sem_alloc : memref<!tpu.dma_semaphore, #tpu.memory_space<semaphore_mem>>
      %dma_start3A_333 = arith.constant 0 : i32
      %dma_start3A_334 = tpu.memref_slice %arg9[%dma_start3A_333] : memref<10240xf32, #tpu.memory_space<vmem_shared>> -> memref<10240xf32, #tpu.memory_space<vmem_shared>>
      tpu.enqueue_indirect_dma source(%arg16 : memref<128xf32, #tpu.memory_space<vmem>>) target(%dma_start3A_334 : memref<10240xf32, #tpu.memory_space<vmem_shared>>) offsets(%arg14 : memref<128xi32, #tpu.memory_space<vmem>>) semaphore(%run_scoped3A : memref<!tpu.dma_semaphore, #tpu.memory_space<semaphore_mem>>) {add = true}
      %dma_wait3A_335 = arith.constant 0 : i32
      %dma_wait3A_336 = tpu.memref_slice %arg9[%dma_wait3A_335] : memref<10240xf32, #tpu.memory_space<vmem_shared>> -> memref<10240xf32, #tpu.memory_space<vmem_shared>>
      tpu.wait_indirect_dma semaphore(%run_scoped3A : memref<!tpu.dma_semaphore, #tpu.memory_space<semaphore_mem>>) src(%arg16 : memref<128xf32, #tpu.memory_space<vmem>>) dst(%dma_wait3A_336 : memref<10240xf32, #tpu.memory_space<vmem_shared>>)
      tpu.yield
    }) : () -> ()
    %multiple_of3A_231 = arith.constant 9856 : i32
    %multiple_of3A_232 = tpu.assume_multiple %multiple_of3A_231, 64 : i32
    %dma_start3A_233 = arith.constant 0 : i32
    %dma_start3A_234 = arith.constant 0 : i32
    %dma_start3A_235 = tpu.memref_slice %arg11[%dma_start3A_233, %dma_start3A_234] : memref<128x128xf32, #tpu.memory_space<vmem>> -> memref<64x128xf32, #tpu.memory_space<vmem>>
    %dma_start3A_236 = tpu.memref_slice %arg12[%multiple_of3A_232] : memref<10000xi32, #tpu.memory_space<vmem>> -> memref<64xi32, #tpu.memory_space<vmem>>
    %dma_start3A_237 = arith.constant 0 : i32
    %dma_start3A_238 = arith.constant 0 : i32
    %dma_start3A_239 = tpu.memref_slice %arg2[%dma_start3A_237, %dma_start3A_238] : memref<10000x128xf32, #tpu.memory_space<hbm>> -> memref<10000x128xf32, #tpu.memory_space<hbm>>
    tpu.enqueue_indirect_dma source(%dma_start3A_239 : memref<10000x128xf32, #tpu.memory_space<hbm>>) target(%dma_start3A_235 : memref<64x128xf32, #tpu.memory_space<vmem>>) offsets(%dma_start3A_236 : memref<64xi32, #tpu.memory_space<vmem>>) semaphore(%arg19 : memref<!tpu.dma_semaphore, #tpu.memory_space<semaphore_mem>>)
    %multiple_of3A_240 = arith.constant 9920 : i32
    %multiple_of3A_241 = tpu.assume_multiple %multiple_of3A_240, 64 : i32
    %dma_start3A_242 = arith.constant 64 : i32
    %dma_start3A_243 = arith.constant 0 : i32
    %dma_start3A_244 = tpu.memref_slice %arg11[%dma_start3A_242, %dma_start3A_243] : memref<128x128xf32, #tpu.memory_space<vmem>> -> memref<64x128xf32, #tpu.memory_space<vmem>>
    %dma_start3A_245 = tpu.memref_slice %arg12[%multiple_of3A_241] : memref<10000xi32, #tpu.memory_space<vmem>> -> memref<64xi32, #tpu.memory_space<vmem>>
    %dma_start3A_246 = arith.constant 0 : i32
    %dma_start3A_247 = arith.constant 0 : i32
    %dma_start3A_248 = tpu.memref_slice %arg2[%dma_start3A_246, %dma_start3A_247] : memref<10000x128xf32, #tpu.memory_space<hbm>> -> memref<10000x128xf32, #tpu.memory_space<hbm>>
    tpu.enqueue_indirect_dma source(%dma_start3A_248 : memref<10000x128xf32, #tpu.memory_space<hbm>>) target(%dma_start3A_244 : memref<64x128xf32, #tpu.memory_space<vmem>>) offsets(%dma_start3A_245 : memref<64xi32, #tpu.memory_space<vmem>>) semaphore(%arg21 : memref<!tpu.dma_semaphore, #tpu.memory_space<semaphore_mem>>)
    %add3A_249 = arith.constant 9856 : i32
    %add3A_250 = arith.addi %mul3A_2, %add3A_249 : i32
    %multiple_of3A_251 = tpu.assume_multiple %add3A_250, 8 : i32
    %dma_start3A_252 = tpu.memref_slice %arg4[%multiple_of3A_251] : memref<320000xi32, #tpu.memory_space<hbm>> -> memref<128xi32, #tpu.memory_space<hbm>>
    %dma_start3A_253 = tpu.memref_slice %arg4[%multiple_of3A_251] : memref<320000xi32, #tpu.memory_space<hbm>> -> memref<128xi32, #tpu.memory_space<hbm>>
    tpu.enqueue_dma source(%dma_start3A_253 : memref<128xi32, #tpu.memory_space<hbm>>) target(%arg14 : memref<128xi32, #tpu.memory_space<vmem>>) target_semaphore(%arg23 : memref<!tpu.dma_semaphore, #tpu.memory_space<semaphore_mem>>)
    %multiple_of3A_254 = arith.constant 9728 : i32
    %multiple_of3A_255 = tpu.assume_multiple %multiple_of3A_254, 64 : i32
    %dma_wait3A_256 = arith.constant 0 : i32
    %dma_wait3A_257 = arith.constant 0 : i32
    %dma_wait3A_258 = tpu.memref_slice %arg10[%dma_wait3A_256, %dma_wait3A_257] : memref<128x128xf32, #tpu.memory_space<vmem>> -> memref<64x128xf32, #tpu.memory_space<vmem>>
    %dma_wait3A_259 = tpu.memref_slice %arg12[%multiple_of3A_255] : memref<10000xi32, #tpu.memory_space<vmem>> -> memref<64xi32, #tpu.memory_space<vmem>>
    %dma_wait3A_260 = arith.constant 0 : i32
    %dma_wait3A_261 = arith.constant 0 : i32
    %dma_wait3A_262 = tpu.memref_slice %arg2[%dma_wait3A_260, %dma_wait3A_261] : memref<10000x128xf32, #tpu.memory_space<hbm>> -> memref<10000x128xf32, #tpu.memory_space<hbm>>
    tpu.wait_indirect_dma semaphore(%arg18 : memref<!tpu.dma_semaphore, #tpu.memory_space<semaphore_mem>>) src(%dma_wait3A_262 : memref<10000x128xf32, #tpu.memory_space<hbm>>) dst(%dma_wait3A_258 : memref<64x128xf32, #tpu.memory_space<vmem>>)
    %multiple_of3A_263 = arith.constant 9792 : i32
    %multiple_of3A_264 = tpu.assume_multiple %multiple_of3A_263, 64 : i32
    %dma_wait3A_265 = arith.constant 64 : i32
    %dma_wait3A_266 = arith.constant 0 : i32
    %dma_wait3A_267 = tpu.memref_slice %arg10[%dma_wait3A_265, %dma_wait3A_266] : memref<128x128xf32, #tpu.memory_space<vmem>> -> memref<64x128xf32, #tpu.memory_space<vmem>>
    %dma_wait3A_268 = tpu.memref_slice %arg12[%multiple_of3A_264] : memref<10000xi32, #tpu.memory_space<vmem>> -> memref<64xi32, #tpu.memory_space<vmem>>
    %dma_wait3A_269 = arith.constant 0 : i32
    %dma_wait3A_270 = arith.constant 0 : i32
    %dma_wait3A_271 = tpu.memref_slice %arg2[%dma_wait3A_269, %dma_wait3A_270] : memref<10000x128xf32, #tpu.memory_space<hbm>> -> memref<10000x128xf32, #tpu.memory_space<hbm>>
    tpu.wait_indirect_dma semaphore(%arg20 : memref<!tpu.dma_semaphore, #tpu.memory_space<semaphore_mem>>) src(%dma_wait3A_271 : memref<10000x128xf32, #tpu.memory_space<hbm>>) dst(%dma_wait3A_267 : memref<64x128xf32, #tpu.memory_space<vmem>>)
    %add3A_272 = arith.constant 9728 : i32
    %add3A_273 = arith.addi %mul3A_2, %add3A_272 : i32
    %multiple_of3A_274 = tpu.assume_multiple %add3A_273, 8 : i32
    %dma_wait3A_275 = tpu.memref_slice %arg4[%multiple_of3A_274] : memref<320000xi32, #tpu.memory_space<hbm>> -> memref<128xi32, #tpu.memory_space<hbm>>
    %dma_wait3A_276 = tpu.memref_slice %arg4[%multiple_of3A_274] : memref<320000xi32, #tpu.memory_space<hbm>> -> memref<128xi32, #tpu.memory_space<hbm>>
    tpu.wait_dma2 semaphore(%arg22 : memref<!tpu.dma_semaphore, #tpu.memory_space<semaphore_mem>>) src(%dma_wait3A_276 : memref<128xi32, #tpu.memory_space<hbm>>) dst(%arg13 : memref<128xi32, #tpu.memory_space<vmem>>)
    "tpu.region"() ({
      %run_scoped3A = tpu.sem_alloc : memref<!tpu.dma_semaphore, #tpu.memory_space<semaphore_mem>>
      %dma_start3A_333 = arith.constant 0 : i32
      %dma_start3A_334 = arith.constant 0 : i32
      %dma_start3A_335 = tpu.memref_slice %arg8[%dma_start3A_333, %dma_start3A_334] : memref<10240x128xf32, #tpu.memory_space<vmem_shared>> -> memref<10240x128xf32, #tpu.memory_space<vmem_shared>>
      tpu.enqueue_indirect_dma source(%arg10 : memref<128x128xf32, #tpu.memory_space<vmem>>) target(%dma_start3A_335 : memref<10240x128xf32, #tpu.memory_space<vmem_shared>>) offsets(%arg13 : memref<128xi32, #tpu.memory_space<vmem>>) semaphore(%run_scoped3A : memref<!tpu.dma_semaphore, #tpu.memory_space<semaphore_mem>>) {add = true}
      %dma_wait3A_336 = arith.constant 0 : i32
      %dma_wait3A_337 = arith.constant 0 : i32
      %dma_wait3A_338 = tpu.memref_slice %arg8[%dma_wait3A_336, %dma_wait3A_337] : memref<10240x128xf32, #tpu.memory_space<vmem_shared>> -> memref<10240x128xf32, #tpu.memory_space<vmem_shared>>
      tpu.wait_indirect_dma semaphore(%run_scoped3A : memref<!tpu.dma_semaphore, #tpu.memory_space<semaphore_mem>>) src(%arg10 : memref<128x128xf32, #tpu.memory_space<vmem>>) dst(%dma_wait3A_338 : memref<10240x128xf32, #tpu.memory_space<vmem_shared>>)
      tpu.yield
    }) : () -> ()
    "tpu.region"() ({
      %run_scoped3A = tpu.sem_alloc : memref<!tpu.dma_semaphore, #tpu.memory_space<semaphore_mem>>
      %dma_start3A_333 = arith.constant 0 : i32
      %dma_start3A_334 = tpu.memref_slice %arg9[%dma_start3A_333] : memref<10240xf32, #tpu.memory_space<vmem_shared>> -> memref<10240xf32, #tpu.memory_space<vmem_shared>>
      tpu.enqueue_indirect_dma source(%arg16 : memref<128xf32, #tpu.memory_space<vmem>>) target(%dma_start3A_334 : memref<10240xf32, #tpu.memory_space<vmem_shared>>) offsets(%arg13 : memref<128xi32, #tpu.memory_space<vmem>>) semaphore(%run_scoped3A : memref<!tpu.dma_semaphore, #tpu.memory_space<semaphore_mem>>) {add = true}
      %dma_wait3A_335 = arith.constant 0 : i32
      %dma_wait3A_336 = tpu.memref_slice %arg9[%dma_wait3A_335] : memref<10240xf32, #tpu.memory_space<vmem_shared>> -> memref<10240xf32, #tpu.memory_space<vmem_shared>>
      tpu.wait_indirect_dma semaphore(%run_scoped3A : memref<!tpu.dma_semaphore, #tpu.memory_space<semaphore_mem>>) src(%arg16 : memref<128xf32, #tpu.memory_space<vmem>>) dst(%dma_wait3A_336 : memref<10240xf32, #tpu.memory_space<vmem_shared>>)
      tpu.yield
    }) : () -> ()
    %multiple_of3A_277 = arith.constant 9856 : i32
    %multiple_of3A_278 = tpu.assume_multiple %multiple_of3A_277, 64 : i32
    %dma_wait3A_279 = arith.constant 0 : i32
    %dma_wait3A_280 = arith.constant 0 : i32
    %dma_wait3A_281 = tpu.memref_slice %arg11[%dma_wait3A_279, %dma_wait3A_280] : memref<128x128xf32, #tpu.memory_space<vmem>> -> memref<64x128xf32, #tpu.memory_space<vmem>>
    %dma_wait3A_282 = tpu.memref_slice %arg12[%multiple_of3A_278] : memref<10000xi32, #tpu.memory_space<vmem>> -> memref<64xi32, #tpu.memory_space<vmem>>
    %dma_wait3A_283 = arith.constant 0 : i32
    %dma_wait3A_284 = arith.constant 0 : i32
    %dma_wait3A_285 = tpu.memref_slice %arg2[%dma_wait3A_283, %dma_wait3A_284] : memref<10000x128xf32, #tpu.memory_space<hbm>> -> memref<10000x128xf32, #tpu.memory_space<hbm>>
    tpu.wait_indirect_dma semaphore(%arg19 : memref<!tpu.dma_semaphore, #tpu.memory_space<semaphore_mem>>) src(%dma_wait3A_285 : memref<10000x128xf32, #tpu.memory_space<hbm>>) dst(%dma_wait3A_281 : memref<64x128xf32, #tpu.memory_space<vmem>>)
    %multiple_of3A_286 = arith.constant 9920 : i32
    %multiple_of3A_287 = tpu.assume_multiple %multiple_of3A_286, 64 : i32
    %dma_wait3A_288 = arith.constant 64 : i32
    %dma_wait3A_289 = arith.constant 0 : i32
    %dma_wait3A_290 = tpu.memref_slice %arg11[%dma_wait3A_288, %dma_wait3A_289] : memref<128x128xf32, #tpu.memory_space<vmem>> -> memref<64x128xf32, #tpu.memory_space<vmem>>
    %dma_wait3A_291 = tpu.memref_slice %arg12[%multiple_of3A_287] : memref<10000xi32, #tpu.memory_space<vmem>> -> memref<64xi32, #tpu.memory_space<vmem>>
    %dma_wait3A_292 = arith.constant 0 : i32
    %dma_wait3A_293 = arith.constant 0 : i32
    %dma_wait3A_294 = tpu.memref_slice %arg2[%dma_wait3A_292, %dma_wait3A_293] : memref<10000x128xf32, #tpu.memory_space<hbm>> -> memref<10000x128xf32, #tpu.memory_space<hbm>>
    tpu.wait_indirect_dma semaphore(%arg21 : memref<!tpu.dma_semaphore, #tpu.memory_space<semaphore_mem>>) src(%dma_wait3A_294 : memref<10000x128xf32, #tpu.memory_space<hbm>>) dst(%dma_wait3A_290 : memref<64x128xf32, #tpu.memory_space<vmem>>)
    %add3A_295 = arith.constant 9856 : i32
    %add3A_296 = arith.addi %mul3A_2, %add3A_295 : i32
    %multiple_of3A_297 = tpu.assume_multiple %add3A_296, 8 : i32
    %dma_wait3A_298 = tpu.memref_slice %arg4[%multiple_of3A_297] : memref<320000xi32, #tpu.memory_space<hbm>> -> memref<128xi32, #tpu.memory_space<hbm>>
    %dma_wait3A_299 = tpu.memref_slice %arg4[%multiple_of3A_297] : memref<320000xi32, #tpu.memory_space<hbm>> -> memref<128xi32, #tpu.memory_space<hbm>>
    tpu.wait_dma2 semaphore(%arg23 : memref<!tpu.dma_semaphore, #tpu.memory_space<semaphore_mem>>) src(%dma_wait3A_299 : memref<128xi32, #tpu.memory_space<hbm>>) dst(%arg14 : memref<128xi32, #tpu.memory_space<vmem>>)
    "tpu.region"() ({
      %run_scoped3A = tpu.sem_alloc : memref<!tpu.dma_semaphore, #tpu.memory_space<semaphore_mem>>
      %dma_start3A_333 = arith.constant 0 : i32
      %dma_start3A_334 = arith.constant 0 : i32
      %dma_start3A_335 = tpu.memref_slice %arg8[%dma_start3A_333, %dma_start3A_334] : memref<10240x128xf32, #tpu.memory_space<vmem_shared>> -> memref<10240x128xf32, #tpu.memory_space<vmem_shared>>
      tpu.enqueue_indirect_dma source(%arg11 : memref<128x128xf32, #tpu.memory_space<vmem>>) target(%dma_start3A_335 : memref<10240x128xf32, #tpu.memory_space<vmem_shared>>) offsets(%arg14 : memref<128xi32, #tpu.memory_space<vmem>>) semaphore(%run_scoped3A : memref<!tpu.dma_semaphore, #tpu.memory_space<semaphore_mem>>) {add = true}
      %dma_wait3A_336 = arith.constant 0 : i32
      %dma_wait3A_337 = arith.constant 0 : i32
      %dma_wait3A_338 = tpu.memref_slice %arg8[%dma_wait3A_336, %dma_wait3A_337] : memref<10240x128xf32, #tpu.memory_space<vmem_shared>> -> memref<10240x128xf32, #tpu.memory_space<vmem_shared>>
      tpu.wait_indirect_dma semaphore(%run_scoped3A : memref<!tpu.dma_semaphore, #tpu.memory_space<semaphore_mem>>) src(%arg11 : memref<128x128xf32, #tpu.memory_space<vmem>>) dst(%dma_wait3A_338 : memref<10240x128xf32, #tpu.memory_space<vmem_shared>>)
      tpu.yield
    }) : () -> ()
    "tpu.region"() ({
      %run_scoped3A = tpu.sem_alloc : memref<!tpu.dma_semaphore, #tpu.memory_space<semaphore_mem>>
      %dma_start3A_333 = arith.constant 0 : i32
      %dma_start3A_334 = tpu.memref_slice %arg9[%dma_start3A_333] : memref<10240xf32, #tpu.memory_space<vmem_shared>> -> memref<10240xf32, #tpu.memory_space<vmem_shared>>
      tpu.enqueue_indirect_dma source(%arg16 : memref<128xf32, #tpu.memory_space<vmem>>) target(%dma_start3A_334 : memref<10240xf32, #tpu.memory_space<vmem_shared>>) offsets(%arg14 : memref<128xi32, #tpu.memory_space<vmem>>) semaphore(%run_scoped3A : memref<!tpu.dma_semaphore, #tpu.memory_space<semaphore_mem>>) {add = true}
      %dma_wait3A_335 = arith.constant 0 : i32
      %dma_wait3A_336 = tpu.memref_slice %arg9[%dma_wait3A_335] : memref<10240xf32, #tpu.memory_space<vmem_shared>> -> memref<10240xf32, #tpu.memory_space<vmem_shared>>
      tpu.wait_indirect_dma semaphore(%run_scoped3A : memref<!tpu.dma_semaphore, #tpu.memory_space<semaphore_mem>>) src(%arg16 : memref<128xf32, #tpu.memory_space<vmem>>) dst(%dma_wait3A_336 : memref<10240xf32, #tpu.memory_space<vmem_shared>>)
      tpu.yield
    }) : () -> ()
    %add3A_300 = arith.constant 9984 : i32
    %add3A_301 = arith.addi %mul3A_2, %add3A_300 : i32
    %multiple_of3A_302 = tpu.assume_multiple %add3A_301, 8 : i32
    "tpu.region"() ({
      %run_scoped3A = tpu.sem_alloc : memref<!tpu.dma_semaphore, #tpu.memory_space<semaphore_mem>>
      %dma_start3A_333 = tpu.memref_slice %arg4[%multiple_of3A_302] : memref<320000xi32, #tpu.memory_space<hbm>> -> memref<16xi32, #tpu.memory_space<hbm>>
      %dma_start3A_334 = tpu.memref_slice %arg4[%multiple_of3A_302] : memref<320000xi32, #tpu.memory_space<hbm>> -> memref<16xi32, #tpu.memory_space<hbm>>
      tpu.enqueue_dma source(%dma_start3A_334 : memref<16xi32, #tpu.memory_space<hbm>>) target(%arg15 : memref<16xi32, #tpu.memory_space<vmem>>) target_semaphore(%run_scoped3A : memref<!tpu.dma_semaphore, #tpu.memory_space<semaphore_mem>>)
      %dma_wait3A_335 = tpu.memref_slice %arg4[%multiple_of3A_302] : memref<320000xi32, #tpu.memory_space<hbm>> -> memref<16xi32, #tpu.memory_space<hbm>>
      %dma_wait3A_336 = tpu.memref_slice %arg4[%multiple_of3A_302] : memref<320000xi32, #tpu.memory_space<hbm>> -> memref<16xi32, #tpu.memory_space<hbm>>
      tpu.wait_dma2 semaphore(%run_scoped3A : memref<!tpu.dma_semaphore, #tpu.memory_space<semaphore_mem>>) src(%dma_wait3A_336 : memref<16xi32, #tpu.memory_space<hbm>>) dst(%arg15 : memref<16xi32, #tpu.memory_space<vmem>>)
      tpu.yield
    }) : () -> ()
    %multiple_of3A_303 = arith.constant 9984 : i32
    %multiple_of3A_304 = tpu.assume_multiple %multiple_of3A_303, 8 : i32
    %dma_start3A_305 = arith.constant 0 : i32
    %dma_start3A_306 = arith.constant 0 : i32
    %dma_start3A_307 = tpu.memref_slice %arg10[%dma_start3A_305, %dma_start3A_306] : memref<128x128xf32, #tpu.memory_space<vmem>> -> memref<16x128xf32, #tpu.memory_space<vmem>>
    %dma_start3A_308 = tpu.memref_slice %arg12[%multiple_of3A_304] : memref<10000xi32, #tpu.memory_space<vmem>> -> memref<16xi32, #tpu.memory_space<vmem>>
    %dma_start3A_309 = arith.constant 0 : i32
    %dma_start3A_310 = arith.constant 0 : i32
    %dma_start3A_311 = tpu.memref_slice %arg2[%dma_start3A_309, %dma_start3A_310] : memref<10000x128xf32, #tpu.memory_space<hbm>> -> memref<10000x128xf32, #tpu.memory_space<hbm>>
    tpu.enqueue_indirect_dma source(%dma_start3A_311 : memref<10000x128xf32, #tpu.memory_space<hbm>>) target(%dma_start3A_307 : memref<16x128xf32, #tpu.memory_space<vmem>>) offsets(%dma_start3A_308 : memref<16xi32, #tpu.memory_space<vmem>>) semaphore(%arg18 : memref<!tpu.dma_semaphore, #tpu.memory_space<semaphore_mem>>)
    %multiple_of3A_312 = arith.constant 9984 : i32
    %multiple_of3A_313 = tpu.assume_multiple %multiple_of3A_312, 8 : i32
    %dma_wait3A_314 = arith.constant 0 : i32
    %dma_wait3A_315 = arith.constant 0 : i32
    %dma_wait3A_316 = tpu.memref_slice %arg10[%dma_wait3A_314, %dma_wait3A_315] : memref<128x128xf32, #tpu.memory_space<vmem>> -> memref<16x128xf32, #tpu.memory_space<vmem>>
    %dma_wait3A_317 = tpu.memref_slice %arg12[%multiple_of3A_313] : memref<10000xi32, #tpu.memory_space<vmem>> -> memref<16xi32, #tpu.memory_space<vmem>>
    %dma_wait3A_318 = arith.constant 0 : i32
    %dma_wait3A_319 = arith.constant 0 : i32
    %dma_wait3A_320 = tpu.memref_slice %arg2[%dma_wait3A_318, %dma_wait3A_319] : memref<10000x128xf32, #tpu.memory_space<hbm>> -> memref<10000x128xf32, #tpu.memory_space<hbm>>
    tpu.wait_indirect_dma semaphore(%arg18 : memref<!tpu.dma_semaphore, #tpu.memory_space<semaphore_mem>>) src(%dma_wait3A_320 : memref<10000x128xf32, #tpu.memory_space<hbm>>) dst(%dma_wait3A_316 : memref<16x128xf32, #tpu.memory_space<vmem>>)
    "tpu.region"() ({
      %run_scoped3A = tpu.sem_alloc : memref<!tpu.dma_semaphore, #tpu.memory_space<semaphore_mem>>
      %dma_start3A_333 = arith.constant 0 : i32
      %dma_start3A_334 = arith.constant 0 : i32
      %dma_start3A_335 = tpu.memref_slice %arg10[%dma_start3A_333, %dma_start3A_334] : memref<128x128xf32, #tpu.memory_space<vmem>> -> memref<16x128xf32, #tpu.memory_space<vmem>>
      %dma_start3A_336 = arith.constant 0 : i32
      %dma_start3A_337 = arith.constant 0 : i32
      %dma_start3A_338 = tpu.memref_slice %arg8[%dma_start3A_336, %dma_start3A_337] : memref<10240x128xf32, #tpu.memory_space<vmem_shared>> -> memref<10240x128xf32, #tpu.memory_space<vmem_shared>>
      tpu.enqueue_indirect_dma source(%dma_start3A_335 : memref<16x128xf32, #tpu.memory_space<vmem>>) target(%dma_start3A_338 : memref<10240x128xf32, #tpu.memory_space<vmem_shared>>) offsets(%arg15 : memref<16xi32, #tpu.memory_space<vmem>>) semaphore(%run_scoped3A : memref<!tpu.dma_semaphore, #tpu.memory_space<semaphore_mem>>) {add = true}
      %dma_wait3A_339 = arith.constant 0 : i32
      %dma_wait3A_340 = arith.constant 0 : i32
      %dma_wait3A_341 = tpu.memref_slice %arg10[%dma_wait3A_339, %dma_wait3A_340] : memref<128x128xf32, #tpu.memory_space<vmem>> -> memref<16x128xf32, #tpu.memory_space<vmem>>
      %dma_wait3A_342 = arith.constant 0 : i32
      %dma_wait3A_343 = arith.constant 0 : i32
      %dma_wait3A_344 = tpu.memref_slice %arg8[%dma_wait3A_342, %dma_wait3A_343] : memref<10240x128xf32, #tpu.memory_space<vmem_shared>> -> memref<10240x128xf32, #tpu.memory_space<vmem_shared>>
      tpu.wait_indirect_dma semaphore(%run_scoped3A : memref<!tpu.dma_semaphore, #tpu.memory_space<semaphore_mem>>) src(%dma_wait3A_341 : memref<16x128xf32, #tpu.memory_space<vmem>>) dst(%dma_wait3A_344 : memref<10240x128xf32, #tpu.memory_space<vmem_shared>>)
      tpu.yield
    }) : () -> ()
    "tpu.region"() ({
      %run_scoped3A = tpu.sem_alloc : memref<!tpu.dma_semaphore, #tpu.memory_space<semaphore_mem>>
      %dma_start3A_333 = arith.constant 0 : i32
      %dma_start3A_334 = tpu.memref_slice %arg16[%dma_start3A_333] : memref<128xf32, #tpu.memory_space<vmem>> -> memref<16xf32, #tpu.memory_space<vmem>>
      %dma_start3A_335 = arith.constant 0 : i32
      %dma_start3A_336 = tpu.memref_slice %arg9[%dma_start3A_335] : memref<10240xf32, #tpu.memory_space<vmem_shared>> -> memref<10240xf32, #tpu.memory_space<vmem_shared>>
      tpu.enqueue_indirect_dma source(%dma_start3A_334 : memref<16xf32, #tpu.memory_space<vmem>>) target(%dma_start3A_336 : memref<10240xf32, #tpu.memory_space<vmem_shared>>) offsets(%arg15 : memref<16xi32, #tpu.memory_space<vmem>>) semaphore(%run_scoped3A : memref<!tpu.dma_semaphore, #tpu.memory_space<semaphore_mem>>) {add = true}
      %dma_wait3A_337 = arith.constant 0 : i32
      %dma_wait3A_338 = tpu.memref_slice %arg16[%dma_wait3A_337] : memref<128xf32, #tpu.memory_space<vmem>> -> memref<16xf32, #tpu.memory_space<vmem>>
      %dma_wait3A_339 = arith.constant 0 : i32
      %dma_wait3A_340 = tpu.memref_slice %arg9[%dma_wait3A_339] : memref<10240xf32, #tpu.memory_space<vmem_shared>> -> memref<10240xf32, #tpu.memory_space<vmem_shared>>
      tpu.wait_indirect_dma semaphore(%run_scoped3A : memref<!tpu.dma_semaphore, #tpu.memory_space<semaphore_mem>>) src(%dma_wait3A_338 : memref<16xf32, #tpu.memory_space<vmem>>) dst(%dma_wait3A_340 : memref<10240xf32, #tpu.memory_space<vmem_shared>>)
      tpu.yield
    }) : () -> ()
    %barrier3A_321 = arith.constant 0 : index
    tpu.barrier barrier_id(%barrier3A_321)
    %mul3A_322 = arith.constant 640 : i32
    %mul3A_323 = arith.muli %arg1, %mul3A_322 : i32
    %mul3A_324 = arith.constant 640 : i32
    %mul3A_325 = arith.muli %arg1, %mul3A_324 : i32
    "tpu.region"() ({
      %run_scoped3A = tpu.sem_alloc : memref<!tpu.dma_semaphore, #tpu.memory_space<semaphore_mem>>
      %dma_start3A_333 = arith.constant 0 : i32
      %dma_start3A_334 = tpu.memref_slice %arg5[%arg0, %mul3A_325, %dma_start3A_333] : memref<2x10240x128xf32, #tpu.memory_space<hbm>> -> memref<1x640x128xf32, #tpu.memory_space<hbm>>
      %dma_start3A_335 = tpu.memref_squeeze %dma_start3A_334 : memref<1x640x128xf32, #tpu.memory_space<hbm>> -> memref<640x128xf32, #tpu.memory_space<hbm>>
      %dma_start3A_336 = arith.constant 0 : i32
      %dma_start3A_337 = tpu.memref_slice %arg8[%mul3A_323, %dma_start3A_336] : memref<10240x128xf32, #tpu.memory_space<vmem_shared>> -> memref<640x128xf32, #tpu.memory_space<vmem_shared>>
      tpu.enqueue_dma source(%dma_start3A_337 : memref<640x128xf32, #tpu.memory_space<vmem_shared>>) target(%dma_start3A_335 : memref<640x128xf32, #tpu.memory_space<hbm>>) target_semaphore(%run_scoped3A : memref<!tpu.dma_semaphore, #tpu.memory_space<semaphore_mem>>)
      %dma_wait3A_338 = arith.constant 0 : i32
      %dma_wait3A_339 = tpu.memref_slice %arg5[%arg0, %mul3A_325, %dma_wait3A_338] : memref<2x10240x128xf32, #tpu.memory_space<hbm>> -> memref<1x640x128xf32, #tpu.memory_space<hbm>>
      %dma_wait3A_340 = tpu.memref_squeeze %dma_wait3A_339 : memref<1x640x128xf32, #tpu.memory_space<hbm>> -> memref<640x128xf32, #tpu.memory_space<hbm>>
      %dma_wait3A_341 = arith.constant 0 : i32
      %dma_wait3A_342 = tpu.memref_slice %arg8[%mul3A_323, %dma_wait3A_341] : memref<10240x128xf32, #tpu.memory_space<vmem_shared>> -> memref<640x128xf32, #tpu.memory_space<vmem_shared>>
      tpu.wait_dma2 semaphore(%run_scoped3A : memref<!tpu.dma_semaphore, #tpu.memory_space<semaphore_mem>>) src(%dma_wait3A_342 : memref<640x128xf32, #tpu.memory_space<vmem_shared>>) dst(%dma_wait3A_340 : memref<640x128xf32, #tpu.memory_space<hbm>>)
      tpu.yield
    }) : () -> ()
    %eq3A = arith.constant 0 : i32
    %eq3A_326 = arith.cmpi eq, %arg0, %eq3A : i32
    %convert_element_type3A = arith.extui %eq3A_326 : i1 to i32
    %cond3A = arith.constant 0 : i32
    %cond3A_327 = arith.cmpi ne, %convert_element_type3A, %cond3A : i32
    scf.if %cond3A_327 {
      %mul3A_333 = arith.constant 640 : i32
      %mul3A_334 = arith.muli %arg1, %mul3A_333 : i32
      %mul3A_335 = arith.constant 640 : i32
      %mul3A_336 = arith.muli %arg1, %mul3A_335 : i32
      "tpu.region"() ({
        %run_scoped3A = tpu.sem_alloc : memref<!tpu.dma_semaphore, #tpu.memory_space<semaphore_mem>>
        %dma_start3A_337 = tpu.memref_slice %arg6[%mul3A_336] : memref<10240xf32, #tpu.memory_space<hbm>> -> memref<640xf32, #tpu.memory_space<hbm>>
        %dma_start3A_338 = tpu.memref_slice %arg9[%mul3A_334] : memref<10240xf32, #tpu.memory_space<vmem_shared>> -> memref<640xf32, #tpu.memory_space<vmem_shared>>
        tpu.enqueue_dma source(%dma_start3A_338 : memref<640xf32, #tpu.memory_space<vmem_shared>>) target(%dma_start3A_337 : memref<640xf32, #tpu.memory_space<hbm>>) target_semaphore(%run_scoped3A : memref<!tpu.dma_semaphore, #tpu.memory_space<semaphore_mem>>)
        %dma_wait3A_339 = tpu.memref_slice %arg6[%mul3A_336] : memref<10240xf32, #tpu.memory_space<hbm>> -> memref<640xf32, #tpu.memory_space<hbm>>
        %dma_wait3A_340 = tpu.memref_slice %arg9[%mul3A_334] : memref<10240xf32, #tpu.memory_space<vmem_shared>> -> memref<640xf32, #tpu.memory_space<vmem_shared>>
        tpu.wait_dma2 semaphore(%run_scoped3A : memref<!tpu.dma_semaphore, #tpu.memory_space<semaphore_mem>>) src(%dma_wait3A_340 : memref<640xf32, #tpu.memory_space<vmem_shared>>) dst(%dma_wait3A_339 : memref<640xf32, #tpu.memory_space<hbm>>)
        tpu.yield
      }) : () -> ()
    } else {
    }
    %eq3A_328 = arith.constant 1 : i32
    %eq3A_329 = arith.cmpi eq, %arg0, %eq3A_328 : i32
    %convert_element_type3A_330 = arith.extui %eq3A_329 : i1 to i32
    %cond3A_331 = arith.constant 0 : i32
    %cond3A_332 = arith.cmpi ne, %convert_element_type3A_330, %cond3A_331 : i32
    scf.if %cond3A_332 {
      %mul3A_333 = arith.constant 640 : i32
      %mul3A_334 = arith.muli %arg1, %mul3A_333 : i32
      %mul3A_335 = arith.constant 640 : i32
      %mul3A_336 = arith.muli %arg1, %mul3A_335 : i32
      "tpu.region"() ({
        %run_scoped3A = tpu.sem_alloc : memref<!tpu.dma_semaphore, #tpu.memory_space<semaphore_mem>>
        %dma_start3A_337 = tpu.memref_slice %arg7[%mul3A_336] : memref<10240xf32, #tpu.memory_space<hbm>> -> memref<640xf32, #tpu.memory_space<hbm>>
        %dma_start3A_338 = tpu.memref_slice %arg9[%mul3A_334] : memref<10240xf32, #tpu.memory_space<vmem_shared>> -> memref<640xf32, #tpu.memory_space<vmem_shared>>
        tpu.enqueue_dma source(%dma_start3A_338 : memref<640xf32, #tpu.memory_space<vmem_shared>>) target(%dma_start3A_337 : memref<640xf32, #tpu.memory_space<hbm>>) target_semaphore(%run_scoped3A : memref<!tpu.dma_semaphore, #tpu.memory_space<semaphore_mem>>)
        %dma_wait3A_339 = tpu.memref_slice %arg7[%mul3A_336] : memref<10240xf32, #tpu.memory_space<hbm>> -> memref<640xf32, #tpu.memory_space<hbm>>
        %dma_wait3A_340 = tpu.memref_slice %arg9[%mul3A_334] : memref<10240xf32, #tpu.memory_space<vmem_shared>> -> memref<640xf32, #tpu.memory_space<vmem_shared>>
        tpu.wait_dma2 semaphore(%run_scoped3A : memref<!tpu.dma_semaphore, #tpu.memory_space<semaphore_mem>>) src(%dma_wait3A_340 : memref<640xf32, #tpu.memory_space<vmem_shared>>) dst(%dma_wait3A_339 : memref<640xf32, #tpu.memory_space<hbm>>)
        tpu.yield
      }) : () -> ()
    } else {
    }
    return
  }
}

#map = affine_map<(d0, d1) -> (0, 0)>
#map1 = affine_map<(d0, d1) -> (0)>
#map2 = affine_map<(d0, d1) -> (0, 0, 0)>
module attributes {stable_mosaic.version = 14 : i64} {
  func.func @body(%arg0: i32, %arg1: i32, %arg2: memref<10000x128xf32, #tpu.memory_space<hbm>>, %arg3: memref<320000xi32, #tpu.memory_space<hbm>>, %arg4: memref<320000xi32, #tpu.memory_space<hbm>>, %arg5: memref<2x10240x128xf32, #tpu.memory_space<hbm>>, %arg6: memref<10240x128xf32, #tpu.memory_space<vmem_shared>>, %arg7: memref<128x128xf32, #tpu.memory_space<vmem>>, %arg8: memref<128x128xf32, #tpu.memory_space<vmem>>, %arg9: memref<10000xi32, #tpu.memory_space<vmem>>, %arg10: memref<128xi32, #tpu.memory_space<vmem>>, %arg11: memref<128xi32, #tpu.memory_space<vmem>>, %arg12: memref<16xi32, #tpu.memory_space<vmem>>, %arg13: memref<!tpu.dma_semaphore, #tpu.memory_space<semaphore_mem>>, %arg14: memref<!tpu.dma_semaphore, #tpu.memory_space<semaphore_mem>>, %arg15: memref<!tpu.dma_semaphore, #tpu.memory_space<semaphore_mem>>, %arg16: memref<!tpu.dma_semaphore, #tpu.memory_space<semaphore_mem>>, %arg17: memref<!tpu.dma_semaphore, #tpu.memory_space<semaphore_mem>>, %arg18: memref<!tpu.dma_semaphore, #tpu.memory_space<semaphore_mem>>) attributes {dimension_semantics = [#tpu.dimension_semantics<core_parallel>, #tpu.dimension_semantics<subcore_parallel>], iteration_bounds = array<i64: 2, 16>, scalar_prefetch = 0 : i64, scratch_operands = 13 : i64, tpu.core_type = #tpu.core_type<sc_vector_subcore>, window_params = [{transform_indices = #map}, {transform_indices = #map1}, {transform_indices = #map1}, {transform_indices = #map2}]} {
    %mul3A = arith.constant 16 : i32
    %mul3A_0 = arith.muli %arg0, %mul3A : i32
    %add3A = arith.addi %mul3A_0, %arg1 : i32
    %mul3A_1 = arith.constant 10000 : i32
    %mul3A_2 = arith.muli %add3A, %mul3A_1 : i32
    %broadcast_in_dim3A = arith.constant 0.000000e+00 : f32
    %broadcast_in_dim3A_3 = vector.broadcast %broadcast_in_dim3A : f32 to vector<16xf32>
    %scan3A = arith.constant 0 : i32
    %scan3A_4 = arith.constant 0 : i32
    %scan3A_5 = arith.constant 1024 : i32
    %scan3A_6 = arith.addi %scan3A_4, %scan3A_5 : i32
    %scan3A_7 = arith.constant 1 : i32
    scf.for %scan3A_302 = %scan3A_4 to %scan3A_6 step %scan3A_7  : i32 {
      %jit3A = arith.constant 8 : i32
      %div3A = arith.divsi %scan3A_302, %jit3A : i32
      %sign3A = arith.constant 0 : i32
      %sign3A_303 = arith.cmpi sgt, %scan3A_302, %sign3A : i32
      %sign3A_304 = arith.extui %sign3A_303 : i1 to i32
      %sign3A_305 = arith.constant 0 : i32
      %sign3A_306 = arith.cmpi slt, %scan3A_302, %sign3A_305 : i32
      %sign3A_307 = arith.extui %sign3A_306 : i1 to i32
      %sign3A_308 = arith.subi %sign3A_304, %sign3A_307 : i32
      %sign3A_309 = arith.constant 0 : i32
      %sign3A_310 = arith.cmpi sgt, %jit3A, %sign3A_309 : i32
      %sign3A_311 = arith.extui %sign3A_310 : i1 to i32
      %sign3A_312 = arith.constant 0 : i32
      %sign3A_313 = arith.cmpi slt, %jit3A, %sign3A_312 : i32
      %sign3A_314 = arith.extui %sign3A_313 : i1 to i32
      %sign3A_315 = arith.subi %sign3A_311, %sign3A_314 : i32
      %ne3A = arith.cmpi ne, %sign3A_308, %sign3A_315 : i32
      %rem3A = arith.remsi %scan3A_302, %jit3A : i32
      %ne3A_316 = arith.constant 0 : i32
      %ne3A_317 = arith.cmpi ne, %rem3A, %ne3A_316 : i32
      %and3A = arith.andi %ne3A, %ne3A_317 : i1
      %sub3A = arith.constant 1 : i32
      %sub3A_318 = arith.subi %div3A, %sub3A : i32
      %select_n3A = arith.select %and3A, %sub3A_318, %div3A : i32
      %jit3A_319 = arith.constant 8 : i32
      %eq3A = arith.constant 0 : i32
      %eq3A_320 = arith.cmpi eq, %jit3A_319, %eq3A : i32
      %jit3A_321 = arith.constant 1 : i32
      %select_n3A_322 = arith.select %eq3A_320, %jit3A_321, %jit3A_319 : i32
      %rem3A_323 = arith.remsi %scan3A_302, %select_n3A_322 : i32
      %ne3A_324 = arith.constant 0 : i32
      %ne3A_325 = arith.cmpi ne, %rem3A_323, %ne3A_324 : i32
      %lt3A = arith.constant 0 : i32
      %lt3A_326 = arith.cmpi slt, %rem3A_323, %lt3A : i32
      %lt3A_327 = arith.constant 0 : i32
      %lt3A_328 = arith.cmpi slt, %select_n3A_322, %lt3A_327 : i32
      %ne3A_329 = arith.xori %lt3A_326, %lt3A_328 : i1
      %and3A_330 = arith.andi %ne3A_329, %ne3A_325 : i1
      %add3A_331 = arith.addi %rem3A_323, %select_n3A_322 : i32
      %select_n3A_332 = arith.select %and3A_330, %add3A_331, %rem3A_323 : i32
      %mul3A_333 = arith.constant 16 : i32
      %mul3A_334 = arith.muli %select_n3A_332, %mul3A_333 : i32
      %swap3A = arith.index_cast %select_n3A : i32 to index
      %swap3A_335 = arith.index_cast %mul3A_334 : i32 to index
      %swap3A_336 = tpu.vector_load %arg7[%swap3A, %swap3A_335] {strides = array<i32>} : memref<128x128xf32, #tpu.memory_space<vmem>>, vector<1x16xf32>,
      %swap3A_337 = vector.shape_cast %swap3A_336 : vector<1x16xf32> to vector<16xf32>
      %swap3A_338 = vector.shape_cast %broadcast_in_dim3A_3 : vector<16xf32> to vector<1x16xf32>
      tpu.vector_store %arg7[%swap3A, %swap3A_335], %swap3A_338 {strides = array<i32>} : memref<128x128xf32, #tpu.memory_space<vmem>>, vector<1x16xf32>,
    }
    %scan3A_8 = arith.constant 1024 : i32
    %mul3A_9 = arith.constant 640 : i32
    %mul3A_10 = arith.muli %arg1, %mul3A_9 : i32
    %add3A_11 = arith.constant 0 : i32
    %add3A_12 = arith.addi %mul3A_10, %add3A_11 : i32
    %dma_start3A = arith.constant 0 : i32
    %dma_start3A_13 = tpu.memref_slice %arg6[%add3A_12, %dma_start3A] : memref<10240x128xf32, #tpu.memory_space<vmem_shared>> -> memref<128x128xf32, #tpu.memory_space<vmem_shared>>
    %dma_start3A_14 = arith.constant 0 : i32
    %dma_start3A_15 = tpu.memref_slice %arg6[%add3A_12, %dma_start3A_14] : memref<10240x128xf32, #tpu.memory_space<vmem_shared>> -> memref<128x128xf32, #tpu.memory_space<vmem_shared>>
    tpu.enqueue_dma source(%arg7 : memref<128x128xf32, #tpu.memory_space<vmem>>) target(%dma_start3A_15 : memref<128x128xf32, #tpu.memory_space<vmem_shared>>) target_semaphore(%arg13 : memref<!tpu.dma_semaphore, #tpu.memory_space<semaphore_mem>>)
    %mul3A_16 = arith.constant 640 : i32
    %mul3A_17 = arith.muli %arg1, %mul3A_16 : i32
    %add3A_18 = arith.constant 128 : i32
    %add3A_19 = arith.addi %mul3A_17, %add3A_18 : i32
    %dma_start3A_20 = arith.constant 0 : i32
    %dma_start3A_21 = tpu.memref_slice %arg6[%add3A_19, %dma_start3A_20] : memref<10240x128xf32, #tpu.memory_space<vmem_shared>> -> memref<128x128xf32, #tpu.memory_space<vmem_shared>>
    %dma_start3A_22 = arith.constant 0 : i32
    %dma_start3A_23 = tpu.memref_slice %arg6[%add3A_19, %dma_start3A_22] : memref<10240x128xf32, #tpu.memory_space<vmem_shared>> -> memref<128x128xf32, #tpu.memory_space<vmem_shared>>
    tpu.enqueue_dma source(%arg7 : memref<128x128xf32, #tpu.memory_space<vmem>>) target(%dma_start3A_23 : memref<128x128xf32, #tpu.memory_space<vmem_shared>>) target_semaphore(%arg13 : memref<!tpu.dma_semaphore, #tpu.memory_space<semaphore_mem>>)
    %mul3A_24 = arith.constant 640 : i32
    %mul3A_25 = arith.muli %arg1, %mul3A_24 : i32
    %add3A_26 = arith.constant 256 : i32
    %add3A_27 = arith.addi %mul3A_25, %add3A_26 : i32
    %dma_start3A_28 = arith.constant 0 : i32
    %dma_start3A_29 = tpu.memref_slice %arg6[%add3A_27, %dma_start3A_28] : memref<10240x128xf32, #tpu.memory_space<vmem_shared>> -> memref<128x128xf32, #tpu.memory_space<vmem_shared>>
    %dma_start3A_30 = arith.constant 0 : i32
    %dma_start3A_31 = tpu.memref_slice %arg6[%add3A_27, %dma_start3A_30] : memref<10240x128xf32, #tpu.memory_space<vmem_shared>> -> memref<128x128xf32, #tpu.memory_space<vmem_shared>>
    tpu.enqueue_dma source(%arg7 : memref<128x128xf32, #tpu.memory_space<vmem>>) target(%dma_start3A_31 : memref<128x128xf32, #tpu.memory_space<vmem_shared>>) target_semaphore(%arg13 : memref<!tpu.dma_semaphore, #tpu.memory_space<semaphore_mem>>)
    %mul3A_32 = arith.constant 640 : i32
    %mul3A_33 = arith.muli %arg1, %mul3A_32 : i32
    %add3A_34 = arith.constant 384 : i32
    %add3A_35 = arith.addi %mul3A_33, %add3A_34 : i32
    %dma_start3A_36 = arith.constant 0 : i32
    %dma_start3A_37 = tpu.memref_slice %arg6[%add3A_35, %dma_start3A_36] : memref<10240x128xf32, #tpu.memory_space<vmem_shared>> -> memref<128x128xf32, #tpu.memory_space<vmem_shared>>
    %dma_start3A_38 = arith.constant 0 : i32
    %dma_start3A_39 = tpu.memref_slice %arg6[%add3A_35, %dma_start3A_38] : memref<10240x128xf32, #tpu.memory_space<vmem_shared>> -> memref<128x128xf32, #tpu.memory_space<vmem_shared>>
    tpu.enqueue_dma source(%arg7 : memref<128x128xf32, #tpu.memory_space<vmem>>) target(%dma_start3A_39 : memref<128x128xf32, #tpu.memory_space<vmem_shared>>) target_semaphore(%arg13 : memref<!tpu.dma_semaphore, #tpu.memory_space<semaphore_mem>>)
    %mul3A_40 = arith.constant 640 : i32
    %mul3A_41 = arith.muli %arg1, %mul3A_40 : i32
    %add3A_42 = arith.constant 512 : i32
    %add3A_43 = arith.addi %mul3A_41, %add3A_42 : i32
    %dma_start3A_44 = arith.constant 0 : i32
    %dma_start3A_45 = tpu.memref_slice %arg6[%add3A_43, %dma_start3A_44] : memref<10240x128xf32, #tpu.memory_space<vmem_shared>> -> memref<128x128xf32, #tpu.memory_space<vmem_shared>>
    %dma_start3A_46 = arith.constant 0 : i32
    %dma_start3A_47 = tpu.memref_slice %arg6[%add3A_43, %dma_start3A_46] : memref<10240x128xf32, #tpu.memory_space<vmem_shared>> -> memref<128x128xf32, #tpu.memory_space<vmem_shared>>
    tpu.enqueue_dma source(%arg7 : memref<128x128xf32, #tpu.memory_space<vmem>>) target(%dma_start3A_47 : memref<128x128xf32, #tpu.memory_space<vmem_shared>>) target_semaphore(%arg13 : memref<!tpu.dma_semaphore, #tpu.memory_space<semaphore_mem>>)
    "tpu.region"() ({
      %run_scoped3A = tpu.sem_alloc : memref<!tpu.dma_semaphore, #tpu.memory_space<semaphore_mem>>
      %dma_start3A_302 = tpu.memref_slice %arg3[%mul3A_2] : memref<320000xi32, #tpu.memory_space<hbm>> -> memref<10000xi32, #tpu.memory_space<hbm>>
      %dma_start3A_303 = tpu.memref_slice %arg3[%mul3A_2] : memref<320000xi32, #tpu.memory_space<hbm>> -> memref<10000xi32, #tpu.memory_space<hbm>>
      tpu.enqueue_dma source(%dma_start3A_303 : memref<10000xi32, #tpu.memory_space<hbm>>) target(%arg9 : memref<10000xi32, #tpu.memory_space<vmem>>) target_semaphore(%run_scoped3A : memref<!tpu.dma_semaphore, #tpu.memory_space<semaphore_mem>>)
      %dma_wait3A_304 = tpu.memref_slice %arg3[%mul3A_2] : memref<320000xi32, #tpu.memory_space<hbm>> -> memref<10000xi32, #tpu.memory_space<hbm>>
      %dma_wait3A_305 = tpu.memref_slice %arg3[%mul3A_2] : memref<320000xi32, #tpu.memory_space<hbm>> -> memref<10000xi32, #tpu.memory_space<hbm>>
      tpu.wait_dma2 semaphore(%run_scoped3A : memref<!tpu.dma_semaphore, #tpu.memory_space<semaphore_mem>>) src(%dma_wait3A_305 : memref<10000xi32, #tpu.memory_space<hbm>>) dst(%arg9 : memref<10000xi32, #tpu.memory_space<vmem>>)
      tpu.yield
    }) : () -> ()
    %mul3A_48 = arith.constant 640 : i32
    %mul3A_49 = arith.muli %arg1, %mul3A_48 : i32
    %add3A_50 = arith.constant 0 : i32
    %add3A_51 = arith.addi %mul3A_49, %add3A_50 : i32
    %dma_wait3A = arith.constant 0 : i32
    %dma_wait3A_52 = tpu.memref_slice %arg6[%add3A_51, %dma_wait3A] : memref<10240x128xf32, #tpu.memory_space<vmem_shared>> -> memref<128x128xf32, #tpu.memory_space<vmem_shared>>
    %dma_wait3A_53 = arith.constant 0 : i32
    %dma_wait3A_54 = tpu.memref_slice %arg6[%add3A_51, %dma_wait3A_53] : memref<10240x128xf32, #tpu.memory_space<vmem_shared>> -> memref<128x128xf32, #tpu.memory_space<vmem_shared>>
    tpu.wait_dma2 semaphore(%arg13 : memref<!tpu.dma_semaphore, #tpu.memory_space<semaphore_mem>>) src(%arg7 : memref<128x128xf32, #tpu.memory_space<vmem>>) dst(%dma_wait3A_54 : memref<128x128xf32, #tpu.memory_space<vmem_shared>>)
    %mul3A_55 = arith.constant 640 : i32
    %mul3A_56 = arith.muli %arg1, %mul3A_55 : i32
    %add3A_57 = arith.constant 128 : i32
    %add3A_58 = arith.addi %mul3A_56, %add3A_57 : i32
    %dma_wait3A_59 = arith.constant 0 : i32
    %dma_wait3A_60 = tpu.memref_slice %arg6[%add3A_58, %dma_wait3A_59] : memref<10240x128xf32, #tpu.memory_space<vmem_shared>> -> memref<128x128xf32, #tpu.memory_space<vmem_shared>>
    %dma_wait3A_61 = arith.constant 0 : i32
    %dma_wait3A_62 = tpu.memref_slice %arg6[%add3A_58, %dma_wait3A_61] : memref<10240x128xf32, #tpu.memory_space<vmem_shared>> -> memref<128x128xf32, #tpu.memory_space<vmem_shared>>
    tpu.wait_dma2 semaphore(%arg13 : memref<!tpu.dma_semaphore, #tpu.memory_space<semaphore_mem>>) src(%arg7 : memref<128x128xf32, #tpu.memory_space<vmem>>) dst(%dma_wait3A_62 : memref<128x128xf32, #tpu.memory_space<vmem_shared>>)
    %mul3A_63 = arith.constant 640 : i32
    %mul3A_64 = arith.muli %arg1, %mul3A_63 : i32
    %add3A_65 = arith.constant 256 : i32
    %add3A_66 = arith.addi %mul3A_64, %add3A_65 : i32
    %dma_wait3A_67 = arith.constant 0 : i32
    %dma_wait3A_68 = tpu.memref_slice %arg6[%add3A_66, %dma_wait3A_67] : memref<10240x128xf32, #tpu.memory_space<vmem_shared>> -> memref<128x128xf32, #tpu.memory_space<vmem_shared>>
    %dma_wait3A_69 = arith.constant 0 : i32
    %dma_wait3A_70 = tpu.memref_slice %arg6[%add3A_66, %dma_wait3A_69] : memref<10240x128xf32, #tpu.memory_space<vmem_shared>> -> memref<128x128xf32, #tpu.memory_space<vmem_shared>>
    tpu.wait_dma2 semaphore(%arg13 : memref<!tpu.dma_semaphore, #tpu.memory_space<semaphore_mem>>) src(%arg7 : memref<128x128xf32, #tpu.memory_space<vmem>>) dst(%dma_wait3A_70 : memref<128x128xf32, #tpu.memory_space<vmem_shared>>)
    %mul3A_71 = arith.constant 640 : i32
    %mul3A_72 = arith.muli %arg1, %mul3A_71 : i32
    %add3A_73 = arith.constant 384 : i32
    %add3A_74 = arith.addi %mul3A_72, %add3A_73 : i32
    %dma_wait3A_75 = arith.constant 0 : i32
    %dma_wait3A_76 = tpu.memref_slice %arg6[%add3A_74, %dma_wait3A_75] : memref<10240x128xf32, #tpu.memory_space<vmem_shared>> -> memref<128x128xf32, #tpu.memory_space<vmem_shared>>
    %dma_wait3A_77 = arith.constant 0 : i32
    %dma_wait3A_78 = tpu.memref_slice %arg6[%add3A_74, %dma_wait3A_77] : memref<10240x128xf32, #tpu.memory_space<vmem_shared>> -> memref<128x128xf32, #tpu.memory_space<vmem_shared>>
    tpu.wait_dma2 semaphore(%arg13 : memref<!tpu.dma_semaphore, #tpu.memory_space<semaphore_mem>>) src(%arg7 : memref<128x128xf32, #tpu.memory_space<vmem>>) dst(%dma_wait3A_78 : memref<128x128xf32, #tpu.memory_space<vmem_shared>>)
    %mul3A_79 = arith.constant 640 : i32
    %mul3A_80 = arith.muli %arg1, %mul3A_79 : i32
    %add3A_81 = arith.constant 512 : i32
    %add3A_82 = arith.addi %mul3A_80, %add3A_81 : i32
    %dma_wait3A_83 = arith.constant 0 : i32
    %dma_wait3A_84 = tpu.memref_slice %arg6[%add3A_82, %dma_wait3A_83] : memref<10240x128xf32, #tpu.memory_space<vmem_shared>> -> memref<128x128xf32, #tpu.memory_space<vmem_shared>>
    %dma_wait3A_85 = arith.constant 0 : i32
    %dma_wait3A_86 = tpu.memref_slice %arg6[%add3A_82, %dma_wait3A_85] : memref<10240x128xf32, #tpu.memory_space<vmem_shared>> -> memref<128x128xf32, #tpu.memory_space<vmem_shared>>
    tpu.wait_dma2 semaphore(%arg13 : memref<!tpu.dma_semaphore, #tpu.memory_space<semaphore_mem>>) src(%arg7 : memref<128x128xf32, #tpu.memory_space<vmem>>) dst(%dma_wait3A_86 : memref<128x128xf32, #tpu.memory_space<vmem_shared>>)
    %multiple_of3A = arith.constant 0 : i32
    %multiple_of3A_87 = tpu.assume_multiple %multiple_of3A, 64 : i32
    %dma_start3A_88 = arith.constant 0 : i32
    %dma_start3A_89 = arith.constant 0 : i32
    %dma_start3A_90 = tpu.memref_slice %arg7[%dma_start3A_88, %dma_start3A_89] : memref<128x128xf32, #tpu.memory_space<vmem>> -> memref<64x128xf32, #tpu.memory_space<vmem>>
    %dma_start3A_91 = tpu.memref_slice %arg9[%multiple_of3A_87] : memref<10000xi32, #tpu.memory_space<vmem>> -> memref<64xi32, #tpu.memory_space<vmem>>
    %dma_start3A_92 = arith.constant 0 : i32
    %dma_start3A_93 = arith.constant 0 : i32
    %dma_start3A_94 = tpu.memref_slice %arg2[%dma_start3A_92, %dma_start3A_93] : memref<10000x128xf32, #tpu.memory_space<hbm>> -> memref<10000x128xf32, #tpu.memory_space<hbm>>
    tpu.enqueue_indirect_dma source(%dma_start3A_94 : memref<10000x128xf32, #tpu.memory_space<hbm>>) target(%dma_start3A_90 : memref<64x128xf32, #tpu.memory_space<vmem>>) offsets(%dma_start3A_91 : memref<64xi32, #tpu.memory_space<vmem>>) semaphore(%arg13 : memref<!tpu.dma_semaphore, #tpu.memory_space<semaphore_mem>>)
    %multiple_of3A_95 = arith.constant 64 : i32
    %multiple_of3A_96 = tpu.assume_multiple %multiple_of3A_95, 64 : i32
    %dma_start3A_97 = arith.constant 64 : i32
    %dma_start3A_98 = arith.constant 0 : i32
    %dma_start3A_99 = tpu.memref_slice %arg7[%dma_start3A_97, %dma_start3A_98] : memref<128x128xf32, #tpu.memory_space<vmem>> -> memref<64x128xf32, #tpu.memory_space<vmem>>
    %dma_start3A_100 = tpu.memref_slice %arg9[%multiple_of3A_96] : memref<10000xi32, #tpu.memory_space<vmem>> -> memref<64xi32, #tpu.memory_space<vmem>>
    %dma_start3A_101 = arith.constant 0 : i32
    %dma_start3A_102 = arith.constant 0 : i32
    %dma_start3A_103 = tpu.memref_slice %arg2[%dma_start3A_101, %dma_start3A_102] : memref<10000x128xf32, #tpu.memory_space<hbm>> -> memref<10000x128xf32, #tpu.memory_space<hbm>>
    tpu.enqueue_indirect_dma source(%dma_start3A_103 : memref<10000x128xf32, #tpu.memory_space<hbm>>) target(%dma_start3A_99 : memref<64x128xf32, #tpu.memory_space<vmem>>) offsets(%dma_start3A_100 : memref<64xi32, #tpu.memory_space<vmem>>) semaphore(%arg15 : memref<!tpu.dma_semaphore, #tpu.memory_space<semaphore_mem>>)
    %add3A_104 = arith.constant 0 : i32
    %add3A_105 = arith.addi %mul3A_2, %add3A_104 : i32
    %multiple_of3A_106 = tpu.assume_multiple %add3A_105, 8 : i32
    %dma_start3A_107 = tpu.memref_slice %arg4[%multiple_of3A_106] : memref<320000xi32, #tpu.memory_space<hbm>> -> memref<128xi32, #tpu.memory_space<hbm>>
    %dma_start3A_108 = tpu.memref_slice %arg4[%multiple_of3A_106] : memref<320000xi32, #tpu.memory_space<hbm>> -> memref<128xi32, #tpu.memory_space<hbm>>
    tpu.enqueue_dma source(%dma_start3A_108 : memref<128xi32, #tpu.memory_space<hbm>>) target(%arg10 : memref<128xi32, #tpu.memory_space<vmem>>) target_semaphore(%arg17 : memref<!tpu.dma_semaphore, #tpu.memory_space<semaphore_mem>>)
    %multiple_of3A_109 = arith.constant 128 : i32
    %multiple_of3A_110 = tpu.assume_multiple %multiple_of3A_109, 64 : i32
    %dma_start3A_111 = arith.constant 0 : i32
    %dma_start3A_112 = arith.constant 0 : i32
    %dma_start3A_113 = tpu.memref_slice %arg8[%dma_start3A_111, %dma_start3A_112] : memref<128x128xf32, #tpu.memory_space<vmem>> -> memref<64x128xf32, #tpu.memory_space<vmem>>
    %dma_start3A_114 = tpu.memref_slice %arg9[%multiple_of3A_110] : memref<10000xi32, #tpu.memory_space<vmem>> -> memref<64xi32, #tpu.memory_space<vmem>>
    %dma_start3A_115 = arith.constant 0 : i32
    %dma_start3A_116 = arith.constant 0 : i32
    %dma_start3A_117 = tpu.memref_slice %arg2[%dma_start3A_115, %dma_start3A_116] : memref<10000x128xf32, #tpu.memory_space<hbm>> -> memref<10000x128xf32, #tpu.memory_space<hbm>>
    tpu.enqueue_indirect_dma source(%dma_start3A_117 : memref<10000x128xf32, #tpu.memory_space<hbm>>) target(%dma_start3A_113 : memref<64x128xf32, #tpu.memory_space<vmem>>) offsets(%dma_start3A_114 : memref<64xi32, #tpu.memory_space<vmem>>) semaphore(%arg14 : memref<!tpu.dma_semaphore, #tpu.memory_space<semaphore_mem>>)
    %multiple_of3A_118 = arith.constant 192 : i32
    %multiple_of3A_119 = tpu.assume_multiple %multiple_of3A_118, 64 : i32
    %dma_start3A_120 = arith.constant 64 : i32
    %dma_start3A_121 = arith.constant 0 : i32
    %dma_start3A_122 = tpu.memref_slice %arg8[%dma_start3A_120, %dma_start3A_121] : memref<128x128xf32, #tpu.memory_space<vmem>> -> memref<64x128xf32, #tpu.memory_space<vmem>>
    %dma_start3A_123 = tpu.memref_slice %arg9[%multiple_of3A_119] : memref<10000xi32, #tpu.memory_space<vmem>> -> memref<64xi32, #tpu.memory_space<vmem>>
    %dma_start3A_124 = arith.constant 0 : i32
    %dma_start3A_125 = arith.constant 0 : i32
    %dma_start3A_126 = tpu.memref_slice %arg2[%dma_start3A_124, %dma_start3A_125] : memref<10000x128xf32, #tpu.memory_space<hbm>> -> memref<10000x128xf32, #tpu.memory_space<hbm>>
    tpu.enqueue_indirect_dma source(%dma_start3A_126 : memref<10000x128xf32, #tpu.memory_space<hbm>>) target(%dma_start3A_122 : memref<64x128xf32, #tpu.memory_space<vmem>>) offsets(%dma_start3A_123 : memref<64xi32, #tpu.memory_space<vmem>>) semaphore(%arg16 : memref<!tpu.dma_semaphore, #tpu.memory_space<semaphore_mem>>)
    %add3A_127 = arith.constant 128 : i32
    %add3A_128 = arith.addi %mul3A_2, %add3A_127 : i32
    %multiple_of3A_129 = tpu.assume_multiple %add3A_128, 8 : i32
    %dma_start3A_130 = tpu.memref_slice %arg4[%multiple_of3A_129] : memref<320000xi32, #tpu.memory_space<hbm>> -> memref<128xi32, #tpu.memory_space<hbm>>
    %dma_start3A_131 = tpu.memref_slice %arg4[%multiple_of3A_129] : memref<320000xi32, #tpu.memory_space<hbm>> -> memref<128xi32, #tpu.memory_space<hbm>>
    tpu.enqueue_dma source(%dma_start3A_131 : memref<128xi32, #tpu.memory_space<hbm>>) target(%arg11 : memref<128xi32, #tpu.memory_space<vmem>>) target_semaphore(%arg18 : memref<!tpu.dma_semaphore, #tpu.memory_space<semaphore_mem>>)
    %barrier3A = arith.constant 0 : index
    tpu.barrier barrier_id(%barrier3A)
    %scan3A_132 = arith.constant 0 : i32
    %scan3A_133 = arith.constant 0 : i32
    %scan3A_134 = arith.constant 37 : i32
    %scan3A_135 = arith.addi %scan3A_133, %scan3A_134 : i32
    %scan3A_136 = arith.constant 1 : i32
    scf.for %scan3A_302 = %scan3A_133 to %scan3A_135 step %scan3A_136  : i32 {
      %mul3A_303 = arith.constant 2 : i32
      %mul3A_304 = arith.muli %mul3A_303, %scan3A_302 : i32
      %mul3A_305 = arith.constant 128 : i32
      %mul3A_306 = arith.muli %mul3A_304, %mul3A_305 : i32
      %add3A_307 = arith.constant 0 : i32
      %add3A_308 = arith.addi %mul3A_306, %add3A_307 : i32
      %multiple_of3A_309 = tpu.assume_multiple %add3A_308, 64 : i32
      %dma_wait3A_310 = arith.constant 0 : i32
      %dma_wait3A_311 = arith.constant 0 : i32
      %dma_wait3A_312 = tpu.memref_slice %arg7[%dma_wait3A_310, %dma_wait3A_311] : memref<128x128xf32, #tpu.memory_space<vmem>> -> memref<64x128xf32, #tpu.memory_space<vmem>>
      %dma_wait3A_313 = tpu.memref_slice %arg9[%multiple_of3A_309] : memref<10000xi32, #tpu.memory_space<vmem>> -> memref<64xi32, #tpu.memory_space<vmem>>
      %dma_wait3A_314 = arith.constant 0 : i32
      %dma_wait3A_315 = arith.constant 0 : i32
      %dma_wait3A_316 = tpu.memref_slice %arg2[%dma_wait3A_314, %dma_wait3A_315] : memref<10000x128xf32, #tpu.memory_space<hbm>> -> memref<10000x128xf32, #tpu.memory_space<hbm>>
      tpu.wait_indirect_dma semaphore(%arg13 : memref<!tpu.dma_semaphore, #tpu.memory_space<semaphore_mem>>) src(%dma_wait3A_316 : memref<10000x128xf32, #tpu.memory_space<hbm>>) dst(%dma_wait3A_312 : memref<64x128xf32, #tpu.memory_space<vmem>>)
      %mul3A_317 = arith.constant 128 : i32
      %mul3A_318 = arith.muli %mul3A_304, %mul3A_317 : i32
      %add3A_319 = arith.constant 64 : i32
      %add3A_320 = arith.addi %mul3A_318, %add3A_319 : i32
      %multiple_of3A_321 = tpu.assume_multiple %add3A_320, 64 : i32
      %dma_wait3A_322 = arith.constant 64 : i32
      %dma_wait3A_323 = arith.constant 0 : i32
      %dma_wait3A_324 = tpu.memref_slice %arg7[%dma_wait3A_322, %dma_wait3A_323] : memref<128x128xf32, #tpu.memory_space<vmem>> -> memref<64x128xf32, #tpu.memory_space<vmem>>
      %dma_wait3A_325 = tpu.memref_slice %arg9[%multiple_of3A_321] : memref<10000xi32, #tpu.memory_space<vmem>> -> memref<64xi32, #tpu.memory_space<vmem>>
      %dma_wait3A_326 = arith.constant 0 : i32
      %dma_wait3A_327 = arith.constant 0 : i32
      %dma_wait3A_328 = tpu.memref_slice %arg2[%dma_wait3A_326, %dma_wait3A_327] : memref<10000x128xf32, #tpu.memory_space<hbm>> -> memref<10000x128xf32, #tpu.memory_space<hbm>>
      tpu.wait_indirect_dma semaphore(%arg15 : memref<!tpu.dma_semaphore, #tpu.memory_space<semaphore_mem>>) src(%dma_wait3A_328 : memref<10000x128xf32, #tpu.memory_space<hbm>>) dst(%dma_wait3A_324 : memref<64x128xf32, #tpu.memory_space<vmem>>)
      %mul3A_329 = arith.constant 128 : i32
      %mul3A_330 = arith.muli %mul3A_304, %mul3A_329 : i32
      %add3A_331 = arith.addi %mul3A_2, %mul3A_330 : i32
      %multiple_of3A_332 = tpu.assume_multiple %add3A_331, 8 : i32
      %dma_wait3A_333 = tpu.memref_slice %arg4[%multiple_of3A_332] : memref<320000xi32, #tpu.memory_space<hbm>> -> memref<128xi32, #tpu.memory_space<hbm>>
      %dma_wait3A_334 = tpu.memref_slice %arg4[%multiple_of3A_332] : memref<320000xi32, #tpu.memory_space<hbm>> -> memref<128xi32, #tpu.memory_space<hbm>>
      tpu.wait_dma2 semaphore(%arg17 : memref<!tpu.dma_semaphore, #tpu.memory_space<semaphore_mem>>) src(%dma_wait3A_334 : memref<128xi32, #tpu.memory_space<hbm>>) dst(%arg10 : memref<128xi32, #tpu.memory_space<vmem>>)
      "tpu.region"() ({
        %run_scoped3A = tpu.sem_alloc : memref<!tpu.dma_semaphore, #tpu.memory_space<semaphore_mem>>
        %dma_start3A_431 = arith.constant 0 : i32
        %dma_start3A_432 = arith.constant 0 : i32
        %dma_start3A_433 = tpu.memref_slice %arg6[%dma_start3A_431, %dma_start3A_432] : memref<10240x128xf32, #tpu.memory_space<vmem_shared>> -> memref<10240x128xf32, #tpu.memory_space<vmem_shared>>
        tpu.enqueue_indirect_dma source(%arg7 : memref<128x128xf32, #tpu.memory_space<vmem>>) target(%dma_start3A_433 : memref<10240x128xf32, #tpu.memory_space<vmem_shared>>) offsets(%arg10 : memref<128xi32, #tpu.memory_space<vmem>>) semaphore(%run_scoped3A : memref<!tpu.dma_semaphore, #tpu.memory_space<semaphore_mem>>) {add = true}
        %dma_wait3A_434 = arith.constant 0 : i32
        %dma_wait3A_435 = arith.constant 0 : i32
        %dma_wait3A_436 = tpu.memref_slice %arg6[%dma_wait3A_434, %dma_wait3A_435] : memref<10240x128xf32, #tpu.memory_space<vmem_shared>> -> memref<10240x128xf32, #tpu.memory_space<vmem_shared>>
        tpu.wait_indirect_dma semaphore(%run_scoped3A : memref<!tpu.dma_semaphore, #tpu.memory_space<semaphore_mem>>) src(%arg7 : memref<128x128xf32, #tpu.memory_space<vmem>>) dst(%dma_wait3A_436 : memref<10240x128xf32, #tpu.memory_space<vmem_shared>>)
        tpu.yield
      }) : () -> ()
      %add3A_335 = arith.constant 2 : i32
      %add3A_336 = arith.addi %mul3A_304, %add3A_335 : i32
      %mul3A_337 = arith.constant 128 : i32
      %mul3A_338 = arith.muli %add3A_336, %mul3A_337 : i32
      %add3A_339 = arith.constant 0 : i32
      %add3A_340 = arith.addi %mul3A_338, %add3A_339 : i32
      %multiple_of3A_341 = tpu.assume_multiple %add3A_340, 64 : i32
      %dma_start3A_342 = arith.constant 0 : i32
      %dma_start3A_343 = arith.constant 0 : i32
      %dma_start3A_344 = tpu.memref_slice %arg7[%dma_start3A_342, %dma_start3A_343] : memref<128x128xf32, #tpu.memory_space<vmem>> -> memref<64x128xf32, #tpu.memory_space<vmem>>
      %dma_start3A_345 = tpu.memref_slice %arg9[%multiple_of3A_341] : memref<10000xi32, #tpu.memory_space<vmem>> -> memref<64xi32, #tpu.memory_space<vmem>>
      %dma_start3A_346 = arith.constant 0 : i32
      %dma_start3A_347 = arith.constant 0 : i32
      %dma_start3A_348 = tpu.memref_slice %arg2[%dma_start3A_346, %dma_start3A_347] : memref<10000x128xf32, #tpu.memory_space<hbm>> -> memref<10000x128xf32, #tpu.memory_space<hbm>>
      tpu.enqueue_indirect_dma source(%dma_start3A_348 : memref<10000x128xf32, #tpu.memory_space<hbm>>) target(%dma_start3A_344 : memref<64x128xf32, #tpu.memory_space<vmem>>) offsets(%dma_start3A_345 : memref<64xi32, #tpu.memory_space<vmem>>) semaphore(%arg13 : memref<!tpu.dma_semaphore, #tpu.memory_space<semaphore_mem>>)
      %mul3A_349 = arith.constant 128 : i32
      %mul3A_350 = arith.muli %add3A_336, %mul3A_349 : i32
      %add3A_351 = arith.constant 64 : i32
      %add3A_352 = arith.addi %mul3A_350, %add3A_351 : i32
      %multiple_of3A_353 = tpu.assume_multiple %add3A_352, 64 : i32
      %dma_start3A_354 = arith.constant 64 : i32
      %dma_start3A_355 = arith.constant 0 : i32
      %dma_start3A_356 = tpu.memref_slice %arg7[%dma_start3A_354, %dma_start3A_355] : memref<128x128xf32, #tpu.memory_space<vmem>> -> memref<64x128xf32, #tpu.memory_space<vmem>>
      %dma_start3A_357 = tpu.memref_slice %arg9[%multiple_of3A_353] : memref<10000xi32, #tpu.memory_space<vmem>> -> memref<64xi32, #tpu.memory_space<vmem>>
      %dma_start3A_358 = arith.constant 0 : i32
      %dma_start3A_359 = arith.constant 0 : i32
      %dma_start3A_360 = tpu.memref_slice %arg2[%dma_start3A_358, %dma_start3A_359] : memref<10000x128xf32, #tpu.memory_space<hbm>> -> memref<10000x128xf32, #tpu.memory_space<hbm>>
      tpu.enqueue_indirect_dma source(%dma_start3A_360 : memref<10000x128xf32, #tpu.memory_space<hbm>>) target(%dma_start3A_356 : memref<64x128xf32, #tpu.memory_space<vmem>>) offsets(%dma_start3A_357 : memref<64xi32, #tpu.memory_space<vmem>>) semaphore(%arg15 : memref<!tpu.dma_semaphore, #tpu.memory_space<semaphore_mem>>)
      %mul3A_361 = arith.constant 128 : i32
      %mul3A_362 = arith.muli %add3A_336, %mul3A_361 : i32
      %add3A_363 = arith.addi %mul3A_2, %mul3A_362 : i32
      %multiple_of3A_364 = tpu.assume_multiple %add3A_363, 8 : i32
      %dma_start3A_365 = tpu.memref_slice %arg4[%multiple_of3A_364] : memref<320000xi32, #tpu.memory_space<hbm>> -> memref<128xi32, #tpu.memory_space<hbm>>
      %dma_start3A_366 = tpu.memref_slice %arg4[%multiple_of3A_364] : memref<320000xi32, #tpu.memory_space<hbm>> -> memref<128xi32, #tpu.memory_space<hbm>>
      tpu.enqueue_dma source(%dma_start3A_366 : memref<128xi32, #tpu.memory_space<hbm>>) target(%arg10 : memref<128xi32, #tpu.memory_space<vmem>>) target_semaphore(%arg17 : memref<!tpu.dma_semaphore, #tpu.memory_space<semaphore_mem>>)
      %add3A_367 = arith.constant 1 : i32
      %add3A_368 = arith.addi %mul3A_304, %add3A_367 : i32
      %mul3A_369 = arith.constant 128 : i32
      %mul3A_370 = arith.muli %add3A_368, %mul3A_369 : i32
      %add3A_371 = arith.constant 0 : i32
      %add3A_372 = arith.addi %mul3A_370, %add3A_371 : i32
      %multiple_of3A_373 = tpu.assume_multiple %add3A_372, 64 : i32
      %dma_wait3A_374 = arith.constant 0 : i32
      %dma_wait3A_375 = arith.constant 0 : i32
      %dma_wait3A_376 = tpu.memref_slice %arg8[%dma_wait3A_374, %dma_wait3A_375] : memref<128x128xf32, #tpu.memory_space<vmem>> -> memref<64x128xf32, #tpu.memory_space<vmem>>
      %dma_wait3A_377 = tpu.memref_slice %arg9[%multiple_of3A_373] : memref<10000xi32, #tpu.memory_space<vmem>> -> memref<64xi32, #tpu.memory_space<vmem>>
      %dma_wait3A_378 = arith.constant 0 : i32
      %dma_wait3A_379 = arith.constant 0 : i32
      %dma_wait3A_380 = tpu.memref_slice %arg2[%dma_wait3A_378, %dma_wait3A_379] : memref<10000x128xf32, #tpu.memory_space<hbm>> -> memref<10000x128xf32, #tpu.memory_space<hbm>>
      tpu.wait_indirect_dma semaphore(%arg14 : memref<!tpu.dma_semaphore, #tpu.memory_space<semaphore_mem>>) src(%dma_wait3A_380 : memref<10000x128xf32, #tpu.memory_space<hbm>>) dst(%dma_wait3A_376 : memref<64x128xf32, #tpu.memory_space<vmem>>)
      %mul3A_381 = arith.constant 128 : i32
      %mul3A_382 = arith.muli %add3A_368, %mul3A_381 : i32
      %add3A_383 = arith.constant 64 : i32
      %add3A_384 = arith.addi %mul3A_382, %add3A_383 : i32
      %multiple_of3A_385 = tpu.assume_multiple %add3A_384, 64 : i32
      %dma_wait3A_386 = arith.constant 64 : i32
      %dma_wait3A_387 = arith.constant 0 : i32
      %dma_wait3A_388 = tpu.memref_slice %arg8[%dma_wait3A_386, %dma_wait3A_387] : memref<128x128xf32, #tpu.memory_space<vmem>> -> memref<64x128xf32, #tpu.memory_space<vmem>>
      %dma_wait3A_389 = tpu.memref_slice %arg9[%multiple_of3A_385] : memref<10000xi32, #tpu.memory_space<vmem>> -> memref<64xi32, #tpu.memory_space<vmem>>
      %dma_wait3A_390 = arith.constant 0 : i32
      %dma_wait3A_391 = arith.constant 0 : i32
      %dma_wait3A_392 = tpu.memref_slice %arg2[%dma_wait3A_390, %dma_wait3A_391] : memref<10000x128xf32, #tpu.memory_space<hbm>> -> memref<10000x128xf32, #tpu.memory_space<hbm>>
      tpu.wait_indirect_dma semaphore(%arg16 : memref<!tpu.dma_semaphore, #tpu.memory_space<semaphore_mem>>) src(%dma_wait3A_392 : memref<10000x128xf32, #tpu.memory_space<hbm>>) dst(%dma_wait3A_388 : memref<64x128xf32, #tpu.memory_space<vmem>>)
      %mul3A_393 = arith.constant 128 : i32
      %mul3A_394 = arith.muli %add3A_368, %mul3A_393 : i32
      %add3A_395 = arith.addi %mul3A_2, %mul3A_394 : i32
      %multiple_of3A_396 = tpu.assume_multiple %add3A_395, 8 : i32
      %dma_wait3A_397 = tpu.memref_slice %arg4[%multiple_of3A_396] : memref<320000xi32, #tpu.memory_space<hbm>> -> memref<128xi32, #tpu.memory_space<hbm>>
      %dma_wait3A_398 = tpu.memref_slice %arg4[%multiple_of3A_396] : memref<320000xi32, #tpu.memory_space<hbm>> -> memref<128xi32, #tpu.memory_space<hbm>>
      tpu.wait_dma2 semaphore(%arg18 : memref<!tpu.dma_semaphore, #tpu.memory_space<semaphore_mem>>) src(%dma_wait3A_398 : memref<128xi32, #tpu.memory_space<hbm>>) dst(%arg11 : memref<128xi32, #tpu.memory_space<vmem>>)
      "tpu.region"() ({
        %run_scoped3A = tpu.sem_alloc : memref<!tpu.dma_semaphore, #tpu.memory_space<semaphore_mem>>
        %dma_start3A_431 = arith.constant 0 : i32
        %dma_start3A_432 = arith.constant 0 : i32
        %dma_start3A_433 = tpu.memref_slice %arg6[%dma_start3A_431, %dma_start3A_432] : memref<10240x128xf32, #tpu.memory_space<vmem_shared>> -> memref<10240x128xf32, #tpu.memory_space<vmem_shared>>
        tpu.enqueue_indirect_dma source(%arg8 : memref<128x128xf32, #tpu.memory_space<vmem>>) target(%dma_start3A_433 : memref<10240x128xf32, #tpu.memory_space<vmem_shared>>) offsets(%arg11 : memref<128xi32, #tpu.memory_space<vmem>>) semaphore(%run_scoped3A : memref<!tpu.dma_semaphore, #tpu.memory_space<semaphore_mem>>) {add = true}
        %dma_wait3A_434 = arith.constant 0 : i32
        %dma_wait3A_435 = arith.constant 0 : i32
        %dma_wait3A_436 = tpu.memref_slice %arg6[%dma_wait3A_434, %dma_wait3A_435] : memref<10240x128xf32, #tpu.memory_space<vmem_shared>> -> memref<10240x128xf32, #tpu.memory_space<vmem_shared>>
        tpu.wait_indirect_dma semaphore(%run_scoped3A : memref<!tpu.dma_semaphore, #tpu.memory_space<semaphore_mem>>) src(%arg8 : memref<128x128xf32, #tpu.memory_space<vmem>>) dst(%dma_wait3A_436 : memref<10240x128xf32, #tpu.memory_space<vmem_shared>>)
        tpu.yield
      }) : () -> ()
      %add3A_399 = arith.constant 3 : i32
      %add3A_400 = arith.addi %mul3A_304, %add3A_399 : i32
      %mul3A_401 = arith.constant 128 : i32
      %mul3A_402 = arith.muli %add3A_400, %mul3A_401 : i32
      %add3A_403 = arith.constant 0 : i32
      %add3A_404 = arith.addi %mul3A_402, %add3A_403 : i32
      %multiple_of3A_405 = tpu.assume_multiple %add3A_404, 64 : i32
      %dma_start3A_406 = arith.constant 0 : i32
      %dma_start3A_407 = arith.constant 0 : i32
      %dma_start3A_408 = tpu.memref_slice %arg8[%dma_start3A_406, %dma_start3A_407] : memref<128x128xf32, #tpu.memory_space<vmem>> -> memref<64x128xf32, #tpu.memory_space<vmem>>
      %dma_start3A_409 = tpu.memref_slice %arg9[%multiple_of3A_405] : memref<10000xi32, #tpu.memory_space<vmem>> -> memref<64xi32, #tpu.memory_space<vmem>>
      %dma_start3A_410 = arith.constant 0 : i32
      %dma_start3A_411 = arith.constant 0 : i32
      %dma_start3A_412 = tpu.memref_slice %arg2[%dma_start3A_410, %dma_start3A_411] : memref<10000x128xf32, #tpu.memory_space<hbm>> -> memref<10000x128xf32, #tpu.memory_space<hbm>>
      tpu.enqueue_indirect_dma source(%dma_start3A_412 : memref<10000x128xf32, #tpu.memory_space<hbm>>) target(%dma_start3A_408 : memref<64x128xf32, #tpu.memory_space<vmem>>) offsets(%dma_start3A_409 : memref<64xi32, #tpu.memory_space<vmem>>) semaphore(%arg14 : memref<!tpu.dma_semaphore, #tpu.memory_space<semaphore_mem>>)
      %mul3A_413 = arith.constant 128 : i32
      %mul3A_414 = arith.muli %add3A_400, %mul3A_413 : i32
      %add3A_415 = arith.constant 64 : i32
      %add3A_416 = arith.addi %mul3A_414, %add3A_415 : i32
      %multiple_of3A_417 = tpu.assume_multiple %add3A_416, 64 : i32
      %dma_start3A_418 = arith.constant 64 : i32
      %dma_start3A_419 = arith.constant 0 : i32
      %dma_start3A_420 = tpu.memref_slice %arg8[%dma_start3A_418, %dma_start3A_419] : memref<128x128xf32, #tpu.memory_space<vmem>> -> memref<64x128xf32, #tpu.memory_space<vmem>>
      %dma_start3A_421 = tpu.memref_slice %arg9[%multiple_of3A_417] : memref<10000xi32, #tpu.memory_space<vmem>> -> memref<64xi32, #tpu.memory_space<vmem>>
      %dma_start3A_422 = arith.constant 0 : i32
      %dma_start3A_423 = arith.constant 0 : i32
      %dma_start3A_424 = tpu.memref_slice %arg2[%dma_start3A_422, %dma_start3A_423] : memref<10000x128xf32, #tpu.memory_space<hbm>> -> memref<10000x128xf32, #tpu.memory_space<hbm>>
      tpu.enqueue_indirect_dma source(%dma_start3A_424 : memref<10000x128xf32, #tpu.memory_space<hbm>>) target(%dma_start3A_420 : memref<64x128xf32, #tpu.memory_space<vmem>>) offsets(%dma_start3A_421 : memref<64xi32, #tpu.memory_space<vmem>>) semaphore(%arg16 : memref<!tpu.dma_semaphore, #tpu.memory_space<semaphore_mem>>)
      %mul3A_425 = arith.constant 128 : i32
      %mul3A_426 = arith.muli %add3A_400, %mul3A_425 : i32
      %add3A_427 = arith.addi %mul3A_2, %mul3A_426 : i32
      %multiple_of3A_428 = tpu.assume_multiple %add3A_427, 8 : i32
      %dma_start3A_429 = tpu.memref_slice %arg4[%multiple_of3A_428] : memref<320000xi32, #tpu.memory_space<hbm>> -> memref<128xi32, #tpu.memory_space<hbm>>
      %dma_start3A_430 = tpu.memref_slice %arg4[%multiple_of3A_428] : memref<320000xi32, #tpu.memory_space<hbm>> -> memref<128xi32, #tpu.memory_space<hbm>>
      tpu.enqueue_dma source(%dma_start3A_430 : memref<128xi32, #tpu.memory_space<hbm>>) target(%arg11 : memref<128xi32, #tpu.memory_space<vmem>>) target_semaphore(%arg18 : memref<!tpu.dma_semaphore, #tpu.memory_space<semaphore_mem>>)
    }
    %scan3A_137 = arith.constant 37 : i32
    %multiple_of3A_138 = arith.constant 9472 : i32
    %multiple_of3A_139 = tpu.assume_multiple %multiple_of3A_138, 64 : i32
    %dma_wait3A_140 = arith.constant 0 : i32
    %dma_wait3A_141 = arith.constant 0 : i32
    %dma_wait3A_142 = tpu.memref_slice %arg7[%dma_wait3A_140, %dma_wait3A_141] : memref<128x128xf32, #tpu.memory_space<vmem>> -> memref<64x128xf32, #tpu.memory_space<vmem>>
    %dma_wait3A_143 = tpu.memref_slice %arg9[%multiple_of3A_139] : memref<10000xi32, #tpu.memory_space<vmem>> -> memref<64xi32, #tpu.memory_space<vmem>>
    %dma_wait3A_144 = arith.constant 0 : i32
    %dma_wait3A_145 = arith.constant 0 : i32
    %dma_wait3A_146 = tpu.memref_slice %arg2[%dma_wait3A_144, %dma_wait3A_145] : memref<10000x128xf32, #tpu.memory_space<hbm>> -> memref<10000x128xf32, #tpu.memory_space<hbm>>
    tpu.wait_indirect_dma semaphore(%arg13 : memref<!tpu.dma_semaphore, #tpu.memory_space<semaphore_mem>>) src(%dma_wait3A_146 : memref<10000x128xf32, #tpu.memory_space<hbm>>) dst(%dma_wait3A_142 : memref<64x128xf32, #tpu.memory_space<vmem>>)
    %multiple_of3A_147 = arith.constant 9536 : i32
    %multiple_of3A_148 = tpu.assume_multiple %multiple_of3A_147, 64 : i32
    %dma_wait3A_149 = arith.constant 64 : i32
    %dma_wait3A_150 = arith.constant 0 : i32
    %dma_wait3A_151 = tpu.memref_slice %arg7[%dma_wait3A_149, %dma_wait3A_150] : memref<128x128xf32, #tpu.memory_space<vmem>> -> memref<64x128xf32, #tpu.memory_space<vmem>>
    %dma_wait3A_152 = tpu.memref_slice %arg9[%multiple_of3A_148] : memref<10000xi32, #tpu.memory_space<vmem>> -> memref<64xi32, #tpu.memory_space<vmem>>
    %dma_wait3A_153 = arith.constant 0 : i32
    %dma_wait3A_154 = arith.constant 0 : i32
    %dma_wait3A_155 = tpu.memref_slice %arg2[%dma_wait3A_153, %dma_wait3A_154] : memref<10000x128xf32, #tpu.memory_space<hbm>> -> memref<10000x128xf32, #tpu.memory_space<hbm>>
    tpu.wait_indirect_dma semaphore(%arg15 : memref<!tpu.dma_semaphore, #tpu.memory_space<semaphore_mem>>) src(%dma_wait3A_155 : memref<10000x128xf32, #tpu.memory_space<hbm>>) dst(%dma_wait3A_151 : memref<64x128xf32, #tpu.memory_space<vmem>>)
    %add3A_156 = arith.constant 9472 : i32
    %add3A_157 = arith.addi %mul3A_2, %add3A_156 : i32
    %multiple_of3A_158 = tpu.assume_multiple %add3A_157, 8 : i32
    %dma_wait3A_159 = tpu.memref_slice %arg4[%multiple_of3A_158] : memref<320000xi32, #tpu.memory_space<hbm>> -> memref<128xi32, #tpu.memory_space<hbm>>
    %dma_wait3A_160 = tpu.memref_slice %arg4[%multiple_of3A_158] : memref<320000xi32, #tpu.memory_space<hbm>> -> memref<128xi32, #tpu.memory_space<hbm>>
    tpu.wait_dma2 semaphore(%arg17 : memref<!tpu.dma_semaphore, #tpu.memory_space<semaphore_mem>>) src(%dma_wait3A_160 : memref<128xi32, #tpu.memory_space<hbm>>) dst(%arg10 : memref<128xi32, #tpu.memory_space<vmem>>)
    "tpu.region"() ({
      %run_scoped3A = tpu.sem_alloc : memref<!tpu.dma_semaphore, #tpu.memory_space<semaphore_mem>>
      %dma_start3A_302 = arith.constant 0 : i32
      %dma_start3A_303 = arith.constant 0 : i32
      %dma_start3A_304 = tpu.memref_slice %arg6[%dma_start3A_302, %dma_start3A_303] : memref<10240x128xf32, #tpu.memory_space<vmem_shared>> -> memref<10240x128xf32, #tpu.memory_space<vmem_shared>>
      tpu.enqueue_indirect_dma source(%arg7 : memref<128x128xf32, #tpu.memory_space<vmem>>) target(%dma_start3A_304 : memref<10240x128xf32, #tpu.memory_space<vmem_shared>>) offsets(%arg10 : memref<128xi32, #tpu.memory_space<vmem>>) semaphore(%run_scoped3A : memref<!tpu.dma_semaphore, #tpu.memory_space<semaphore_mem>>) {add = true}
      %dma_wait3A_305 = arith.constant 0 : i32
      %dma_wait3A_306 = arith.constant 0 : i32
      %dma_wait3A_307 = tpu.memref_slice %arg6[%dma_wait3A_305, %dma_wait3A_306] : memref<10240x128xf32, #tpu.memory_space<vmem_shared>> -> memref<10240x128xf32, #tpu.memory_space<vmem_shared>>
      tpu.wait_indirect_dma semaphore(%run_scoped3A : memref<!tpu.dma_semaphore, #tpu.memory_space<semaphore_mem>>) src(%arg7 : memref<128x128xf32, #tpu.memory_space<vmem>>) dst(%dma_wait3A_307 : memref<10240x128xf32, #tpu.memory_space<vmem_shared>>)
      tpu.yield
    }) : () -> ()
    %multiple_of3A_161 = arith.constant 9728 : i32
    %multiple_of3A_162 = tpu.assume_multiple %multiple_of3A_161, 64 : i32
    %dma_start3A_163 = arith.constant 0 : i32
    %dma_start3A_164 = arith.constant 0 : i32
    %dma_start3A_165 = tpu.memref_slice %arg7[%dma_start3A_163, %dma_start3A_164] : memref<128x128xf32, #tpu.memory_space<vmem>> -> memref<64x128xf32, #tpu.memory_space<vmem>>
    %dma_start3A_166 = tpu.memref_slice %arg9[%multiple_of3A_162] : memref<10000xi32, #tpu.memory_space<vmem>> -> memref<64xi32, #tpu.memory_space<vmem>>
    %dma_start3A_167 = arith.constant 0 : i32
    %dma_start3A_168 = arith.constant 0 : i32
    %dma_start3A_169 = tpu.memref_slice %arg2[%dma_start3A_167, %dma_start3A_168] : memref<10000x128xf32, #tpu.memory_space<hbm>> -> memref<10000x128xf32, #tpu.memory_space<hbm>>
    tpu.enqueue_indirect_dma source(%dma_start3A_169 : memref<10000x128xf32, #tpu.memory_space<hbm>>) target(%dma_start3A_165 : memref<64x128xf32, #tpu.memory_space<vmem>>) offsets(%dma_start3A_166 : memref<64xi32, #tpu.memory_space<vmem>>) semaphore(%arg13 : memref<!tpu.dma_semaphore, #tpu.memory_space<semaphore_mem>>)
    %multiple_of3A_170 = arith.constant 9792 : i32
    %multiple_of3A_171 = tpu.assume_multiple %multiple_of3A_170, 64 : i32
    %dma_start3A_172 = arith.constant 64 : i32
    %dma_start3A_173 = arith.constant 0 : i32
    %dma_start3A_174 = tpu.memref_slice %arg7[%dma_start3A_172, %dma_start3A_173] : memref<128x128xf32, #tpu.memory_space<vmem>> -> memref<64x128xf32, #tpu.memory_space<vmem>>
    %dma_start3A_175 = tpu.memref_slice %arg9[%multiple_of3A_171] : memref<10000xi32, #tpu.memory_space<vmem>> -> memref<64xi32, #tpu.memory_space<vmem>>
    %dma_start3A_176 = arith.constant 0 : i32
    %dma_start3A_177 = arith.constant 0 : i32
    %dma_start3A_178 = tpu.memref_slice %arg2[%dma_start3A_176, %dma_start3A_177] : memref<10000x128xf32, #tpu.memory_space<hbm>> -> memref<10000x128xf32, #tpu.memory_space<hbm>>
    tpu.enqueue_indirect_dma source(%dma_start3A_178 : memref<10000x128xf32, #tpu.memory_space<hbm>>) target(%dma_start3A_174 : memref<64x128xf32, #tpu.memory_space<vmem>>) offsets(%dma_start3A_175 : memref<64xi32, #tpu.memory_space<vmem>>) semaphore(%arg15 : memref<!tpu.dma_semaphore, #tpu.memory_space<semaphore_mem>>)
    %add3A_179 = arith.constant 9728 : i32
    %add3A_180 = arith.addi %mul3A_2, %add3A_179 : i32
    %multiple_of3A_181 = tpu.assume_multiple %add3A_180, 8 : i32
    %dma_start3A_182 = tpu.memref_slice %arg4[%multiple_of3A_181] : memref<320000xi32, #tpu.memory_space<hbm>> -> memref<128xi32, #tpu.memory_space<hbm>>
    %dma_start3A_183 = tpu.memref_slice %arg4[%multiple_of3A_181] : memref<320000xi32, #tpu.memory_space<hbm>> -> memref<128xi32, #tpu.memory_space<hbm>>
    tpu.enqueue_dma source(%dma_start3A_183 : memref<128xi32, #tpu.memory_space<hbm>>) target(%arg10 : memref<128xi32, #tpu.memory_space<vmem>>) target_semaphore(%arg17 : memref<!tpu.dma_semaphore, #tpu.memory_space<semaphore_mem>>)
    %multiple_of3A_184 = arith.constant 9600 : i32
    %multiple_of3A_185 = tpu.assume_multiple %multiple_of3A_184, 64 : i32
    %dma_wait3A_186 = arith.constant 0 : i32
    %dma_wait3A_187 = arith.constant 0 : i32
    %dma_wait3A_188 = tpu.memref_slice %arg8[%dma_wait3A_186, %dma_wait3A_187] : memref<128x128xf32, #tpu.memory_space<vmem>> -> memref<64x128xf32, #tpu.memory_space<vmem>>
    %dma_wait3A_189 = tpu.memref_slice %arg9[%multiple_of3A_185] : memref<10000xi32, #tpu.memory_space<vmem>> -> memref<64xi32, #tpu.memory_space<vmem>>
    %dma_wait3A_190 = arith.constant 0 : i32
    %dma_wait3A_191 = arith.constant 0 : i32
    %dma_wait3A_192 = tpu.memref_slice %arg2[%dma_wait3A_190, %dma_wait3A_191] : memref<10000x128xf32, #tpu.memory_space<hbm>> -> memref<10000x128xf32, #tpu.memory_space<hbm>>
    tpu.wait_indirect_dma semaphore(%arg14 : memref<!tpu.dma_semaphore, #tpu.memory_space<semaphore_mem>>) src(%dma_wait3A_192 : memref<10000x128xf32, #tpu.memory_space<hbm>>) dst(%dma_wait3A_188 : memref<64x128xf32, #tpu.memory_space<vmem>>)
    %multiple_of3A_193 = arith.constant 9664 : i32
    %multiple_of3A_194 = tpu.assume_multiple %multiple_of3A_193, 64 : i32
    %dma_wait3A_195 = arith.constant 64 : i32
    %dma_wait3A_196 = arith.constant 0 : i32
    %dma_wait3A_197 = tpu.memref_slice %arg8[%dma_wait3A_195, %dma_wait3A_196] : memref<128x128xf32, #tpu.memory_space<vmem>> -> memref<64x128xf32, #tpu.memory_space<vmem>>
    %dma_wait3A_198 = tpu.memref_slice %arg9[%multiple_of3A_194] : memref<10000xi32, #tpu.memory_space<vmem>> -> memref<64xi32, #tpu.memory_space<vmem>>
    %dma_wait3A_199 = arith.constant 0 : i32
    %dma_wait3A_200 = arith.constant 0 : i32
    %dma_wait3A_201 = tpu.memref_slice %arg2[%dma_wait3A_199, %dma_wait3A_200] : memref<10000x128xf32, #tpu.memory_space<hbm>> -> memref<10000x128xf32, #tpu.memory_space<hbm>>
    tpu.wait_indirect_dma semaphore(%arg16 : memref<!tpu.dma_semaphore, #tpu.memory_space<semaphore_mem>>) src(%dma_wait3A_201 : memref<10000x128xf32, #tpu.memory_space<hbm>>) dst(%dma_wait3A_197 : memref<64x128xf32, #tpu.memory_space<vmem>>)
    %add3A_202 = arith.constant 9600 : i32
    %add3A_203 = arith.addi %mul3A_2, %add3A_202 : i32
    %multiple_of3A_204 = tpu.assume_multiple %add3A_203, 8 : i32
    %dma_wait3A_205 = tpu.memref_slice %arg4[%multiple_of3A_204] : memref<320000xi32, #tpu.memory_space<hbm>> -> memref<128xi32, #tpu.memory_space<hbm>>
    %dma_wait3A_206 = tpu.memref_slice %arg4[%multiple_of3A_204] : memref<320000xi32, #tpu.memory_space<hbm>> -> memref<128xi32, #tpu.memory_space<hbm>>
    tpu.wait_dma2 semaphore(%arg18 : memref<!tpu.dma_semaphore, #tpu.memory_space<semaphore_mem>>) src(%dma_wait3A_206 : memref<128xi32, #tpu.memory_space<hbm>>) dst(%arg11 : memref<128xi32, #tpu.memory_space<vmem>>)
    "tpu.region"() ({
      %run_scoped3A = tpu.sem_alloc : memref<!tpu.dma_semaphore, #tpu.memory_space<semaphore_mem>>
      %dma_start3A_302 = arith.constant 0 : i32
      %dma_start3A_303 = arith.constant 0 : i32
      %dma_start3A_304 = tpu.memref_slice %arg6[%dma_start3A_302, %dma_start3A_303] : memref<10240x128xf32, #tpu.memory_space<vmem_shared>> -> memref<10240x128xf32, #tpu.memory_space<vmem_shared>>
      tpu.enqueue_indirect_dma source(%arg8 : memref<128x128xf32, #tpu.memory_space<vmem>>) target(%dma_start3A_304 : memref<10240x128xf32, #tpu.memory_space<vmem_shared>>) offsets(%arg11 : memref<128xi32, #tpu.memory_space<vmem>>) semaphore(%run_scoped3A : memref<!tpu.dma_semaphore, #tpu.memory_space<semaphore_mem>>) {add = true}
      %dma_wait3A_305 = arith.constant 0 : i32
      %dma_wait3A_306 = arith.constant 0 : i32
      %dma_wait3A_307 = tpu.memref_slice %arg6[%dma_wait3A_305, %dma_wait3A_306] : memref<10240x128xf32, #tpu.memory_space<vmem_shared>> -> memref<10240x128xf32, #tpu.memory_space<vmem_shared>>
      tpu.wait_indirect_dma semaphore(%run_scoped3A : memref<!tpu.dma_semaphore, #tpu.memory_space<semaphore_mem>>) src(%arg8 : memref<128x128xf32, #tpu.memory_space<vmem>>) dst(%dma_wait3A_307 : memref<10240x128xf32, #tpu.memory_space<vmem_shared>>)
      tpu.yield
    }) : () -> ()
    %multiple_of3A_207 = arith.constant 9856 : i32
    %multiple_of3A_208 = tpu.assume_multiple %multiple_of3A_207, 64 : i32
    %dma_start3A_209 = arith.constant 0 : i32
    %dma_start3A_210 = arith.constant 0 : i32
    %dma_start3A_211 = tpu.memref_slice %arg8[%dma_start3A_209, %dma_start3A_210] : memref<128x128xf32, #tpu.memory_space<vmem>> -> memref<64x128xf32, #tpu.memory_space<vmem>>
    %dma_start3A_212 = tpu.memref_slice %arg9[%multiple_of3A_208] : memref<10000xi32, #tpu.memory_space<vmem>> -> memref<64xi32, #tpu.memory_space<vmem>>
    %dma_start3A_213 = arith.constant 0 : i32
    %dma_start3A_214 = arith.constant 0 : i32
    %dma_start3A_215 = tpu.memref_slice %arg2[%dma_start3A_213, %dma_start3A_214] : memref<10000x128xf32, #tpu.memory_space<hbm>> -> memref<10000x128xf32, #tpu.memory_space<hbm>>
    tpu.enqueue_indirect_dma source(%dma_start3A_215 : memref<10000x128xf32, #tpu.memory_space<hbm>>) target(%dma_start3A_211 : memref<64x128xf32, #tpu.memory_space<vmem>>) offsets(%dma_start3A_212 : memref<64xi32, #tpu.memory_space<vmem>>) semaphore(%arg14 : memref<!tpu.dma_semaphore, #tpu.memory_space<semaphore_mem>>)
    %multiple_of3A_216 = arith.constant 9920 : i32
    %multiple_of3A_217 = tpu.assume_multiple %multiple_of3A_216, 64 : i32
    %dma_start3A_218 = arith.constant 64 : i32
    %dma_start3A_219 = arith.constant 0 : i32
    %dma_start3A_220 = tpu.memref_slice %arg8[%dma_start3A_218, %dma_start3A_219] : memref<128x128xf32, #tpu.memory_space<vmem>> -> memref<64x128xf32, #tpu.memory_space<vmem>>
    %dma_start3A_221 = tpu.memref_slice %arg9[%multiple_of3A_217] : memref<10000xi32, #tpu.memory_space<vmem>> -> memref<64xi32, #tpu.memory_space<vmem>>
    %dma_start3A_222 = arith.constant 0 : i32
    %dma_start3A_223 = arith.constant 0 : i32
    %dma_start3A_224 = tpu.memref_slice %arg2[%dma_start3A_222, %dma_start3A_223] : memref<10000x128xf32, #tpu.memory_space<hbm>> -> memref<10000x128xf32, #tpu.memory_space<hbm>>
    tpu.enqueue_indirect_dma source(%dma_start3A_224 : memref<10000x128xf32, #tpu.memory_space<hbm>>) target(%dma_start3A_220 : memref<64x128xf32, #tpu.memory_space<vmem>>) offsets(%dma_start3A_221 : memref<64xi32, #tpu.memory_space<vmem>>) semaphore(%arg16 : memref<!tpu.dma_semaphore, #tpu.memory_space<semaphore_mem>>)
    %add3A_225 = arith.constant 9856 : i32
    %add3A_226 = arith.addi %mul3A_2, %add3A_225 : i32
    %multiple_of3A_227 = tpu.assume_multiple %add3A_226, 8 : i32
    %dma_start3A_228 = tpu.memref_slice %arg4[%multiple_of3A_227] : memref<320000xi32, #tpu.memory_space<hbm>> -> memref<128xi32, #tpu.memory_space<hbm>>
    %dma_start3A_229 = tpu.memref_slice %arg4[%multiple_of3A_227] : memref<320000xi32, #tpu.memory_space<hbm>> -> memref<128xi32, #tpu.memory_space<hbm>>
    tpu.enqueue_dma source(%dma_start3A_229 : memref<128xi32, #tpu.memory_space<hbm>>) target(%arg11 : memref<128xi32, #tpu.memory_space<vmem>>) target_semaphore(%arg18 : memref<!tpu.dma_semaphore, #tpu.memory_space<semaphore_mem>>)
    %multiple_of3A_230 = arith.constant 9728 : i32
    %multiple_of3A_231 = tpu.assume_multiple %multiple_of3A_230, 64 : i32
    %dma_wait3A_232 = arith.constant 0 : i32
    %dma_wait3A_233 = arith.constant 0 : i32
    %dma_wait3A_234 = tpu.memref_slice %arg7[%dma_wait3A_232, %dma_wait3A_233] : memref<128x128xf32, #tpu.memory_space<vmem>> -> memref<64x128xf32, #tpu.memory_space<vmem>>
    %dma_wait3A_235 = tpu.memref_slice %arg9[%multiple_of3A_231] : memref<10000xi32, #tpu.memory_space<vmem>> -> memref<64xi32, #tpu.memory_space<vmem>>
    %dma_wait3A_236 = arith.constant 0 : i32
    %dma_wait3A_237 = arith.constant 0 : i32
    %dma_wait3A_238 = tpu.memref_slice %arg2[%dma_wait3A_236, %dma_wait3A_237] : memref<10000x128xf32, #tpu.memory_space<hbm>> -> memref<10000x128xf32, #tpu.memory_space<hbm>>
    tpu.wait_indirect_dma semaphore(%arg13 : memref<!tpu.dma_semaphore, #tpu.memory_space<semaphore_mem>>) src(%dma_wait3A_238 : memref<10000x128xf32, #tpu.memory_space<hbm>>) dst(%dma_wait3A_234 : memref<64x128xf32, #tpu.memory_space<vmem>>)
    %multiple_of3A_239 = arith.constant 9792 : i32
    %multiple_of3A_240 = tpu.assume_multiple %multiple_of3A_239, 64 : i32
    %dma_wait3A_241 = arith.constant 64 : i32
    %dma_wait3A_242 = arith.constant 0 : i32
    %dma_wait3A_243 = tpu.memref_slice %arg7[%dma_wait3A_241, %dma_wait3A_242] : memref<128x128xf32, #tpu.memory_space<vmem>> -> memref<64x128xf32, #tpu.memory_space<vmem>>
    %dma_wait3A_244 = tpu.memref_slice %arg9[%multiple_of3A_240] : memref<10000xi32, #tpu.memory_space<vmem>> -> memref<64xi32, #tpu.memory_space<vmem>>
    %dma_wait3A_245 = arith.constant 0 : i32
    %dma_wait3A_246 = arith.constant 0 : i32
    %dma_wait3A_247 = tpu.memref_slice %arg2[%dma_wait3A_245, %dma_wait3A_246] : memref<10000x128xf32, #tpu.memory_space<hbm>> -> memref<10000x128xf32, #tpu.memory_space<hbm>>
    tpu.wait_indirect_dma semaphore(%arg15 : memref<!tpu.dma_semaphore, #tpu.memory_space<semaphore_mem>>) src(%dma_wait3A_247 : memref<10000x128xf32, #tpu.memory_space<hbm>>) dst(%dma_wait3A_243 : memref<64x128xf32, #tpu.memory_space<vmem>>)
    %add3A_248 = arith.constant 9728 : i32
    %add3A_249 = arith.addi %mul3A_2, %add3A_248 : i32
    %multiple_of3A_250 = tpu.assume_multiple %add3A_249, 8 : i32
    %dma_wait3A_251 = tpu.memref_slice %arg4[%multiple_of3A_250] : memref<320000xi32, #tpu.memory_space<hbm>> -> memref<128xi32, #tpu.memory_space<hbm>>
    %dma_wait3A_252 = tpu.memref_slice %arg4[%multiple_of3A_250] : memref<320000xi32, #tpu.memory_space<hbm>> -> memref<128xi32, #tpu.memory_space<hbm>>
    tpu.wait_dma2 semaphore(%arg17 : memref<!tpu.dma_semaphore, #tpu.memory_space<semaphore_mem>>) src(%dma_wait3A_252 : memref<128xi32, #tpu.memory_space<hbm>>) dst(%arg10 : memref<128xi32, #tpu.memory_space<vmem>>)
    "tpu.region"() ({
      %run_scoped3A = tpu.sem_alloc : memref<!tpu.dma_semaphore, #tpu.memory_space<semaphore_mem>>
      %dma_start3A_302 = arith.constant 0 : i32
      %dma_start3A_303 = arith.constant 0 : i32
      %dma_start3A_304 = tpu.memref_slice %arg6[%dma_start3A_302, %dma_start3A_303] : memref<10240x128xf32, #tpu.memory_space<vmem_shared>> -> memref<10240x128xf32, #tpu.memory_space<vmem_shared>>
      tpu.enqueue_indirect_dma source(%arg7 : memref<128x128xf32, #tpu.memory_space<vmem>>) target(%dma_start3A_304 : memref<10240x128xf32, #tpu.memory_space<vmem_shared>>) offsets(%arg10 : memref<128xi32, #tpu.memory_space<vmem>>) semaphore(%run_scoped3A : memref<!tpu.dma_semaphore, #tpu.memory_space<semaphore_mem>>) {add = true}
      %dma_wait3A_305 = arith.constant 0 : i32
      %dma_wait3A_306 = arith.constant 0 : i32
      %dma_wait3A_307 = tpu.memref_slice %arg6[%dma_wait3A_305, %dma_wait3A_306] : memref<10240x128xf32, #tpu.memory_space<vmem_shared>> -> memref<10240x128xf32, #tpu.memory_space<vmem_shared>>
      tpu.wait_indirect_dma semaphore(%run_scoped3A : memref<!tpu.dma_semaphore, #tpu.memory_space<semaphore_mem>>) src(%arg7 : memref<128x128xf32, #tpu.memory_space<vmem>>) dst(%dma_wait3A_307 : memref<10240x128xf32, #tpu.memory_space<vmem_shared>>)
      tpu.yield
    }) : () -> ()
    %multiple_of3A_253 = arith.constant 9856 : i32
    %multiple_of3A_254 = tpu.assume_multiple %multiple_of3A_253, 64 : i32
    %dma_wait3A_255 = arith.constant 0 : i32
    %dma_wait3A_256 = arith.constant 0 : i32
    %dma_wait3A_257 = tpu.memref_slice %arg8[%dma_wait3A_255, %dma_wait3A_256] : memref<128x128xf32, #tpu.memory_space<vmem>> -> memref<64x128xf32, #tpu.memory_space<vmem>>
    %dma_wait3A_258 = tpu.memref_slice %arg9[%multiple_of3A_254] : memref<10000xi32, #tpu.memory_space<vmem>> -> memref<64xi32, #tpu.memory_space<vmem>>
    %dma_wait3A_259 = arith.constant 0 : i32
    %dma_wait3A_260 = arith.constant 0 : i32
    %dma_wait3A_261 = tpu.memref_slice %arg2[%dma_wait3A_259, %dma_wait3A_260] : memref<10000x128xf32, #tpu.memory_space<hbm>> -> memref<10000x128xf32, #tpu.memory_space<hbm>>
    tpu.wait_indirect_dma semaphore(%arg14 : memref<!tpu.dma_semaphore, #tpu.memory_space<semaphore_mem>>) src(%dma_wait3A_261 : memref<10000x128xf32, #tpu.memory_space<hbm>>) dst(%dma_wait3A_257 : memref<64x128xf32, #tpu.memory_space<vmem>>)
    %multiple_of3A_262 = arith.constant 9920 : i32
    %multiple_of3A_263 = tpu.assume_multiple %multiple_of3A_262, 64 : i32
    %dma_wait3A_264 = arith.constant 64 : i32
    %dma_wait3A_265 = arith.constant 0 : i32
    %dma_wait3A_266 = tpu.memref_slice %arg8[%dma_wait3A_264, %dma_wait3A_265] : memref<128x128xf32, #tpu.memory_space<vmem>> -> memref<64x128xf32, #tpu.memory_space<vmem>>
    %dma_wait3A_267 = tpu.memref_slice %arg9[%multiple_of3A_263] : memref<10000xi32, #tpu.memory_space<vmem>> -> memref<64xi32, #tpu.memory_space<vmem>>
    %dma_wait3A_268 = arith.constant 0 : i32
    %dma_wait3A_269 = arith.constant 0 : i32
    %dma_wait3A_270 = tpu.memref_slice %arg2[%dma_wait3A_268, %dma_wait3A_269] : memref<10000x128xf32, #tpu.memory_space<hbm>> -> memref<10000x128xf32, #tpu.memory_space<hbm>>
    tpu.wait_indirect_dma semaphore(%arg16 : memref<!tpu.dma_semaphore, #tpu.memory_space<semaphore_mem>>) src(%dma_wait3A_270 : memref<10000x128xf32, #tpu.memory_space<hbm>>) dst(%dma_wait3A_266 : memref<64x128xf32, #tpu.memory_space<vmem>>)
    %add3A_271 = arith.constant 9856 : i32
    %add3A_272 = arith.addi %mul3A_2, %add3A_271 : i32
    %multiple_of3A_273 = tpu.assume_multiple %add3A_272, 8 : i32
    %dma_wait3A_274 = tpu.memref_slice %arg4[%multiple_of3A_273] : memref<320000xi32, #tpu.memory_space<hbm>> -> memref<128xi32, #tpu.memory_space<hbm>>
    %dma_wait3A_275 = tpu.memref_slice %arg4[%multiple_of3A_273] : memref<320000xi32, #tpu.memory_space<hbm>> -> memref<128xi32, #tpu.memory_space<hbm>>
    tpu.wait_dma2 semaphore(%arg18 : memref<!tpu.dma_semaphore, #tpu.memory_space<semaphore_mem>>) src(%dma_wait3A_275 : memref<128xi32, #tpu.memory_space<hbm>>) dst(%arg11 : memref<128xi32, #tpu.memory_space<vmem>>)
    "tpu.region"() ({
      %run_scoped3A = tpu.sem_alloc : memref<!tpu.dma_semaphore, #tpu.memory_space<semaphore_mem>>
      %dma_start3A_302 = arith.constant 0 : i32
      %dma_start3A_303 = arith.constant 0 : i32
      %dma_start3A_304 = tpu.memref_slice %arg6[%dma_start3A_302, %dma_start3A_303] : memref<10240x128xf32, #tpu.memory_space<vmem_shared>> -> memref<10240x128xf32, #tpu.memory_space<vmem_shared>>
      tpu.enqueue_indirect_dma source(%arg8 : memref<128x128xf32, #tpu.memory_space<vmem>>) target(%dma_start3A_304 : memref<10240x128xf32, #tpu.memory_space<vmem_shared>>) offsets(%arg11 : memref<128xi32, #tpu.memory_space<vmem>>) semaphore(%run_scoped3A : memref<!tpu.dma_semaphore, #tpu.memory_space<semaphore_mem>>) {add = true}
      %dma_wait3A_305 = arith.constant 0 : i32
      %dma_wait3A_306 = arith.constant 0 : i32
      %dma_wait3A_307 = tpu.memref_slice %arg6[%dma_wait3A_305, %dma_wait3A_306] : memref<10240x128xf32, #tpu.memory_space<vmem_shared>> -> memref<10240x128xf32, #tpu.memory_space<vmem_shared>>
      tpu.wait_indirect_dma semaphore(%run_scoped3A : memref<!tpu.dma_semaphore, #tpu.memory_space<semaphore_mem>>) src(%arg8 : memref<128x128xf32, #tpu.memory_space<vmem>>) dst(%dma_wait3A_307 : memref<10240x128xf32, #tpu.memory_space<vmem_shared>>)
      tpu.yield
    }) : () -> ()
    %add3A_276 = arith.constant 9984 : i32
    %add3A_277 = arith.addi %mul3A_2, %add3A_276 : i32
    %multiple_of3A_278 = tpu.assume_multiple %add3A_277, 8 : i32
    "tpu.region"() ({
      %run_scoped3A = tpu.sem_alloc : memref<!tpu.dma_semaphore, #tpu.memory_space<semaphore_mem>>
      %dma_start3A_302 = tpu.memref_slice %arg4[%multiple_of3A_278] : memref<320000xi32, #tpu.memory_space<hbm>> -> memref<16xi32, #tpu.memory_space<hbm>>
      %dma_start3A_303 = tpu.memref_slice %arg4[%multiple_of3A_278] : memref<320000xi32, #tpu.memory_space<hbm>> -> memref<16xi32, #tpu.memory_space<hbm>>
      tpu.enqueue_dma source(%dma_start3A_303 : memref<16xi32, #tpu.memory_space<hbm>>) target(%arg12 : memref<16xi32, #tpu.memory_space<vmem>>) target_semaphore(%run_scoped3A : memref<!tpu.dma_semaphore, #tpu.memory_space<semaphore_mem>>)
      %dma_wait3A_304 = tpu.memref_slice %arg4[%multiple_of3A_278] : memref<320000xi32, #tpu.memory_space<hbm>> -> memref<16xi32, #tpu.memory_space<hbm>>
      %dma_wait3A_305 = tpu.memref_slice %arg4[%multiple_of3A_278] : memref<320000xi32, #tpu.memory_space<hbm>> -> memref<16xi32, #tpu.memory_space<hbm>>
      tpu.wait_dma2 semaphore(%run_scoped3A : memref<!tpu.dma_semaphore, #tpu.memory_space<semaphore_mem>>) src(%dma_wait3A_305 : memref<16xi32, #tpu.memory_space<hbm>>) dst(%arg12 : memref<16xi32, #tpu.memory_space<vmem>>)
      tpu.yield
    }) : () -> ()
    %multiple_of3A_279 = arith.constant 9984 : i32
    %multiple_of3A_280 = tpu.assume_multiple %multiple_of3A_279, 8 : i32
    %dma_start3A_281 = arith.constant 0 : i32
    %dma_start3A_282 = arith.constant 0 : i32
    %dma_start3A_283 = tpu.memref_slice %arg7[%dma_start3A_281, %dma_start3A_282] : memref<128x128xf32, #tpu.memory_space<vmem>> -> memref<16x128xf32, #tpu.memory_space<vmem>>
    %dma_start3A_284 = tpu.memref_slice %arg9[%multiple_of3A_280] : memref<10000xi32, #tpu.memory_space<vmem>> -> memref<16xi32, #tpu.memory_space<vmem>>
    %dma_start3A_285 = arith.constant 0 : i32
    %dma_start3A_286 = arith.constant 0 : i32
    %dma_start3A_287 = tpu.memref_slice %arg2[%dma_start3A_285, %dma_start3A_286] : memref<10000x128xf32, #tpu.memory_space<hbm>> -> memref<10000x128xf32, #tpu.memory_space<hbm>>
    tpu.enqueue_indirect_dma source(%dma_start3A_287 : memref<10000x128xf32, #tpu.memory_space<hbm>>) target(%dma_start3A_283 : memref<16x128xf32, #tpu.memory_space<vmem>>) offsets(%dma_start3A_284 : memref<16xi32, #tpu.memory_space<vmem>>) semaphore(%arg13 : memref<!tpu.dma_semaphore, #tpu.memory_space<semaphore_mem>>)
    %multiple_of3A_288 = arith.constant 9984 : i32
    %multiple_of3A_289 = tpu.assume_multiple %multiple_of3A_288, 8 : i32
    %dma_wait3A_290 = arith.constant 0 : i32
    %dma_wait3A_291 = arith.constant 0 : i32
    %dma_wait3A_292 = tpu.memref_slice %arg7[%dma_wait3A_290, %dma_wait3A_291] : memref<128x128xf32, #tpu.memory_space<vmem>> -> memref<16x128xf32, #tpu.memory_space<vmem>>
    %dma_wait3A_293 = tpu.memref_slice %arg9[%multiple_of3A_289] : memref<10000xi32, #tpu.memory_space<vmem>> -> memref<16xi32, #tpu.memory_space<vmem>>
    %dma_wait3A_294 = arith.constant 0 : i32
    %dma_wait3A_295 = arith.constant 0 : i32
    %dma_wait3A_296 = tpu.memref_slice %arg2[%dma_wait3A_294, %dma_wait3A_295] : memref<10000x128xf32, #tpu.memory_space<hbm>> -> memref<10000x128xf32, #tpu.memory_space<hbm>>
    tpu.wait_indirect_dma semaphore(%arg13 : memref<!tpu.dma_semaphore, #tpu.memory_space<semaphore_mem>>) src(%dma_wait3A_296 : memref<10000x128xf32, #tpu.memory_space<hbm>>) dst(%dma_wait3A_292 : memref<16x128xf32, #tpu.memory_space<vmem>>)
    "tpu.region"() ({
      %run_scoped3A = tpu.sem_alloc : memref<!tpu.dma_semaphore, #tpu.memory_space<semaphore_mem>>
      %dma_start3A_302 = arith.constant 0 : i32
      %dma_start3A_303 = arith.constant 0 : i32
      %dma_start3A_304 = tpu.memref_slice %arg7[%dma_start3A_302, %dma_start3A_303] : memref<128x128xf32, #tpu.memory_space<vmem>> -> memref<16x128xf32, #tpu.memory_space<vmem>>
      %dma_start3A_305 = arith.constant 0 : i32
      %dma_start3A_306 = arith.constant 0 : i32
      %dma_start3A_307 = tpu.memref_slice %arg6[%dma_start3A_305, %dma_start3A_306] : memref<10240x128xf32, #tpu.memory_space<vmem_shared>> -> memref<10240x128xf32, #tpu.memory_space<vmem_shared>>
      tpu.enqueue_indirect_dma source(%dma_start3A_304 : memref<16x128xf32, #tpu.memory_space<vmem>>) target(%dma_start3A_307 : memref<10240x128xf32, #tpu.memory_space<vmem_shared>>) offsets(%arg12 : memref<16xi32, #tpu.memory_space<vmem>>) semaphore(%run_scoped3A : memref<!tpu.dma_semaphore, #tpu.memory_space<semaphore_mem>>) {add = true}
      %dma_wait3A_308 = arith.constant 0 : i32
      %dma_wait3A_309 = arith.constant 0 : i32
      %dma_wait3A_310 = tpu.memref_slice %arg7[%dma_wait3A_308, %dma_wait3A_309] : memref<128x128xf32, #tpu.memory_space<vmem>> -> memref<16x128xf32, #tpu.memory_space<vmem>>
      %dma_wait3A_311 = arith.constant 0 : i32
      %dma_wait3A_312 = arith.constant 0 : i32
      %dma_wait3A_313 = tpu.memref_slice %arg6[%dma_wait3A_311, %dma_wait3A_312] : memref<10240x128xf32, #tpu.memory_space<vmem_shared>> -> memref<10240x128xf32, #tpu.memory_space<vmem_shared>>
      tpu.wait_indirect_dma semaphore(%run_scoped3A : memref<!tpu.dma_semaphore, #tpu.memory_space<semaphore_mem>>) src(%dma_wait3A_310 : memref<16x128xf32, #tpu.memory_space<vmem>>) dst(%dma_wait3A_313 : memref<10240x128xf32, #tpu.memory_space<vmem_shared>>)
      tpu.yield
    }) : () -> ()
    %barrier3A_297 = arith.constant 0 : index
    tpu.barrier barrier_id(%barrier3A_297)
    %mul3A_298 = arith.constant 640 : i32
    %mul3A_299 = arith.muli %arg1, %mul3A_298 : i32
    %mul3A_300 = arith.constant 640 : i32
    %mul3A_301 = arith.muli %arg1, %mul3A_300 : i32
    "tpu.region"() ({
      %run_scoped3A = tpu.sem_alloc : memref<!tpu.dma_semaphore, #tpu.memory_space<semaphore_mem>>
      %dma_start3A_302 = arith.constant 0 : i32
      %dma_start3A_303 = tpu.memref_slice %arg5[%arg0, %mul3A_301, %dma_start3A_302] : memref<2x10240x128xf32, #tpu.memory_space<hbm>> -> memref<1x640x128xf32, #tpu.memory_space<hbm>>
      %dma_start3A_304 = tpu.memref_squeeze %dma_start3A_303 : memref<1x640x128xf32, #tpu.memory_space<hbm>> -> memref<640x128xf32, #tpu.memory_space<hbm>>
      %dma_start3A_305 = arith.constant 0 : i32
      %dma_start3A_306 = tpu.memref_slice %arg6[%mul3A_299, %dma_start3A_305] : memref<10240x128xf32, #tpu.memory_space<vmem_shared>> -> memref<640x128xf32, #tpu.memory_space<vmem_shared>>
      tpu.enqueue_dma source(%dma_start3A_306 : memref<640x128xf32, #tpu.memory_space<vmem_shared>>) target(%dma_start3A_304 : memref<640x128xf32, #tpu.memory_space<hbm>>) target_semaphore(%run_scoped3A : memref<!tpu.dma_semaphore, #tpu.memory_space<semaphore_mem>>)
      %dma_wait3A_307 = arith.constant 0 : i32
      %dma_wait3A_308 = tpu.memref_slice %arg5[%arg0, %mul3A_301, %dma_wait3A_307] : memref<2x10240x128xf32, #tpu.memory_space<hbm>> -> memref<1x640x128xf32, #tpu.memory_space<hbm>>
      %dma_wait3A_309 = tpu.memref_squeeze %dma_wait3A_308 : memref<1x640x128xf32, #tpu.memory_space<hbm>> -> memref<640x128xf32, #tpu.memory_space<hbm>>
      %dma_wait3A_310 = arith.constant 0 : i32
      %dma_wait3A_311 = tpu.memref_slice %arg6[%mul3A_299, %dma_wait3A_310] : memref<10240x128xf32, #tpu.memory_space<vmem_shared>> -> memref<640x128xf32, #tpu.memory_space<vmem_shared>>
      tpu.wait_dma2 semaphore(%run_scoped3A : memref<!tpu.dma_semaphore, #tpu.memory_space<semaphore_mem>>) src(%dma_wait3A_311 : memref<640x128xf32, #tpu.memory_space<vmem_shared>>) dst(%dma_wait3A_309 : memref<640x128xf32, #tpu.memory_space<hbm>>)
      tpu.yield
    }) : () -> ()
    return
  }
}

module attributes {stable_mosaic.version = 14 : i64} {
  func.func @body(%arg0: i32, %arg1: memref<2000x128xf32, #tpu.memory_space<vmem>>, %arg2: memref<128x128xf32, #tpu.memory_space<vmem>>, %arg3: memref<128x128xf32, #tpu.memory_space<vmem>>, %arg4: memref<1x128xf32, #tpu.memory_space<vmem>>, %arg5: memref<2000x128xf32, #tpu.memory_space<vmem>>, %arg6: memref<2000x128xf32, #tpu.memory_space<vmem>>) attributes {dimension_semantics = [#tpu.dimension_semantics<arbitrary>], iteration_bounds = array<i64: 5>, scalar_prefetch = 0 : i64, scratch_operands = 0 : i64, tpu.core_type = #tpu.core_type<tc>, window_params = [{transform_indices = @transform_0, window_bounds = array<i64: 2000, 128>}, {pipeline_mode = #tpu.pipeline_mode<synchronous>, transform_indices = @transform_1, window_bounds = array<i64: 128, 128>}, {pipeline_mode = #tpu.pipeline_mode<synchronous>, transform_indices = @transform_2, window_bounds = array<i64: 128, 128>}, {pipeline_mode = #tpu.pipeline_mode<synchronous>, transform_indices = @transform_3, window_bounds = array<i64: 1, 128>}, {transform_indices = @transform_4, window_bounds = array<i64: 2000, 128>}, {transform_indices = @transform_5, window_bounds = array<i64: 2000, 128>}]} {
    %get3A = arith.constant 0 : index
    %get3A_0 = arith.constant 0 : index
    %get3A_1 = vector.load %arg1[%get3A, %get3A_0] : memref<2000x128xf32, #tpu.memory_space<vmem>>, vector<2000x128xf32>
    %get3A_2 = arith.constant 0 : index
    %get3A_3 = arith.constant 0 : index
    %get3A_4 = vector.load %arg2[%get3A_2, %get3A_3] : memref<128x128xf32, #tpu.memory_space<vmem>>, vector<128x128xf32>
    %dot_general3A = arith.constant dense<0.000000e+00> : vector<2000x128xf32>
    %dot_general3A_5 = tpu.matmul %get3A_1, %get3A_4, %dot_general3A {dimension_numbers = #tpu.dot_dimension_numbers<[1], [0], [0], [1], [0, 0, 1, 1], [], []>, transpose_lhs_hint = false} : vector<2000x128xf32>, vector<128x128xf32>, vector<2000x128xf32> -> vector<2000x128xf32>
    %swap3A = arith.constant 0 : index
    %swap3A_6 = arith.constant 0 : index
    %swap3A_7 = vector.load %arg5[%swap3A, %swap3A_6] : memref<2000x128xf32, #tpu.memory_space<vmem>>, vector<2000x128xf32>
    tpu.vector_store %arg5[%swap3A, %swap3A_6], %dot_general3A_5 {strides = array<i32>} : memref<2000x128xf32, #tpu.memory_space<vmem>>, vector<2000x128xf32>,
    %get3A_8 = arith.constant 0 : index
    %get3A_9 = arith.constant 0 : index
    %get3A_10 = vector.load %arg3[%get3A_8, %get3A_9] : memref<128x128xf32, #tpu.memory_space<vmem>>, vector<128x128xf32>
    %dot_general3A_11 = arith.constant dense<0.000000e+00> : vector<2000x128xf32>
    %dot_general3A_12 = tpu.matmul %get3A_1, %get3A_10, %dot_general3A_11 {dimension_numbers = #tpu.dot_dimension_numbers<[1], [0], [0], [1], [0, 0, 1, 1], [], []>, transpose_lhs_hint = false} : vector<2000x128xf32>, vector<128x128xf32>, vector<2000x128xf32> -> vector<2000x128xf32>
    %get3A_13 = arith.constant 0 : index
    %get3A_14 = arith.constant 0 : index
    %get3A_15 = vector.load %arg4[%get3A_13, %get3A_14] : memref<1x128xf32, #tpu.memory_space<vmem>>, vector<1x128xf32>
    %add3A = vector.broadcast %get3A_15 : vector<1x128xf32> to vector<2000x128xf32>
    %add3A_16 = arith.addf %dot_general3A_12, %add3A : vector<2000x128xf32>
    %swap3A_17 = arith.constant 0 : index
    %swap3A_18 = arith.constant 0 : index
    %swap3A_19 = vector.load %arg6[%swap3A_17, %swap3A_18] : memref<2000x128xf32, #tpu.memory_space<vmem>>, vector<2000x128xf32>
    tpu.vector_store %arg6[%swap3A_17, %swap3A_18], %add3A_16 {strides = array<i32>} : memref<2000x128xf32, #tpu.memory_space<vmem>>, vector<2000x128xf32>,
    return
  }
  func.func @transform_0(%arg0: i32) -> (i32, i32) {
    %c0_i32 = arith.constant 0 : i32
    %c0_i32_0 = arith.constant 0 : i32
    return %arg0, %c0_i32 : i32, i32
  }
  func.func @transform_1(%arg0: i32) -> (i32, i32) {
    %c0_i32 = arith.constant 0 : i32
    %c0_i32_0 = arith.constant 0 : i32
    %c0_i32_1 = arith.constant 0 : i32
    return %c0_i32, %c0_i32_0 : i32, i32
  }
  func.func @transform_2(%arg0: i32) -> (i32, i32) {
    %c0_i32 = arith.constant 0 : i32
    %c0_i32_0 = arith.constant 0 : i32
    %c0_i32_1 = arith.constant 0 : i32
    return %c0_i32, %c0_i32_0 : i32, i32
  }
  func.func @transform_3(%arg0: i32) -> (i32, i32) {
    %c0_i32 = arith.constant 0 : i32
    %c0_i32_0 = arith.constant 0 : i32
    %c0_i32_1 = arith.constant 0 : i32
    return %c0_i32, %c0_i32_0 : i32, i32
  }
  func.func @transform_4(%arg0: i32) -> (i32, i32) {
    %c0_i32 = arith.constant 0 : i32
    %c0_i32_0 = arith.constant 0 : i32
    return %arg0, %c0_i32 : i32, i32
  }
  func.func @transform_5(%arg0: i32) -> (i32, i32) {
    %c0_i32 = arith.constant 0 : i32
    %c0_i32_0 = arith.constant 0 : i32
    return %arg0, %c0_i32 : i32, i32
  }
}

module attributes {stable_mosaic.version = 14 : i64} {
  func.func @body(%arg0: i32, %arg1: memref<2x2000x128xf32, #tpu.memory_space<vmem>>, %arg2: memref<2000x1xf32, #tpu.memory_space<vmem>>, %arg3: memref<2000x1xf32, #tpu.memory_space<vmem>>, %arg4: memref<2000x128xf32, #tpu.memory_space<vmem>>, %arg5: memref<128x128xf32, #tpu.memory_space<vmem>>, %arg6: memref<128x128xf32, #tpu.memory_space<vmem>>, %arg7: memref<1x128xf32, #tpu.memory_space<vmem>>, %arg8: memref<2000x128xf32, #tpu.memory_space<vmem>>, %arg9: memref<2000x128xf32, #tpu.memory_space<vmem>>, %arg10: memref<2000x16xf32, #tpu.memory_space<vmem>>) attributes {dimension_semantics = [#tpu.dimension_semantics<arbitrary>], iteration_bounds = array<i64: 5>, scalar_prefetch = 0 : i64, scratch_operands = 0 : i64, tpu.core_type = #tpu.core_type<tc>, window_params = [{transform_indices = @transform_0, window_bounds = array<i64: 2, 2000, 128>}, {transform_indices = @transform_1, window_bounds = array<i64: 2000, 1>}, {transform_indices = @transform_2, window_bounds = array<i64: 2000, 1>}, {transform_indices = @transform_3, window_bounds = array<i64: 2000, 128>}, {pipeline_mode = #tpu.pipeline_mode<synchronous>, transform_indices = @transform_4, window_bounds = array<i64: 128, 128>}, {pipeline_mode = #tpu.pipeline_mode<synchronous>, transform_indices = @transform_5, window_bounds = array<i64: 128, 128>}, {pipeline_mode = #tpu.pipeline_mode<synchronous>, transform_indices = @transform_6, window_bounds = array<i64: 1, 128>}, {transform_indices = @transform_7, window_bounds = array<i64: 2000, 128>}, {transform_indices = @transform_8, window_bounds = array<i64: 2000, 128>}, {transform_indices = @transform_9, window_bounds = array<i64: 2000, 16>}]} {
    %get3A = arith.constant 0 : index
    %get3A_0 = arith.constant 0 : index
    %get3A_1 = vector.load %arg2[%get3A, %get3A_0] : memref<2000x1xf32, #tpu.memory_space<vmem>>, vector<2000x1xf32>
    %get3A_2 = arith.constant 0 : index
    %get3A_3 = arith.constant 0 : index
    %get3A_4 = vector.load %arg3[%get3A_2, %get3A_3] : memref<2000x1xf32, #tpu.memory_space<vmem>>, vector<2000x1xf32>
    %add3A = arith.addf %get3A_1, %get3A_4 : vector<2000x1xf32>
    %max3A = arith.constant 1.000000e+00 : f32
    %max3A_5 = vector.broadcast %max3A : f32 to vector<2000x1xf32>
    %max3A_6 = arith.maximumf %add3A, %max3A_5 : vector<2000x1xf32>
    %div3A = arith.constant 1.000000e+00 : f32
    %div3A_7 = vector.broadcast %div3A : f32 to vector<2000x1xf32>
    %div3A_8 = arith.divf %div3A_7, %max3A_6 : vector<2000x1xf32>
    %broadcast_in_dim3A = vector.shape_cast %div3A_8 : vector<2000x1xf32> to vector<2000x1xf32>
    %broadcast_in_dim3A_9 = vector.broadcast %broadcast_in_dim3A : vector<2000x1xf32> to vector<2000x16xf32>
    %swap3A = arith.constant 0 : index
    %swap3A_10 = arith.constant 0 : index
    %swap3A_11 = vector.load %arg10[%swap3A, %swap3A_10] : memref<2000x16xf32, #tpu.memory_space<vmem>>, vector<2000x16xf32>
    tpu.vector_store %arg10[%swap3A, %swap3A_10], %broadcast_in_dim3A_9 {strides = array<i32>} : memref<2000x16xf32, #tpu.memory_space<vmem>>, vector<2000x16xf32>,
    %get3A_12 = arith.constant 0 : index
    %get3A_13 = arith.constant 0 : index
    %get3A_14 = arith.constant 0 : index
    %get3A_15 = vector.load %arg1[%get3A_12, %get3A_13, %get3A_14] : memref<2x2000x128xf32, #tpu.memory_space<vmem>>, vector<1x2000x128xf32>
    %get3A_16 = vector.shape_cast %get3A_15 : vector<1x2000x128xf32> to vector<2000x128xf32>
    %get3A_17 = arith.constant 1 : index
    %get3A_18 = arith.constant 0 : index
    %get3A_19 = arith.constant 0 : index
    %get3A_20 = vector.load %arg1[%get3A_17, %get3A_18, %get3A_19] : memref<2x2000x128xf32, #tpu.memory_space<vmem>>, vector<1x2000x128xf32>
    %get3A_21 = vector.shape_cast %get3A_20 : vector<1x2000x128xf32> to vector<2000x128xf32>
    %add3A_22 = arith.addf %get3A_16, %get3A_21 : vector<2000x128xf32>
    %mul3A = vector.broadcast %div3A_8 : vector<2000x1xf32> to vector<2000x128xf32>
    %mul3A_23 = arith.mulf %add3A_22, %mul3A : vector<2000x128xf32>
    %get3A_24 = arith.constant 0 : index
    %get3A_25 = arith.constant 0 : index
    %get3A_26 = vector.load %arg4[%get3A_24, %get3A_25] : memref<2000x128xf32, #tpu.memory_space<vmem>>, vector<2000x128xf32>
    %add3A_27 = arith.addf %mul3A_23, %get3A_26 : vector<2000x128xf32>
    %max3A_28 = arith.constant 0.000000e+00 : f32
    %max3A_29 = vector.broadcast %max3A_28 : f32 to vector<2000x128xf32>
    %max3A_30 = arith.maximumf %add3A_27, %max3A_29 : vector<2000x128xf32>
    %get3A_31 = arith.constant 0 : index
    %get3A_32 = arith.constant 0 : index
    %get3A_33 = vector.load %arg5[%get3A_31, %get3A_32] : memref<128x128xf32, #tpu.memory_space<vmem>>, vector<128x128xf32>
    %dot_general3A = arith.constant dense<0.000000e+00> : vector<2000x128xf32>
    %dot_general3A_34 = tpu.matmul %max3A_30, %get3A_33, %dot_general3A {dimension_numbers = #tpu.dot_dimension_numbers<[1], [0], [0], [1], [0, 0, 1, 1], [], []>, transpose_lhs_hint = false} : vector<2000x128xf32>, vector<128x128xf32>, vector<2000x128xf32> -> vector<2000x128xf32>
    %swap3A_35 = arith.constant 0 : index
    %swap3A_36 = arith.constant 0 : index
    %swap3A_37 = vector.load %arg8[%swap3A_35, %swap3A_36] : memref<2000x128xf32, #tpu.memory_space<vmem>>, vector<2000x128xf32>
    tpu.vector_store %arg8[%swap3A_35, %swap3A_36], %dot_general3A_34 {strides = array<i32>} : memref<2000x128xf32, #tpu.memory_space<vmem>>, vector<2000x128xf32>,
    %get3A_38 = arith.constant 0 : index
    %get3A_39 = arith.constant 0 : index
    %get3A_40 = vector.load %arg6[%get3A_38, %get3A_39] : memref<128x128xf32, #tpu.memory_space<vmem>>, vector<128x128xf32>
    %dot_general3A_41 = arith.constant dense<0.000000e+00> : vector<2000x128xf32>
    %dot_general3A_42 = tpu.matmul %max3A_30, %get3A_40, %dot_general3A_41 {dimension_numbers = #tpu.dot_dimension_numbers<[1], [0], [0], [1], [0, 0, 1, 1], [], []>, transpose_lhs_hint = false} : vector<2000x128xf32>, vector<128x128xf32>, vector<2000x128xf32> -> vector<2000x128xf32>
    %get3A_43 = arith.constant 0 : index
    %get3A_44 = arith.constant 0 : index
    %get3A_45 = vector.load %arg7[%get3A_43, %get3A_44] : memref<1x128xf32, #tpu.memory_space<vmem>>, vector<1x128xf32>
    %add3A_46 = vector.broadcast %get3A_45 : vector<1x128xf32> to vector<2000x128xf32>
    %add3A_47 = arith.addf %dot_general3A_42, %add3A_46 : vector<2000x128xf32>
    %swap3A_48 = arith.constant 0 : index
    %swap3A_49 = arith.constant 0 : index
    %swap3A_50 = vector.load %arg9[%swap3A_48, %swap3A_49] : memref<2000x128xf32, #tpu.memory_space<vmem>>, vector<2000x128xf32>
    tpu.vector_store %arg9[%swap3A_48, %swap3A_49], %add3A_47 {strides = array<i32>} : memref<2000x128xf32, #tpu.memory_space<vmem>>, vector<2000x128xf32>,
    return
  }
  func.func @transform_0(%arg0: i32) -> (i32, i32, i32) {
    %c0_i32 = arith.constant 0 : i32
    %c0_i32_0 = arith.constant 0 : i32
    %c0_i32_1 = arith.constant 0 : i32
    return %c0_i32, %arg0, %c0_i32_0 : i32, i32, i32
  }
  func.func @transform_1(%arg0: i32) -> (i32, i32) {
    %c0_i32 = arith.constant 0 : i32
    %c0_i32_0 = arith.constant 0 : i32
    return %arg0, %c0_i32 : i32, i32
  }
  func.func @transform_2(%arg0: i32) -> (i32, i32) {
    %c0_i32 = arith.constant 0 : i32
    %c0_i32_0 = arith.constant 0 : i32
    return %arg0, %c0_i32 : i32, i32
  }
  func.func @transform_3(%arg0: i32) -> (i32, i32) {
    %c0_i32 = arith.constant 0 : i32
    %c0_i32_0 = arith.constant 0 : i32
    return %arg0, %c0_i32 : i32, i32
  }
  func.func @transform_4(%arg0: i32) -> (i32, i32) {
    %c0_i32 = arith.constant 0 : i32
    %c0_i32_0 = arith.constant 0 : i32
    %c0_i32_1 = arith.constant 0 : i32
    return %c0_i32, %c0_i32_0 : i32, i32
  }
  func.func @transform_5(%arg0: i32) -> (i32, i32) {
    %c0_i32 = arith.constant 0 : i32
    %c0_i32_0 = arith.constant 0 : i32
    %c0_i32_1 = arith.constant 0 : i32
    return %c0_i32, %c0_i32_0 : i32, i32
  }
  func.func @transform_6(%arg0: i32) -> (i32, i32) {
    %c0_i32 = arith.constant 0 : i32
    %c0_i32_0 = arith.constant 0 : i32
    %c0_i32_1 = arith.constant 0 : i32
    return %c0_i32, %c0_i32_0 : i32, i32
  }
  func.func @transform_7(%arg0: i32) -> (i32, i32) {
    %c0_i32 = arith.constant 0 : i32
    %c0_i32_0 = arith.constant 0 : i32
    return %arg0, %c0_i32 : i32, i32
  }
  func.func @transform_8(%arg0: i32) -> (i32, i32) {
    %c0_i32 = arith.constant 0 : i32
    %c0_i32_0 = arith.constant 0 : i32
    return %arg0, %c0_i32 : i32, i32
  }
  func.func @transform_9(%arg0: i32) -> (i32, i32) {
    %c0_i32 = arith.constant 0 : i32
    %c0_i32_0 = arith.constant 0 : i32
    return %arg0, %c0_i32 : i32, i32
  }
}

module attributes {stable_mosaic.version = 14 : i64} {
  func.func @body(%arg0: i32, %arg1: memref<2x2000x128xf32, #tpu.memory_space<vmem>>, %arg2: memref<2000x16xf32, #tpu.memory_space<vmem>>, %arg3: memref<2000x128xf32, #tpu.memory_space<vmem>>, %arg4: memref<128x128xf32, #tpu.memory_space<vmem>>, %arg5: memref<128x128xf32, #tpu.memory_space<vmem>>, %arg6: memref<1x128xf32, #tpu.memory_space<vmem>>, %arg7: memref<2000x128xf32, #tpu.memory_space<vmem>>, %arg8: memref<2000x128xf32, #tpu.memory_space<vmem>>) attributes {dimension_semantics = [#tpu.dimension_semantics<arbitrary>], iteration_bounds = array<i64: 5>, scalar_prefetch = 0 : i64, scratch_operands = 0 : i64, tpu.core_type = #tpu.core_type<tc>, window_params = [{transform_indices = @transform_0, window_bounds = array<i64: 2, 2000, 128>}, {transform_indices = @transform_1, window_bounds = array<i64: 2000, 16>}, {transform_indices = @transform_2, window_bounds = array<i64: 2000, 128>}, {pipeline_mode = #tpu.pipeline_mode<synchronous>, transform_indices = @transform_3, window_bounds = array<i64: 128, 128>}, {pipeline_mode = #tpu.pipeline_mode<synchronous>, transform_indices = @transform_4, window_bounds = array<i64: 128, 128>}, {pipeline_mode = #tpu.pipeline_mode<synchronous>, transform_indices = @transform_5, window_bounds = array<i64: 1, 128>}, {transform_indices = @transform_6, window_bounds = array<i64: 2000, 128>}, {transform_indices = @transform_7, window_bounds = array<i64: 2000, 128>}]} {
    %get3A = arith.constant 0 : index
    %get3A_0 = arith.constant 0 : index
    %get3A_1 = vector.load %arg2[%get3A, %get3A_0] : memref<2000x16xf32, #tpu.memory_space<vmem>>, vector<2000x1xf32>
    %get3A_2 = arith.constant 0 : index
    %get3A_3 = arith.constant 0 : index
    %get3A_4 = arith.constant 0 : index
    %get3A_5 = vector.load %arg1[%get3A_2, %get3A_3, %get3A_4] : memref<2x2000x128xf32, #tpu.memory_space<vmem>>, vector<1x2000x128xf32>
    %get3A_6 = vector.shape_cast %get3A_5 : vector<1x2000x128xf32> to vector<2000x128xf32>
    %get3A_7 = arith.constant 1 : index
    %get3A_8 = arith.constant 0 : index
    %get3A_9 = arith.constant 0 : index
    %get3A_10 = vector.load %arg1[%get3A_7, %get3A_8, %get3A_9] : memref<2x2000x128xf32, #tpu.memory_space<vmem>>, vector<1x2000x128xf32>
    %get3A_11 = vector.shape_cast %get3A_10 : vector<1x2000x128xf32> to vector<2000x128xf32>
    %add3A = arith.addf %get3A_6, %get3A_11 : vector<2000x128xf32>
    %mul3A = vector.broadcast %get3A_1 : vector<2000x1xf32> to vector<2000x128xf32>
    %mul3A_12 = arith.mulf %add3A, %mul3A : vector<2000x128xf32>
    %get3A_13 = arith.constant 0 : index
    %get3A_14 = arith.constant 0 : index
    %get3A_15 = vector.load %arg3[%get3A_13, %get3A_14] : memref<2000x128xf32, #tpu.memory_space<vmem>>, vector<2000x128xf32>
    %add3A_16 = arith.addf %mul3A_12, %get3A_15 : vector<2000x128xf32>
    %max3A = arith.constant 0.000000e+00 : f32
    %max3A_17 = vector.broadcast %max3A : f32 to vector<2000x128xf32>
    %max3A_18 = arith.maximumf %add3A_16, %max3A_17 : vector<2000x128xf32>
    %get3A_19 = arith.constant 0 : index
    %get3A_20 = arith.constant 0 : index
    %get3A_21 = vector.load %arg4[%get3A_19, %get3A_20] : memref<128x128xf32, #tpu.memory_space<vmem>>, vector<128x128xf32>
    %dot_general3A = arith.constant dense<0.000000e+00> : vector<2000x128xf32>
    %dot_general3A_22 = tpu.matmul %max3A_18, %get3A_21, %dot_general3A {dimension_numbers = #tpu.dot_dimension_numbers<[1], [0], [0], [1], [0, 0, 1, 1], [], []>, transpose_lhs_hint = false} : vector<2000x128xf32>, vector<128x128xf32>, vector<2000x128xf32> -> vector<2000x128xf32>
    %swap3A = arith.constant 0 : index
    %swap3A_23 = arith.constant 0 : index
    %swap3A_24 = vector.load %arg7[%swap3A, %swap3A_23] : memref<2000x128xf32, #tpu.memory_space<vmem>>, vector<2000x128xf32>
    tpu.vector_store %arg7[%swap3A, %swap3A_23], %dot_general3A_22 {strides = array<i32>} : memref<2000x128xf32, #tpu.memory_space<vmem>>, vector<2000x128xf32>,
    %get3A_25 = arith.constant 0 : index
    %get3A_26 = arith.constant 0 : index
    %get3A_27 = vector.load %arg5[%get3A_25, %get3A_26] : memref<128x128xf32, #tpu.memory_space<vmem>>, vector<128x128xf32>
    %dot_general3A_28 = arith.constant dense<0.000000e+00> : vector<2000x128xf32>
    %dot_general3A_29 = tpu.matmul %max3A_18, %get3A_27, %dot_general3A_28 {dimension_numbers = #tpu.dot_dimension_numbers<[1], [0], [0], [1], [0, 0, 1, 1], [], []>, transpose_lhs_hint = false} : vector<2000x128xf32>, vector<128x128xf32>, vector<2000x128xf32> -> vector<2000x128xf32>
    %get3A_30 = arith.constant 0 : index
    %get3A_31 = arith.constant 0 : index
    %get3A_32 = vector.load %arg6[%get3A_30, %get3A_31] : memref<1x128xf32, #tpu.memory_space<vmem>>, vector<1x128xf32>
    %add3A_33 = vector.broadcast %get3A_32 : vector<1x128xf32> to vector<2000x128xf32>
    %add3A_34 = arith.addf %dot_general3A_29, %add3A_33 : vector<2000x128xf32>
    %swap3A_35 = arith.constant 0 : index
    %swap3A_36 = arith.constant 0 : index
    %swap3A_37 = vector.load %arg8[%swap3A_35, %swap3A_36] : memref<2000x128xf32, #tpu.memory_space<vmem>>, vector<2000x128xf32>
    tpu.vector_store %arg8[%swap3A_35, %swap3A_36], %add3A_34 {strides = array<i32>} : memref<2000x128xf32, #tpu.memory_space<vmem>>, vector<2000x128xf32>,
    return
  }
  func.func @transform_0(%arg0: i32) -> (i32, i32, i32) {
    %c0_i32 = arith.constant 0 : i32
    %c0_i32_0 = arith.constant 0 : i32
    %c0_i32_1 = arith.constant 0 : i32
    return %c0_i32, %arg0, %c0_i32_0 : i32, i32, i32
  }
  func.func @transform_1(%arg0: i32) -> (i32, i32) {
    %c0_i32 = arith.constant 0 : i32
    %c0_i32_0 = arith.constant 0 : i32
    return %arg0, %c0_i32 : i32, i32
  }
  func.func @transform_2(%arg0: i32) -> (i32, i32) {
    %c0_i32 = arith.constant 0 : i32
    %c0_i32_0 = arith.constant 0 : i32
    return %arg0, %c0_i32 : i32, i32
  }
  func.func @transform_3(%arg0: i32) -> (i32, i32) {
    %c0_i32 = arith.constant 0 : i32
    %c0_i32_0 = arith.constant 0 : i32
    %c0_i32_1 = arith.constant 0 : i32
    return %c0_i32, %c0_i32_0 : i32, i32
  }
  func.func @transform_4(%arg0: i32) -> (i32, i32) {
    %c0_i32 = arith.constant 0 : i32
    %c0_i32_0 = arith.constant 0 : i32
    %c0_i32_1 = arith.constant 0 : i32
    return %c0_i32, %c0_i32_0 : i32, i32
  }
  func.func @transform_5(%arg0: i32) -> (i32, i32) {
    %c0_i32 = arith.constant 0 : i32
    %c0_i32_0 = arith.constant 0 : i32
    %c0_i32_1 = arith.constant 0 : i32
    return %c0_i32, %c0_i32_0 : i32, i32
  }
  func.func @transform_6(%arg0: i32) -> (i32, i32) {
    %c0_i32 = arith.constant 0 : i32
    %c0_i32_0 = arith.constant 0 : i32
    return %arg0, %c0_i32 : i32, i32
  }
  func.func @transform_7(%arg0: i32) -> (i32, i32) {
    %c0_i32 = arith.constant 0 : i32
    %c0_i32_0 = arith.constant 0 : i32
    return %arg0, %c0_i32 : i32, i32
  }
}

module attributes {stable_mosaic.version = 14 : i64} {
  func.func @body(%arg0: i32, %arg1: memref<2x2000x128xf32, #tpu.memory_space<vmem>>, %arg2: memref<2000x16xf32, #tpu.memory_space<vmem>>, %arg3: memref<2000x128xf32, #tpu.memory_space<vmem>>, %arg4: memref<2000x64xf32, #tpu.memory_space<vmem>>) attributes {dimension_semantics = [#tpu.dimension_semantics<arbitrary>], iteration_bounds = array<i64: 5>, scalar_prefetch = 0 : i64, scratch_operands = 0 : i64, tpu.core_type = #tpu.core_type<tc>, window_params = [{transform_indices = @transform_0, window_bounds = array<i64: 2, 2000, 128>}, {transform_indices = @transform_1, window_bounds = array<i64: 2000, 16>}, {transform_indices = @transform_2, window_bounds = array<i64: 2000, 128>}, {transform_indices = @transform_3, window_bounds = array<i64: 2000, 64>}]} {
    %get3A = arith.constant 0 : index
    %get3A_0 = arith.constant 0 : index
    %get3A_1 = arith.constant 0 : index
    %get3A_2 = vector.load %arg1[%get3A, %get3A_0, %get3A_1] : memref<2x2000x128xf32, #tpu.memory_space<vmem>>, vector<1x2000x128xf32>
    %get3A_3 = vector.shape_cast %get3A_2 : vector<1x2000x128xf32> to vector<2000x128xf32>
    %get3A_4 = arith.constant 1 : index
    %get3A_5 = arith.constant 0 : index
    %get3A_6 = arith.constant 0 : index
    %get3A_7 = vector.load %arg1[%get3A_4, %get3A_5, %get3A_6] : memref<2x2000x128xf32, #tpu.memory_space<vmem>>, vector<1x2000x128xf32>
    %get3A_8 = vector.shape_cast %get3A_7 : vector<1x2000x128xf32> to vector<2000x128xf32>
    %add3A = arith.addf %get3A_3, %get3A_8 : vector<2000x128xf32>
    %get3A_9 = arith.constant 0 : index
    %get3A_10 = arith.constant 0 : index
    %get3A_11 = vector.load %arg2[%get3A_9, %get3A_10] : memref<2000x16xf32, #tpu.memory_space<vmem>>, vector<2000x1xf32>
    %mul3A = vector.broadcast %get3A_11 : vector<2000x1xf32> to vector<2000x128xf32>
    %mul3A_12 = arith.mulf %add3A, %mul3A : vector<2000x128xf32>
    %get3A_13 = arith.constant 0 : index
    %get3A_14 = arith.constant 0 : index
    %get3A_15 = vector.load %arg3[%get3A_13, %get3A_14] : memref<2000x128xf32, #tpu.memory_space<vmem>>, vector<2000x128xf32>
    %add3A_16 = arith.addf %mul3A_12, %get3A_15 : vector<2000x128xf32>
    %iota3A = tpu.iota {dimensions = array<i32: 1>} : vector<2000x128xi32>
    %lt3A = arith.constant 64 : i32
    %lt3A_17 = vector.broadcast %lt3A : i32 to vector<2000x128xi32>
    %lt3A_18 = arith.cmpi slt, %iota3A, %lt3A_17 : vector<2000x128xi32>
    %jit3A = arith.constant -1.000000e+30 : f32
    %broadcast_in_dim3A = vector.broadcast %jit3A : f32 to vector<2000x128xf32>
    %select_n3A = arith.select %lt3A_18, %add3A_16, %broadcast_in_dim3A : vector<2000x128xi1>, vector<2000x128xf32>
    %reduce_max3A = arith.constant dense<0xFF800000> : vector<2000xf32>
    %reduce_max3A_19 = vector.multi_reduction <maximumf>, %select_n3A, %reduce_max3A [1] : vector<2000x128xf32> to vector<2000xf32>
    %broadcast_in_dim3A_20 = vector.shape_cast %reduce_max3A_19 : vector<2000xf32> to vector<2000x1xf32>
    %sub3A = vector.broadcast %broadcast_in_dim3A_20 : vector<2000x1xf32> to vector<2000x128xf32>
    %sub3A_21 = arith.subf %select_n3A, %sub3A : vector<2000x128xf32>
    %exp3A = math.exp %sub3A_21 : vector<2000x128xf32>
    %reduce_sum3A = arith.constant dense<0.000000e+00> : vector<2000xf32>
    %reduce_sum3A_22 = vector.multi_reduction <add>, %exp3A, %reduce_sum3A [1] : vector<2000x128xf32> to vector<2000xf32>
    %broadcast_in_dim3A_23 = vector.shape_cast %reduce_sum3A_22 : vector<2000xf32> to vector<2000x1xf32>
    %log3A = math.log %broadcast_in_dim3A_23 : vector<2000x1xf32>
    %sub3A_24 = vector.broadcast %broadcast_in_dim3A_20 : vector<2000x1xf32> to vector<2000x128xf32>
    %sub3A_25 = arith.subf %add3A_16, %sub3A_24 : vector<2000x128xf32>
    %sub3A_26 = vector.broadcast %log3A : vector<2000x1xf32> to vector<2000x128xf32>
    %sub3A_27 = arith.subf %sub3A_25, %sub3A_26 : vector<2000x128xf32>
    %slice3A = vector.extract_strided_slice %sub3A_27 {offsets = [0, 0], sizes = [2000, 64], strides = [1, 1]} : vector<2000x128xf32> to vector<2000x64xf32>
    %swap3A = arith.constant 0 : index
    %swap3A_28 = arith.constant 0 : index
    %swap3A_29 = vector.load %arg4[%swap3A, %swap3A_28] : memref<2000x64xf32, #tpu.memory_space<vmem>>, vector<2000x64xf32>
    tpu.vector_store %arg4[%swap3A, %swap3A_28], %slice3A {strides = array<i32>} : memref<2000x64xf32, #tpu.memory_space<vmem>>, vector<2000x64xf32>,
    return
  }
  func.func @transform_0(%arg0: i32) -> (i32, i32, i32) {
    %c0_i32 = arith.constant 0 : i32
    %c0_i32_0 = arith.constant 0 : i32
    %c0_i32_1 = arith.constant 0 : i32
    return %c0_i32, %arg0, %c0_i32_0 : i32, i32, i32
  }
  func.func @transform_1(%arg0: i32) -> (i32, i32) {
    %c0_i32 = arith.constant 0 : i32
    %c0_i32_0 = arith.constant 0 : i32
    return %arg0, %c0_i32 : i32, i32
  }
  func.func @transform_2(%arg0: i32) -> (i32, i32) {
    %c0_i32 = arith.constant 0 : i32
    %c0_i32_0 = arith.constant 0 : i32
    return %arg0, %c0_i32 : i32, i32
  }
  func.func @transform_3(%arg0: i32) -> (i32, i32) {
    %c0_i32 = arith.constant 0 : i32
    %c0_i32_0 = arith.constant 0 : i32
    return %arg0, %c0_i32 : i32, i32
  }
}

</mosaic_0001>

<sc_bundles>
// kernel: kernel.12.cloned.1.call-start
scs
__scs_entry_jumppad:
0x0: {  	(pc) =	sbr.rel $0x88, $3  }
0x1: {  	(tag) =	ssettag $0x0;
	lr =	simm.s32 $0x1  }
0x2: {  	[smem:$0x3F96] =	sst lr;
	_ =	strace $0xD0000000  }
0x3: {  	_ = 	snop  }
0x4: {  	_ = 	snop  }
0x5: {  	_ = 	snop  }
0x6: {  	_ = 	snop  }
0x7: {  	_ = 	snop  }
__scs_overlays_trampoline_lowered:
0x8: {  	[smem:$0x3FA5] =	sst s0  }
0x9: {  	[smem:$0x3FA6] =	sst s1  }
0xa: {  	[smem:$0x3FA7] =	sst s2  }
0xb: {  	[smem:$0x3FA8] =	sst s3  }
0xc: {  	[smem:$0x3FA9] =	sst s4  }
0xd: {  	[smem:$0x3FAA] =	sst s5  }
0xe: {  	[smem:$0x3FAB] =	sst s6  }
0xf: {  	[smem:$0x3FAC] =	sst s7  }
0x10: {  	[smem:$0x3FAD] =	sst s8  }
0x11: {  	[smem:$0x3FAE] =	sst s9;
	s0 =	simm.s32 @!p0 $0x0  }
0x12: {  	s1 =	sld [smem:$0x3F94];
	s0 =	simm.s32 @p0 $0x1  }
0x13: {  	[smem:$0x3FAF] =	sst s0;
	s0 =	simm.s32 @!p1 $0x0  }
0x14: {  	s2 =	sld [smem:$0x3F93];
	s0 =	simm.s32 @p1 $0x1  }
0x15: {  	[smem:$0x3FB0] =	sst s0;
	s0 =	simm.s32 @!p2 $0x0  }
0x16: {  	s3 =	sld [smem:$0x3FDB];
	s0 =	simm.s32 @p2 $0x1  }
0x17: {  	s4 =	simm.s32 $0x1BF5;
	[smem:$0x3FB2] =	sst s0  }
0x18: {  	s0 =	sld [smem:$0x3F95];
	_ =	swait.ge [sflag:s4], $0x0  }
0x19: {  	s7 =	sld [smem:$0x3F96]  }
0x1a: {  	s8 =	sadd.s32 $0xFFFFE003, lr  }
0x1b: {  	s9 =	sadd.s32 $0xFFFFFEF7, lr;
	s5 =	simm.s32 $0xFFFFFFFF;
	p2 =	slt.u32 s8, $0xFFFFF086  }
0x1c: {  	p1 =	slt.u32 s9, $0xF7A;
	s5 =	simm.s32 @!p2 $0x0  }
0x1d: {  	s5 =	simm.s32 @p1 $0x1;
	p0 =	seq.s32 s7, s2  }
0x1e: {  	s7 =	smul.u32 @!p0 $0xF7A, s2;
	p2 =	seq.s32 @!p0 s5, $0x0  }
0x1f: {  	s9 =	smul.u32 $0xF7A, s1;
	s8 =	simm.s32 @!p0 $0x1BF5;
	p2 =	por !p2, p0  }
0x20: {  	[sflag:s8] =	ssyncset.s32 @!p0 $0xFFFFF086;
	s6 =	sadd.s32 @!p0 s3, s7;
	s7 =	simm.s32 @!p0 $0x108  }
0x21: {  	s3 =	sadd.s32 s3, s9;
	s6 =	sadd.s32 @!p0 $0x88, s6;
	s7 =	simm.s32 @p2 $0x1082  }
0x22: {  	[simem:s7], [sflag:s8] =	dma.local @!p0 [hbm:s6], $0xF7A  }
0x23: {  	s9 =	sor.u32 $0xD0000000, s2;
	s6 =	simm.s32 $0x108;
	_ =	swait.ge @!p0 [sflag:s8], $0x0  }
0x24: {  	s3 =	sadd.s32 $0x88, s3;
	s6 =	simm.s32 @!p1 $0x1082;
	[sflag:s4] =	ssyncset.s32 $0xFFFFF086  }
0x25: {  	[simem:s6], [sflag:s4] =	dma.local [hbm:s3], $0xF7A  }
0x26: {  	[smem:$0x3F96] =	sst s1;
	(tag) =	ssettag s2;
	_ =	strace s9  }
0x27: {  	s1 =	sld [smem:$0x3FA6]  }
0x28: {  	s2 =	sld [smem:$0x3FA7]  }
0x29: {  	s4 =	sld [smem:$0x3FA9]  }
0x2a: {  	p0 =	seq.s32 s5, $0x0;
	s5 =	sld [smem:$0x3FAA]  }
0x2b: {  	s6 =	sld [smem:$0x3FAB]  }
0x2c: {  	s7 =	sld [smem:$0x3FAC]  }
0x2d: {  	s3 =	simm.s32 $0x108;
	s8 =	sld [smem:$0x3FAD]  }
0x2e: {  	s3 =	simm.s32 @!p0 $0x1082;
	s9 =	sld [smem:$0x3FAE]  }
0x2f: {  	lr =	sadd.s32 s0, s3;
	s0 =	sld [smem:$0x3FA5]  }
0x30: {  	s3 =	sld [smem:$0x3FA8]  }
0x31: {  	[smem:$0x3FB1] =	sst s10  }
0x32: {  	s10 =	sld [smem:$0x3FAF];
	_ =	sdelay $0x3  }
0x33: {  	p0 =	seq.s32 s10, $0x1;
	s10 =	sld [smem:$0x3FB1];
	_ =	sdelay $0x3  }
0x34: {  	[smem:$0x3FB1] =	sst s10  }
0x35: {  	s10 =	sld [smem:$0x3FB0];
	_ =	sdelay $0x3  }
0x36: {  	p1 =	seq.s32 s10, $0x1;
	s10 =	sld [smem:$0x3FB1];
	_ =	sdelay $0x3  }
0x37: {  	[smem:$0x3FB1] =	sst s10  }
0x38: {  	s10 =	sld [smem:$0x3FB2]  }
0x39: {  	_ = 	snop;
	(pc) =	sbr.ind lr, $3  }
0x3a: {  	_ = 	snop  }
0x3b: {  	_ = 	snop  }
0x3c: {  	p2 =	seq.s32 s10, $0x1;
	s10 =	sld [smem:$0x3FB1]  }
0x3d: {  	_ =	shalt  }
0x3e: {  	_ =	shalt  }
0x3f: {  	_ =	shalt  }
0x40: {  	_ =	shalt  }
0x41: {  	_ =	shalt  }
0x42: {  	_ =	shalt  }
0x43: {  	_ =	shalt  }
0x44: {  	_ =	shalt  }
0x45: {  	_ =	shalt  }
0x46: {  	_ =	shalt  }
0x47: {  	_ =	shalt  }
0x48: {  	_ =	shalt  }
0x49: {  	_ =	shalt  }
0x4a: {  	_ =	shalt  }
0x4b: {  	_ =	shalt  }
0x4c: {  	_ =	shalt  }
0x4d: {  	_ =	shalt  }
0x4e: {  	_ =	shalt  }
0x4f: {  	_ =	shalt  }
0x50: {  	_ =	shalt  }
0x51: {  	_ =	shalt  }
0x52: {  	_ =	shalt  }
0x53: {  	_ =	shalt  }
0x54: {  	_ =	shalt  }
0x55: {  	_ =	shalt  }
0x56: {  	_ =	shalt  }
0x57: {  	_ =	shalt  }
0x58: {  	_ =	shalt  }
0x59: {  	_ =	shalt  }
0x5a: {  	_ =	shalt  }
0x5b: {  	_ =	shalt  }
0x5c: {  	_ =	shalt  }
0x5d: {  	_ =	shalt  }
0x5e: {  	_ =	shalt  }
0x5f: {  	_ =	shalt  }
0x60: {  	_ =	shalt  }
0x61: {  	_ =	shalt  }
0x62: {  	_ =	shalt  }
0x63: {  	_ =	shalt  }
0x64: {  	_ =	shalt  }
0x65: {  	_ =	shalt  }
0x66: {  	_ =	shalt  }
0x67: {  	_ =	shalt  }
0x68: {  	_ =	shalt  }
0x69: {  	_ =	shalt  }
0x6a: {  	_ =	shalt  }
0x6b: {  	_ =	shalt  }
0x6c: {  	_ =	shalt  }
0x6d: {  	_ =	shalt  }
0x6e: {  	_ =	shalt  }
0x6f: {  	_ =	shalt  }
0x70: {  	_ =	shalt  }
0x71: {  	_ =	shalt  }
0x72: {  	_ =	shalt  }
0x73: {  	_ =	shalt  }
0x74: {  	_ =	shalt  }
0x75: {  	_ =	shalt  }
0x76: {  	_ =	shalt  }
0x77: {  	_ =	shalt  }
0x78: {  	_ =	shalt  }
0x79: {  	_ =	shalt  }
0x7a: {  	_ =	shalt  }
0x7b: {  	_ =	shalt  }
0x7c: {  	_ =	shalt  }
0x7d: {  	_ =	shalt  }
0x7e: {  	_ =	shalt  }
0x7f: {  	_ =	shalt  }
0x80: {  	_ =	shalt  }
0x81: {  	_ =	shalt  }
0x82: {  	_ =	shalt  }
0x83: {  	_ =	shalt  }
0x84: {  	_ =	shalt  }
0x85: {  	_ =	shalt  }
0x86: {  	_ =	shalt  }
0x87: {  	_ =	shalt  }
.Lfunc_end0:
.L_simem_size_0:
called_computation.1_lowered:
.L_overlay_start_0:
0x88: {  	s2 =	sld [smem:$0x3FD9]  }
0x89: {  	s3 =	sld [smem:$0x3FFE];
	_ =	sdelay $0x1  }
0x8a: {  	s1 =	srdreg.scid  }
0x8b: {  	s0 =	sand.u32 $0x1, s1  }
0x8c: {  	s17 =	sshll.u32 s0, $0xA;
	s2 =	sadd.s32 s3, s2  }
0x8d: {  	s2 =	sadd.s32 s2, s17  }
0x8e: {  	[smem:$0x3FBD] =	sst s2  }
0x8f: {  	_ = 	snop  }
0x90: {  	s2 =	sld [smem:$0x3FD0];
	(tm) =	ssettm $0x1  }
0x91: {  	s18 =	sld [smem:$0x3FFB];
	_ =	sdelay $0x3  }
0x92: {  	_ =	strace s18  }
0x93: {  	s3 =	sld [smem:$0x3FFC];
	_ =	sdelay $0x3  }
0x94: {  	_ =	strace s3  }
0x95: {  	s3 =	sld [smem:$0x3FFD];
	_ =	sdelay $0x3  }
0x96: {  	_ =	strace s3  }
0x97: {  	_ =	strace $0x8FFFFFFF  }
0x98: {  	s19 =	sld [smem:$0x3FDB];
	_ =	sdelay $0x1  }
0x99: {  	s4 =	simm.s32 $_scs_section_size  }
0x9a: {  	s5 =	simm.s32 $_size__tile_overlayer_lowered;
	s6 =	simm.s32 $_tile_overlayer_lowered  }
0x9b: {  	s22 =	simm.s32 $0x1BFF;
	s21 =	sshll.u32 s6, $0x1;
	s3 =	sadd.s32 s4, s19  }
0x9c: {  	s7 =	simm.s32 $0x0;
	s20 =	sshll.u32 s5, $0x1;
	s5 =	sadd.s32 s21, s3  }
0x9d: {  	[timem:s7], [sflag:s22] =	dma.local [hbm:s5], s20  }
0x9e: {  	_ =	swait.ge [sflag:s22], s20  }
0x9f: {  	s4 =	ssub.s32 $0x0, s20;
	[sflag:s22] =	ssyncset.done $0x0  }
0xa0: {  	[sflag:s22] =	ssyncadd.s32 s4;
	_ =	sdelay $0x1  }
0xa1: {  	s23 =	simm.s32 $0x1B8B  }
0xa2: {  	_ =	swait.ge [sflag:s23], $0x1  }
0xa3: {  	[sflag:s23] =	ssyncset.done $0x0  }
0xa4: {  	s25 =	simm.s32 $0x1B8E;
	s24 =	sld [smem:$0x3FFE];
	[sflag:s23] =	ssyncadd.s32 $0xFFFFFFFF  }
0xa5: {  	s26 =	simm.s32 $execute0_lowered;
	[smem:$0x3FD2] =	sst s25  }
0xa6: {  	s5 =	sshll.u32 s26, $0x1;
	_ =	strace $0x80000049;
	[dreg:$0x1] =	wrdreg $0xFFFFFFFF  }
0xa7: {  	s28 =	simm.s32 $_size_execute0_lowered;
	s3 =	sadd.s32 s3, s5;
	[dreg:$0x0] =	wrdreg $0x0  }
0xa8: {  	s5 =	sshll.u32 s28, $0x1;
	[dreg:$0x2] =	wrdreg s3  }
0xa9: {  	[dreg:$0x3] =	wrdreg s5  }
0xaa: {  	[dreg:$0x4] =	wrdreg $0xC0  }
0xab: {  	_ =	task [dreg:s7], $0x5FFFF  }
0xac: {  	[dreg:$0x1] =	wrdreg $0xFFFFFFFF  }
0xad: {  	[dreg:$0x0] =	wrdreg $0x60  }
0xae: {  	[dreg:$0x2] =	wrdreg s24  }
0xaf: {  	[dreg:$0x3] =	wrdreg s2  }
0xb0: {  	[dreg:$0x4] =	wrdreg $0x0  }
0xb1: {  	[dreg:$0x5] =	wrdreg $0x9  }
0xb2: {  	_ =	task.clear_ibuf [dreg:s7], $0x6FFFF;
	_ =	strace $0x90000049  }
0xb3: {  	s29 =	simm.s32 $0x9;
	_ =	strace $0x8000004B  }
0xb4: {  	_ =	swait.ge [sflag:s29], $0x1  }
0xb5: {  	[sflag:s29] =	ssyncadd.s32 $0xFFFFFFFF  }
0xb6: {  	_ =	strace $0x9000004B  }
0xb7: {  	_ =	sfence  }
0xb8: {  	s30 =	sld [smem:$0x0];
	_ =	sdelay $0x2  }
0xb9: {  	s31 =	sshll.u32 s1, $0xD;
	s1 =	sshrl.u32 s1, $0x2  }
0xba: {  	s3 =	sand.u32 $0x4000, s31;
	s1 =	sadd.s32 s1, s30  }
0xbb: {  	s0 =	sor.u32 s3, s0;
	s1 =	sshll.u32 s1, $0x11  }
0xbc: {  	s0 =	sor.u32 s1, s0  }
0xbd: {  	s0 =	sadd.s32 $0x8F2B, s0  }
0xbe: {  	[sflag:s0] =	ssyncadd.remote.s32 $0x1  }
0xbf: {  	_ =	sfence.sel $0xFFFF  }
0xc0: {  	[dreg:$0x0] =	wrdreg $0xFFFFFFFF;
	(pc) =	sbr.abs _section_cstart, $3  }
0xc1: {  	[dreg:$0x1] =	wrdreg $0xFFFFFFFF  }
0xc2: {  	_ =	task.clear_ibuf [dreg:s7], $0x2FFFF;
	_ =	strace $0x9FFFFFFF  }
0xc3: {  	(tm) =	ssettm $0x7FFFFFFF  }
tec
execute0_lowered:
.L_overlay_start_1:
0x0: {  	(tag) =	ssettag $0x1  }
0x1: {  	s0 =	srdreg.scid  }
0x2: {  	s1 =	rddreg [dreg:$0x0];
	s11 =	stileid.u32  }
0x3: {  	s2 =	rddreg [dreg:$0x1];
	s28 =	simm.s32 $0x16000;
	s8 =	smul.u32 $0x14000, s11  }
0x4: {  	s29 =	simm.s32 $0x1E780;
	s31 =	simm.s32 $0x18000;
	s13 =	smul.u32 $0x50000, s11  }
0x5: {  	s0 =	sand.u32 $0x1, s0;
	s5 =	sadd.s32 $0xC800, s1;
	s17 =	smul.u32 $0x2710, s11  }
0x6: {  	s3 =	sshll.u32 s0, $0x4;
	s7 =	smul.u32 $0x140000, s0;
	s10 =	ssub.s32 $0x2, s0  }
0x7: {  	s4 =	sor.u32 s11, s3;
	s3 =	rddreg [dreg:$0x2];
	s15 =	sshrl.u32 s10, $0x1  }
0x8: {  	s6 =	smul.u32 $0x2710, s4;
	s4 =	simm.s32 $0x0;
	s12 =	sadd.s32 s8, s7  }
0x9: {  	s7 =	sshrl.u32 s13, $0x2;
	s10 =	ssub.s32 s10, s15;
	[smem:$0x7FF] =	sst s4  }
0xa: {  	s26 =	smax.u32 s10, $0x1;
	s9 =	sshrl.u32 s6, $0x3;
	s6 =	sshrl.u32 s12, $0x3  }
0xb: {  	s14 =	sadd.s32 s9, s1;
	s1 =	sadd.s32 s6, s1;
	s6 =	sadd.s32 s7, s3  }
0xc: {  	_ =	strace $0x8000004A;
	[dreg:$0xe] =	wrdreg s26;
	s7 =	sadd.s32 $0x4000, s6  }
0xd: {  	s0 =	smul.u32 $0x27100, s0;
	s16 =	sadd.s32 $0x8000, s6;
	[dreg:$0x4] =	wrdreg s7  }
0xe: {  	s30 =	simm.s32 $0x3;
	s18 =	sadd.s32 $0xC000, s6;
	[dreg:$0x5] =	wrdreg s16  }
0xf: {  	s0 =	sadd.s32 s17, s0;
	s19 =	sadd.s32 $0x10000, s6;
	[dreg:$0x6] =	wrdreg s18  }
0x10: {  	s11 =	sadd.s32 s2, s9;
	s8 =	sadd.s32 $0x2A00, s14;
	[dreg:$0x7] =	wrdreg s19  }
0x11: {  	s23 =	sadd.s32 $0x180, s0;
	s20 =	sadd.s32 $0x10, s11;
	[dreg:$0x8] =	wrdreg s8  }
0x12: {  	s10 =	simm.s32 $0x6;
	s21 =	sadd.s32 $0x4C0, s11;
	[dreg:$0x9] =	wrdreg s20  }
0x13: {  	s25 =	sshrl.u32 s23, $0x3;
	s22 =	sadd.s32 $0x4D0, s11;
	[dreg:$0xa] =	wrdreg s21  }
0x14: {  	s23 =	simm.s32 $0x7;
	s24 =	sadd.s32 $0x4E0, s11;
	[dreg:$0xb] =	wrdreg s22  }
0x15: {  	s26 =	simm.s32 $0x1E800;
	s1 =	sadd.s32 $0x33A00, s1;
	[dreg:$0xc] =	wrdreg s24  }
0x16: {  	s9 =	simm.s32 $0x4;
	s14 =	simm.s32 $0x0;
	[dreg:$0xd] =	wrdreg s1  }
0x17: {  	s22 =	sadd.s32 s25, s2;
	s20 =	sadd.s32 $0x100, s0;
	s21 =	simm.s32 $0x14000  }
0x18: {  	s24 =	simm.s32 $0x1;
	s25 =	simm.s32 $0x40;
	s0 =	simm.s32 $0x1A000  }
0x19: {  	v0 =	vimm.f32 $0.0e+00;
	s1 =	simm.s32 $0x5;
	s7 =	simm.s32 $0x80;
	s8 =	simm.s32 $0x2  }
.LBB2_1:
0x1a: {  	s15 =	sand.u32 $0xFE00, s4  }
0x1b: {  	s16 =	sand.u32 $0x70, s4;
	s17 =	sshrl.u32 s15, $0x2  }
0x1c: {  	s15 =	simm.s32 $0x40;
	s17 =	sor.u32 s16, s17;
	s16 =	simm.s32 $0x0  }
.LBB2_2:
0x1d: {  	p0 =	sne.s32 s15, $0xFFC0  }
0x1e: {  	[tilespmem:s17+$0x14000] =	vst v0;
	s16 =	sadd.s32 $0x10, s16;
	s17 =	smov.u32 s15;
	s15 =	sadd.s32 $0x40, s15  }
.Ltmp0:
0x1f: {  	(pc) =	sbr.rel @p0 .LBB2_2-.Ltmp0, $4  }
0x20: {  	_ = 	snop  }
0x21: {  	s17 =	sand.u32 $0xFE00, s17  }
0x22: {  	s19 =	sand.u32 $0x70, s16;
	s17 =	sshrl.u32 s17, $0x2  }
0x23: {  	s17 =	sor.u32 s19, s17  }
0x24: {  	[tilespmem:s17+$0x14000] =	vst v0  }
0x25: {  	[spmem:s6] =	stream.linear.scatter [tilespmem:s21], [sflag:$0x1], $0x4000, $0x38;
	[tilespmem:$0x1E900] =	vst v63  }
0x26: {  	s12 =	rddreg [dreg:$0x4]  }
0x27: {  	[spmem:s12] =	stream.linear.scatter [tilespmem:s21], [sflag:$0x1], $0x4000, $0x38;
	[tilespmem:$0x1E900] =	vst v63  }
0x28: {  	s16 =	rddreg [dreg:$0x5]  }
0x29: {  	[spmem:s16] =	stream.linear.scatter [tilespmem:s21], [sflag:$0x1], $0x4000, $0x38;
	[tilespmem:$0x1E900] =	vst v63  }
0x2a: {  	s17 =	rddreg [dreg:$0x6]  }
0x2b: {  	[spmem:s17] =	stream.linear.scatter [tilespmem:s21], [sflag:$0x1], $0x4000, $0x38;
	[tilespmem:$0x1E900] =	vst v63  }
0x2c: {  	s18 =	rddreg [dreg:$0x7]  }
0x2d: {  	[spmem:s18] =	stream.linear.scatter [tilespmem:s21], [sflag:$0x1], $0x4000, $0x38;
	[tilespmem:$0x1E900] =	vst v63  }
0x2e: {  	s15 =	simm.s32 $0x0;
	s19 =	rddreg [dreg:$0x8];
	s13 =	simm.s32 $0x1C000  }
0x2f: {  	[tilespmem:s13], [sflag:$0x7] =	stream.linear.gather [hbm4b:s19+s15], $0x2710, $0x38;
	[tilespmem:$0x1E900] =	vst v63  }
0x30: {  	_ =	swait.ge [sflag:s23], $0x2710  }
0x31: {  	[sflag:s23] =	ssyncset.done $0x0  }
0x32: {  	[sflag:s23] =	ssyncadd.s32 $0xFFFFD8F0  }
0x33: {  	_ =	swait.ge [sflag:s24], $0x4000  }
0x34: {  	[sflag:s24] =	ssyncset.done $0x0  }
0x35: {  	[sflag:s24] =	ssyncadd.s32 $0xFFFFC000  }
0x36: {  	_ =	swait.ge [sflag:s24], $0x4000  }
0x37: {  	[sflag:s24] =	ssyncset.done $0x0  }
0x38: {  	[sflag:s24] =	ssyncadd.s32 $0xFFFFC000  }
0x39: {  	_ =	swait.ge [sflag:s24], $0x4000  }
0x3a: {  	[sflag:s24] =	ssyncset.done $0x0  }
0x3b: {  	[sflag:s24] =	ssyncadd.s32 $0xFFFFC000  }
0x3c: {  	_ =	swait.ge [sflag:s24], $0x4000  }
0x3d: {  	[sflag:s24] =	ssyncset.done $0x0  }
0x3e: {  	[sflag:s24] =	ssyncadd.s32 $0xFFFFC000  }
0x3f: {  	_ =	swait.ge [sflag:s24], $0x4000  }
0x40: {  	[sflag:s24] =	ssyncset.done $0x0  }
0x41: {  	[sflag:s24] =	ssyncadd.s32 $0xFFFFC000  }
0x42: {  	[tilespmem:s21], [sflag:$0x1] =	stream.indirect.gather [hbm4b:s5+s25], $0x80, s13, s25, $0xb8;
	[tilespmem:$0x1E900] =	vst v63  }
0x43: {  	s16 =	simm.s32 $0x1C040  }
0x44: {  	[tilespmem:s28], [sflag:$0x3] =	stream.indirect.gather [hbm4b:s5+s25], $0x80, s16, s25, $0xb8;
	[tilespmem:$0x1E900] =	vst v63  }
0x45: {  	_ = 	snop  }
0x46: {  	[tilespmem:s29], [sflag:$0x5] =	stream.linear.gather [hbm4b:s11+s15], $0x80, $0x38;
	[tilespmem:$0x1E900] =	vst v63  }
0x47: {  	s17 =	simm.s32 $0x1C080  }
0x48: {  	[tilespmem:s31], [sflag:$0x2] =	stream.indirect.gather [hbm4b:s5+s25], $0x80, s17, s25, $0xb8;
	[tilespmem:$0x1E900] =	vst v63  }
0x49: {  	s18 =	simm.s32 $0x1C0C0  }
0x4a: {  	[tilespmem:s0], [sflag:$0x4] =	stream.indirect.gather [hbm4b:s5+s25], $0x80, s18, s25, $0xb8;
	[tilespmem:$0x1E900] =	vst v63  }
0x4b: {  	s19 =	rddreg [dreg:$0x9]  }
0x4c: {  	[tilespmem:s26], [sflag:$0x6] =	stream.linear.gather [hbm4b:s19+s15], $0x80, $0x38;
	[tilespmem:$0x1E900] =	vst v63  }
0x4d: {  	[bflag:$0x0] =	sbarrier.arrive $0xFFFF  }
0x4e: {  	_ =	swait.ge [sflag:s24], $0x2000  }
0x4f: {  	[sflag:s24] =	ssyncset.done $0x0  }
0x50: {  	[sflag:s24] =	ssyncadd.s32 $0xFFFFE000  }
0x51: {  	_ =	swait.ge [sflag:s30], $0x2000  }
0x52: {  	[sflag:s30] =	ssyncset.done $0x0  }
0x53: {  	[sflag:s30] =	ssyncadd.s32 $0xFFFFE000  }
0x54: {  	_ =	swait.ge [sflag:s1], $0x80  }
0x55: {  	[sflag:s1] =	ssyncset.done $0x0  }
0x56: {  	[sflag:s1] =	ssyncadd.s32 $0xFFFFFF80  }
0x57: {  	[spmem:s3] =	stream.indirect.scatter.add.f32 [tilespmem:s21], [sflag:$0x7], $0x80, s29, s7, $0xb8;
	[tilespmem:$0x1E900] =	vst v63  }
0x58: {  	_ =	swait.ge [sflag:s23], $0x4000  }
0x59: {  	[sflag:s23] =	ssyncset.done $0x0  }
0x5a: {  	s12 =	simm.s32 $0x1C100;
	[sflag:s23] =	ssyncadd.s32 $0xFFFFC000  }
0x5b: {  	[tilespmem:s21], [sflag:$0x1] =	stream.indirect.gather [hbm4b:s5+s25], $0x80, s12, s25, $0xb8;
	[tilespmem:$0x1E900] =	vst v63  }
0x5c: {  	s13 =	simm.s32 $0x1C140;
	s16 =	sshrl.u32 s20, $0x3  }
0x5d: {  	[tilespmem:s28], [sflag:$0x3] =	stream.indirect.gather [hbm4b:s5+s25], $0x80, s13, s25, $0xb8;
	[tilespmem:$0x1E900] =	vst v63  }
0x5e: {  	s17 =	sadd.s32 s2, s16  }
0x5f: {  	[tilespmem:s29], [sflag:$0x5] =	stream.linear.gather [hbm4b:s17+s4], $0x80, $0x38;
	[tilespmem:$0x1E900] =	vst v63  }
0x60: {  	_ =	swait.ge [sflag:s8], $0x2000  }
0x61: {  	[sflag:s8] =	ssyncset.done $0x0  }
0x62: {  	[sflag:s8] =	ssyncadd.s32 $0xFFFFE000  }
0x63: {  	_ =	swait.ge [sflag:s9], $0x2000  }
0x64: {  	[sflag:s9] =	ssyncset.done $0x0  }
0x65: {  	[sflag:s9] =	ssyncadd.s32 $0xFFFFE000  }
0x66: {  	_ =	swait.ge [sflag:s10], $0x80  }
0x67: {  	[sflag:s10] =	ssyncset.done $0x0  }
0x68: {  	[sflag:s10] =	ssyncadd.s32 $0xFFFFFF80  }
0x69: {  	[spmem:s3] =	stream.indirect.scatter.add.f32 [tilespmem:s31], [sflag:$0x7], $0x80, s26, s7, $0xb8;
	[tilespmem:$0x1E900] =	vst v63  }
0x6a: {  	_ =	swait.ge [sflag:s23], $0x4000  }
0x6b: {  	[sflag:s23] =	ssyncset.done $0x0  }
0x6c: {  	s18 =	simm.s32 $0x1C180;
	[sflag:s23] =	ssyncadd.s32 $0xFFFFC000  }
0x6d: {  	[tilespmem:s31], [sflag:$0x2] =	stream.indirect.gather [hbm4b:s5+s25], $0x80, s18, s25, $0xb8;
	[tilespmem:$0x1E900] =	vst v63  }
0x6e: {  	s16 =	sadd.s32 $0x20, s22;
	s19 =	simm.s32 $0x1C1C0  }
0x6f: {  	[tilespmem:s0], [sflag:$0x4] =	stream.indirect.gather [hbm4b:s5+s25], $0x80, s19, s25, $0xb8;
	[tilespmem:$0x1E900] =	vst v63  }
0x70: {  	s15 =	simm.s32 $0x400;
	s17 =	sadd.s32 $0x100, s20;
	s19 =	smov.u32 s22  }
.LBB2_4:
0x71: {  	[tilespmem:s26], [sflag:$0x6] =	stream.linear.gather [hbm4b:s19+s4], $0x80, $0x38;
	[tilespmem:$0x1E900] =	vst v63  }
0x72: {  	s18 =	smov.u32 s15;
	s19 =	smov.u32 s16  }
0x73: {  	p0 =	sne.s32 s15, $0x9000;
	s15 =	sadd.s32 $0x400, s15;
	_ =	swait.ge [sflag:s24], $0x2000  }
0x74: {  	[sflag:s24] =	ssyncset.done $0x0  }
0x75: {  	[sflag:s24] =	ssyncadd.s32 $0xFFFFE000  }
0x76: {  	_ =	swait.ge [sflag:s30], $0x2000  }
0x77: {  	[sflag:s30] =	ssyncset.done $0x0  }
0x78: {  	[sflag:s30] =	ssyncadd.s32 $0xFFFFE000  }
0x79: {  	_ =	swait.ge [sflag:s1], $0x80  }
0x7a: {  	[sflag:s1] =	ssyncset.done $0x0  }
0x7b: {  	[sflag:s1] =	ssyncadd.s32 $0xFFFFFF80  }
0x7c: {  	[spmem:s3] =	stream.indirect.scatter.add.f32 [tilespmem:s21], [sflag:$0x7], $0x80, s29, s7, $0xb8;
	[tilespmem:$0x1E900] =	vst v63  }
0x7d: {  	_ =	swait.ge [sflag:s23], $0x4000  }
0x7e: {  	s18 =	sshra.s32 s18, $0x2;
	[sflag:s23] =	ssyncset.done $0x0  }
0x7f: {  	s12 =	sadd.s32 $0x1C100, s18;
	[sflag:s23] =	ssyncadd.s32 $0xFFFFC000  }
0x80: {  	[tilespmem:s21], [sflag:$0x1] =	stream.indirect.gather [hbm4b:s5+s25], $0x80, s12, s25, $0xb8;
	[tilespmem:$0x1E900] =	vst v63  }
0x81: {  	s13 =	sshrl.u32 s17, $0x3;
	s12 =	sadd.s32 $0x1C140, s18  }
0x82: {  	[tilespmem:s28], [sflag:$0x3] =	stream.indirect.gather [hbm4b:s5+s25], $0x80, s12, s25, $0xb8;
	[tilespmem:$0x1E900] =	vst v63  }
0x83: {  	s12 =	sadd.s32 s2, s13  }
0x84: {  	[tilespmem:s29], [sflag:$0x5] =	stream.linear.gather [hbm4b:s12+s4], $0x80, $0x38;
	[tilespmem:$0x1E900] =	vst v63  }
0x85: {  	_ =	swait.ge [sflag:s8], $0x2000  }
0x86: {  	[sflag:s8] =	ssyncset.done $0x0  }
0x87: {  	[sflag:s8] =	ssyncadd.s32 $0xFFFFE000  }
0x88: {  	_ =	swait.ge [sflag:s9], $0x2000  }
0x89: {  	[sflag:s9] =	ssyncset.done $0x0  }
0x8a: {  	[sflag:s9] =	ssyncadd.s32 $0xFFFFE000  }
0x8b: {  	_ =	swait.ge [sflag:s10], $0x80  }
0x8c: {  	[sflag:s10] =	ssyncset.done $0x0  }
0x8d: {  	[sflag:s10] =	ssyncadd.s32 $0xFFFFFF80  }
0x8e: {  	[spmem:s3] =	stream.indirect.scatter.add.f32 [tilespmem:s31], [sflag:$0x7], $0x80, s26, s7, $0xb8;
	[tilespmem:$0x1E900] =	vst v63  }
0x8f: {  	_ =	swait.ge [sflag:s23], $0x4000  }
0x90: {  	[sflag:s23] =	ssyncset.done $0x0  }
.Ltmp1:
0x91: {  	s12 =	sadd.s32 $0x1C180, s18;
	[sflag:s23] =	ssyncadd.s32 $0xFFFFC000;
	(pc) =	sbr.rel @p0 .LBB2_4-.Ltmp1, $4  }
0x92: {  	[tilespmem:s31], [sflag:$0x2] =	stream.indirect.gather [hbm4b:s5+s25], $0x80, s12, s25, $0xb8;
	[tilespmem:$0x1E900] =	vst v63  }
0x93: {  	s12 =	sadd.s32 $0x1C1C0, s18  }
0x94: {  	[tilespmem:s0], [sflag:$0x4] =	stream.indirect.gather [hbm4b:s5+s25], $0x80, s12, s25, $0xb8;
	[tilespmem:$0x1E900] =	vst v63  }
0x95: {  	s16 =	sadd.s32 $0x20, s16;
	s17 =	sadd.s32 $0x100, s17  }
0x96: {  	[tilespmem:s26], [sflag:$0x6] =	stream.linear.gather [hbm4b:s19+s4], $0x80, $0x38;
	[tilespmem:$0x1E900] =	vst v63  }
0x97: {  	_ =	swait.ge [sflag:s24], $0x2000  }
0x98: {  	[sflag:s24] =	ssyncset.done $0x0  }
0x99: {  	[sflag:s24] =	ssyncadd.s32 $0xFFFFE000  }
0x9a: {  	_ =	swait.ge [sflag:s30], $0x2000  }
0x9b: {  	[sflag:s30] =	ssyncset.done $0x0  }
0x9c: {  	[sflag:s30] =	ssyncadd.s32 $0xFFFFE000  }
0x9d: {  	_ =	swait.ge [sflag:s1], $0x80  }
0x9e: {  	[sflag:s1] =	ssyncset.done $0x0  }
0x9f: {  	[sflag:s1] =	ssyncadd.s32 $0xFFFFFF80  }
0xa0: {  	[spmem:s3] =	stream.indirect.scatter.add.f32 [tilespmem:s21], [sflag:$0x7], $0x80, s29, s7, $0xb8;
	[tilespmem:$0x1E900] =	vst v63  }
0xa1: {  	_ =	swait.ge [sflag:s23], $0x4000  }
0xa2: {  	[sflag:s23] =	ssyncset.done $0x0  }
0xa3: {  	s12 =	simm.s32 $0x1E600;
	[sflag:s23] =	ssyncadd.s32 $0xFFFFC000  }
0xa4: {  	[tilespmem:s21], [sflag:$0x1] =	stream.indirect.gather [hbm4b:s5+s25], $0x80, s12, s25, $0xb8;
	[tilespmem:$0x1E900] =	vst v63  }
0xa5: {  	s19 =	simm.s32 $0x1E640  }
0xa6: {  	[tilespmem:s28], [sflag:$0x3] =	stream.indirect.gather [hbm4b:s5+s25], $0x80, s19, s25, $0xb8;
	[tilespmem:$0x1E900] =	vst v63  }
0xa7: {  	s13 =	rddreg [dreg:$0xa]  }
0xa8: {  	[tilespmem:s29], [sflag:$0x5] =	stream.linear.gather [hbm4b:s13+s4], $0x80, $0x38;
	[tilespmem:$0x1E900] =	vst v63  }
0xa9: {  	_ =	swait.ge [sflag:s8], $0x2000  }
0xaa: {  	[sflag:s8] =	ssyncset.done $0x0  }
0xab: {  	[sflag:s8] =	ssyncadd.s32 $0xFFFFE000  }
0xac: {  	_ =	swait.ge [sflag:s9], $0x2000  }
0xad: {  	[sflag:s9] =	ssyncset.done $0x0  }
0xae: {  	[sflag:s9] =	ssyncadd.s32 $0xFFFFE000  }
0xaf: {  	_ =	swait.ge [sflag:s10], $0x80  }
0xb0: {  	[sflag:s10] =	ssyncset.done $0x0  }
0xb1: {  	[sflag:s10] =	ssyncadd.s32 $0xFFFFFF80  }
0xb2: {  	[spmem:s3] =	stream.indirect.scatter.add.f32 [tilespmem:s31], [sflag:$0x7], $0x80, s26, s7, $0xb8;
	[tilespmem:$0x1E900] =	vst v63  }
0xb3: {  	_ =	swait.ge [sflag:s23], $0x4000  }
0xb4: {  	[sflag:s23] =	ssyncset.done $0x0  }
0xb5: {  	s15 =	simm.s32 $0x1E680;
	[sflag:s23] =	ssyncadd.s32 $0xFFFFC000  }
0xb6: {  	[tilespmem:s31], [sflag:$0x2] =	stream.indirect.gather [hbm4b:s5+s25], $0x80, s15, s25, $0xb8;
	[tilespmem:$0x1E900] =	vst v63  }
0xb7: {  	s16 =	simm.s32 $0x1E6C0  }
0xb8: {  	[tilespmem:s0], [sflag:$0x4] =	stream.indirect.gather [hbm4b:s5+s25], $0x80, s16, s25, $0xb8;
	[tilespmem:$0x1E900] =	vst v63  }
0xb9: {  	s17 =	rddreg [dreg:$0xb]  }
0xba: {  	[tilespmem:s26], [sflag:$0x6] =	stream.linear.gather [hbm4b:s17+s4], $0x80, $0x38;
	[tilespmem:$0x1E900] =	vst v63  }
0xbb: {  	_ =	swait.ge [sflag:s24], $0x2000  }
0xbc: {  	[sflag:s24] =	ssyncset.done $0x0  }
0xbd: {  	[sflag:s24] =	ssyncadd.s32 $0xFFFFE000  }
0xbe: {  	_ =	swait.ge [sflag:s30], $0x2000  }
0xbf: {  	[sflag:s30] =	ssyncset.done $0x0  }
0xc0: {  	[sflag:s30] =	ssyncadd.s32 $0xFFFFE000  }
0xc1: {  	_ =	swait.ge [sflag:s1], $0x80  }
0xc2: {  	[sflag:s1] =	ssyncset.done $0x0  }
0xc3: {  	[sflag:s1] =	ssyncadd.s32 $0xFFFFFF80  }
0xc4: {  	[spmem:s3] =	stream.indirect.scatter.add.f32 [tilespmem:s21], [sflag:$0x7], $0x80, s29, s7, $0xb8;
	[tilespmem:$0x1E900] =	vst v63  }
0xc5: {  	_ =	swait.ge [sflag:s23], $0x4000  }
0xc6: {  	[sflag:s23] =	ssyncset.done $0x0  }
0xc7: {  	[sflag:s23] =	ssyncadd.s32 $0xFFFFC000  }
0xc8: {  	_ =	swait.ge [sflag:s8], $0x2000  }
0xc9: {  	[sflag:s8] =	ssyncset.done $0x0  }
0xca: {  	[sflag:s8] =	ssyncadd.s32 $0xFFFFE000  }
0xcb: {  	_ =	swait.ge [sflag:s9], $0x2000  }
0xcc: {  	[sflag:s9] =	ssyncset.done $0x0  }
0xcd: {  	[sflag:s9] =	ssyncadd.s32 $0xFFFFE000  }
0xce: {  	_ =	swait.ge [sflag:s10], $0x80  }
0xcf: {  	[sflag:s10] =	ssyncset.done $0x0  }
0xd0: {  	[sflag:s10] =	ssyncadd.s32 $0xFFFFFF80  }
0xd1: {  	[spmem:s3] =	stream.indirect.scatter.add.f32 [tilespmem:s31], [sflag:$0x7], $0x80, s26, s7, $0xb8;
	[tilespmem:$0x1E900] =	vst v63  }
0xd2: {  	_ =	swait.ge [sflag:s23], $0x4000  }
0xd3: {  	[sflag:s23] =	ssyncset.done $0x0  }
0xd4: {  	s13 =	simm.s32 $0x1E880;
	s18 =	rddreg [dreg:$0xc];
	[sflag:s23] =	ssyncadd.s32 $0xFFFFC000  }
0xd5: {  	[tilespmem:s13], [sflag:$0x7] =	stream.linear.gather [hbm4b:s18+s4], $0x10, $0x38;
	[tilespmem:$0x1E900] =	vst v63  }
0xd6: {  	_ =	swait.ge [sflag:s23], $0x10  }
0xd7: {  	[sflag:s23] =	ssyncset.done $0x0  }
0xd8: {  	s19 =	simm.s32 $0x10;
	s15 =	simm.s32 $0x1E700;
	[sflag:s23] =	ssyncadd.s32 $0xFFFFFFF0  }
0xd9: {  	[tilespmem:s21], [sflag:$0x1] =	stream.indirect.gather [hbm4b:s5+s19], $0x80, s15, s19, $0xb8;
	[tilespmem:$0x1E900] =	vst v63  }
0xda: {  	_ =	swait.ge [sflag:s24], $0x800  }
0xdb: {  	[sflag:s24] =	ssyncset.done $0x0  }
0xdc: {  	[sflag:s24] =	ssyncadd.s32 $0xFFFFF800  }
0xdd: {  	[spmem:s3] =	stream.indirect.scatter.add.f32 [tilespmem:s21], [sflag:$0x7], $0x80, s13, s19, $0xb8;
	[tilespmem:$0x1E900] =	vst v63  }
0xde: {  	_ =	swait.ge [sflag:s23], $0x800  }
0xdf: {  	[sflag:s23] =	ssyncset.done $0x0  }
0xe0: {  	s16 =	stileid.u32;
	[sflag:s23] =	ssyncadd.s32 $0xFFFFF800  }
0xe1: {  	s12 =	sshll.u32 s16, $0x6;
	[bflag:$0x0] =	sbarrier.arrive $0xFFFF  }
0xe2: {  	s12 =	sor.u32 $0x1C07, s12;
	s17 =	sshrl.u32 s6, $0x3;
	s18 =	rddreg [dreg:$0xd]  }
0xe3: {  	[hbm:s18], [sflag:s12] =	dma.local [spmem:s17], $0x2800  }
0xe4: {  	_ =	swait.ge [sflag:s23], $0x2800  }
0xe5: {  	s14 =	sadd.s32 $0x1, s14;
	s19 =	rddreg [dreg:$0xe]  }
0xe6: {  	p0 =	sne.s32 s14, s19  }
.Ltmp2:
0xe7: {  	_ = 	snop;
	(pc) =	sbr.rel @p0 .LBB2_1-.Ltmp2, $3  }
0xe8: {  	_ =	sdelay $0x1  }
0xe9: {  	[sflag:s23] =	ssyncset.done $0x0  }
0xea: {  	[sflag:s23] =	ssyncadd.s32 $0xFFFFD800  }
0xeb: {  	_ =	sfence.sel $0x180000  }
0xec: {  	[bflag:$0x0] =	sbarrier.arrive $0xFFFF  }
0xed: {  	_ =	strace $0x9000004A  }
0xee: {  	s0 =	stileid.u32;
	[bflag:$0x2] =	sbarrier.arrive $0xFFFF  }
0xef: {  	p0 =	sne.s32 s0, $0x0;
	s0 =	rddreg [dreg:$0x3]  }
0xf0: {  	s0 =	sadd.s32 @!p0 $0x100000, s0  }
0xf1: {  	[sflag:s0] =	ssyncadd.tile.s32 @!p0 $0x1;
	_ =	shalt  }
.Lfunc_end2:
_tile_overlayer_lowered:
.L_overlay_start_2:
0xf2: {  	(tag) =	ssettag $0x2  }
0xf3: {  	s0 =	rddreg [dreg:$0x0];
	s2 =	stileid.u32  }
0xf4: {  	s1 =	rddreg [dreg:$0x1];
	p0 =	sne.s32 s2, $0x0  }
0xf5: {  	s3 =	rddreg [dreg:$0x2];
	[bflag:$0x3] =	sbarrier.arrive $0xFFFF;
	s2 =	simm.s32 @!p0 $0x1C07  }
0xf6: {  	[timem:s3], [sflag:s2] =	dma.local @!p0 [hbm:s0], s1  }
0xf7: {  	s0 =	simm.s32 @!p0 $0x7  }
0xf8: {  	_ =	swait.ge @!p0 [sflag:s0], s1  }
0xf9: {  	s1 =	ssub.s32 @!p0 $0x0, s1;
	[sflag:s0] =	ssyncset.done @!p0 $0x0  }
0xfa: {  	[sflag:s0] =	ssyncadd.s32 @!p0 s1  }
0xfb: {  	[bflag:$0x3] =	sbarrier.arrive $0xFFFF  }
0xfc: {  	_ =	shalt  }

// kernel: kernel.15.cloned.1.call-start
scs
__scs_entry_jumppad:
0x0: {  	(pc) =	sbr.rel $0x88, $3  }
0x1: {  	(tag) =	ssettag $0x0;
	lr =	simm.s32 $0x1  }
0x2: {  	[smem:$0x3F96] =	sst lr;
	_ =	strace $0xD0000000  }
0x3: {  	_ = 	snop  }
0x4: {  	_ = 	snop  }
0x5: {  	_ = 	snop  }
0x6: {  	_ = 	snop  }
0x7: {  	_ = 	snop  }
__scs_overlays_trampoline_lowered:
0x8: {  	[smem:$0x3FA5] =	sst s0  }
0x9: {  	[smem:$0x3FA6] =	sst s1  }
0xa: {  	[smem:$0x3FA7] =	sst s2  }
0xb: {  	[smem:$0x3FA8] =	sst s3  }
0xc: {  	[smem:$0x3FA9] =	sst s4  }
0xd: {  	[smem:$0x3FAA] =	sst s5  }
0xe: {  	[smem:$0x3FAB] =	sst s6  }
0xf: {  	[smem:$0x3FAC] =	sst s7  }
0x10: {  	[smem:$0x3FAD] =	sst s8  }
0x11: {  	[smem:$0x3FAE] =	sst s9;
	s0 =	simm.s32 @!p0 $0x0  }
0x12: {  	s1 =	sld [smem:$0x3F94];
	s0 =	simm.s32 @p0 $0x1  }
0x13: {  	[smem:$0x3FAF] =	sst s0;
	s0 =	simm.s32 @!p1 $0x0  }
0x14: {  	s2 =	sld [smem:$0x3F93];
	s0 =	simm.s32 @p1 $0x1  }
0x15: {  	[smem:$0x3FB0] =	sst s0;
	s0 =	simm.s32 @!p2 $0x0  }
0x16: {  	s3 =	sld [smem:$0x3FDB];
	s0 =	simm.s32 @p2 $0x1  }
0x17: {  	s4 =	simm.s32 $0x1BF5;
	[smem:$0x3FB2] =	sst s0  }
0x18: {  	s0 =	sld [smem:$0x3F95];
	_ =	swait.ge [sflag:s4], $0x0  }
0x19: {  	s7 =	sld [smem:$0x3F96]  }
0x1a: {  	s8 =	sadd.s32 $0xFFFFE003, lr  }
0x1b: {  	s9 =	sadd.s32 $0xFFFFFEF7, lr;
	s5 =	simm.s32 $0xFFFFFFFF;
	p2 =	slt.u32 s8, $0xFFFFF086  }
0x1c: {  	p1 =	slt.u32 s9, $0xF7A;
	s5 =	simm.s32 @!p2 $0x0  }
0x1d: {  	s5 =	simm.s32 @p1 $0x1;
	p0 =	seq.s32 s7, s2  }
0x1e: {  	s7 =	smul.u32 @!p0 $0xF7A, s2;
	p2 =	seq.s32 @!p0 s5, $0x0  }
0x1f: {  	s9 =	smul.u32 $0xF7A, s1;
	s8 =	simm.s32 @!p0 $0x1BF5;
	p2 =	por !p2, p0  }
0x20: {  	[sflag:s8] =	ssyncset.s32 @!p0 $0xFFFFF086;
	s6 =	sadd.s32 @!p0 s3, s7;
	s7 =	simm.s32 @!p0 $0x108  }
0x21: {  	s3 =	sadd.s32 s3, s9;
	s6 =	sadd.s32 @!p0 $0x88, s6;
	s7 =	simm.s32 @p2 $0x1082  }
0x22: {  	[simem:s7], [sflag:s8] =	dma.local @!p0 [hbm:s6], $0xF7A  }
0x23: {  	s9 =	sor.u32 $0xD0000000, s2;
	s6 =	simm.s32 $0x108;
	_ =	swait.ge @!p0 [sflag:s8], $0x0  }
0x24: {  	s3 =	sadd.s32 $0x88, s3;
	s6 =	simm.s32 @!p1 $0x1082;
	[sflag:s4] =	ssyncset.s32 $0xFFFFF086  }
0x25: {  	[simem:s6], [sflag:s4] =	dma.local [hbm:s3], $0xF7A  }
0x26: {  	[smem:$0x3F96] =	sst s1;
	(tag) =	ssettag s2;
	_ =	strace s9  }
0x27: {  	s1 =	sld [smem:$0x3FA6]  }
0x28: {  	s2 =	sld [smem:$0x3FA7]  }
0x29: {  	s4 =	sld [smem:$0x3FA9]  }
0x2a: {  	p0 =	seq.s32 s5, $0x0;
	s5 =	sld [smem:$0x3FAA]  }
0x2b: {  	s6 =	sld [smem:$0x3FAB]  }
0x2c: {  	s7 =	sld [smem:$0x3FAC]  }
0x2d: {  	s3 =	simm.s32 $0x108;
	s8 =	sld [smem:$0x3FAD]  }
0x2e: {  	s3 =	simm.s32 @!p0 $0x1082;
	s9 =	sld [smem:$0x3FAE]  }
0x2f: {  	lr =	sadd.s32 s0, s3;
	s0 =	sld [smem:$0x3FA5]  }
0x30: {  	s3 =	sld [smem:$0x3FA8]  }
0x31: {  	[smem:$0x3FB1] =	sst s10  }
0x32: {  	s10 =	sld [smem:$0x3FAF];
	_ =	sdelay $0x3  }
0x33: {  	p0 =	seq.s32 s10, $0x1;
	s10 =	sld [smem:$0x3FB1];
	_ =	sdelay $0x3  }
0x34: {  	[smem:$0x3FB1] =	sst s10  }
0x35: {  	s10 =	sld [smem:$0x3FB0];
	_ =	sdelay $0x3  }
0x36: {  	p1 =	seq.s32 s10, $0x1;
	s10 =	sld [smem:$0x3FB1];
	_ =	sdelay $0x3  }
0x37: {  	[smem:$0x3FB1] =	sst s10  }
0x38: {  	s10 =	sld [smem:$0x3FB2]  }
0x39: {  	_ = 	snop;
	(pc) =	sbr.ind lr, $3  }
0x3a: {  	_ = 	snop  }
0x3b: {  	_ = 	snop  }
0x3c: {  	p2 =	seq.s32 s10, $0x1;
	s10 =	sld [smem:$0x3FB1]  }
0x3d: {  	_ =	shalt  }
0x3e: {  	_ =	shalt  }
0x3f: {  	_ =	shalt  }
0x40: {  	_ =	shalt  }
0x41: {  	_ =	shalt  }
0x42: {  	_ =	shalt  }
0x43: {  	_ =	shalt  }
0x44: {  	_ =	shalt  }
0x45: {  	_ =	shalt  }
0x46: {  	_ =	shalt  }
0x47: {  	_ =	shalt  }
0x48: {  	_ =	shalt  }
0x49: {  	_ =	shalt  }
0x4a: {  	_ =	shalt  }
0x4b: {  	_ =	shalt  }
0x4c: {  	_ =	shalt  }
0x4d: {  	_ =	shalt  }
0x4e: {  	_ =	shalt  }
0x4f: {  	_ =	shalt  }
0x50: {  	_ =	shalt  }
0x51: {  	_ =	shalt  }
0x52: {  	_ =	shalt  }
0x53: {  	_ =	shalt  }
0x54: {  	_ =	shalt  }
0x55: {  	_ =	shalt  }
0x56: {  	_ =	shalt  }
0x57: {  	_ =	shalt  }
0x58: {  	_ =	shalt  }
0x59: {  	_ =	shalt  }
0x5a: {  	_ =	shalt  }
0x5b: {  	_ =	shalt  }
0x5c: {  	_ =	shalt  }
0x5d: {  	_ =	shalt  }
0x5e: {  	_ =	shalt  }
0x5f: {  	_ =	shalt  }
0x60: {  	_ =	shalt  }
0x61: {  	_ =	shalt  }
0x62: {  	_ =	shalt  }
0x63: {  	_ =	shalt  }
0x64: {  	_ =	shalt  }
0x65: {  	_ =	shalt  }
0x66: {  	_ =	shalt  }
0x67: {  	_ =	shalt  }
0x68: {  	_ =	shalt  }
0x69: {  	_ =	shalt  }
0x6a: {  	_ =	shalt  }
0x6b: {  	_ =	shalt  }
0x6c: {  	_ =	shalt  }
0x6d: {  	_ =	shalt  }
0x6e: {  	_ =	shalt  }
0x6f: {  	_ =	shalt  }
0x70: {  	_ =	shalt  }
0x71: {  	_ =	shalt  }
0x72: {  	_ =	shalt  }
0x73: {  	_ =	shalt  }
0x74: {  	_ =	shalt  }
0x75: {  	_ =	shalt  }
0x76: {  	_ =	shalt  }
0x77: {  	_ =	shalt  }
0x78: {  	_ =	shalt  }
0x79: {  	_ =	shalt  }
0x7a: {  	_ =	shalt  }
0x7b: {  	_ =	shalt  }
0x7c: {  	_ =	shalt  }
0x7d: {  	_ =	shalt  }
0x7e: {  	_ =	shalt  }
0x7f: {  	_ =	shalt  }
0x80: {  	_ =	shalt  }
0x81: {  	_ =	shalt  }
0x82: {  	_ =	shalt  }
0x83: {  	_ =	shalt  }
0x84: {  	_ =	shalt  }
0x85: {  	_ =	shalt  }
0x86: {  	_ =	shalt  }
0x87: {  	_ =	shalt  }
.Lfunc_end0:
.L_simem_size_0:
called_computation.2_lowered:
.L_overlay_start_0:
0x88: {  	s2 =	sld [smem:$0x3FD9]  }
0x89: {  	s3 =	sld [smem:$0x3FFE];
	_ =	sdelay $0x1  }
0x8a: {  	s1 =	srdreg.scid  }
0x8b: {  	s0 =	sand.u32 $0x1, s1  }
0x8c: {  	s17 =	sshll.u32 s0, $0xA;
	s2 =	sadd.s32 s3, s2  }
0x8d: {  	s2 =	sadd.s32 s2, s17  }
0x8e: {  	[smem:$0x3FBD] =	sst s2  }
0x8f: {  	_ = 	snop  }
0x90: {  	s2 =	sld [smem:$0x3FD0];
	(tm) =	ssettm $0x1  }
0x91: {  	s18 =	sld [smem:$0x3FFB];
	_ =	sdelay $0x3  }
0x92: {  	_ =	strace s18  }
0x93: {  	s3 =	sld [smem:$0x3FFC];
	_ =	sdelay $0x3  }
0x94: {  	_ =	strace s3  }
0x95: {  	s3 =	sld [smem:$0x3FFD];
	_ =	sdelay $0x3  }
0x96: {  	_ =	strace s3  }
0x97: {  	_ =	strace $0x8FFFFFFF  }
0x98: {  	s19 =	sld [smem:$0x3FDB];
	_ =	sdelay $0x1  }
0x99: {  	s4 =	simm.s32 $_scs_section_size  }
0x9a: {  	s5 =	simm.s32 $_size__tile_overlayer_lowered;
	s6 =	simm.s32 $_tile_overlayer_lowered  }
0x9b: {  	s22 =	simm.s32 $0x1BFF;
	s21 =	sshll.u32 s6, $0x1;
	s3 =	sadd.s32 s4, s19  }
0x9c: {  	s7 =	simm.s32 $0x0;
	s20 =	sshll.u32 s5, $0x1;
	s5 =	sadd.s32 s21, s3  }
0x9d: {  	[timem:s7], [sflag:s22] =	dma.local [hbm:s5], s20  }
0x9e: {  	_ =	swait.ge [sflag:s22], s20  }
0x9f: {  	s4 =	ssub.s32 $0x0, s20;
	[sflag:s22] =	ssyncset.done $0x0  }
0xa0: {  	[sflag:s22] =	ssyncadd.s32 s4;
	_ =	sdelay $0x1  }
0xa1: {  	s23 =	simm.s32 $0x1B8B  }
0xa2: {  	_ =	swait.ge [sflag:s23], $0x1  }
0xa3: {  	[sflag:s23] =	ssyncset.done $0x0  }
0xa4: {  	s25 =	simm.s32 $0x1B8E;
	s24 =	sld [smem:$0x3FFE];
	[sflag:s23] =	ssyncadd.s32 $0xFFFFFFFF  }
0xa5: {  	s26 =	simm.s32 $execute0_lowered;
	[smem:$0x3FD2] =	sst s25  }
0xa6: {  	s5 =	sshll.u32 s26, $0x1;
	_ =	strace $0x8000004C;
	[dreg:$0x1] =	wrdreg $0xFFFFFFFF  }
0xa7: {  	s28 =	simm.s32 $_size_execute0_lowered;
	s3 =	sadd.s32 s3, s5;
	[dreg:$0x0] =	wrdreg $0x0  }
0xa8: {  	s5 =	sshll.u32 s28, $0x1;
	[dreg:$0x2] =	wrdreg s3  }
0xa9: {  	[dreg:$0x3] =	wrdreg s5  }
0xaa: {  	[dreg:$0x4] =	wrdreg $0xC0  }
0xab: {  	_ =	task [dreg:s7], $0x5FFFF  }
0xac: {  	[dreg:$0x1] =	wrdreg $0xFFFFFFFF  }
0xad: {  	[dreg:$0x0] =	wrdreg $0x60  }
0xae: {  	[dreg:$0x2] =	wrdreg s24  }
0xaf: {  	[dreg:$0x3] =	wrdreg s2  }
0xb0: {  	[dreg:$0x4] =	wrdreg $0x0  }
0xb1: {  	[dreg:$0x5] =	wrdreg $0x9  }
0xb2: {  	_ =	task.clear_ibuf [dreg:s7], $0x6FFFF;
	_ =	strace $0x9000004C  }
0xb3: {  	s29 =	simm.s32 $0x9;
	_ =	strace $0x8000004E  }
0xb4: {  	_ =	swait.ge [sflag:s29], $0x1  }
0xb5: {  	[sflag:s29] =	ssyncadd.s32 $0xFFFFFFFF  }
0xb6: {  	_ =	strace $0x9000004E  }
0xb7: {  	_ =	sfence  }
0xb8: {  	s30 =	sld [smem:$0x0];
	_ =	sdelay $0x2  }
0xb9: {  	s31 =	sshll.u32 s1, $0xD;
	s1 =	sshrl.u32 s1, $0x2  }
0xba: {  	s3 =	sand.u32 $0x4000, s31;
	s1 =	sadd.s32 s1, s30  }
0xbb: {  	s0 =	sor.u32 s3, s0;
	s1 =	sshll.u32 s1, $0x11  }
0xbc: {  	s0 =	sor.u32 s1, s0  }
0xbd: {  	s0 =	sadd.s32 $0x8F2B, s0  }
0xbe: {  	[sflag:s0] =	ssyncadd.remote.s32 $0x1  }
0xbf: {  	_ =	sfence.sel $0xFFFF  }
0xc0: {  	[dreg:$0x0] =	wrdreg $0xFFFFFFFF;
	(pc) =	sbr.abs _section_cstart, $3  }
0xc1: {  	[dreg:$0x1] =	wrdreg $0xFFFFFFFF  }
0xc2: {  	_ =	task.clear_ibuf [dreg:s7], $0x2FFFF;
	_ =	strace $0x9FFFFFFF  }
0xc3: {  	(tm) =	ssettm $0x7FFFFFFF  }
tec
execute0_lowered:
.L_overlay_start_1:
0x0: {  	(tag) =	ssettag $0x1  }
0x1: {  	s0 =	srdreg.scid  }
0x2: {  	s1 =	rddreg [dreg:$0x0];
	s11 =	stileid.u32  }
0x3: {  	s2 =	rddreg [dreg:$0x1];
	s28 =	simm.s32 $0x16000;
	s8 =	smul.u32 $0x14000, s11  }
0x4: {  	s29 =	simm.s32 $0x1E780;
	s31 =	simm.s32 $0x18000;
	s13 =	smul.u32 $0x50000, s11  }
0x5: {  	s0 =	sand.u32 $0x1, s0;
	s5 =	sadd.s32 $0xC800, s1;
	s17 =	smul.u32 $0x2710, s11  }
0x6: {  	s3 =	sshll.u32 s0, $0x4;
	s7 =	smul.u32 $0x140000, s0;
	s10 =	ssub.s32 $0x2, s0  }
0x7: {  	s4 =	sor.u32 s11, s3;
	s3 =	rddreg [dreg:$0x2];
	s15 =	sshrl.u32 s10, $0x1  }
0x8: {  	s6 =	smul.u32 $0x2710, s4;
	s4 =	simm.s32 $0x0;
	s12 =	sadd.s32 s8, s7  }
0x9: {  	s7 =	sshrl.u32 s13, $0x2;
	s10 =	ssub.s32 s10, s15;
	[smem:$0x7FF] =	sst s4  }
0xa: {  	s26 =	smax.u32 s10, $0x1;
	s9 =	sshrl.u32 s6, $0x3;
	s6 =	sshrl.u32 s12, $0x3  }
0xb: {  	s14 =	sadd.s32 s9, s1;
	s1 =	sadd.s32 s6, s1;
	s6 =	sadd.s32 s7, s3  }
0xc: {  	_ =	strace $0x8000004D;
	[dreg:$0xe] =	wrdreg s26;
	s7 =	sadd.s32 $0x4000, s6  }
0xd: {  	s0 =	smul.u32 $0x27100, s0;
	s16 =	sadd.s32 $0x8000, s6;
	[dreg:$0x4] =	wrdreg s7  }
0xe: {  	s30 =	simm.s32 $0x3;
	s18 =	sadd.s32 $0xC000, s6;
	[dreg:$0x5] =	wrdreg s16  }
0xf: {  	s0 =	sadd.s32 s17, s0;
	s19 =	sadd.s32 $0x10000, s6;
	[dreg:$0x6] =	wrdreg s18  }
0x10: {  	s11 =	sadd.s32 s2, s9;
	s8 =	sadd.s32 $0x2A00, s14;
	[dreg:$0x7] =	wrdreg s19  }
0x11: {  	s23 =	sadd.s32 $0x180, s0;
	s20 =	sadd.s32 $0x10, s11;
	[dreg:$0x8] =	wrdreg s8  }
0x12: {  	s10 =	simm.s32 $0x6;
	s21 =	sadd.s32 $0x4C0, s11;
	[dreg:$0x9] =	wrdreg s20  }
0x13: {  	s25 =	sshrl.u32 s23, $0x3;
	s22 =	sadd.s32 $0x4D0, s11;
	[dreg:$0xa] =	wrdreg s21  }
0x14: {  	s23 =	simm.s32 $0x7;
	s24 =	sadd.s32 $0x4E0, s11;
	[dreg:$0xb] =	wrdreg s22  }
0x15: {  	s26 =	simm.s32 $0x1E800;
	s1 =	sadd.s32 $0x33A00, s1;
	[dreg:$0xc] =	wrdreg s24  }
0x16: {  	s9 =	simm.s32 $0x4;
	s14 =	simm.s32 $0x0;
	[dreg:$0xd] =	wrdreg s1  }
0x17: {  	s22 =	sadd.s32 s25, s2;
	s20 =	sadd.s32 $0x100, s0;
	s21 =	simm.s32 $0x14000  }
0x18: {  	s24 =	simm.s32 $0x1;
	s25 =	simm.s32 $0x40;
	s0 =	simm.s32 $0x1A000  }
0x19: {  	v0 =	vimm.f32 $0.0e+00;
	s1 =	simm.s32 $0x5;
	s7 =	simm.s32 $0x80;
	s8 =	simm.s32 $0x2  }
.LBB2_1:
0x1a: {  	s15 =	sand.u32 $0xFE00, s4  }
0x1b: {  	s16 =	sand.u32 $0x70, s4;
	s17 =	sshrl.u32 s15, $0x2  }
0x1c: {  	s15 =	simm.s32 $0x40;
	s17 =	sor.u32 s16, s17;
	s16 =	simm.s32 $0x0  }
.LBB2_2:
0x1d: {  	p0 =	sne.s32 s15, $0xFFC0  }
0x1e: {  	[tilespmem:s17+$0x14000] =	vst v0;
	s16 =	sadd.s32 $0x10, s16;
	s17 =	smov.u32 s15;
	s15 =	sadd.s32 $0x40, s15  }
.Ltmp0:
0x1f: {  	(pc) =	sbr.rel @p0 .LBB2_2-.Ltmp0, $4  }
0x20: {  	_ = 	snop  }
0x21: {  	s17 =	sand.u32 $0xFE00, s17  }
0x22: {  	s19 =	sand.u32 $0x70, s16;
	s17 =	sshrl.u32 s17, $0x2  }
0x23: {  	s17 =	sor.u32 s19, s17  }
0x24: {  	[tilespmem:s17+$0x14000] =	vst v0  }
0x25: {  	[spmem:s6] =	stream.linear.scatter [tilespmem:s21], [sflag:$0x1], $0x4000, $0x38;
	[tilespmem:$0x1E900] =	vst v63  }
0x26: {  	s12 =	rddreg [dreg:$0x4]  }
0x27: {  	[spmem:s12] =	stream.linear.scatter [tilespmem:s21], [sflag:$0x1], $0x4000, $0x38;
	[tilespmem:$0x1E900] =	vst v63  }
0x28: {  	s16 =	rddreg [dreg:$0x5]  }
0x29: {  	[spmem:s16] =	stream.linear.scatter [tilespmem:s21], [sflag:$0x1], $0x4000, $0x38;
	[tilespmem:$0x1E900] =	vst v63  }
0x2a: {  	s17 =	rddreg [dreg:$0x6]  }
0x2b: {  	[spmem:s17] =	stream.linear.scatter [tilespmem:s21], [sflag:$0x1], $0x4000, $0x38;
	[tilespmem:$0x1E900] =	vst v63  }
0x2c: {  	s18 =	rddreg [dreg:$0x7]  }
0x2d: {  	[spmem:s18] =	stream.linear.scatter [tilespmem:s21], [sflag:$0x1], $0x4000, $0x38;
	[tilespmem:$0x1E900] =	vst v63  }
0x2e: {  	s15 =	simm.s32 $0x0;
	s19 =	rddreg [dreg:$0x8];
	s13 =	simm.s32 $0x1C000  }
0x2f: {  	[tilespmem:s13], [sflag:$0x7] =	stream.linear.gather [hbm4b:s19+s15], $0x2710, $0x38;
	[tilespmem:$0x1E900] =	vst v63  }
0x30: {  	_ =	swait.ge [sflag:s23], $0x2710  }
0x31: {  	[sflag:s23] =	ssyncset.done $0x0  }
0x32: {  	[sflag:s23] =	ssyncadd.s32 $0xFFFFD8F0  }
0x33: {  	_ =	swait.ge [sflag:s24], $0x4000  }
0x34: {  	[sflag:s24] =	ssyncset.done $0x0  }
0x35: {  	[sflag:s24] =	ssyncadd.s32 $0xFFFFC000  }
0x36: {  	_ =	swait.ge [sflag:s24], $0x4000  }
0x37: {  	[sflag:s24] =	ssyncset.done $0x0  }
0x38: {  	[sflag:s24] =	ssyncadd.s32 $0xFFFFC000  }
0x39: {  	_ =	swait.ge [sflag:s24], $0x4000  }
0x3a: {  	[sflag:s24] =	ssyncset.done $0x0  }
0x3b: {  	[sflag:s24] =	ssyncadd.s32 $0xFFFFC000  }
0x3c: {  	_ =	swait.ge [sflag:s24], $0x4000  }
0x3d: {  	[sflag:s24] =	ssyncset.done $0x0  }
0x3e: {  	[sflag:s24] =	ssyncadd.s32 $0xFFFFC000  }
0x3f: {  	_ =	swait.ge [sflag:s24], $0x4000  }
0x40: {  	[sflag:s24] =	ssyncset.done $0x0  }
0x41: {  	[sflag:s24] =	ssyncadd.s32 $0xFFFFC000  }
0x42: {  	[tilespmem:s21], [sflag:$0x1] =	stream.indirect.gather [hbm4b:s5+s25], $0x80, s13, s25, $0xb8;
	[tilespmem:$0x1E900] =	vst v63  }
0x43: {  	s16 =	simm.s32 $0x1C040  }
0x44: {  	[tilespmem:s28], [sflag:$0x3] =	stream.indirect.gather [hbm4b:s5+s25], $0x80, s16, s25, $0xb8;
	[tilespmem:$0x1E900] =	vst v63  }
0x45: {  	_ = 	snop  }
0x46: {  	[tilespmem:s29], [sflag:$0x5] =	stream.linear.gather [hbm4b:s11+s15], $0x80, $0x38;
	[tilespmem:$0x1E900] =	vst v63  }
0x47: {  	s17 =	simm.s32 $0x1C080  }
0x48: {  	[tilespmem:s31], [sflag:$0x2] =	stream.indirect.gather [hbm4b:s5+s25], $0x80, s17, s25, $0xb8;
	[tilespmem:$0x1E900] =	vst v63  }
0x49: {  	s18 =	simm.s32 $0x1C0C0  }
0x4a: {  	[tilespmem:s0], [sflag:$0x4] =	stream.indirect.gather [hbm4b:s5+s25], $0x80, s18, s25, $0xb8;
	[tilespmem:$0x1E900] =	vst v63  }
0x4b: {  	s19 =	rddreg [dreg:$0x9]  }
0x4c: {  	[tilespmem:s26], [sflag:$0x6] =	stream.linear.gather [hbm4b:s19+s15], $0x80, $0x38;
	[tilespmem:$0x1E900] =	vst v63  }
0x4d: {  	[bflag:$0x0] =	sbarrier.arrive $0xFFFF  }
0x4e: {  	_ =	swait.ge [sflag:s24], $0x2000  }
0x4f: {  	[sflag:s24] =	ssyncset.done $0x0  }
0x50: {  	[sflag:s24] =	ssyncadd.s32 $0xFFFFE000  }
0x51: {  	_ =	swait.ge [sflag:s30], $0x2000  }
0x52: {  	[sflag:s30] =	ssyncset.done $0x0  }
0x53: {  	[sflag:s30] =	ssyncadd.s32 $0xFFFFE000  }
0x54: {  	_ =	swait.ge [sflag:s1], $0x80  }
0x55: {  	[sflag:s1] =	ssyncset.done $0x0  }
0x56: {  	[sflag:s1] =	ssyncadd.s32 $0xFFFFFF80  }
0x57: {  	[spmem:s3] =	stream.indirect.scatter.add.f32 [tilespmem:s21], [sflag:$0x7], $0x80, s29, s7, $0xb8;
	[tilespmem:$0x1E900] =	vst v63  }
0x58: {  	_ =	swait.ge [sflag:s23], $0x4000  }
0x59: {  	[sflag:s23] =	ssyncset.done $0x0  }
0x5a: {  	s12 =	simm.s32 $0x1C100;
	[sflag:s23] =	ssyncadd.s32 $0xFFFFC000  }
0x5b: {  	[tilespmem:s21], [sflag:$0x1] =	stream.indirect.gather [hbm4b:s5+s25], $0x80, s12, s25, $0xb8;
	[tilespmem:$0x1E900] =	vst v63  }
0x5c: {  	s13 =	simm.s32 $0x1C140;
	s16 =	sshrl.u32 s20, $0x3  }
0x5d: {  	[tilespmem:s28], [sflag:$0x3] =	stream.indirect.gather [hbm4b:s5+s25], $0x80, s13, s25, $0xb8;
	[tilespmem:$0x1E900] =	vst v63  }
0x5e: {  	s17 =	sadd.s32 s2, s16  }
0x5f: {  	[tilespmem:s29], [sflag:$0x5] =	stream.linear.gather [hbm4b:s17+s4], $0x80, $0x38;
	[tilespmem:$0x1E900] =	vst v63  }
0x60: {  	_ =	swait.ge [sflag:s8], $0x2000  }
0x61: {  	[sflag:s8] =	ssyncset.done $0x0  }
0x62: {  	[sflag:s8] =	ssyncadd.s32 $0xFFFFE000  }
0x63: {  	_ =	swait.ge [sflag:s9], $0x2000  }
0x64: {  	[sflag:s9] =	ssyncset.done $0x0  }
0x65: {  	[sflag:s9] =	ssyncadd.s32 $0xFFFFE000  }
0x66: {  	_ =	swait.ge [sflag:s10], $0x80  }
0x67: {  	[sflag:s10] =	ssyncset.done $0x0  }
0x68: {  	[sflag:s10] =	ssyncadd.s32 $0xFFFFFF80  }
0x69: {  	[spmem:s3] =	stream.indirect.scatter.add.f32 [tilespmem:s31], [sflag:$0x7], $0x80, s26, s7, $0xb8;
	[tilespmem:$0x1E900] =	vst v63  }
0x6a: {  	_ =	swait.ge [sflag:s23], $0x4000  }
0x6b: {  	[sflag:s23] =	ssyncset.done $0x0  }
0x6c: {  	s18 =	simm.s32 $0x1C180;
	[sflag:s23] =	ssyncadd.s32 $0xFFFFC000  }
0x6d: {  	[tilespmem:s31], [sflag:$0x2] =	stream.indirect.gather [hbm4b:s5+s25], $0x80, s18, s25, $0xb8;
	[tilespmem:$0x1E900] =	vst v63  }
0x6e: {  	s16 =	sadd.s32 $0x20, s22;
	s19 =	simm.s32 $0x1C1C0  }
0x6f: {  	[tilespmem:s0], [sflag:$0x4] =	stream.indirect.gather [hbm4b:s5+s25], $0x80, s19, s25, $0xb8;
	[tilespmem:$0x1E900] =	vst v63  }
0x70: {  	s15 =	simm.s32 $0x400;
	s17 =	sadd.s32 $0x100, s20;
	s19 =	smov.u32 s22  }
.LBB2_4:
0x71: {  	[tilespmem:s26], [sflag:$0x6] =	stream.linear.gather [hbm4b:s19+s4], $0x80, $0x38;
	[tilespmem:$0x1E900] =	vst v63  }
0x72: {  	s18 =	smov.u32 s15;
	s19 =	smov.u32 s16  }
0x73: {  	p0 =	sne.s32 s15, $0x9000;
	s15 =	sadd.s32 $0x400, s15;
	_ =	swait.ge [sflag:s24], $0x2000  }
0x74: {  	[sflag:s24] =	ssyncset.done $0x0  }
0x75: {  	[sflag:s24] =	ssyncadd.s32 $0xFFFFE000  }
0x76: {  	_ =	swait.ge [sflag:s30], $0x2000  }
0x77: {  	[sflag:s30] =	ssyncset.done $0x0  }
0x78: {  	[sflag:s30] =	ssyncadd.s32 $0xFFFFE000  }
0x79: {  	_ =	swait.ge [sflag:s1], $0x80  }
0x7a: {  	[sflag:s1] =	ssyncset.done $0x0  }
0x7b: {  	[sflag:s1] =	ssyncadd.s32 $0xFFFFFF80  }
0x7c: {  	[spmem:s3] =	stream.indirect.scatter.add.f32 [tilespmem:s21], [sflag:$0x7], $0x80, s29, s7, $0xb8;
	[tilespmem:$0x1E900] =	vst v63  }
0x7d: {  	_ =	swait.ge [sflag:s23], $0x4000  }
0x7e: {  	s18 =	sshra.s32 s18, $0x2;
	[sflag:s23] =	ssyncset.done $0x0  }
0x7f: {  	s12 =	sadd.s32 $0x1C100, s18;
	[sflag:s23] =	ssyncadd.s32 $0xFFFFC000  }
0x80: {  	[tilespmem:s21], [sflag:$0x1] =	stream.indirect.gather [hbm4b:s5+s25], $0x80, s12, s25, $0xb8;
	[tilespmem:$0x1E900] =	vst v63  }
0x81: {  	s13 =	sshrl.u32 s17, $0x3;
	s12 =	sadd.s32 $0x1C140, s18  }
0x82: {  	[tilespmem:s28], [sflag:$0x3] =	stream.indirect.gather [hbm4b:s5+s25], $0x80, s12, s25, $0xb8;
	[tilespmem:$0x1E900] =	vst v63  }
0x83: {  	s12 =	sadd.s32 s2, s13  }
0x84: {  	[tilespmem:s29], [sflag:$0x5] =	stream.linear.gather [hbm4b:s12+s4], $0x80, $0x38;
	[tilespmem:$0x1E900] =	vst v63  }
0x85: {  	_ =	swait.ge [sflag:s8], $0x2000  }
0x86: {  	[sflag:s8] =	ssyncset.done $0x0  }
0x87: {  	[sflag:s8] =	ssyncadd.s32 $0xFFFFE000  }
0x88: {  	_ =	swait.ge [sflag:s9], $0x2000  }
0x89: {  	[sflag:s9] =	ssyncset.done $0x0  }
0x8a: {  	[sflag:s9] =	ssyncadd.s32 $0xFFFFE000  }
0x8b: {  	_ =	swait.ge [sflag:s10], $0x80  }
0x8c: {  	[sflag:s10] =	ssyncset.done $0x0  }
0x8d: {  	[sflag:s10] =	ssyncadd.s32 $0xFFFFFF80  }
0x8e: {  	[spmem:s3] =	stream.indirect.scatter.add.f32 [tilespmem:s31], [sflag:$0x7], $0x80, s26, s7, $0xb8;
	[tilespmem:$0x1E900] =	vst v63  }
0x8f: {  	_ =	swait.ge [sflag:s23], $0x4000  }
0x90: {  	[sflag:s23] =	ssyncset.done $0x0  }
.Ltmp1:
0x91: {  	s12 =	sadd.s32 $0x1C180, s18;
	[sflag:s23] =	ssyncadd.s32 $0xFFFFC000;
	(pc) =	sbr.rel @p0 .LBB2_4-.Ltmp1, $4  }
0x92: {  	[tilespmem:s31], [sflag:$0x2] =	stream.indirect.gather [hbm4b:s5+s25], $0x80, s12, s25, $0xb8;
	[tilespmem:$0x1E900] =	vst v63  }
0x93: {  	s12 =	sadd.s32 $0x1C1C0, s18  }
0x94: {  	[tilespmem:s0], [sflag:$0x4] =	stream.indirect.gather [hbm4b:s5+s25], $0x80, s12, s25, $0xb8;
	[tilespmem:$0x1E900] =	vst v63  }
0x95: {  	s16 =	sadd.s32 $0x20, s16;
	s17 =	sadd.s32 $0x100, s17  }
0x96: {  	[tilespmem:s26], [sflag:$0x6] =	stream.linear.gather [hbm4b:s19+s4], $0x80, $0x38;
	[tilespmem:$0x1E900] =	vst v63  }
0x97: {  	_ =	swait.ge [sflag:s24], $0x2000  }
0x98: {  	[sflag:s24] =	ssyncset.done $0x0  }
0x99: {  	[sflag:s24] =	ssyncadd.s32 $0xFFFFE000  }
0x9a: {  	_ =	swait.ge [sflag:s30], $0x2000  }
0x9b: {  	[sflag:s30] =	ssyncset.done $0x0  }
0x9c: {  	[sflag:s30] =	ssyncadd.s32 $0xFFFFE000  }
0x9d: {  	_ =	swait.ge [sflag:s1], $0x80  }
0x9e: {  	[sflag:s1] =	ssyncset.done $0x0  }
0x9f: {  	[sflag:s1] =	ssyncadd.s32 $0xFFFFFF80  }
0xa0: {  	[spmem:s3] =	stream.indirect.scatter.add.f32 [tilespmem:s21], [sflag:$0x7], $0x80, s29, s7, $0xb8;
	[tilespmem:$0x1E900] =	vst v63  }
0xa1: {  	_ =	swait.ge [sflag:s23], $0x4000  }
0xa2: {  	[sflag:s23] =	ssyncset.done $0x0  }
0xa3: {  	s12 =	simm.s32 $0x1E600;
	[sflag:s23] =	ssyncadd.s32 $0xFFFFC000  }
0xa4: {  	[tilespmem:s21], [sflag:$0x1] =	stream.indirect.gather [hbm4b:s5+s25], $0x80, s12, s25, $0xb8;
	[tilespmem:$0x1E900] =	vst v63  }
0xa5: {  	s19 =	simm.s32 $0x1E640  }
0xa6: {  	[tilespmem:s28], [sflag:$0x3] =	stream.indirect.gather [hbm4b:s5+s25], $0x80, s19, s25, $0xb8;
	[tilespmem:$0x1E900] =	vst v63  }
0xa7: {  	s13 =	rddreg [dreg:$0xa]  }
0xa8: {  	[tilespmem:s29], [sflag:$0x5] =	stream.linear.gather [hbm4b:s13+s4], $0x80, $0x38;
	[tilespmem:$0x1E900] =	vst v63  }
0xa9: {  	_ =	swait.ge [sflag:s8], $0x2000  }
0xaa: {  	[sflag:s8] =	ssyncset.done $0x0  }
0xab: {  	[sflag:s8] =	ssyncadd.s32 $0xFFFFE000  }
0xac: {  	_ =	swait.ge [sflag:s9], $0x2000  }
0xad: {  	[sflag:s9] =	ssyncset.done $0x0  }
0xae: {  	[sflag:s9] =	ssyncadd.s32 $0xFFFFE000  }
0xaf: {  	_ =	swait.ge [sflag:s10], $0x80  }
0xb0: {  	[sflag:s10] =	ssyncset.done $0x0  }
0xb1: {  	[sflag:s10] =	ssyncadd.s32 $0xFFFFFF80  }
0xb2: {  	[spmem:s3] =	stream.indirect.scatter.add.f32 [tilespmem:s31], [sflag:$0x7], $0x80, s26, s7, $0xb8;
	[tilespmem:$0x1E900] =	vst v63  }
0xb3: {  	_ =	swait.ge [sflag:s23], $0x4000  }
0xb4: {  	[sflag:s23] =	ssyncset.done $0x0  }
0xb5: {  	s15 =	simm.s32 $0x1E680;
	[sflag:s23] =	ssyncadd.s32 $0xFFFFC000  }
0xb6: {  	[tilespmem:s31], [sflag:$0x2] =	stream.indirect.gather [hbm4b:s5+s25], $0x80, s15, s25, $0xb8;
	[tilespmem:$0x1E900] =	vst v63  }
0xb7: {  	s16 =	simm.s32 $0x1E6C0  }
0xb8: {  	[tilespmem:s0], [sflag:$0x4] =	stream.indirect.gather [hbm4b:s5+s25], $0x80, s16, s25, $0xb8;
	[tilespmem:$0x1E900] =	vst v63  }
0xb9: {  	s17 =	rddreg [dreg:$0xb]  }
0xba: {  	[tilespmem:s26], [sflag:$0x6] =	stream.linear.gather [hbm4b:s17+s4], $0x80, $0x38;
	[tilespmem:$0x1E900] =	vst v63  }
0xbb: {  	_ =	swait.ge [sflag:s24], $0x2000  }
0xbc: {  	[sflag:s24] =	ssyncset.done $0x0  }
0xbd: {  	[sflag:s24] =	ssyncadd.s32 $0xFFFFE000  }
0xbe: {  	_ =	swait.ge [sflag:s30], $0x2000  }
0xbf: {  	[sflag:s30] =	ssyncset.done $0x0  }
0xc0: {  	[sflag:s30] =	ssyncadd.s32 $0xFFFFE000  }
0xc1: {  	_ =	swait.ge [sflag:s1], $0x80  }
0xc2: {  	[sflag:s1] =	ssyncset.done $0x0  }
0xc3: {  	[sflag:s1] =	ssyncadd.s32 $0xFFFFFF80  }
0xc4: {  	[spmem:s3] =	stream.indirect.scatter.add.f32 [tilespmem:s21], [sflag:$0x7], $0x80, s29, s7, $0xb8;
	[tilespmem:$0x1E900] =	vst v63  }
0xc5: {  	_ =	swait.ge [sflag:s23], $0x4000  }
0xc6: {  	[sflag:s23] =	ssyncset.done $0x0  }
0xc7: {  	[sflag:s23] =	ssyncadd.s32 $0xFFFFC000  }
0xc8: {  	_ =	swait.ge [sflag:s8], $0x2000  }
0xc9: {  	[sflag:s8] =	ssyncset.done $0x0  }
0xca: {  	[sflag:s8] =	ssyncadd.s32 $0xFFFFE000  }
0xcb: {  	_ =	swait.ge [sflag:s9], $0x2000  }
0xcc: {  	[sflag:s9] =	ssyncset.done $0x0  }
0xcd: {  	[sflag:s9] =	ssyncadd.s32 $0xFFFFE000  }
0xce: {  	_ =	swait.ge [sflag:s10], $0x80  }
0xcf: {  	[sflag:s10] =	ssyncset.done $0x0  }
0xd0: {  	[sflag:s10] =	ssyncadd.s32 $0xFFFFFF80  }
0xd1: {  	[spmem:s3] =	stream.indirect.scatter.add.f32 [tilespmem:s31], [sflag:$0x7], $0x80, s26, s7, $0xb8;
	[tilespmem:$0x1E900] =	vst v63  }
0xd2: {  	_ =	swait.ge [sflag:s23], $0x4000  }
0xd3: {  	[sflag:s23] =	ssyncset.done $0x0  }
0xd4: {  	s13 =	simm.s32 $0x1E880;
	s18 =	rddreg [dreg:$0xc];
	[sflag:s23] =	ssyncadd.s32 $0xFFFFC000  }
0xd5: {  	[tilespmem:s13], [sflag:$0x7] =	stream.linear.gather [hbm4b:s18+s4], $0x10, $0x38;
	[tilespmem:$0x1E900] =	vst v63  }
0xd6: {  	_ =	swait.ge [sflag:s23], $0x10  }
0xd7: {  	[sflag:s23] =	ssyncset.done $0x0  }
0xd8: {  	s19 =	simm.s32 $0x10;
	s15 =	simm.s32 $0x1E700;
	[sflag:s23] =	ssyncadd.s32 $0xFFFFFFF0  }
0xd9: {  	[tilespmem:s21], [sflag:$0x1] =	stream.indirect.gather [hbm4b:s5+s19], $0x80, s15, s19, $0xb8;
	[tilespmem:$0x1E900] =	vst v63  }
0xda: {  	_ =	swait.ge [sflag:s24], $0x800  }
0xdb: {  	[sflag:s24] =	ssyncset.done $0x0  }
0xdc: {  	[sflag:s24] =	ssyncadd.s32 $0xFFFFF800  }
0xdd: {  	[spmem:s3] =	stream.indirect.scatter.add.f32 [tilespmem:s21], [sflag:$0x7], $0x80, s13, s19, $0xb8;
	[tilespmem:$0x1E900] =	vst v63  }
0xde: {  	_ =	swait.ge [sflag:s23], $0x800  }
0xdf: {  	[sflag:s23] =	ssyncset.done $0x0  }
0xe0: {  	s16 =	stileid.u32;
	[sflag:s23] =	ssyncadd.s32 $0xFFFFF800  }
0xe1: {  	s12 =	sshll.u32 s16, $0x6;
	[bflag:$0x0] =	sbarrier.arrive $0xFFFF  }
0xe2: {  	s12 =	sor.u32 $0x1C07, s12;
	s17 =	sshrl.u32 s6, $0x3;
	s18 =	rddreg [dreg:$0xd]  }
0xe3: {  	[hbm:s18], [sflag:s12] =	dma.local [spmem:s17], $0x2800  }
0xe4: {  	_ =	swait.ge [sflag:s23], $0x2800  }
0xe5: {  	s14 =	sadd.s32 $0x1, s14;
	s19 =	rddreg [dreg:$0xe]  }
0xe6: {  	p0 =	sne.s32 s14, s19  }
.Ltmp2:
0xe7: {  	_ = 	snop;
	(pc) =	sbr.rel @p0 .LBB2_1-.Ltmp2, $3  }
0xe8: {  	_ =	sdelay $0x1  }
0xe9: {  	[sflag:s23] =	ssyncset.done $0x0  }
0xea: {  	[sflag:s23] =	ssyncadd.s32 $0xFFFFD800  }
0xeb: {  	_ =	sfence.sel $0x180000  }
0xec: {  	[bflag:$0x0] =	sbarrier.arrive $0xFFFF  }
0xed: {  	_ =	strace $0x9000004D  }
0xee: {  	s0 =	stileid.u32;
	[bflag:$0x2] =	sbarrier.arrive $0xFFFF  }
0xef: {  	p0 =	sne.s32 s0, $0x0;
	s0 =	rddreg [dreg:$0x3]  }
0xf0: {  	s0 =	sadd.s32 @!p0 $0x100000, s0  }
0xf1: {  	[sflag:s0] =	ssyncadd.tile.s32 @!p0 $0x1;
	_ =	shalt  }
.Lfunc_end2:
_tile_overlayer_lowered:
.L_overlay_start_2:
0xf2: {  	(tag) =	ssettag $0x2  }
0xf3: {  	s0 =	rddreg [dreg:$0x0];
	s2 =	stileid.u32  }
0xf4: {  	s1 =	rddreg [dreg:$0x1];
	p0 =	sne.s32 s2, $0x0  }
0xf5: {  	s3 =	rddreg [dreg:$0x2];
	[bflag:$0x3] =	sbarrier.arrive $0xFFFF;
	s2 =	simm.s32 @!p0 $0x1C07  }
0xf6: {  	[timem:s3], [sflag:s2] =	dma.local @!p0 [hbm:s0], s1  }
0xf7: {  	s0 =	simm.s32 @!p0 $0x7  }
0xf8: {  	_ =	swait.ge @!p0 [sflag:s0], s1  }
0xf9: {  	s1 =	ssub.s32 @!p0 $0x0, s1;
	[sflag:s0] =	ssyncset.done @!p0 $0x0  }
0xfa: {  	[sflag:s0] =	ssyncadd.s32 @!p0 s1  }
0xfb: {  	[bflag:$0x3] =	sbarrier.arrive $0xFFFF  }
0xfc: {  	_ =	shalt  }

// kernel: kernel.9.cloned.1.call-start
scs
__scs_entry_jumppad:
0x0: {  	(pc) =	sbr.rel $0x88, $3  }
0x1: {  	(tag) =	ssettag $0x0;
	lr =	simm.s32 $0x1  }
0x2: {  	[smem:$0x3F96] =	sst lr;
	_ =	strace $0xD0000000  }
0x3: {  	_ = 	snop  }
0x4: {  	_ = 	snop  }
0x5: {  	_ = 	snop  }
0x6: {  	_ = 	snop  }
0x7: {  	_ = 	snop  }
__scs_overlays_trampoline_lowered:
0x8: {  	[smem:$0x3FA5] =	sst s0  }
0x9: {  	[smem:$0x3FA6] =	sst s1  }
0xa: {  	[smem:$0x3FA7] =	sst s2  }
0xb: {  	[smem:$0x3FA8] =	sst s3  }
0xc: {  	[smem:$0x3FA9] =	sst s4  }
0xd: {  	[smem:$0x3FAA] =	sst s5  }
0xe: {  	[smem:$0x3FAB] =	sst s6  }
0xf: {  	[smem:$0x3FAC] =	sst s7  }
0x10: {  	[smem:$0x3FAD] =	sst s8  }
0x11: {  	[smem:$0x3FAE] =	sst s9;
	s0 =	simm.s32 @!p0 $0x0  }
0x12: {  	s1 =	sld [smem:$0x3F94];
	s0 =	simm.s32 @p0 $0x1  }
0x13: {  	[smem:$0x3FAF] =	sst s0;
	s0 =	simm.s32 @!p1 $0x0  }
0x14: {  	s2 =	sld [smem:$0x3F93];
	s0 =	simm.s32 @p1 $0x1  }
0x15: {  	[smem:$0x3FB0] =	sst s0;
	s0 =	simm.s32 @!p2 $0x0  }
0x16: {  	s3 =	sld [smem:$0x3FDB];
	s0 =	simm.s32 @p2 $0x1  }
0x17: {  	s4 =	simm.s32 $0x1BF5;
	[smem:$0x3FB2] =	sst s0  }
0x18: {  	s0 =	sld [smem:$0x3F95];
	_ =	swait.ge [sflag:s4], $0x0  }
0x19: {  	s7 =	sld [smem:$0x3F96]  }
0x1a: {  	s8 =	sadd.s32 $0xFFFFE003, lr  }
0x1b: {  	s9 =	sadd.s32 $0xFFFFFEF7, lr;
	s5 =	simm.s32 $0xFFFFFFFF;
	p2 =	slt.u32 s8, $0xFFFFF086  }
0x1c: {  	p1 =	slt.u32 s9, $0xF7A;
	s5 =	simm.s32 @!p2 $0x0  }
0x1d: {  	s5 =	simm.s32 @p1 $0x1;
	p0 =	seq.s32 s7, s2  }
0x1e: {  	s7 =	smul.u32 @!p0 $0xF7A, s2;
	p2 =	seq.s32 @!p0 s5, $0x0  }
0x1f: {  	s9 =	smul.u32 $0xF7A, s1;
	s8 =	simm.s32 @!p0 $0x1BF5;
	p2 =	por !p2, p0  }
0x20: {  	[sflag:s8] =	ssyncset.s32 @!p0 $0xFFFFF086;
	s6 =	sadd.s32 @!p0 s3, s7;
	s7 =	simm.s32 @!p0 $0x108  }
0x21: {  	s3 =	sadd.s32 s3, s9;
	s6 =	sadd.s32 @!p0 $0x88, s6;
	s7 =	simm.s32 @p2 $0x1082  }
0x22: {  	[simem:s7], [sflag:s8] =	dma.local @!p0 [hbm:s6], $0xF7A  }
0x23: {  	s9 =	sor.u32 $0xD0000000, s2;
	s6 =	simm.s32 $0x108;
	_ =	swait.ge @!p0 [sflag:s8], $0x0  }
0x24: {  	s3 =	sadd.s32 $0x88, s3;
	s6 =	simm.s32 @!p1 $0x1082;
	[sflag:s4] =	ssyncset.s32 $0xFFFFF086  }
0x25: {  	[simem:s6], [sflag:s4] =	dma.local [hbm:s3], $0xF7A  }
0x26: {  	[smem:$0x3F96] =	sst s1;
	(tag) =	ssettag s2;
	_ =	strace s9  }
0x27: {  	s1 =	sld [smem:$0x3FA6]  }
0x28: {  	s2 =	sld [smem:$0x3FA7]  }
0x29: {  	s4 =	sld [smem:$0x3FA9]  }
0x2a: {  	p0 =	seq.s32 s5, $0x0;
	s5 =	sld [smem:$0x3FAA]  }
0x2b: {  	s6 =	sld [smem:$0x3FAB]  }
0x2c: {  	s7 =	sld [smem:$0x3FAC]  }
0x2d: {  	s3 =	simm.s32 $0x108;
	s8 =	sld [smem:$0x3FAD]  }
0x2e: {  	s3 =	simm.s32 @!p0 $0x1082;
	s9 =	sld [smem:$0x3FAE]  }
0x2f: {  	lr =	sadd.s32 s0, s3;
	s0 =	sld [smem:$0x3FA5]  }
0x30: {  	s3 =	sld [smem:$0x3FA8]  }
0x31: {  	[smem:$0x3FB1] =	sst s10  }
0x32: {  	s10 =	sld [smem:$0x3FAF];
	_ =	sdelay $0x3  }
0x33: {  	p0 =	seq.s32 s10, $0x1;
	s10 =	sld [smem:$0x3FB1];
	_ =	sdelay $0x3  }
0x34: {  	[smem:$0x3FB1] =	sst s10  }
0x35: {  	s10 =	sld [smem:$0x3FB0];
	_ =	sdelay $0x3  }
0x36: {  	p1 =	seq.s32 s10, $0x1;
	s10 =	sld [smem:$0x3FB1];
	_ =	sdelay $0x3  }
0x37: {  	[smem:$0x3FB1] =	sst s10  }
0x38: {  	s10 =	sld [smem:$0x3FB2]  }
0x39: {  	_ = 	snop;
	(pc) =	sbr.ind lr, $3  }
0x3a: {  	_ = 	snop  }
0x3b: {  	_ = 	snop  }
0x3c: {  	p2 =	seq.s32 s10, $0x1;
	s10 =	sld [smem:$0x3FB1]  }
0x3d: {  	_ =	shalt  }
0x3e: {  	_ =	shalt  }
0x3f: {  	_ =	shalt  }
0x40: {  	_ =	shalt  }
0x41: {  	_ =	shalt  }
0x42: {  	_ =	shalt  }
0x43: {  	_ =	shalt  }
0x44: {  	_ =	shalt  }
0x45: {  	_ =	shalt  }
0x46: {  	_ =	shalt  }
0x47: {  	_ =	shalt  }
0x48: {  	_ =	shalt  }
0x49: {  	_ =	shalt  }
0x4a: {  	_ =	shalt  }
0x4b: {  	_ =	shalt  }
0x4c: {  	_ =	shalt  }
0x4d: {  	_ =	shalt  }
0x4e: {  	_ =	shalt  }
0x4f: {  	_ =	shalt  }
0x50: {  	_ =	shalt  }
0x51: {  	_ =	shalt  }
0x52: {  	_ =	shalt  }
0x53: {  	_ =	shalt  }
0x54: {  	_ =	shalt  }
0x55: {  	_ =	shalt  }
0x56: {  	_ =	shalt  }
0x57: {  	_ =	shalt  }
0x58: {  	_ =	shalt  }
0x59: {  	_ =	shalt  }
0x5a: {  	_ =	shalt  }
0x5b: {  	_ =	shalt  }
0x5c: {  	_ =	shalt  }
0x5d: {  	_ =	shalt  }
0x5e: {  	_ =	shalt  }
0x5f: {  	_ =	shalt  }
0x60: {  	_ =	shalt  }
0x61: {  	_ =	shalt  }
0x62: {  	_ =	shalt  }
0x63: {  	_ =	shalt  }
0x64: {  	_ =	shalt  }
0x65: {  	_ =	shalt  }
0x66: {  	_ =	shalt  }
0x67: {  	_ =	shalt  }
0x68: {  	_ =	shalt  }
0x69: {  	_ =	shalt  }
0x6a: {  	_ =	shalt  }
0x6b: {  	_ =	shalt  }
0x6c: {  	_ =	shalt  }
0x6d: {  	_ =	shalt  }
0x6e: {  	_ =	shalt  }
0x6f: {  	_ =	shalt  }
0x70: {  	_ =	shalt  }
0x71: {  	_ =	shalt  }
0x72: {  	_ =	shalt  }
0x73: {  	_ =	shalt  }
0x74: {  	_ =	shalt  }
0x75: {  	_ =	shalt  }
0x76: {  	_ =	shalt  }
0x77: {  	_ =	shalt  }
0x78: {  	_ =	shalt  }
0x79: {  	_ =	shalt  }
0x7a: {  	_ =	shalt  }
0x7b: {  	_ =	shalt  }
0x7c: {  	_ =	shalt  }
0x7d: {  	_ =	shalt  }
0x7e: {  	_ =	shalt  }
0x7f: {  	_ =	shalt  }
0x80: {  	_ =	shalt  }
0x81: {  	_ =	shalt  }
0x82: {  	_ =	shalt  }
0x83: {  	_ =	shalt  }
0x84: {  	_ =	shalt  }
0x85: {  	_ =	shalt  }
0x86: {  	_ =	shalt  }
0x87: {  	_ =	shalt  }
.Lfunc_end0:
.L_simem_size_0:
called_computation_lowered:
.L_overlay_start_0:
0x88: {  	s2 =	sld [smem:$0x3FD9]  }
0x89: {  	s3 =	sld [smem:$0x3FFE];
	_ =	sdelay $0x1  }
0x8a: {  	s1 =	srdreg.scid  }
0x8b: {  	s0 =	sand.u32 $0x1, s1  }
0x8c: {  	s17 =	sshll.u32 s0, $0xA;
	s2 =	sadd.s32 s3, s2  }
0x8d: {  	s2 =	sadd.s32 s2, s17  }
0x8e: {  	[smem:$0x3FBD] =	sst s2  }
0x8f: {  	_ = 	snop  }
0x90: {  	s2 =	sld [smem:$0x3FD0];
	(tm) =	ssettm $0x1  }
0x91: {  	s18 =	sld [smem:$0x3FFB];
	_ =	sdelay $0x3  }
0x92: {  	_ =	strace s18  }
0x93: {  	s3 =	sld [smem:$0x3FFC];
	_ =	sdelay $0x3  }
0x94: {  	_ =	strace s3  }
0x95: {  	s3 =	sld [smem:$0x3FFD];
	_ =	sdelay $0x3  }
0x96: {  	_ =	strace s3  }
0x97: {  	_ =	strace $0x8FFFFFFF  }
0x98: {  	s19 =	sld [smem:$0x3FDB];
	_ =	sdelay $0x1  }
0x99: {  	s4 =	simm.s32 $_scs_section_size  }
0x9a: {  	s5 =	simm.s32 $_size__tile_overlayer_lowered;
	s6 =	simm.s32 $_tile_overlayer_lowered  }
0x9b: {  	s22 =	simm.s32 $0x1BFF;
	s21 =	sshll.u32 s6, $0x1;
	s3 =	sadd.s32 s4, s19  }
0x9c: {  	s7 =	simm.s32 $0x0;
	s20 =	sshll.u32 s5, $0x1;
	s5 =	sadd.s32 s21, s3  }
0x9d: {  	[timem:s7], [sflag:s22] =	dma.local [hbm:s5], s20  }
0x9e: {  	_ =	swait.ge [sflag:s22], s20  }
0x9f: {  	s4 =	ssub.s32 $0x0, s20;
	[sflag:s22] =	ssyncset.done $0x0  }
0xa0: {  	[sflag:s22] =	ssyncadd.s32 s4;
	_ =	sdelay $0x1  }
0xa1: {  	s23 =	simm.s32 $0x1B8B  }
0xa2: {  	_ =	swait.ge [sflag:s23], $0x1  }
0xa3: {  	[sflag:s23] =	ssyncset.done $0x0  }
0xa4: {  	s25 =	simm.s32 $0x1B8E;
	s24 =	sld [smem:$0x3FFE];
	[sflag:s23] =	ssyncadd.s32 $0xFFFFFFFF  }
0xa5: {  	s26 =	simm.s32 $execute0_lowered;
	[smem:$0x3FD2] =	sst s25  }
0xa6: {  	s5 =	sshll.u32 s26, $0x1;
	_ =	strace $0x80000046;
	[dreg:$0x1] =	wrdreg $0xFFFFFFFF  }
0xa7: {  	s28 =	simm.s32 $_size_execute0_lowered;
	s3 =	sadd.s32 s3, s5;
	[dreg:$0x0] =	wrdreg $0x0  }
0xa8: {  	s5 =	sshll.u32 s28, $0x1;
	[dreg:$0x2] =	wrdreg s3  }
0xa9: {  	[dreg:$0x3] =	wrdreg s5  }
0xaa: {  	[dreg:$0x4] =	wrdreg $0xC0  }
0xab: {  	_ =	task [dreg:s7], $0x5FFFF  }
0xac: {  	[dreg:$0x1] =	wrdreg $0xFFFFFFFF  }
0xad: {  	[dreg:$0x0] =	wrdreg $0x60  }
0xae: {  	[dreg:$0x2] =	wrdreg s24  }
0xaf: {  	[dreg:$0x3] =	wrdreg s2  }
0xb0: {  	[dreg:$0x4] =	wrdreg $0x0  }
0xb1: {  	[dreg:$0x5] =	wrdreg $0x140000  }
0xb2: {  	[dreg:$0x6] =	wrdreg $0x9  }
0xb3: {  	_ =	task.clear_ibuf [dreg:s7], $0x7FFFF;
	_ =	strace $0x90000046  }
0xb4: {  	s29 =	simm.s32 $0x9;
	_ =	strace $0x80000048  }
0xb5: {  	_ =	swait.ge [sflag:s29], $0x1  }
0xb6: {  	[sflag:s29] =	ssyncadd.s32 $0xFFFFFFFF  }
0xb7: {  	_ =	strace $0x90000048  }
0xb8: {  	_ =	sfence  }
0xb9: {  	s30 =	sld [smem:$0x0];
	_ =	sdelay $0x2  }
0xba: {  	s31 =	sshll.u32 s1, $0xD;
	s1 =	sshrl.u32 s1, $0x2  }
0xbb: {  	s3 =	sand.u32 $0x4000, s31;
	s1 =	sadd.s32 s1, s30  }
0xbc: {  	s0 =	sor.u32 s3, s0;
	s1 =	sshll.u32 s1, $0x11  }
0xbd: {  	s0 =	sor.u32 s1, s0  }
0xbe: {  	s0 =	sadd.s32 $0x8F2B, s0  }
0xbf: {  	[sflag:s0] =	ssyncadd.remote.s32 $0x1  }
0xc0: {  	_ =	sfence.sel $0xFFFF  }
0xc1: {  	[dreg:$0x0] =	wrdreg $0xFFFFFFFF;
	(pc) =	sbr.abs _section_cstart, $3  }
0xc2: {  	[dreg:$0x1] =	wrdreg $0xFFFFFFFF  }
0xc3: {  	_ =	task.clear_ibuf [dreg:s7], $0x2FFFF;
	_ =	strace $0x9FFFFFFF  }
0xc4: {  	(tm) =	ssettm $0x7FFFFFFF  }
0xc5: {  	_ =	shalt  }
tec
execute0_lowered:
.L_overlay_start_1:
0x0: {  	(tag) =	ssettag $0x1  }
0x1: {  	s0 =	srdreg.scid  }
0x2: {  	s2 =	rddreg [dreg:$0x0];
	s14 =	stileid.u32  }
0x3: {  	s1 =	rddreg [dreg:$0x1];
	s8 =	smul.u32 $0x14000, s14  }
0x4: {  	s3 =	rddreg [dreg:$0x2];
	s28 =	simm.s32 $0x7;
	s10 =	smul.u32 $0x50000, s14  }
0x5: {  	s29 =	simm.s32 $0x1;
	s0 =	sand.u32 $0x1, s0;
	s20 =	smul.u32 $0x2710, s14  }
0x6: {  	s30 =	simm.s32 $0x2;
	s31 =	simm.s32 $0x40;
	s7 =	smul.u32 $0x140000, s0  }
0x7: {  	s4 =	sshll.u32 s0, $0x4;
	s23 =	ssub.s32 $0x2, s0;
	s17 =	smul.u32 $0x27100, s0  }
0x8: {  	p0 =	seq.s32 s0, $0x1;
	s0 =	simm.s32 $0x34000;
	s5 =	sor.u32 s14, s4  }
0x9: {  	s4 =	rddreg [dreg:$0x3];
	s10 =	sshrl.u32 s10, $0x2;
	s12 =	sshrl.u32 s23, $0x1  }
0xa: {  	s0 =	simm.s32 @!p0 $0x33A00;
	s6 =	smul.u32 $0x2710, s5;
	s5 =	simm.s32 $0x0  }
0xb: {  	s7 =	sadd.s32 s8, s7;
	s19 =	sadd.s32 s10, s3;
	s8 =	ssub.s32 s23, s12  }
0xc: {  	s10 =	smul.u32 $0x280, s14;
	s0 =	sadd.s32 s0, s2;
	s14 =	simm.s32 $0x80  }
0xd: {  	[smem:$0x7FF] =	sst s5;
	s7 =	sshrl.u32 s7, $0x3;
	s24 =	sadd.s32 $0x4000, s19  }
0xe: {  	s25 =	sadd.s32 $0x8000, s19;
	_ =	strace $0x80000047;
	[dreg:$0x5] =	wrdreg s24  }
0xf: {  	s26 =	sadd.s32 $0xC000, s19;
	s12 =	sadd.s32 $0x10000, s19;
	[dreg:$0x6] =	wrdreg s25  }
0x10: {  	s9 =	sshrl.u32 s6, $0x3;
	s6 =	sadd.s32 $0xC800, s2;
	[dreg:$0x7] =	wrdreg s26  }
0x11: {  	s13 =	sadd.s32 s7, s2;
	[dreg:$0x8] =	wrdreg s12;
	s15 =	sadd.s32 s10, s4  }
0x12: {  	s10 =	sshrl.u32 s10, $0x3;
	s25 =	smax.u32 s8, $0x1;
	[dreg:$0x9] =	wrdreg s15  }
0x13: {  	s8 =	simm.s32 $0x1A280;
	s16 =	sadd.s32 s1, s9;
	[dreg:$0x11] =	wrdreg s25  }
0x14: {  	s11 =	sadd.s32 s9, s2;
	s23 =	sadd.s32 $0x34600, s13;
	[dreg:$0xa] =	wrdreg s16  }
0x15: {  	s9 =	sadd.s32 s20, s17;
	s0 =	sadd.s32 s0, s10;
	[dreg:$0x10] =	wrdreg s23  }
0x16: {  	s25 =	simm.s32 $0x16280;
	s11 =	sadd.s32 $0x2A00, s11;
	[dreg:$0x12] =	wrdreg s0  }
0x17: {  	s2 =	simm.s32 $0x1EA00;
	s18 =	sadd.s32 $0x10, s16;
	[dreg:$0xb] =	wrdreg s11  }
0x18: {  	s10 =	simm.s32 $0x3;
	s21 =	sadd.s32 $0x4C0, s16;
	[dreg:$0xc] =	wrdreg s18  }
0x19: {  	s15 =	simm.s32 $0x1EB80;
	s22 =	sadd.s32 $0x4D0, s16;
	[dreg:$0xd] =	wrdreg s21  }
0x1a: {  	s17 =	simm.s32 $0x6;
	s7 =	sadd.s32 $0x4E0, s16;
	[dreg:$0xe] =	wrdreg s22  }
0x1b: {  	s26 =	sadd.s32 $0x100, s9;
	s0 =	simm.s32 $0x18280;
	[dreg:$0xf] =	wrdreg s7  }
0x1c: {  	s16 =	simm.s32 $0x4;
	s11 =	sadd.s32 $0x180, s9;
	[dreg:$0x13] =	wrdreg s26  }
0x1d: {  	s9 =	simm.s32 $0x1EA80;
	s26 =	simm.s32 $0x0;
	s24 =	sshrl.u32 s11, $0x3  }
0x1e: {  	v0 =	vimm.f32 $0.0e+00;
	v1 =	vimm.f32 $1.000000000e+00;
	s11 =	simm.s32 $0x5;
	s18 =	sadd.s32 s24, s1;
	s24 =	simm.s32 $0x14280  }
.LBB2_1:
0x1f: {  	s13 =	sand.u32 $0xFE00, s5  }
0x20: {  	s20 =	sand.u32 $0x70, s5;
	s21 =	sshrl.u32 s13, $0x2  }
0x21: {  	s13 =	simm.s32 $0x40;
	s21 =	sor.u32 s20, s21;
	s20 =	simm.s32 $0x0  }
.LBB2_2:
0x22: {  	p0 =	sne.s32 s13, $0xFFC0  }
0x23: {  	[tilespmem:s21+$0x14280] =	vst v0;
	s20 =	sadd.s32 $0x10, s20;
	s21 =	smov.u32 s13;
	s13 =	sadd.s32 $0x40, s13  }
.Ltmp0:
0x24: {  	(pc) =	sbr.rel @p0 .LBB2_2-.Ltmp0, $4  }
0x25: {  	_ = 	snop  }
0x26: {  	s21 =	sand.u32 $0xFE00, s21  }
0x27: {  	s22 =	sand.u32 $0x70, s20;
	s21 =	sshrl.u32 s21, $0x2  }
0x28: {  	s21 =	sor.u32 s22, s21  }
0x29: {  	[tilespmem:s21+$0x14280] =	vst v0  }
0x2a: {  	[spmem:s19] =	stream.linear.scatter [tilespmem:s24], [sflag:$0x1], $0x4000, $0x38;
	[tilespmem:$0x1EE80] =	vst v63  }
0x2b: {  	s7 =	rddreg [dreg:$0x5]  }
0x2c: {  	[spmem:s7] =	stream.linear.scatter [tilespmem:s24], [sflag:$0x1], $0x4000, $0x38;
	[tilespmem:$0x1EE80] =	vst v63  }
0x2d: {  	s12 =	rddreg [dreg:$0x6]  }
0x2e: {  	[spmem:s12] =	stream.linear.scatter [tilespmem:s24], [sflag:$0x1], $0x4000, $0x38;
	[tilespmem:$0x1EE80] =	vst v63  }
0x2f: {  	s13 =	rddreg [dreg:$0x7]  }
0x30: {  	[spmem:s13] =	stream.linear.scatter [tilespmem:s24], [sflag:$0x1], $0x4000, $0x38;
	[tilespmem:$0x1EE80] =	vst v63  }
0x31: {  	s23 =	smov.u32 s19;
	s19 =	rddreg [dreg:$0x8]  }
0x32: {  	[spmem:s19] =	stream.linear.scatter [tilespmem:s24], [sflag:$0x1], $0x4000, $0x38;
	[tilespmem:$0x1EE80] =	vst v63  }
0x33: {  	[tilespmem:$0x1EB80] =	vst v1  }
0x34: {  	[tilespmem:$0x1EB90] =	vst v1  }
0x35: {  	[tilespmem:$0x1EBA0] =	vst v1  }
0x36: {  	[tilespmem:$0x1EBB0] =	vst v1  }
0x37: {  	[tilespmem:$0x1EBC0] =	vst v1  }
0x38: {  	[tilespmem:$0x1EBD0] =	vst v1  }
0x39: {  	[tilespmem:$0x1EBE0] =	vst v1  }
0x3a: {  	[tilespmem:$0x1EBF0] =	vst v1  }
0x3b: {  	[tilespmem:$0x1EC00] =	vst v0  }
0x3c: {  	[tilespmem:$0x1EC10] =	vst v0  }
0x3d: {  	[tilespmem:$0x1EC20] =	vst v0  }
0x3e: {  	[tilespmem:$0x1EC30] =	vst v0  }
0x3f: {  	[tilespmem:$0x1EC40] =	vst v0  }
0x40: {  	[tilespmem:$0x1EC50] =	vst v0  }
0x41: {  	[tilespmem:$0x1EC60] =	vst v0  }
0x42: {  	[tilespmem:$0x1EC70] =	vst v0  }
0x43: {  	[tilespmem:$0x1EC80] =	vst v0  }
0x44: {  	[tilespmem:$0x1EC90] =	vst v0  }
0x45: {  	[tilespmem:$0x1ECA0] =	vst v0  }
0x46: {  	[tilespmem:$0x1ECB0] =	vst v0  }
0x47: {  	[tilespmem:$0x1ECC0] =	vst v0  }
0x48: {  	[tilespmem:$0x1ECD0] =	vst v0  }
0x49: {  	[tilespmem:$0x1ECE0] =	vst v0  }
0x4a: {  	[tilespmem:$0x1ECF0] =	vst v0  }
0x4b: {  	[tilespmem:$0x1ED00] =	vst v0  }
0x4c: {  	[tilespmem:$0x1ED10] =	vst v0  }
0x4d: {  	[tilespmem:$0x1ED20] =	vst v0  }
0x4e: {  	[tilespmem:$0x1ED30] =	vst v0  }
0x4f: {  	[tilespmem:$0x1ED40] =	vst v0  }
0x50: {  	[tilespmem:$0x1ED50] =	vst v0  }
0x51: {  	[tilespmem:$0x1ED60] =	vst v0  }
0x52: {  	[tilespmem:$0x1ED70] =	vst v0  }
0x53: {  	[tilespmem:$0x1ED80] =	vst v0  }
0x54: {  	[tilespmem:$0x1ED90] =	vst v0  }
0x55: {  	[tilespmem:$0x1EDA0] =	vst v0  }
0x56: {  	[tilespmem:$0x1EDB0] =	vst v0  }
0x57: {  	[tilespmem:$0x1EDC0] =	vst v0  }
0x58: {  	[tilespmem:$0x1EDD0] =	vst v0  }
0x59: {  	[tilespmem:$0x1EDE0] =	vst v0  }
0x5a: {  	[tilespmem:$0x1EDF0] =	vst v0  }
0x5b: {  	[tilespmem:$0x1EE00] =	vst v0  }
0x5c: {  	[tilespmem:$0x1EE10] =	vst v0  }
0x5d: {  	[tilespmem:$0x1EE20] =	vst v0  }
0x5e: {  	[tilespmem:$0x1EE30] =	vst v0  }
0x5f: {  	[tilespmem:$0x1EE40] =	vst v0  }
0x60: {  	[tilespmem:$0x1EE50] =	vst v0  }
0x61: {  	[tilespmem:$0x1EE60] =	vst v0  }
0x62: {  	s20 =	rddreg [dreg:$0x9];
	s12 =	simm.s32 $0x1EC00;
	[tilespmem:$0x1EE70] =	vst v0  }
0x63: {  	[spmem:s20] =	stream.linear.scatter [tilespmem:s12], [sflag:$0x2], $0x280, $0x38;
	[tilespmem:$0x1EE80] =	vst v63  }
0x64: {  	s21 =	rddreg [dreg:$0xb];
	s22 =	simm.s32 $0x1C280;
	s13 =	simm.s32 $0x0  }
0x65: {  	[tilespmem:s22], [sflag:$0x7] =	stream.linear.gather [hbm4b:s21+s13], $0x2710, $0x38;
	[tilespmem:$0x1EE80] =	vst v63  }
0x66: {  	_ =	swait.ge [sflag:s28], $0x2710  }
0x67: {  	[sflag:s28] =	ssyncset.done $0x0  }
0x68: {  	[sflag:s28] =	ssyncadd.s32 $0xFFFFD8F0  }
0x69: {  	_ =	swait.ge [sflag:s29], $0x4000  }
0x6a: {  	[sflag:s29] =	ssyncset.done $0x0  }
0x6b: {  	[sflag:s29] =	ssyncadd.s32 $0xFFFFC000  }
0x6c: {  	_ =	swait.ge [sflag:s29], $0x4000  }
0x6d: {  	[sflag:s29] =	ssyncset.done $0x0  }
0x6e: {  	[sflag:s29] =	ssyncadd.s32 $0xFFFFC000  }
0x6f: {  	_ =	swait.ge [sflag:s29], $0x4000  }
0x70: {  	[sflag:s29] =	ssyncset.done $0x0  }
0x71: {  	[sflag:s29] =	ssyncadd.s32 $0xFFFFC000  }
0x72: {  	_ =	swait.ge [sflag:s29], $0x4000  }
0x73: {  	[sflag:s29] =	ssyncset.done $0x0  }
0x74: {  	[sflag:s29] =	ssyncadd.s32 $0xFFFFC000  }
0x75: {  	_ =	swait.ge [sflag:s29], $0x4000  }
0x76: {  	[sflag:s29] =	ssyncset.done $0x0  }
0x77: {  	[sflag:s29] =	ssyncadd.s32 $0xFFFFC000  }
0x78: {  	_ =	swait.ge [sflag:s30], $0x280  }
0x79: {  	[sflag:s30] =	ssyncset.done $0x0  }
0x7a: {  	[sflag:s30] =	ssyncadd.s32 $0xFFFFFD80  }
0x7b: {  	[tilespmem:s24], [sflag:$0x1] =	stream.indirect.gather [hbm4b:s6+s31], $0x80, s22, s31, $0xb8;
	[tilespmem:$0x1EE80] =	vst v63  }
0x7c: {  	s12 =	simm.s32 $0x1C2C0  }
0x7d: {  	[tilespmem:s25], [sflag:$0x3] =	stream.indirect.gather [hbm4b:s6+s31], $0x80, s12, s31, $0xb8;
	[tilespmem:$0x1EE80] =	vst v63  }
0x7e: {  	s19 =	rddreg [dreg:$0xa]  }
0x7f: {  	[tilespmem:s2], [sflag:$0x5] =	stream.linear.gather [hbm4b:s19+s13], $0x80, $0x38;
	[tilespmem:$0x1EE80] =	vst v63  }
0x80: {  	s20 =	simm.s32 $0x1C300  }
0x81: {  	[tilespmem:s0], [sflag:$0x2] =	stream.indirect.gather [hbm4b:s6+s31], $0x80, s20, s31, $0xb8;
	[tilespmem:$0x1EE80] =	vst v63  }
0x82: {  	s21 =	simm.s32 $0x1C340  }
0x83: {  	[tilespmem:s8], [sflag:$0x4] =	stream.indirect.gather [hbm4b:s6+s31], $0x80, s21, s31, $0xb8;
	[tilespmem:$0x1EE80] =	vst v63  }
0x84: {  	s22 =	rddreg [dreg:$0xc]  }
0x85: {  	[tilespmem:s9], [sflag:$0x6] =	stream.linear.gather [hbm4b:s22+s13], $0x80, $0x38;
	[tilespmem:$0x1EE80] =	vst v63  }
0x86: {  	[bflag:$0x0] =	sbarrier.arrive $0xFFFF  }
0x87: {  	_ =	swait.ge [sflag:s29], $0x2000  }
0x88: {  	[sflag:s29] =	ssyncset.done $0x0  }
0x89: {  	[sflag:s29] =	ssyncadd.s32 $0xFFFFE000  }
0x8a: {  	_ =	swait.ge [sflag:s10], $0x2000  }
0x8b: {  	[sflag:s10] =	ssyncset.done $0x0  }
0x8c: {  	[sflag:s10] =	ssyncadd.s32 $0xFFFFE000  }
0x8d: {  	_ =	swait.ge [sflag:s11], $0x80  }
0x8e: {  	[sflag:s11] =	ssyncset.done $0x0  }
0x8f: {  	[sflag:s11] =	ssyncadd.s32 $0xFFFFFF80  }
0x90: {  	[spmem:s3] =	stream.indirect.scatter.add.f32 [tilespmem:s24], [sflag:$0x7], $0x80, s2, s14, $0xb8;
	[tilespmem:$0x1EE80] =	vst v63  }
0x91: {  	_ =	swait.ge [sflag:s28], $0x4000  }
0x92: {  	[sflag:s28] =	ssyncset.done $0x0  }
0x93: {  	[sflag:s28] =	ssyncadd.s32 $0xFFFFC000  }
0x94: {  	[spmem:s4] =	stream.indirect.scatter.add.f32 [tilespmem:s15], [sflag:$0x7], $0x1, s2, s14, $0xb8;
	[tilespmem:$0x1EE80] =	vst v63  }
0x95: {  	_ =	swait.ge [sflag:s28], $0x80  }
0x96: {  	[sflag:s28] =	ssyncset.done $0x0  }
0x97: {  	s7 =	simm.s32 $0x1C380;
	s19 =	rddreg [dreg:$0x13];
	[sflag:s28] =	ssyncadd.s32 $0xFFFFFF80  }
0x98: {  	[tilespmem:s24], [sflag:$0x1] =	stream.indirect.gather [hbm4b:s6+s31], $0x80, s7, s31, $0xb8;
	[tilespmem:$0x1EE80] =	vst v63  }
0x99: {  	s12 =	simm.s32 $0x1C3C0;
	s20 =	sshrl.u32 s19, $0x3  }
0x9a: {  	[tilespmem:s25], [sflag:$0x3] =	stream.indirect.gather [hbm4b:s6+s31], $0x80, s12, s31, $0xb8;
	[tilespmem:$0x1EE80] =	vst v63  }
0x9b: {  	s20 =	sadd.s32 s1, s20  }
0x9c: {  	[tilespmem:s2], [sflag:$0x5] =	stream.linear.gather [hbm4b:s20+s5], $0x80, $0x38;
	[tilespmem:$0x1EE80] =	vst v63  }
0x9d: {  	_ =	swait.ge [sflag:s30], $0x2000  }
0x9e: {  	[sflag:s30] =	ssyncset.done $0x0  }
0x9f: {  	[sflag:s30] =	ssyncadd.s32 $0xFFFFE000  }
0xa0: {  	_ =	swait.ge [sflag:s16], $0x2000  }
0xa1: {  	[sflag:s16] =	ssyncset.done $0x0  }
0xa2: {  	[sflag:s16] =	ssyncadd.s32 $0xFFFFE000  }
0xa3: {  	_ =	swait.ge [sflag:s17], $0x80  }
0xa4: {  	[sflag:s17] =	ssyncset.done $0x0  }
0xa5: {  	[sflag:s17] =	ssyncadd.s32 $0xFFFFFF80  }
0xa6: {  	[spmem:s3] =	stream.indirect.scatter.add.f32 [tilespmem:s0], [sflag:$0x7], $0x80, s9, s14, $0xb8;
	[tilespmem:$0x1EE80] =	vst v63  }
0xa7: {  	_ =	swait.ge [sflag:s28], $0x4000  }
0xa8: {  	[sflag:s28] =	ssyncset.done $0x0  }
0xa9: {  	[sflag:s28] =	ssyncadd.s32 $0xFFFFC000  }
0xaa: {  	[spmem:s4] =	stream.indirect.scatter.add.f32 [tilespmem:s15], [sflag:$0x7], $0x1, s9, s14, $0xb8;
	[tilespmem:$0x1EE80] =	vst v63  }
0xab: {  	_ =	swait.ge [sflag:s28], $0x80  }
0xac: {  	[sflag:s28] =	ssyncset.done $0x0  }
0xad: {  	s21 =	simm.s32 $0x1C400;
	[sflag:s28] =	ssyncadd.s32 $0xFFFFFF80  }
0xae: {  	[tilespmem:s0], [sflag:$0x2] =	stream.indirect.gather [hbm4b:s6+s31], $0x80, s21, s31, $0xb8;
	[tilespmem:$0x1EE80] =	vst v63  }
0xaf: {  	s22 =	simm.s32 $0x1C440;
	s13 =	sadd.s32 $0x100, s19  }
0xb0: {  	[tilespmem:s8], [sflag:$0x4] =	stream.indirect.gather [hbm4b:s6+s31], $0x80, s22, s31, $0xb8;
	[tilespmem:$0x1EE80] =	vst v63  }
0xb1: {  	s20 =	simm.s32 $0x400;
	s21 =	sadd.s32 $0x20, s18;
	s22 =	smov.u32 s18  }
.LBB2_4:
0xb2: {  	[tilespmem:s9], [sflag:$0x6] =	stream.linear.gather [hbm4b:s22+s5], $0x80, $0x38;
	[tilespmem:$0x1EE80] =	vst v63  }
0xb3: {  	s19 =	smov.u32 s20;
	s22 =	smov.u32 s21  }
0xb4: {  	p0 =	sne.s32 s20, $0x9000;
	s20 =	sadd.s32 $0x400, s20;
	_ =	swait.ge [sflag:s29], $0x2000  }
0xb5: {  	[sflag:s29] =	ssyncset.done $0x0  }
0xb6: {  	[sflag:s29] =	ssyncadd.s32 $0xFFFFE000  }
0xb7: {  	_ =	swait.ge [sflag:s10], $0x2000  }
0xb8: {  	[sflag:s10] =	ssyncset.done $0x0  }
0xb9: {  	[sflag:s10] =	ssyncadd.s32 $0xFFFFE000  }
0xba: {  	_ =	swait.ge [sflag:s11], $0x80  }
0xbb: {  	[sflag:s11] =	ssyncset.done $0x0  }
0xbc: {  	[sflag:s11] =	ssyncadd.s32 $0xFFFFFF80  }
0xbd: {  	[spmem:s3] =	stream.indirect.scatter.add.f32 [tilespmem:s24], [sflag:$0x7], $0x80, s2, s14, $0xb8;
	[tilespmem:$0x1EE80] =	vst v63  }
0xbe: {  	_ =	swait.ge [sflag:s28], $0x4000  }
0xbf: {  	[sflag:s28] =	ssyncset.done $0x0  }
0xc0: {  	[sflag:s28] =	ssyncadd.s32 $0xFFFFC000  }
0xc1: {  	[spmem:s4] =	stream.indirect.scatter.add.f32 [tilespmem:s15], [sflag:$0x7], $0x1, s2, s14, $0xb8;
	[tilespmem:$0x1EE80] =	vst v63  }
0xc2: {  	_ =	swait.ge [sflag:s28], $0x80  }
0xc3: {  	s19 =	sshra.s32 s19, $0x2;
	[sflag:s28] =	ssyncset.done $0x0  }
0xc4: {  	s12 =	sadd.s32 $0x1C380, s19;
	[sflag:s28] =	ssyncadd.s32 $0xFFFFFF80  }
0xc5: {  	[tilespmem:s24], [sflag:$0x1] =	stream.indirect.gather [hbm4b:s6+s31], $0x80, s12, s31, $0xb8;
	[tilespmem:$0x1EE80] =	vst v63  }
0xc6: {  	s7 =	sshrl.u32 s13, $0x3;
	s12 =	sadd.s32 $0x1C3C0, s19  }
0xc7: {  	[tilespmem:s25], [sflag:$0x3] =	stream.indirect.gather [hbm4b:s6+s31], $0x80, s12, s31, $0xb8;
	[tilespmem:$0x1EE80] =	vst v63  }
0xc8: {  	s7 =	sadd.s32 s1, s7  }
0xc9: {  	[tilespmem:s2], [sflag:$0x5] =	stream.linear.gather [hbm4b:s7+s5], $0x80, $0x38;
	[tilespmem:$0x1EE80] =	vst v63  }
0xca: {  	_ =	swait.ge [sflag:s30], $0x2000  }
0xcb: {  	[sflag:s30] =	ssyncset.done $0x0  }
0xcc: {  	[sflag:s30] =	ssyncadd.s32 $0xFFFFE000  }
0xcd: {  	_ =	swait.ge [sflag:s16], $0x2000  }
0xce: {  	[sflag:s16] =	ssyncset.done $0x0  }
0xcf: {  	[sflag:s16] =	ssyncadd.s32 $0xFFFFE000  }
0xd0: {  	_ =	swait.ge [sflag:s17], $0x80  }
0xd1: {  	[sflag:s17] =	ssyncset.done $0x0  }
0xd2: {  	[sflag:s17] =	ssyncadd.s32 $0xFFFFFF80  }
0xd3: {  	[spmem:s3] =	stream.indirect.scatter.add.f32 [tilespmem:s0], [sflag:$0x7], $0x80, s9, s14, $0xb8;
	[tilespmem:$0x1EE80] =	vst v63  }
0xd4: {  	_ =	swait.ge [sflag:s28], $0x4000  }
0xd5: {  	[sflag:s28] =	ssyncset.done $0x0  }
0xd6: {  	[sflag:s28] =	ssyncadd.s32 $0xFFFFC000  }
0xd7: {  	[spmem:s4] =	stream.indirect.scatter.add.f32 [tilespmem:s15], [sflag:$0x7], $0x1, s9, s14, $0xb8;
	[tilespmem:$0x1EE80] =	vst v63  }
0xd8: {  	_ =	swait.ge [sflag:s28], $0x80  }
0xd9: {  	[sflag:s28] =	ssyncset.done $0x0  }
.Ltmp1:
0xda: {  	s7 =	sadd.s32 $0x1C400, s19;
	[sflag:s28] =	ssyncadd.s32 $0xFFFFFF80;
	(pc) =	sbr.rel @p0 .LBB2_4-.Ltmp1, $4  }
0xdb: {  	[tilespmem:s0], [sflag:$0x2] =	stream.indirect.gather [hbm4b:s6+s31], $0x80, s7, s31, $0xb8;
	[tilespmem:$0x1EE80] =	vst v63  }
0xdc: {  	s7 =	sadd.s32 $0x1C440, s19  }
0xdd: {  	[tilespmem:s8], [sflag:$0x4] =	stream.indirect.gather [hbm4b:s6+s31], $0x80, s7, s31, $0xb8;
	[tilespmem:$0x1EE80] =	vst v63  }
0xde: {  	s21 =	sadd.s32 $0x20, s21;
	s13 =	sadd.s32 $0x100, s13  }
0xdf: {  	[tilespmem:s9], [sflag:$0x6] =	stream.linear.gather [hbm4b:s22+s5], $0x80, $0x38;
	[tilespmem:$0x1EE80] =	vst v63  }
0xe0: {  	_ =	swait.ge [sflag:s29], $0x2000  }
0xe1: {  	[sflag:s29] =	ssyncset.done $0x0  }
0xe2: {  	[sflag:s29] =	ssyncadd.s32 $0xFFFFE000  }
0xe3: {  	_ =	swait.ge [sflag:s10], $0x2000  }
0xe4: {  	[sflag:s10] =	ssyncset.done $0x0  }
0xe5: {  	[sflag:s10] =	ssyncadd.s32 $0xFFFFE000  }
0xe6: {  	_ =	swait.ge [sflag:s11], $0x80  }
0xe7: {  	[sflag:s11] =	ssyncset.done $0x0  }
0xe8: {  	[sflag:s11] =	ssyncadd.s32 $0xFFFFFF80  }
0xe9: {  	[spmem:s3] =	stream.indirect.scatter.add.f32 [tilespmem:s24], [sflag:$0x7], $0x80, s2, s14, $0xb8;
	[tilespmem:$0x1EE80] =	vst v63  }
0xea: {  	_ =	swait.ge [sflag:s28], $0x4000  }
0xeb: {  	[sflag:s28] =	ssyncset.done $0x0  }
0xec: {  	[sflag:s28] =	ssyncadd.s32 $0xFFFFC000  }
0xed: {  	[spmem:s4] =	stream.indirect.scatter.add.f32 [tilespmem:s15], [sflag:$0x7], $0x1, s2, s14, $0xb8;
	[tilespmem:$0x1EE80] =	vst v63  }
0xee: {  	_ =	swait.ge [sflag:s28], $0x80  }
0xef: {  	[sflag:s28] =	ssyncset.done $0x0  }
0xf0: {  	s7 =	simm.s32 $0x1E880;
	[sflag:s28] =	ssyncadd.s32 $0xFFFFFF80  }
0xf1: {  	[tilespmem:s24], [sflag:$0x1] =	stream.indirect.gather [hbm4b:s6+s31], $0x80, s7, s31, $0xb8;
	[tilespmem:$0x1EE80] =	vst v63  }
0xf2: {  	s22 =	simm.s32 $0x1E8C0  }
0xf3: {  	[tilespmem:s25], [sflag:$0x3] =	stream.indirect.gather [hbm4b:s6+s31], $0x80, s22, s31, $0xb8;
	[tilespmem:$0x1EE80] =	vst v63  }
0xf4: {  	s12 =	rddreg [dreg:$0xd]  }
0xf5: {  	[tilespmem:s2], [sflag:$0x5] =	stream.linear.gather [hbm4b:s12+s5], $0x80, $0x38;
	[tilespmem:$0x1EE80] =	vst v63  }
0xf6: {  	_ =	swait.ge [sflag:s30], $0x2000  }
0xf7: {  	[sflag:s30] =	ssyncset.done $0x0  }
0xf8: {  	[sflag:s30] =	ssyncadd.s32 $0xFFFFE000  }
0xf9: {  	_ =	swait.ge [sflag:s16], $0x2000  }
0xfa: {  	[sflag:s16] =	ssyncset.done $0x0  }
0xfb: {  	[sflag:s16] =	ssyncadd.s32 $0xFFFFE000  }
0xfc: {  	_ =	swait.ge [sflag:s17], $0x80  }
0xfd: {  	[sflag:s17] =	ssyncset.done $0x0  }
0xfe: {  	[sflag:s17] =	ssyncadd.s32 $0xFFFFFF80  }
0xff: {  	[spmem:s3] =	stream.indirect.scatter.add.f32 [tilespmem:s0], [sflag:$0x7], $0x80, s9, s14, $0xb8;
	[tilespmem:$0x1EE80] =	vst v63  }
0x100: {  	_ =	swait.ge [sflag:s28], $0x4000  }
0x101: {  	[sflag:s28] =	ssyncset.done $0x0  }
0x102: {  	[sflag:s28] =	ssyncadd.s32 $0xFFFFC000  }
0x103: {  	[spmem:s4] =	stream.indirect.scatter.add.f32 [tilespmem:s15], [sflag:$0x7], $0x1, s9, s14, $0xb8;
	[tilespmem:$0x1EE80] =	vst v63  }
0x104: {  	_ =	swait.ge [sflag:s28], $0x80  }
0x105: {  	[sflag:s28] =	ssyncset.done $0x0  }
0x106: {  	s13 =	simm.s32 $0x1E900;
	[sflag:s28] =	ssyncadd.s32 $0xFFFFFF80  }
0x107: {  	[tilespmem:s0], [sflag:$0x2] =	stream.indirect.gather [hbm4b:s6+s31], $0x80, s13, s31, $0xb8;
	[tilespmem:$0x1EE80] =	vst v63  }
0x108: {  	s19 =	simm.s32 $0x1E940  }
0x109: {  	[tilespmem:s8], [sflag:$0x4] =	stream.indirect.gather [hbm4b:s6+s31], $0x80, s19, s31, $0xb8;
	[tilespmem:$0x1EE80] =	vst v63  }
0x10a: {  	s20 =	rddreg [dreg:$0xe]  }
0x10b: {  	[tilespmem:s9], [sflag:$0x6] =	stream.linear.gather [hbm4b:s20+s5], $0x80, $0x38;
	[tilespmem:$0x1EE80] =	vst v63  }
0x10c: {  	_ =	swait.ge [sflag:s29], $0x2000  }
0x10d: {  	[sflag:s29] =	ssyncset.done $0x0  }
0x10e: {  	[sflag:s29] =	ssyncadd.s32 $0xFFFFE000  }
0x10f: {  	_ =	swait.ge [sflag:s10], $0x2000  }
0x110: {  	[sflag:s10] =	ssyncset.done $0x0  }
0x111: {  	[sflag:s10] =	ssyncadd.s32 $0xFFFFE000  }
0x112: {  	_ =	swait.ge [sflag:s11], $0x80  }
0x113: {  	[sflag:s11] =	ssyncset.done $0x0  }
0x114: {  	[sflag:s11] =	ssyncadd.s32 $0xFFFFFF80  }
0x115: {  	[spmem:s3] =	stream.indirect.scatter.add.f32 [tilespmem:s24], [sflag:$0x7], $0x80, s2, s14, $0xb8;
	[tilespmem:$0x1EE80] =	vst v63  }
0x116: {  	_ =	swait.ge [sflag:s28], $0x4000  }
0x117: {  	[sflag:s28] =	ssyncset.done $0x0  }
0x118: {  	[sflag:s28] =	ssyncadd.s32 $0xFFFFC000  }
0x119: {  	[spmem:s4] =	stream.indirect.scatter.add.f32 [tilespmem:s15], [sflag:$0x7], $0x1, s2, s14, $0xb8;
	[tilespmem:$0x1EE80] =	vst v63  }
0x11a: {  	_ =	swait.ge [sflag:s28], $0x80  }
0x11b: {  	[sflag:s28] =	ssyncset.done $0x0  }
0x11c: {  	[sflag:s28] =	ssyncadd.s32 $0xFFFFFF80  }
0x11d: {  	_ =	swait.ge [sflag:s30], $0x2000  }
0x11e: {  	[sflag:s30] =	ssyncset.done $0x0  }
0x11f: {  	[sflag:s30] =	ssyncadd.s32 $0xFFFFE000  }
0x120: {  	_ =	swait.ge [sflag:s16], $0x2000  }
0x121: {  	[sflag:s16] =	ssyncset.done $0x0  }
0x122: {  	[sflag:s16] =	ssyncadd.s32 $0xFFFFE000  }
0x123: {  	_ =	swait.ge [sflag:s17], $0x80  }
0x124: {  	[sflag:s17] =	ssyncset.done $0x0  }
0x125: {  	[sflag:s17] =	ssyncadd.s32 $0xFFFFFF80  }
0x126: {  	[spmem:s3] =	stream.indirect.scatter.add.f32 [tilespmem:s0], [sflag:$0x7], $0x80, s9, s14, $0xb8;
	[tilespmem:$0x1EE80] =	vst v63  }
0x127: {  	_ =	swait.ge [sflag:s28], $0x4000  }
0x128: {  	[sflag:s28] =	ssyncset.done $0x0  }
0x129: {  	[sflag:s28] =	ssyncadd.s32 $0xFFFFC000  }
0x12a: {  	[spmem:s4] =	stream.indirect.scatter.add.f32 [tilespmem:s15], [sflag:$0x7], $0x1, s9, s14, $0xb8;
	[tilespmem:$0x1EE80] =	vst v63  }
0x12b: {  	_ =	swait.ge [sflag:s28], $0x80  }
0x12c: {  	[sflag:s28] =	ssyncset.done $0x0  }
0x12d: {  	s12 =	simm.s32 $0x1EB00;
	s21 =	rddreg [dreg:$0xf];
	[sflag:s28] =	ssyncadd.s32 $0xFFFFFF80  }
0x12e: {  	[tilespmem:s12], [sflag:$0x7] =	stream.linear.gather [hbm4b:s21+s5], $0x10, $0x38;
	[tilespmem:$0x1EE80] =	vst v63  }
0x12f: {  	_ =	swait.ge [sflag:s28], $0x10  }
0x130: {  	[sflag:s28] =	ssyncset.done $0x0  }
0x131: {  	s22 =	simm.s32 $0x10;
	s13 =	simm.s32 $0x1E980;
	[sflag:s28] =	ssyncadd.s32 $0xFFFFFFF0  }
0x132: {  	[tilespmem:s24], [sflag:$0x1] =	stream.indirect.gather [hbm4b:s6+s22], $0x80, s13, s22, $0xb8;
	[tilespmem:$0x1EE80] =	vst v63  }
0x133: {  	_ =	swait.ge [sflag:s29], $0x800  }
0x134: {  	[sflag:s29] =	ssyncset.done $0x0  }
0x135: {  	[sflag:s29] =	ssyncadd.s32 $0xFFFFF800  }
0x136: {  	[spmem:s3] =	stream.indirect.scatter.add.f32 [tilespmem:s24], [sflag:$0x7], $0x80, s12, s22, $0xb8;
	[tilespmem:$0x1EE80] =	vst v63  }
0x137: {  	_ =	swait.ge [sflag:s28], $0x800  }
0x138: {  	[sflag:s28] =	ssyncset.done $0x0  }
0x139: {  	[sflag:s28] =	ssyncadd.s32 $0xFFFFF800  }
0x13a: {  	[spmem:s4] =	stream.indirect.scatter.add.f32 [tilespmem:s15], [sflag:$0x7], $0x1, s12, s22, $0xb8;
	[tilespmem:$0x1EE80] =	vst v63  }
0x13b: {  	_ =	swait.ge [sflag:s28], $0x10  }
0x13c: {  	[sflag:s28] =	ssyncset.done $0x0  }
0x13d: {  	s12 =	stileid.u32;
	[sflag:s28] =	ssyncadd.s32 $0xFFFFFFF0  }
0x13e: {  	s7 =	sshll.u32 s12, $0x6;
	[bflag:$0x0] =	sbarrier.arrive $0xFFFF  }
0x13f: {  	s13 =	sshrl.u32 s23, $0x3;
	s7 =	sor.u32 $0x1C07, s7;
	s20 =	rddreg [dreg:$0x10]  }
0x140: {  	[hbm:s20], [sflag:s7] =	dma.local [spmem:s13], $0x2800  }
0x141: {  	_ =	swait.ge [sflag:s28], $0x2800  }
0x142: {  	[sflag:s28] =	ssyncset.done $0x0;
	s21 =	rddreg [dreg:$0x9]  }
0x143: {  	s22 =	rddreg [dreg:$0x12];
	[sflag:s28] =	ssyncadd.s32 $0xFFFFD800;
	s12 =	sshrl.u32 s21, $0x3  }
0x144: {  	[hbm:s22], [sflag:s7] =	dma.local [spmem:s12], $0x50  }
0x145: {  	_ =	swait.ge [sflag:s28], $0x50  }
0x146: {  	s26 =	sadd.s32 $0x1, s26;
	s19 =	smov.u32 s23;
	s23 =	rddreg [dreg:$0x11]  }
0x147: {  	p0 =	sne.s32 s26, s23  }
.Ltmp2:
0x148: {  	_ = 	snop;
	(pc) =	sbr.rel @p0 .LBB2_1-.Ltmp2, $3  }
0x149: {  	_ =	sdelay $0x1  }
0x14a: {  	[sflag:s28] =	ssyncset.done $0x0  }
0x14b: {  	[sflag:s28] =	ssyncadd.s32 $0xFFFFFFB0  }
0x14c: {  	_ =	sfence.sel $0x180000  }
0x14d: {  	[bflag:$0x0] =	sbarrier.arrive $0xFFFF  }
0x14e: {  	_ =	strace $0x90000047  }
0x14f: {  	s0 =	stileid.u32;
	[bflag:$0x2] =	sbarrier.arrive $0xFFFF  }
0x150: {  	p0 =	sne.s32 s0, $0x0;
	s0 =	rddreg [dreg:$0x4]  }
0x151: {  	s0 =	sadd.s32 @!p0 $0x100000, s0  }
0x152: {  	[sflag:s0] =	ssyncadd.tile.s32 @!p0 $0x1;
	_ =	shalt  }
.Lfunc_end2:
_tile_overlayer_lowered:
.L_overlay_start_2:
0x153: {  	(tag) =	ssettag $0x2  }
0x154: {  	s0 =	rddreg [dreg:$0x0];
	s2 =	stileid.u32  }
0x155: {  	s1 =	rddreg [dreg:$0x1];
	p0 =	sne.s32 s2, $0x0  }
0x156: {  	s3 =	rddreg [dreg:$0x2];
	[bflag:$0x3] =	sbarrier.arrive $0xFFFF;
	s2 =	simm.s32 @!p0 $0x1C07  }
0x157: {  	[timem:s3], [sflag:s2] =	dma.local @!p0 [hbm:s0], s1  }
0x158: {  	s0 =	simm.s32 @!p0 $0x7  }
0x159: {  	_ =	swait.ge @!p0 [sflag:s0], s1  }
0x15a: {  	s1 =	ssub.s32 @!p0 $0x0, s1;
	[sflag:s0] =	ssyncset.done @!p0 $0x0  }
0x15b: {  	[sflag:s0] =	ssyncadd.s32 @!p0 s1  }
0x15c: {  	[bflag:$0x3] =	sbarrier.arrive $0xFFFF  }
0x15d: {  	_ =	shalt  }

</sc_bundles>
